<compile_context>
chip_gen: v7x
topology: tpu7x:2x2x1
jax: 0.10.2.dev20260603
libtpu: 0.0.44.dev20260713+nightly
codegen_flags: <defaults>
</compile_context>

<pallas_src>
import functools

import jax
import jax.numpy as jnp
from jax import lax
from jax.experimental import pallas as pl
from jax.experimental.pallas import tpu as pltpu
from jax.experimental.pallas import tpu_sc as plsc

N = 50000
NP = 50016
E = 500000
EP = 524288
Q = 1024
D_IN = 128
D_HID = 64
TILES = 32
EPT = EP // TILES
CHUNK = 1024
VECS = CHUNK // 16

@functools.cache
def _mesh():
    return plsc.VectorSubcoreMesh(core_axis_name="c", subcore_axis_name="s")


def _proj_body(x_ref, wsrc_ref, atts_ref, hs_ref):
    x = x_ref[...]
    hs = jnp.dot(x, wsrc_ref[...], preferred_element_type=jnp.float32)
    a_s = jnp.dot(hs, atts_ref[...], preferred_element_type=jnp.float32)
    hs_ref[...] = jnp.concatenate(
        [hs, a_s, jnp.zeros((hs.shape[0], D_IN - D_HID - 1), jnp.float32)],
        axis=1)


def _proj(x_news, wsrc, atts):
    blk = 2000
    grid = N // blk
    return pl.pallas_call(
        _proj_body,
        grid=(grid,),
        in_specs=[
            pl.BlockSpec((blk, D_IN), lambda i: (i, 0)),
            pl.BlockSpec((D_IN, D_HID), lambda i: (0, 0)),
            pl.BlockSpec((D_HID, 1), lambda i: (0, 0)),
        ],
        out_specs=pl.BlockSpec((blk, D_IN), lambda i: (i, 0)),
        out_shape=jax.ShapeDtypeStruct((N, D_IN), jnp.float32),
    )(x_news, wsrc, atts)


@functools.cache
def _sc_p1_kernel():
    return pl.kernel(
        _sc_p1_body,
        mesh=_mesh(),
        compiler_params=pltpu.CompilerParams(needs_layout_passes=False),
        out_type=(
            jax.ShapeDtypeStruct((TILES, EPT), jnp.int32),
            jax.ShapeDtypeStruct((TILES, 16), jnp.int32),
        ),
        scratch_types=[
            pltpu.VMEM((NP,), jnp.int32),
            pltpu.VMEM((2, CHUNK), jnp.int32),
            pltpu.VMEM((2, CHUNK), jnp.int32),
            pltpu.VMEM((EPT,), jnp.int32),
            pltpu.VMEM((16,), jnp.int32),
            pltpu.SemaphoreType.DMA,
        ],
    )


def _sc_p1_body(ei_h, slot_h, packed_out, counts_out,
                slot_t, ed0, ed1, packed, cntv, sem):
    cid = lax.axis_index("c")
    sid = lax.axis_index("s")
    wid = sid * 2 + cid
    base = wid * EPT

    pltpu.sync_copy(slot_h, slot_t)

    cnt = jnp.zeros((16,), jnp.int32)
    nch = EPT // CHUNK
    pending = pltpu.async_copy(ei_h.at[:, pl.ds(base, CHUNK)], ed0, sem)
    for c in range(nch):
        cur = ed0 if c % 2 == 0 else ed1
        pending.wait()
        if c + 1 < nch:
            nxt = ed1 if c % 2 == 0 else ed0
            pending = pltpu.async_copy(
                ei_h.at[:, pl.ds(base + (c + 1) * CHUNK, CHUNK)], nxt, sem)

        def _p1(i, cnt, cur=cur):
            s = cur[0, pl.ds(i * 16, 16)]
            d = cur[1, pl.ds(i * 16, 16)]
            sl = plsc.load_gather(slot_t, [d])
            keep = sl >= 0
            slc = jnp.maximum(sl, 0)
            ki = lax.cumsum(keep.astype(jnp.int32))
            pos = cnt + ki - 1
            plsc.store_scatter(packed, [pos], s * Q + slc, mask=keep)
            return cnt + plsc.all_reduce_population_count(keep)
        cnt = lax.fori_loop(0, VECS, _p1, cnt)

    cntv[...] = cnt
    pltpu.sync_copy(cntv, counts_out.at[wid])
    pltpu.sync_copy(packed, packed_out.at[wid])


@functools.cache
def _sc_p2_kernel():
    return pl.kernel(
        _sc_p2_body,
        mesh=_mesh(),
        compiler_params=pltpu.CompilerParams(needs_layout_passes=False),
        out_type=(
            jax.ShapeDtypeStruct((2, Q, D_IN), jnp.float32),
            jax.ShapeDtypeStruct((TILES, Q), jnp.float32),
        ),
        scratch_types=[
            pltpu.VMEM((Q,), jnp.float32),
            pltpu.VMEM((Q,), jnp.float32),
            pltpu.VMEM((EPT,), jnp.int32),
            pltpu.VMEM((16,), jnp.int32),
            pltpu.VMEM((16, D_IN), jnp.float32),
            pltpu.VMEM((16,), jnp.int32),
            pltpu.VMEM((16,), jnp.int32),
            pltpu.VMEM_SHARED((Q, D_IN), jnp.float32),
            pltpu.SemaphoreType.DMA,
        ],
    )


def _sc_p2_body(packed_h, counts_h, adq_h, hs_h,
                numer_out, den_out,
                adq_t, den_t, packed, cntv, rows_v, sidx, slidx, shared, sem):
    cid = lax.axis_index("c")
    sid = lax.axis_index("s")
    wid = sid * 2 + cid
    zero16 = jnp.zeros((16,), jnp.float32)

    cp_packed = pltpu.async_copy(packed_h.at[wid], packed, sem)
    pltpu.sync_copy(counts_h.at[wid], cntv)
    pltpu.sync_copy(adq_h, adq_t)

    def _zero_den(i, c):
        den_t[pl.ds(i * 16, 16)] = zero16
        return c
    lax.fori_loop(0, Q // 16, _zero_den, 0)

    for k in range(16):
        for c8 in range(D_IN // 16):
            rows_v[k, pl.ds(c8 * 16, 16)] = zero16
    for r in range(4):
        pltpu.sync_copy(rows_v, shared.at[pl.ds(sid * 64 + r * 16, 16)])
    plsc.subcore_barrier()

    n_kept = jnp.max(cntv[...])
    njv = (n_kept + 15) // 16
    lane = lax.iota(jnp.int32, 16)
    col_as = jnp.full((16,), D_HID, jnp.int32)
    cp_packed.wait()

    def _p2(j, c):
        v = packed[pl.ds(j * 16, 16)]
        m2 = (j * 16 + lane) < n_kept
        v = jnp.where(m2, v, 0)
        s = v // Q
        sl = v - s * Q
        sidx[...] = s
        slidx[...] = sl
        pltpu.async_copy(hs_h.at[sidx], rows_v, sem).wait()
        a = plsc.load_gather(rows_v, [lane, col_as]) + plsc.load_gather(adq_t, [sl])
        a = jnp.where(a > 0.0, a, 0.2 * a)
        e = jnp.where(m2, jnp.exp(a), 0.0)
        plsc.addupdate_scatter(den_t, [sl], e, mask=m2)
        for k in range(16):
            wk = e[k]
            for c4 in range(D_HID // 16):
                rows_v[k, pl.ds(c4 * 16, 16)] = rows_v[k, pl.ds(c4 * 16, 16)] * wk
        pltpu.sync_copy(rows_v, shared.at[slidx], add=True)
        return c
    lax.fori_loop(0, njv, _p2, 0)

    pltpu.sync_copy(den_t, den_out.at[wid])
    plsc.subcore_barrier()
    for r in range(4):
        pltpu.sync_copy(shared.at[pl.ds(sid * 64 + r * 16, 16)], rows_v)
        pltpu.sync_copy(rows_v, numer_out.at[cid, pl.ds(sid * 64 + r * 16, 16)])


def _mlp_body(numer_ref, den_ref, bias_ref, w1_ref, b1_ref, w2_ref, b2_ref,
              out_ref):
    n = numer_ref[0, :, :D_HID] + numer_ref[1, :, :D_HID]
    den = jnp.sum(den_ref[...], axis=0)
    x = n * (1.0 / (den + 1e-16))[:, None] + bias_ref[...]
    h = jnp.maximum(
        jnp.dot(x, w1_ref[...], preferred_element_type=jnp.float32)
        + b1_ref[...], 0.0)
    out_ref[...] = (
        jnp.dot(h, w2_ref[...], preferred_element_type=jnp.float32)
        + b2_ref[...])


def _mlp(numer, den, bias, w1, b1, w2, b2):
    return pl.pallas_call(
        _mlp_body,
        out_shape=jax.ShapeDtypeStruct((Q, 32), jnp.float32),
    )(numer, den, bias.reshape(1, D_HID), w1, b1.reshape(1, D_HID),
      w2, b2.reshape(1, 32))


def kernel(x_news, x_entity, x_topic, edge_index_he, edge_index_bt,
           edge_index_ln, n_id, news_indices,
           W_sage_l, b_sage_l, W_sage_r,
           Wsrc_bt, Wdst_bt, atts_bt, attd_bt, bias_bt,
           Wsrc_ln, Wdst_ln, atts_ln, attd_ln, bias_ln,
           W1, b1, W2, b2):
    loc = news_indices.astype(jnp.int32)
    slot = jnp.full((NP,), -1, jnp.int32).at[loc].set(
        jnp.arange(Q, dtype=jnp.int32))

    ei_p = jnp.pad(edge_index_ln.astype(jnp.int32), ((0, 0), (0, EP - E)),
                   constant_values=N)
    packed_all, counts = _sc_p1_kernel()(ei_p, slot)

    adq = (x_news[loc] @ Wdst_ln) @ attd_ln

    hs_pad = _proj(x_news, Wsrc_ln, atts_ln.reshape(D_HID, 1))

    numer, den = _sc_p2_kernel()(packed_all, counts, adq, hs_pad)
    out = _mlp(numer, den, bias_ln, W1, b1, W2, b2)
    return out[slot[loc]]

# --- scband reference (transcript-rebuilt; emitter-appended) ---
"""Pipeline reference for scband-model2-3925600109170 (READ-ONLY COPY).

The authoritative reference and input builder live on the scoring server;
editing this copy changes nothing except your own understanding.
"""

import jax, jax.numpy as jnp
import numpy as np

N_NEWS = 50000
N_ENTITY = 20000
N_TOPIC = 2000
E_HE = 320000
E_BT = 320000
E_LN = 500000
D_IN = 128
D_HID = 64
D_OUT = 32
Q = 1024


def _glorot(k, shape):
    return jax.random.normal(k, shape, jnp.float32) / np.sqrt(shape[0])


def setup_inputs(seed: int = 0) -> dict:
    key = jax.random.key(seed)
    ks = jax.random.split(key, 32)
    inp = {}
    inp['x_news'] = jax.random.normal(ks[0], (N_NEWS, D_IN), jnp.float32)
    inp['x_entity'] = jax.random.normal(ks[1], (N_ENTITY, D_IN), jnp.float32)
    inp['x_topic'] = jax.random.normal(ks[2], (N_TOPIC, D_IN), jnp.float32)
    src_he = jax.random.randint(ks[3], (E_HE,), 0, N_NEWS)
    dst_he = jax.random.randint(ks[4], (E_HE,), 0, N_ENTITY)
    inp['edge_index_he'] = jnp.stack([src_he, dst_he])
    src_bt = jax.random.randint(ks[5], (E_BT,), 0, N_NEWS)
    dst_bt = jax.random.randint(ks[6], (E_BT,), 0, N_TOPIC)
    inp['edge_index_bt'] = jnp.stack([src_bt, dst_bt])
    src_ln = jax.random.randint(ks[7], (E_LN,), 0, N_NEWS)
    dst_ln = jax.random.randint(ks[8], (E_LN,), 0, N_NEWS)
    inp['edge_index_ln'] = jnp.stack([src_ln, dst_ln])
    inp['n_id'] = jnp.arange(N_NEWS)
    inp['news_indices'] = jax.random.randint(ks[9], (Q,), 0, N_NEWS)
    # SAGEConv ('news','has','entity'): lin_l (with bias) on aggregated src, lin_r (no bias) on dst
    inp['W_sage_l'] = _glorot(ks[10], (D_IN, D_HID))
    inp['b_sage_l'] = jnp.zeros((D_HID,), jnp.float32)
    inp['W_sage_r'] = _glorot(ks[11], (D_IN, D_HID))
    # GATConv ('news','belongs','topic'): heads=1, concat, add_self_loops=False
    inp['Wsrc_bt'] = _glorot(ks[12], (D_IN, D_HID))
    inp['Wdst_bt'] = _glorot(ks[13], (D_IN, D_HID))
    inp['atts_bt'] = jax.random.normal(ks[14], (D_HID,), jnp.float32) * 0.1
    inp['attd_bt'] = jax.random.normal(ks[15], (D_HID,), jnp.float32) * 0.1
    inp['bias_bt'] = jnp.zeros((D_HID,), jnp.float32)
    # GATConv ('news','links','news')
    inp['Wsrc_ln'] = _glorot(ks[16], (D_IN, D_HID))
    inp['Wdst_ln'] = _glorot(ks[17], (D_IN, D_HID))
    inp['atts_ln'] = jax.random.normal(ks[18], (D_HID,), jnp.float32) * 0.1
    inp['attd_ln'] = jax.random.normal(ks[19], (D_HID,), jnp.float32) * 0.1
    inp['bias_ln'] = jnp.zeros((D_HID,), jnp.float32)
    # post-conv MLP on 'news'
    inp['W1'] = _glorot(ks[20], (D_HID, D_HID))
    inp['b1'] = jnp.zeros((D_HID,), jnp.float32)
    inp['W2'] = _glorot(ks[21], (D_HID, D_OUT))
    inp['b2'] = jnp.zeros((D_OUT,), jnp.float32)
    return inp


def _sage(x_src, x_dst, src, dst, n_dst, Wl, bl, Wr):
    s = jax.ops.segment_sum(x_src[src], dst, num_segments=n_dst)
    deg = jax.ops.segment_sum(jnp.ones_like(dst, dtype=x_src.dtype), dst, num_segments=n_dst)
    mean = s / jnp.clip(deg, 1.0)[:, None]
    return mean @ Wl + bl + x_dst @ Wr


def _gat(x_src, x_dst, src, dst, n_dst, Wsrc, Wdst, att_s, att_d, bias):
    hs = x_src @ Wsrc
    hd = x_dst @ Wdst
    a = (hs * att_s).sum(-1)[src] + (hd * att_d).sum(-1)[dst]
    a = jnp.where(a > 0, a, 0.2 * a)  # leaky_relu(0.2)
    m = jax.ops.segment_max(a, dst, num_segments=n_dst)
    m = jnp.where(jnp.isfinite(m), m, 0.0)
    e = jnp.exp(a - m[dst])
    den = jax.ops.segment_sum(e, dst, num_segments=n_dst)
    attn = e / (den[dst] + 1e-16)
    return jax.ops.segment_sum(attn[:, None] * hs[src], dst, num_segments=n_dst) + bias


def reference(x_news, x_entity, x_topic, edge_index_he, edge_index_bt, edge_index_ln,
              n_id, news_indices,
              W_sage_l, b_sage_l, W_sage_r,
              Wsrc_bt, Wdst_bt, atts_bt, attd_bt, bias_bt,
              Wsrc_ln, Wdst_ln, atts_ln, attd_ln, bias_ln,
              W1, b1, W2, b2):
    # HeteroConv (aggr='sum'; each dst type receives exactly one relation here)
    out_entity = _sage(x_news, x_entity, edge_index_he[0], edge_index_he[1], N_ENTITY,
                       W_sage_l, b_sage_l, W_sage_r)
    out_topic = _gat(x_news, x_topic, edge_index_bt[0], edge_index_bt[1], N_TOPIC,
                     Wsrc_bt, Wdst_bt, atts_bt, attd_bt, bias_bt)
    out_news = _gat(x_news, x_news, edge_index_ln[0], edge_index_ln[1], N_NEWS,
                    Wsrc_ln, Wdst_ln, atts_ln, attd_ln, bias_ln)
    _ = (out_entity, out_topic)  # computed by HeteroConv but unused downstream
    h = jnp.maximum(out_news @ W1 + b1, 0.0)
    out = h @ W2 + b2
    # map global news_indices -> local positions via n_id matching
    local = jnp.argmax(n_id[None, :] == news_indices[:, None], axis=1)
    return out[local]

if __name__ == "__main__":
    import jax
    _d = setup_inputs()
    print(jax.jit(kernel)(*tuple(_d.values())))

</pallas_src>

<mosaic_0001>
#map = affine_map<(d0, d1) -> (0, 0)>
#map1 = affine_map<(d0, d1) -> (0)>
#map2 = affine_map<(d0, d1) -> (0, 0, 0)>
module attributes {stable_mosaic.version = 14 : i64} {
  func.func @_sc_p2_body(%arg0: i32, %arg1: i32, %arg2: memref<32x16384xi32, #tpu.memory_space<hbm>>, %arg3: memref<32x16xi32, #tpu.memory_space<hbm>>, %arg4: memref<1024xf32, #tpu.memory_space<hbm>>, %arg5: memref<50000x128xf32, #tpu.memory_space<hbm>>, %arg6: memref<2x1024x128xf32, #tpu.memory_space<hbm>>, %arg7: memref<32x1024xf32, #tpu.memory_space<hbm>>, %arg8: memref<1024xf32, #tpu.memory_space<vmem>>, %arg9: memref<1024xf32, #tpu.memory_space<vmem>>, %arg10: memref<16384xi32, #tpu.memory_space<vmem>>, %arg11: memref<16xi32, #tpu.memory_space<vmem>>, %arg12: memref<16x128xf32, #tpu.memory_space<vmem>>, %arg13: memref<16xi32, #tpu.memory_space<vmem>>, %arg14: memref<16xi32, #tpu.memory_space<vmem>>, %arg15: memref<1024x128xf32, #tpu.memory_space<vmem_shared>>, %arg16: memref<!tpu.dma_semaphore, #tpu.memory_space<semaphore_mem>>) attributes {dimension_semantics = [#tpu.dimension_semantics<core_parallel>, #tpu.dimension_semantics<subcore_parallel>], iteration_bounds = array<i64: 2, 16>, scalar_prefetch = 0 : i64, scratch_operands = 9 : i64, tpu.core_type = #tpu.core_type<sc_vector_subcore>, window_params = [{transform_indices = #map}, {transform_indices = #map}, {transform_indices = #map1}, {transform_indices = #map}, {transform_indices = #map2}, {transform_indices = #map}]} {
    %mul3A = arith.constant 2 : i32
    %mul3A_0 = arith.muli %arg1, %mul3A : i32
    %add3A = arith.addi %mul3A_0, %arg0 : i32
    %broadcast_in_dim3A = arith.constant 0.000000e+00 : f32
    %broadcast_in_dim3A_1 = vector.broadcast %broadcast_in_dim3A : f32 to vector<16xf32>
    %dma_start3A = arith.constant 0 : i32
    %dma_start3A_2 = tpu.memref_slice %arg2[%add3A, %dma_start3A] : memref<32x16384xi32, #tpu.memory_space<hbm>> -> memref<1x16384xi32, #tpu.memory_space<hbm>>
    %dma_start3A_3 = tpu.memref_squeeze %dma_start3A_2 : memref<1x16384xi32, #tpu.memory_space<hbm>> -> memref<16384xi32, #tpu.memory_space<hbm>>
    %dma_start3A_4 = arith.constant 0 : i32
    %dma_start3A_5 = tpu.memref_slice %arg2[%add3A, %dma_start3A_4] : memref<32x16384xi32, #tpu.memory_space<hbm>> -> memref<1x16384xi32, #tpu.memory_space<hbm>>
    %dma_start3A_6 = tpu.memref_squeeze %dma_start3A_5 : memref<1x16384xi32, #tpu.memory_space<hbm>> -> memref<16384xi32, #tpu.memory_space<hbm>>
    tpu.enqueue_dma source(%dma_start3A_6 : memref<16384xi32, #tpu.memory_space<hbm>>) target(%arg10 : memref<16384xi32, #tpu.memory_space<vmem>>) target_semaphore(%arg16 : memref<!tpu.dma_semaphore, #tpu.memory_space<semaphore_mem>>)
    "tpu.region"() ({
      %run_scoped3A = tpu.sem_alloc : memref<!tpu.dma_semaphore, #tpu.memory_space<semaphore_mem>>
      %dma_start3A_614 = arith.constant 0 : i32
      %dma_start3A_615 = tpu.memref_slice %arg3[%add3A, %dma_start3A_614] : memref<32x16xi32, #tpu.memory_space<hbm>> -> memref<1x16xi32, #tpu.memory_space<hbm>>
      %dma_start3A_616 = tpu.memref_squeeze %dma_start3A_615 : memref<1x16xi32, #tpu.memory_space<hbm>> -> memref<16xi32, #tpu.memory_space<hbm>>
      %dma_start3A_617 = arith.constant 0 : i32
      %dma_start3A_618 = tpu.memref_slice %arg3[%add3A, %dma_start3A_617] : memref<32x16xi32, #tpu.memory_space<hbm>> -> memref<1x16xi32, #tpu.memory_space<hbm>>
      %dma_start3A_619 = tpu.memref_squeeze %dma_start3A_618 : memref<1x16xi32, #tpu.memory_space<hbm>> -> memref<16xi32, #tpu.memory_space<hbm>>
      tpu.enqueue_dma source(%dma_start3A_619 : memref<16xi32, #tpu.memory_space<hbm>>) target(%arg11 : memref<16xi32, #tpu.memory_space<vmem>>) target_semaphore(%run_scoped3A : memref<!tpu.dma_semaphore, #tpu.memory_space<semaphore_mem>>)
      %dma_wait3A_620 = arith.constant 0 : i32
      %dma_wait3A_621 = tpu.memref_slice %arg3[%add3A, %dma_wait3A_620] : memref<32x16xi32, #tpu.memory_space<hbm>> -> memref<1x16xi32, #tpu.memory_space<hbm>>
      %dma_wait3A_622 = tpu.memref_squeeze %dma_wait3A_621 : memref<1x16xi32, #tpu.memory_space<hbm>> -> memref<16xi32, #tpu.memory_space<hbm>>
      %dma_wait3A_623 = arith.constant 0 : i32
      %dma_wait3A_624 = tpu.memref_slice %arg3[%add3A, %dma_wait3A_623] : memref<32x16xi32, #tpu.memory_space<hbm>> -> memref<1x16xi32, #tpu.memory_space<hbm>>
      %dma_wait3A_625 = tpu.memref_squeeze %dma_wait3A_624 : memref<1x16xi32, #tpu.memory_space<hbm>> -> memref<16xi32, #tpu.memory_space<hbm>>
      tpu.wait_dma2 semaphore(%run_scoped3A : memref<!tpu.dma_semaphore, #tpu.memory_space<semaphore_mem>>) src(%dma_wait3A_625 : memref<16xi32, #tpu.memory_space<hbm>>) dst(%arg11 : memref<16xi32, #tpu.memory_space<vmem>>)
      tpu.yield
    }) : () -> ()
    "tpu.region"() ({
      %run_scoped3A = tpu.sem_alloc : memref<!tpu.dma_semaphore, #tpu.memory_space<semaphore_mem>>
      tpu.enqueue_dma source(%arg4 : memref<1024xf32, #tpu.memory_space<hbm>>) target(%arg8 : memref<1024xf32, #tpu.memory_space<vmem>>) target_semaphore(%run_scoped3A : memref<!tpu.dma_semaphore, #tpu.memory_space<semaphore_mem>>)
      tpu.wait_dma2 semaphore(%run_scoped3A : memref<!tpu.dma_semaphore, #tpu.memory_space<semaphore_mem>>) src(%arg4 : memref<1024xf32, #tpu.memory_space<hbm>>) dst(%arg8 : memref<1024xf32, #tpu.memory_space<vmem>>)
      tpu.yield
    }) : () -> ()
    %scan3A = arith.constant 0 : i32
    %scan3A_7 = arith.constant 0 : i32
    %scan3A_8 = arith.constant 64 : i32
    %scan3A_9 = arith.addi %scan3A_7, %scan3A_8 : i32
    %scan3A_10 = arith.constant 1 : i32
    scf.for %scan3A_614 = %scan3A_7 to %scan3A_9 step %scan3A_10  : i32 {
      %mul3A_615 = arith.constant 16 : i32
      %mul3A_616 = arith.muli %scan3A_614, %mul3A_615 : i32
      %swap3A_617 = arith.index_cast %mul3A_616 : i32 to index
      %swap3A_618 = tpu.vector_load %arg9[%swap3A_617] {strides = array<i32>} : memref<1024xf32, #tpu.memory_space<vmem>>, vector<16xf32>,
      tpu.vector_store %arg9[%swap3A_617], %broadcast_in_dim3A_1 {strides = array<i32>} : memref<1024xf32, #tpu.memory_space<vmem>>, vector<16xf32>,
    }
    %scan3A_11 = arith.constant 64 : i32
    %swap3A = arith.constant 0 : i32
    %swap3A_12 = arith.index_cast %swap3A : i32 to index
    %swap3A_13 = arith.constant 0 : index
    %swap3A_14 = tpu.vector_load %arg12[%swap3A_12, %swap3A_13] {strides = array<i32>} : memref<16x128xf32, #tpu.memory_space<vmem>>, vector<16xf32>,
    tpu.vector_store %arg12[%swap3A_12, %swap3A_13], %broadcast_in_dim3A_1 {strides = array<i32>} : memref<16x128xf32, #tpu.memory_space<vmem>>, vector<16xf32>,
    %swap3A_15 = arith.constant 0 : i32
    %swap3A_16 = arith.index_cast %swap3A_15 : i32 to index
    %swap3A_17 = arith.constant 16 : index
    %swap3A_18 = tpu.vector_load %arg12[%swap3A_16, %swap3A_17] {strides = array<i32>} : memref<16x128xf32, #tpu.memory_space<vmem>>, vector<16xf32>,
    tpu.vector_store %arg12[%swap3A_16, %swap3A_17], %broadcast_in_dim3A_1 {strides = array<i32>} : memref<16x128xf32, #tpu.memory_space<vmem>>, vector<16xf32>,
    %swap3A_19 = arith.constant 0 : i32
    %swap3A_20 = arith.index_cast %swap3A_19 : i32 to index
    %swap3A_21 = arith.constant 32 : index
    %swap3A_22 = tpu.vector_load %arg12[%swap3A_20, %swap3A_21] {strides = array<i32>} : memref<16x128xf32, #tpu.memory_space<vmem>>, vector<16xf32>,
    tpu.vector_store %arg12[%swap3A_20, %swap3A_21], %broadcast_in_dim3A_1 {strides = array<i32>} : memref<16x128xf32, #tpu.memory_space<vmem>>, vector<16xf32>,
    %swap3A_23 = arith.constant 0 : i32
    %swap3A_24 = arith.index_cast %swap3A_23 : i32 to index
    %swap3A_25 = arith.constant 48 : index
    %swap3A_26 = tpu.vector_load %arg12[%swap3A_24, %swap3A_25] {strides = array<i32>} : memref<16x128xf32, #tpu.memory_space<vmem>>, vector<16xf32>,
    tpu.vector_store %arg12[%swap3A_24, %swap3A_25], %broadcast_in_dim3A_1 {strides = array<i32>} : memref<16x128xf32, #tpu.memory_space<vmem>>, vector<16xf32>,
    %swap3A_27 = arith.constant 0 : i32
    %swap3A_28 = arith.index_cast %swap3A_27 : i32 to index
    %swap3A_29 = arith.constant 64 : index
    %swap3A_30 = tpu.vector_load %arg12[%swap3A_28, %swap3A_29] {strides = array<i32>} : memref<16x128xf32, #tpu.memory_space<vmem>>, vector<16xf32>,
    tpu.vector_store %arg12[%swap3A_28, %swap3A_29], %broadcast_in_dim3A_1 {strides = array<i32>} : memref<16x128xf32, #tpu.memory_space<vmem>>, vector<16xf32>,
    %swap3A_31 = arith.constant 0 : i32
    %swap3A_32 = arith.index_cast %swap3A_31 : i32 to index
    %swap3A_33 = arith.constant 80 : index
    %swap3A_34 = tpu.vector_load %arg12[%swap3A_32, %swap3A_33] {strides = array<i32>} : memref<16x128xf32, #tpu.memory_space<vmem>>, vector<16xf32>,
    tpu.vector_store %arg12[%swap3A_32, %swap3A_33], %broadcast_in_dim3A_1 {strides = array<i32>} : memref<16x128xf32, #tpu.memory_space<vmem>>, vector<16xf32>,
    %swap3A_35 = arith.constant 0 : i32
    %swap3A_36 = arith.index_cast %swap3A_35 : i32 to index
    %swap3A_37 = arith.constant 96 : index
    %swap3A_38 = tpu.vector_load %arg12[%swap3A_36, %swap3A_37] {strides = array<i32>} : memref<16x128xf32, #tpu.memory_space<vmem>>, vector<16xf32>,
    tpu.vector_store %arg12[%swap3A_36, %swap3A_37], %broadcast_in_dim3A_1 {strides = array<i32>} : memref<16x128xf32, #tpu.memory_space<vmem>>, vector<16xf32>,
    %swap3A_39 = arith.constant 0 : i32
    %swap3A_40 = arith.index_cast %swap3A_39 : i32 to index
    %swap3A_41 = arith.constant 112 : index
    %swap3A_42 = tpu.vector_load %arg12[%swap3A_40, %swap3A_41] {strides = array<i32>} : memref<16x128xf32, #tpu.memory_space<vmem>>, vector<16xf32>,
    tpu.vector_store %arg12[%swap3A_40, %swap3A_41], %broadcast_in_dim3A_1 {strides = array<i32>} : memref<16x128xf32, #tpu.memory_space<vmem>>, vector<16xf32>,
    %swap3A_43 = arith.constant 1 : i32
    %swap3A_44 = arith.index_cast %swap3A_43 : i32 to index
    %swap3A_45 = arith.constant 0 : index
    %swap3A_46 = tpu.vector_load %arg12[%swap3A_44, %swap3A_45] {strides = array<i32>} : memref<16x128xf32, #tpu.memory_space<vmem>>, vector<16xf32>,
    tpu.vector_store %arg12[%swap3A_44, %swap3A_45], %broadcast_in_dim3A_1 {strides = array<i32>} : memref<16x128xf32, #tpu.memory_space<vmem>>, vector<16xf32>,
    %swap3A_47 = arith.constant 1 : i32
    %swap3A_48 = arith.index_cast %swap3A_47 : i32 to index
    %swap3A_49 = arith.constant 16 : index
    %swap3A_50 = tpu.vector_load %arg12[%swap3A_48, %swap3A_49] {strides = array<i32>} : memref<16x128xf32, #tpu.memory_space<vmem>>, vector<16xf32>,
    tpu.vector_store %arg12[%swap3A_48, %swap3A_49], %broadcast_in_dim3A_1 {strides = array<i32>} : memref<16x128xf32, #tpu.memory_space<vmem>>, vector<16xf32>,
    %swap3A_51 = arith.constant 1 : i32
    %swap3A_52 = arith.index_cast %swap3A_51 : i32 to index
    %swap3A_53 = arith.constant 32 : index
    %swap3A_54 = tpu.vector_load %arg12[%swap3A_52, %swap3A_53] {strides = array<i32>} : memref<16x128xf32, #tpu.memory_space<vmem>>, vector<16xf32>,
    tpu.vector_store %arg12[%swap3A_52, %swap3A_53], %broadcast_in_dim3A_1 {strides = array<i32>} : memref<16x128xf32, #tpu.memory_space<vmem>>, vector<16xf32>,
    %swap3A_55 = arith.constant 1 : i32
    %swap3A_56 = arith.index_cast %swap3A_55 : i32 to index
    %swap3A_57 = arith.constant 48 : index
    %swap3A_58 = tpu.vector_load %arg12[%swap3A_56, %swap3A_57] {strides = array<i32>} : memref<16x128xf32, #tpu.memory_space<vmem>>, vector<16xf32>,
    tpu.vector_store %arg12[%swap3A_56, %swap3A_57], %broadcast_in_dim3A_1 {strides = array<i32>} : memref<16x128xf32, #tpu.memory_space<vmem>>, vector<16xf32>,
    %swap3A_59 = arith.constant 1 : i32
    %swap3A_60 = arith.index_cast %swap3A_59 : i32 to index
    %swap3A_61 = arith.constant 64 : index
    %swap3A_62 = tpu.vector_load %arg12[%swap3A_60, %swap3A_61] {strides = array<i32>} : memref<16x128xf32, #tpu.memory_space<vmem>>, vector<16xf32>,
    tpu.vector_store %arg12[%swap3A_60, %swap3A_61], %broadcast_in_dim3A_1 {strides = array<i32>} : memref<16x128xf32, #tpu.memory_space<vmem>>, vector<16xf32>,
    %swap3A_63 = arith.constant 1 : i32
    %swap3A_64 = arith.index_cast %swap3A_63 : i32 to index
    %swap3A_65 = arith.constant 80 : index
    %swap3A_66 = tpu.vector_load %arg12[%swap3A_64, %swap3A_65] {strides = array<i32>} : memref<16x128xf32, #tpu.memory_space<vmem>>, vector<16xf32>,
    tpu.vector_store %arg12[%swap3A_64, %swap3A_65], %broadcast_in_dim3A_1 {strides = array<i32>} : memref<16x128xf32, #tpu.memory_space<vmem>>, vector<16xf32>,
    %swap3A_67 = arith.constant 1 : i32
    %swap3A_68 = arith.index_cast %swap3A_67 : i32 to index
    %swap3A_69 = arith.constant 96 : index
    %swap3A_70 = tpu.vector_load %arg12[%swap3A_68, %swap3A_69] {strides = array<i32>} : memref<16x128xf32, #tpu.memory_space<vmem>>, vector<16xf32>,
    tpu.vector_store %arg12[%swap3A_68, %swap3A_69], %broadcast_in_dim3A_1 {strides = array<i32>} : memref<16x128xf32, #tpu.memory_space<vmem>>, vector<16xf32>,
    %swap3A_71 = arith.constant 1 : i32
    %swap3A_72 = arith.index_cast %swap3A_71 : i32 to index
    %swap3A_73 = arith.constant 112 : index
    %swap3A_74 = tpu.vector_load %arg12[%swap3A_72, %swap3A_73] {strides = array<i32>} : memref<16x128xf32, #tpu.memory_space<vmem>>, vector<16xf32>,
    tpu.vector_store %arg12[%swap3A_72, %swap3A_73], %broadcast_in_dim3A_1 {strides = array<i32>} : memref<16x128xf32, #tpu.memory_space<vmem>>, vector<16xf32>,
    %swap3A_75 = arith.constant 2 : i32
    %swap3A_76 = arith.index_cast %swap3A_75 : i32 to index
    %swap3A_77 = arith.constant 0 : index
    %swap3A_78 = tpu.vector_load %arg12[%swap3A_76, %swap3A_77] {strides = array<i32>} : memref<16x128xf32, #tpu.memory_space<vmem>>, vector<16xf32>,
    tpu.vector_store %arg12[%swap3A_76, %swap3A_77], %broadcast_in_dim3A_1 {strides = array<i32>} : memref<16x128xf32, #tpu.memory_space<vmem>>, vector<16xf32>,
    %swap3A_79 = arith.constant 2 : i32
    %swap3A_80 = arith.index_cast %swap3A_79 : i32 to index
    %swap3A_81 = arith.constant 16 : index
    %swap3A_82 = tpu.vector_load %arg12[%swap3A_80, %swap3A_81] {strides = array<i32>} : memref<16x128xf32, #tpu.memory_space<vmem>>, vector<16xf32>,
    tpu.vector_store %arg12[%swap3A_80, %swap3A_81], %broadcast_in_dim3A_1 {strides = array<i32>} : memref<16x128xf32, #tpu.memory_space<vmem>>, vector<16xf32>,
    %swap3A_83 = arith.constant 2 : i32
    %swap3A_84 = arith.index_cast %swap3A_83 : i32 to index
    %swap3A_85 = arith.constant 32 : index
    %swap3A_86 = tpu.vector_load %arg12[%swap3A_84, %swap3A_85] {strides = array<i32>} : memref<16x128xf32, #tpu.memory_space<vmem>>, vector<16xf32>,
    tpu.vector_store %arg12[%swap3A_84, %swap3A_85], %broadcast_in_dim3A_1 {strides = array<i32>} : memref<16x128xf32, #tpu.memory_space<vmem>>, vector<16xf32>,
    %swap3A_87 = arith.constant 2 : i32
    %swap3A_88 = arith.index_cast %swap3A_87 : i32 to index
    %swap3A_89 = arith.constant 48 : index
    %swap3A_90 = tpu.vector_load %arg12[%swap3A_88, %swap3A_89] {strides = array<i32>} : memref<16x128xf32, #tpu.memory_space<vmem>>, vector<16xf32>,
    tpu.vector_store %arg12[%swap3A_88, %swap3A_89], %broadcast_in_dim3A_1 {strides = array<i32>} : memref<16x128xf32, #tpu.memory_space<vmem>>, vector<16xf32>,
    %swap3A_91 = arith.constant 2 : i32
    %swap3A_92 = arith.index_cast %swap3A_91 : i32 to index
    %swap3A_93 = arith.constant 64 : index
    %swap3A_94 = tpu.vector_load %arg12[%swap3A_92, %swap3A_93] {strides = array<i32>} : memref<16x128xf32, #tpu.memory_space<vmem>>, vector<16xf32>,
    tpu.vector_store %arg12[%swap3A_92, %swap3A_93], %broadcast_in_dim3A_1 {strides = array<i32>} : memref<16x128xf32, #tpu.memory_space<vmem>>, vector<16xf32>,
    %swap3A_95 = arith.constant 2 : i32
    %swap3A_96 = arith.index_cast %swap3A_95 : i32 to index
    %swap3A_97 = arith.constant 80 : index
    %swap3A_98 = tpu.vector_load %arg12[%swap3A_96, %swap3A_97] {strides = array<i32>} : memref<16x128xf32, #tpu.memory_space<vmem>>, vector<16xf32>,
    tpu.vector_store %arg12[%swap3A_96, %swap3A_97], %broadcast_in_dim3A_1 {strides = array<i32>} : memref<16x128xf32, #tpu.memory_space<vmem>>, vector<16xf32>,
    %swap3A_99 = arith.constant 2 : i32
    %swap3A_100 = arith.index_cast %swap3A_99 : i32 to index
    %swap3A_101 = arith.constant 96 : index
    %swap3A_102 = tpu.vector_load %arg12[%swap3A_100, %swap3A_101] {strides = array<i32>} : memref<16x128xf32, #tpu.memory_space<vmem>>, vector<16xf32>,
    tpu.vector_store %arg12[%swap3A_100, %swap3A_101], %broadcast_in_dim3A_1 {strides = array<i32>} : memref<16x128xf32, #tpu.memory_space<vmem>>, vector<16xf32>,
    %swap3A_103 = arith.constant 2 : i32
    %swap3A_104 = arith.index_cast %swap3A_103 : i32 to index
    %swap3A_105 = arith.constant 112 : index
    %swap3A_106 = tpu.vector_load %arg12[%swap3A_104, %swap3A_105] {strides = array<i32>} : memref<16x128xf32, #tpu.memory_space<vmem>>, vector<16xf32>,
    tpu.vector_store %arg12[%swap3A_104, %swap3A_105], %broadcast_in_dim3A_1 {strides = array<i32>} : memref<16x128xf32, #tpu.memory_space<vmem>>, vector<16xf32>,
    %swap3A_107 = arith.constant 3 : i32
    %swap3A_108 = arith.index_cast %swap3A_107 : i32 to index
    %swap3A_109 = arith.constant 0 : index
    %swap3A_110 = tpu.vector_load %arg12[%swap3A_108, %swap3A_109] {strides = array<i32>} : memref<16x128xf32, #tpu.memory_space<vmem>>, vector<16xf32>,
    tpu.vector_store %arg12[%swap3A_108, %swap3A_109], %broadcast_in_dim3A_1 {strides = array<i32>} : memref<16x128xf32, #tpu.memory_space<vmem>>, vector<16xf32>,
    %swap3A_111 = arith.constant 3 : i32
    %swap3A_112 = arith.index_cast %swap3A_111 : i32 to index
    %swap3A_113 = arith.constant 16 : index
    %swap3A_114 = tpu.vector_load %arg12[%swap3A_112, %swap3A_113] {strides = array<i32>} : memref<16x128xf32, #tpu.memory_space<vmem>>, vector<16xf32>,
    tpu.vector_store %arg12[%swap3A_112, %swap3A_113], %broadcast_in_dim3A_1 {strides = array<i32>} : memref<16x128xf32, #tpu.memory_space<vmem>>, vector<16xf32>,
    %swap3A_115 = arith.constant 3 : i32
    %swap3A_116 = arith.index_cast %swap3A_115 : i32 to index
    %swap3A_117 = arith.constant 32 : index
    %swap3A_118 = tpu.vector_load %arg12[%swap3A_116, %swap3A_117] {strides = array<i32>} : memref<16x128xf32, #tpu.memory_space<vmem>>, vector<16xf32>,
    tpu.vector_store %arg12[%swap3A_116, %swap3A_117], %broadcast_in_dim3A_1 {strides = array<i32>} : memref<16x128xf32, #tpu.memory_space<vmem>>, vector<16xf32>,
    %swap3A_119 = arith.constant 3 : i32
    %swap3A_120 = arith.index_cast %swap3A_119 : i32 to index
    %swap3A_121 = arith.constant 48 : index
    %swap3A_122 = tpu.vector_load %arg12[%swap3A_120, %swap3A_121] {strides = array<i32>} : memref<16x128xf32, #tpu.memory_space<vmem>>, vector<16xf32>,
    tpu.vector_store %arg12[%swap3A_120, %swap3A_121], %broadcast_in_dim3A_1 {strides = array<i32>} : memref<16x128xf32, #tpu.memory_space<vmem>>, vector<16xf32>,
    %swap3A_123 = arith.constant 3 : i32
    %swap3A_124 = arith.index_cast %swap3A_123 : i32 to index
    %swap3A_125 = arith.constant 64 : index
    %swap3A_126 = tpu.vector_load %arg12[%swap3A_124, %swap3A_125] {strides = array<i32>} : memref<16x128xf32, #tpu.memory_space<vmem>>, vector<16xf32>,
    tpu.vector_store %arg12[%swap3A_124, %swap3A_125], %broadcast_in_dim3A_1 {strides = array<i32>} : memref<16x128xf32, #tpu.memory_space<vmem>>, vector<16xf32>,
    %swap3A_127 = arith.constant 3 : i32
    %swap3A_128 = arith.index_cast %swap3A_127 : i32 to index
    %swap3A_129 = arith.constant 80 : index
    %swap3A_130 = tpu.vector_load %arg12[%swap3A_128, %swap3A_129] {strides = array<i32>} : memref<16x128xf32, #tpu.memory_space<vmem>>, vector<16xf32>,
    tpu.vector_store %arg12[%swap3A_128, %swap3A_129], %broadcast_in_dim3A_1 {strides = array<i32>} : memref<16x128xf32, #tpu.memory_space<vmem>>, vector<16xf32>,
    %swap3A_131 = arith.constant 3 : i32
    %swap3A_132 = arith.index_cast %swap3A_131 : i32 to index
    %swap3A_133 = arith.constant 96 : index
    %swap3A_134 = tpu.vector_load %arg12[%swap3A_132, %swap3A_133] {strides = array<i32>} : memref<16x128xf32, #tpu.memory_space<vmem>>, vector<16xf32>,
    tpu.vector_store %arg12[%swap3A_132, %swap3A_133], %broadcast_in_dim3A_1 {strides = array<i32>} : memref<16x128xf32, #tpu.memory_space<vmem>>, vector<16xf32>,
    %swap3A_135 = arith.constant 3 : i32
    %swap3A_136 = arith.index_cast %swap3A_135 : i32 to index
    %swap3A_137 = arith.constant 112 : index
    %swap3A_138 = tpu.vector_load %arg12[%swap3A_136, %swap3A_137] {strides = array<i32>} : memref<16x128xf32, #tpu.memory_space<vmem>>, vector<16xf32>,
    tpu.vector_store %arg12[%swap3A_136, %swap3A_137], %broadcast_in_dim3A_1 {strides = array<i32>} : memref<16x128xf32, #tpu.memory_space<vmem>>, vector<16xf32>,
    %swap3A_139 = arith.constant 4 : i32
    %swap3A_140 = arith.index_cast %swap3A_139 : i32 to index
    %swap3A_141 = arith.constant 0 : index
    %swap3A_142 = tpu.vector_load %arg12[%swap3A_140, %swap3A_141] {strides = array<i32>} : memref<16x128xf32, #tpu.memory_space<vmem>>, vector<16xf32>,
    tpu.vector_store %arg12[%swap3A_140, %swap3A_141], %broadcast_in_dim3A_1 {strides = array<i32>} : memref<16x128xf32, #tpu.memory_space<vmem>>, vector<16xf32>,
    %swap3A_143 = arith.constant 4 : i32
    %swap3A_144 = arith.index_cast %swap3A_143 : i32 to index
    %swap3A_145 = arith.constant 16 : index
    %swap3A_146 = tpu.vector_load %arg12[%swap3A_144, %swap3A_145] {strides = array<i32>} : memref<16x128xf32, #tpu.memory_space<vmem>>, vector<16xf32>,
    tpu.vector_store %arg12[%swap3A_144, %swap3A_145], %broadcast_in_dim3A_1 {strides = array<i32>} : memref<16x128xf32, #tpu.memory_space<vmem>>, vector<16xf32>,
    %swap3A_147 = arith.constant 4 : i32
    %swap3A_148 = arith.index_cast %swap3A_147 : i32 to index
    %swap3A_149 = arith.constant 32 : index
    %swap3A_150 = tpu.vector_load %arg12[%swap3A_148, %swap3A_149] {strides = array<i32>} : memref<16x128xf32, #tpu.memory_space<vmem>>, vector<16xf32>,
    tpu.vector_store %arg12[%swap3A_148, %swap3A_149], %broadcast_in_dim3A_1 {strides = array<i32>} : memref<16x128xf32, #tpu.memory_space<vmem>>, vector<16xf32>,
    %swap3A_151 = arith.constant 4 : i32
    %swap3A_152 = arith.index_cast %swap3A_151 : i32 to index
    %swap3A_153 = arith.constant 48 : index
    %swap3A_154 = tpu.vector_load %arg12[%swap3A_152, %swap3A_153] {strides = array<i32>} : memref<16x128xf32, #tpu.memory_space<vmem>>, vector<16xf32>,
    tpu.vector_store %arg12[%swap3A_152, %swap3A_153], %broadcast_in_dim3A_1 {strides = array<i32>} : memref<16x128xf32, #tpu.memory_space<vmem>>, vector<16xf32>,
    %swap3A_155 = arith.constant 4 : i32
    %swap3A_156 = arith.index_cast %swap3A_155 : i32 to index
    %swap3A_157 = arith.constant 64 : index
    %swap3A_158 = tpu.vector_load %arg12[%swap3A_156, %swap3A_157] {strides = array<i32>} : memref<16x128xf32, #tpu.memory_space<vmem>>, vector<16xf32>,
    tpu.vector_store %arg12[%swap3A_156, %swap3A_157], %broadcast_in_dim3A_1 {strides = array<i32>} : memref<16x128xf32, #tpu.memory_space<vmem>>, vector<16xf32>,
    %swap3A_159 = arith.constant 4 : i32
    %swap3A_160 = arith.index_cast %swap3A_159 : i32 to index
    %swap3A_161 = arith.constant 80 : index
    %swap3A_162 = tpu.vector_load %arg12[%swap3A_160, %swap3A_161] {strides = array<i32>} : memref<16x128xf32, #tpu.memory_space<vmem>>, vector<16xf32>,
    tpu.vector_store %arg12[%swap3A_160, %swap3A_161], %broadcast_in_dim3A_1 {strides = array<i32>} : memref<16x128xf32, #tpu.memory_space<vmem>>, vector<16xf32>,
    %swap3A_163 = arith.constant 4 : i32
    %swap3A_164 = arith.index_cast %swap3A_163 : i32 to index
    %swap3A_165 = arith.constant 96 : index
    %swap3A_166 = tpu.vector_load %arg12[%swap3A_164, %swap3A_165] {strides = array<i32>} : memref<16x128xf32, #tpu.memory_space<vmem>>, vector<16xf32>,
    tpu.vector_store %arg12[%swap3A_164, %swap3A_165], %broadcast_in_dim3A_1 {strides = array<i32>} : memref<16x128xf32, #tpu.memory_space<vmem>>, vector<16xf32>,
    %swap3A_167 = arith.constant 4 : i32
    %swap3A_168 = arith.index_cast %swap3A_167 : i32 to index
    %swap3A_169 = arith.constant 112 : index
    %swap3A_170 = tpu.vector_load %arg12[%swap3A_168, %swap3A_169] {strides = array<i32>} : memref<16x128xf32, #tpu.memory_space<vmem>>, vector<16xf32>,
    tpu.vector_store %arg12[%swap3A_168, %swap3A_169], %broadcast_in_dim3A_1 {strides = array<i32>} : memref<16x128xf32, #tpu.memory_space<vmem>>, vector<16xf32>,
    %swap3A_171 = arith.constant 5 : i32
    %swap3A_172 = arith.index_cast %swap3A_171 : i32 to index
    %swap3A_173 = arith.constant 0 : index
    %swap3A_174 = tpu.vector_load %arg12[%swap3A_172, %swap3A_173] {strides = array<i32>} : memref<16x128xf32, #tpu.memory_space<vmem>>, vector<16xf32>,
    tpu.vector_store %arg12[%swap3A_172, %swap3A_173], %broadcast_in_dim3A_1 {strides = array<i32>} : memref<16x128xf32, #tpu.memory_space<vmem>>, vector<16xf32>,
    %swap3A_175 = arith.constant 5 : i32
    %swap3A_176 = arith.index_cast %swap3A_175 : i32 to index
    %swap3A_177 = arith.constant 16 : index
    %swap3A_178 = tpu.vector_load %arg12[%swap3A_176, %swap3A_177] {strides = array<i32>} : memref<16x128xf32, #tpu.memory_space<vmem>>, vector<16xf32>,
    tpu.vector_store %arg12[%swap3A_176, %swap3A_177], %broadcast_in_dim3A_1 {strides = array<i32>} : memref<16x128xf32, #tpu.memory_space<vmem>>, vector<16xf32>,
    %swap3A_179 = arith.constant 5 : i32
    %swap3A_180 = arith.index_cast %swap3A_179 : i32 to index
    %swap3A_181 = arith.constant 32 : index
    %swap3A_182 = tpu.vector_load %arg12[%swap3A_180, %swap3A_181] {strides = array<i32>} : memref<16x128xf32, #tpu.memory_space<vmem>>, vector<16xf32>,
    tpu.vector_store %arg12[%swap3A_180, %swap3A_181], %broadcast_in_dim3A_1 {strides = array<i32>} : memref<16x128xf32, #tpu.memory_space<vmem>>, vector<16xf32>,
    %swap3A_183 = arith.constant 5 : i32
    %swap3A_184 = arith.index_cast %swap3A_183 : i32 to index
    %swap3A_185 = arith.constant 48 : index
    %swap3A_186 = tpu.vector_load %arg12[%swap3A_184, %swap3A_185] {strides = array<i32>} : memref<16x128xf32, #tpu.memory_space<vmem>>, vector<16xf32>,
    tpu.vector_store %arg12[%swap3A_184, %swap3A_185], %broadcast_in_dim3A_1 {strides = array<i32>} : memref<16x128xf32, #tpu.memory_space<vmem>>, vector<16xf32>,
    %swap3A_187 = arith.constant 5 : i32
    %swap3A_188 = arith.index_cast %swap3A_187 : i32 to index
    %swap3A_189 = arith.constant 64 : index
    %swap3A_190 = tpu.vector_load %arg12[%swap3A_188, %swap3A_189] {strides = array<i32>} : memref<16x128xf32, #tpu.memory_space<vmem>>, vector<16xf32>,
    tpu.vector_store %arg12[%swap3A_188, %swap3A_189], %broadcast_in_dim3A_1 {strides = array<i32>} : memref<16x128xf32, #tpu.memory_space<vmem>>, vector<16xf32>,
    %swap3A_191 = arith.constant 5 : i32
    %swap3A_192 = arith.index_cast %swap3A_191 : i32 to index
    %swap3A_193 = arith.constant 80 : index
    %swap3A_194 = tpu.vector_load %arg12[%swap3A_192, %swap3A_193] {strides = array<i32>} : memref<16x128xf32, #tpu.memory_space<vmem>>, vector<16xf32>,
    tpu.vector_store %arg12[%swap3A_192, %swap3A_193], %broadcast_in_dim3A_1 {strides = array<i32>} : memref<16x128xf32, #tpu.memory_space<vmem>>, vector<16xf32>,
    %swap3A_195 = arith.constant 5 : i32
    %swap3A_196 = arith.index_cast %swap3A_195 : i32 to index
    %swap3A_197 = arith.constant 96 : index
    %swap3A_198 = tpu.vector_load %arg12[%swap3A_196, %swap3A_197] {strides = array<i32>} : memref<16x128xf32, #tpu.memory_space<vmem>>, vector<16xf32>,
    tpu.vector_store %arg12[%swap3A_196, %swap3A_197], %broadcast_in_dim3A_1 {strides = array<i32>} : memref<16x128xf32, #tpu.memory_space<vmem>>, vector<16xf32>,
    %swap3A_199 = arith.constant 5 : i32
    %swap3A_200 = arith.index_cast %swap3A_199 : i32 to index
    %swap3A_201 = arith.constant 112 : index
    %swap3A_202 = tpu.vector_load %arg12[%swap3A_200, %swap3A_201] {strides = array<i32>} : memref<16x128xf32, #tpu.memory_space<vmem>>, vector<16xf32>,
    tpu.vector_store %arg12[%swap3A_200, %swap3A_201], %broadcast_in_dim3A_1 {strides = array<i32>} : memref<16x128xf32, #tpu.memory_space<vmem>>, vector<16xf32>,
    %swap3A_203 = arith.constant 6 : i32
    %swap3A_204 = arith.index_cast %swap3A_203 : i32 to index
    %swap3A_205 = arith.constant 0 : index
    %swap3A_206 = tpu.vector_load %arg12[%swap3A_204, %swap3A_205] {strides = array<i32>} : memref<16x128xf32, #tpu.memory_space<vmem>>, vector<16xf32>,
    tpu.vector_store %arg12[%swap3A_204, %swap3A_205], %broadcast_in_dim3A_1 {strides = array<i32>} : memref<16x128xf32, #tpu.memory_space<vmem>>, vector<16xf32>,
    %swap3A_207 = arith.constant 6 : i32
    %swap3A_208 = arith.index_cast %swap3A_207 : i32 to index
    %swap3A_209 = arith.constant 16 : index
    %swap3A_210 = tpu.vector_load %arg12[%swap3A_208, %swap3A_209] {strides = array<i32>} : memref<16x128xf32, #tpu.memory_space<vmem>>, vector<16xf32>,
    tpu.vector_store %arg12[%swap3A_208, %swap3A_209], %broadcast_in_dim3A_1 {strides = array<i32>} : memref<16x128xf32, #tpu.memory_space<vmem>>, vector<16xf32>,
    %swap3A_211 = arith.constant 6 : i32
    %swap3A_212 = arith.index_cast %swap3A_211 : i32 to index
    %swap3A_213 = arith.constant 32 : index
    %swap3A_214 = tpu.vector_load %arg12[%swap3A_212, %swap3A_213] {strides = array<i32>} : memref<16x128xf32, #tpu.memory_space<vmem>>, vector<16xf32>,
    tpu.vector_store %arg12[%swap3A_212, %swap3A_213], %broadcast_in_dim3A_1 {strides = array<i32>} : memref<16x128xf32, #tpu.memory_space<vmem>>, vector<16xf32>,
    %swap3A_215 = arith.constant 6 : i32
    %swap3A_216 = arith.index_cast %swap3A_215 : i32 to index
    %swap3A_217 = arith.constant 48 : index
    %swap3A_218 = tpu.vector_load %arg12[%swap3A_216, %swap3A_217] {strides = array<i32>} : memref<16x128xf32, #tpu.memory_space<vmem>>, vector<16xf32>,
    tpu.vector_store %arg12[%swap3A_216, %swap3A_217], %broadcast_in_dim3A_1 {strides = array<i32>} : memref<16x128xf32, #tpu.memory_space<vmem>>, vector<16xf32>,
    %swap3A_219 = arith.constant 6 : i32
    %swap3A_220 = arith.index_cast %swap3A_219 : i32 to index
    %swap3A_221 = arith.constant 64 : index
    %swap3A_222 = tpu.vector_load %arg12[%swap3A_220, %swap3A_221] {strides = array<i32>} : memref<16x128xf32, #tpu.memory_space<vmem>>, vector<16xf32>,
    tpu.vector_store %arg12[%swap3A_220, %swap3A_221], %broadcast_in_dim3A_1 {strides = array<i32>} : memref<16x128xf32, #tpu.memory_space<vmem>>, vector<16xf32>,
    %swap3A_223 = arith.constant 6 : i32
    %swap3A_224 = arith.index_cast %swap3A_223 : i32 to index
    %swap3A_225 = arith.constant 80 : index
    %swap3A_226 = tpu.vector_load %arg12[%swap3A_224, %swap3A_225] {strides = array<i32>} : memref<16x128xf32, #tpu.memory_space<vmem>>, vector<16xf32>,
    tpu.vector_store %arg12[%swap3A_224, %swap3A_225], %broadcast_in_dim3A_1 {strides = array<i32>} : memref<16x128xf32, #tpu.memory_space<vmem>>, vector<16xf32>,
    %swap3A_227 = arith.constant 6 : i32
    %swap3A_228 = arith.index_cast %swap3A_227 : i32 to index
    %swap3A_229 = arith.constant 96 : index
    %swap3A_230 = tpu.vector_load %arg12[%swap3A_228, %swap3A_229] {strides = array<i32>} : memref<16x128xf32, #tpu.memory_space<vmem>>, vector<16xf32>,
    tpu.vector_store %arg12[%swap3A_228, %swap3A_229], %broadcast_in_dim3A_1 {strides = array<i32>} : memref<16x128xf32, #tpu.memory_space<vmem>>, vector<16xf32>,
    %swap3A_231 = arith.constant 6 : i32
    %swap3A_232 = arith.index_cast %swap3A_231 : i32 to index
    %swap3A_233 = arith.constant 112 : index
    %swap3A_234 = tpu.vector_load %arg12[%swap3A_232, %swap3A_233] {strides = array<i32>} : memref<16x128xf32, #tpu.memory_space<vmem>>, vector<16xf32>,
    tpu.vector_store %arg12[%swap3A_232, %swap3A_233], %broadcast_in_dim3A_1 {strides = array<i32>} : memref<16x128xf32, #tpu.memory_space<vmem>>, vector<16xf32>,
    %swap3A_235 = arith.constant 7 : i32
    %swap3A_236 = arith.index_cast %swap3A_235 : i32 to index
    %swap3A_237 = arith.constant 0 : index
    %swap3A_238 = tpu.vector_load %arg12[%swap3A_236, %swap3A_237] {strides = array<i32>} : memref<16x128xf32, #tpu.memory_space<vmem>>, vector<16xf32>,
    tpu.vector_store %arg12[%swap3A_236, %swap3A_237], %broadcast_in_dim3A_1 {strides = array<i32>} : memref<16x128xf32, #tpu.memory_space<vmem>>, vector<16xf32>,
    %swap3A_239 = arith.constant 7 : i32
    %swap3A_240 = arith.index_cast %swap3A_239 : i32 to index
    %swap3A_241 = arith.constant 16 : index
    %swap3A_242 = tpu.vector_load %arg12[%swap3A_240, %swap3A_241] {strides = array<i32>} : memref<16x128xf32, #tpu.memory_space<vmem>>, vector<16xf32>,
    tpu.vector_store %arg12[%swap3A_240, %swap3A_241], %broadcast_in_dim3A_1 {strides = array<i32>} : memref<16x128xf32, #tpu.memory_space<vmem>>, vector<16xf32>,
    %swap3A_243 = arith.constant 7 : i32
    %swap3A_244 = arith.index_cast %swap3A_243 : i32 to index
    %swap3A_245 = arith.constant 32 : index
    %swap3A_246 = tpu.vector_load %arg12[%swap3A_244, %swap3A_245] {strides = array<i32>} : memref<16x128xf32, #tpu.memory_space<vmem>>, vector<16xf32>,
    tpu.vector_store %arg12[%swap3A_244, %swap3A_245], %broadcast_in_dim3A_1 {strides = array<i32>} : memref<16x128xf32, #tpu.memory_space<vmem>>, vector<16xf32>,
    %swap3A_247 = arith.constant 7 : i32
    %swap3A_248 = arith.index_cast %swap3A_247 : i32 to index
    %swap3A_249 = arith.constant 48 : index
    %swap3A_250 = tpu.vector_load %arg12[%swap3A_248, %swap3A_249] {strides = array<i32>} : memref<16x128xf32, #tpu.memory_space<vmem>>, vector<16xf32>,
    tpu.vector_store %arg12[%swap3A_248, %swap3A_249], %broadcast_in_dim3A_1 {strides = array<i32>} : memref<16x128xf32, #tpu.memory_space<vmem>>, vector<16xf32>,
    %swap3A_251 = arith.constant 7 : i32
    %swap3A_252 = arith.index_cast %swap3A_251 : i32 to index
    %swap3A_253 = arith.constant 64 : index
    %swap3A_254 = tpu.vector_load %arg12[%swap3A_252, %swap3A_253] {strides = array<i32>} : memref<16x128xf32, #tpu.memory_space<vmem>>, vector<16xf32>,
    tpu.vector_store %arg12[%swap3A_252, %swap3A_253], %broadcast_in_dim3A_1 {strides = array<i32>} : memref<16x128xf32, #tpu.memory_space<vmem>>, vector<16xf32>,
    %swap3A_255 = arith.constant 7 : i32
    %swap3A_256 = arith.index_cast %swap3A_255 : i32 to index
    %swap3A_257 = arith.constant 80 : index
    %swap3A_258 = tpu.vector_load %arg12[%swap3A_256, %swap3A_257] {strides = array<i32>} : memref<16x128xf32, #tpu.memory_space<vmem>>, vector<16xf32>,
    tpu.vector_store %arg12[%swap3A_256, %swap3A_257], %broadcast_in_dim3A_1 {strides = array<i32>} : memref<16x128xf32, #tpu.memory_space<vmem>>, vector<16xf32>,
    %swap3A_259 = arith.constant 7 : i32
    %swap3A_260 = arith.index_cast %swap3A_259 : i32 to index
    %swap3A_261 = arith.constant 96 : index
    %swap3A_262 = tpu.vector_load %arg12[%swap3A_260, %swap3A_261] {strides = array<i32>} : memref<16x128xf32, #tpu.memory_space<vmem>>, vector<16xf32>,
    tpu.vector_store %arg12[%swap3A_260, %swap3A_261], %broadcast_in_dim3A_1 {strides = array<i32>} : memref<16x128xf32, #tpu.memory_space<vmem>>, vector<16xf32>,
    %swap3A_263 = arith.constant 7 : i32
    %swap3A_264 = arith.index_cast %swap3A_263 : i32 to index
    %swap3A_265 = arith.constant 112 : index
    %swap3A_266 = tpu.vector_load %arg12[%swap3A_264, %swap3A_265] {strides = array<i32>} : memref<16x128xf32, #tpu.memory_space<vmem>>, vector<16xf32>,
    tpu.vector_store %arg12[%swap3A_264, %swap3A_265], %broadcast_in_dim3A_1 {strides = array<i32>} : memref<16x128xf32, #tpu.memory_space<vmem>>, vector<16xf32>,
    %swap3A_267 = arith.constant 8 : i32
    %swap3A_268 = arith.index_cast %swap3A_267 : i32 to index
    %swap3A_269 = arith.constant 0 : index
    %swap3A_270 = tpu.vector_load %arg12[%swap3A_268, %swap3A_269] {strides = array<i32>} : memref<16x128xf32, #tpu.memory_space<vmem>>, vector<16xf32>,
    tpu.vector_store %arg12[%swap3A_268, %swap3A_269], %broadcast_in_dim3A_1 {strides = array<i32>} : memref<16x128xf32, #tpu.memory_space<vmem>>, vector<16xf32>,
    %swap3A_271 = arith.constant 8 : i32
    %swap3A_272 = arith.index_cast %swap3A_271 : i32 to index
    %swap3A_273 = arith.constant 16 : index
    %swap3A_274 = tpu.vector_load %arg12[%swap3A_272, %swap3A_273] {strides = array<i32>} : memref<16x128xf32, #tpu.memory_space<vmem>>, vector<16xf32>,
    tpu.vector_store %arg12[%swap3A_272, %swap3A_273], %broadcast_in_dim3A_1 {strides = array<i32>} : memref<16x128xf32, #tpu.memory_space<vmem>>, vector<16xf32>,
    %swap3A_275 = arith.constant 8 : i32
    %swap3A_276 = arith.index_cast %swap3A_275 : i32 to index
    %swap3A_277 = arith.constant 32 : index
    %swap3A_278 = tpu.vector_load %arg12[%swap3A_276, %swap3A_277] {strides = array<i32>} : memref<16x128xf32, #tpu.memory_space<vmem>>, vector<16xf32>,
    tpu.vector_store %arg12[%swap3A_276, %swap3A_277], %broadcast_in_dim3A_1 {strides = array<i32>} : memref<16x128xf32, #tpu.memory_space<vmem>>, vector<16xf32>,
    %swap3A_279 = arith.constant 8 : i32
    %swap3A_280 = arith.index_cast %swap3A_279 : i32 to index
    %swap3A_281 = arith.constant 48 : index
    %swap3A_282 = tpu.vector_load %arg12[%swap3A_280, %swap3A_281] {strides = array<i32>} : memref<16x128xf32, #tpu.memory_space<vmem>>, vector<16xf32>,
    tpu.vector_store %arg12[%swap3A_280, %swap3A_281], %broadcast_in_dim3A_1 {strides = array<i32>} : memref<16x128xf32, #tpu.memory_space<vmem>>, vector<16xf32>,
    %swap3A_283 = arith.constant 8 : i32
    %swap3A_284 = arith.index_cast %swap3A_283 : i32 to index
    %swap3A_285 = arith.constant 64 : index
    %swap3A_286 = tpu.vector_load %arg12[%swap3A_284, %swap3A_285] {strides = array<i32>} : memref<16x128xf32, #tpu.memory_space<vmem>>, vector<16xf32>,
    tpu.vector_store %arg12[%swap3A_284, %swap3A_285], %broadcast_in_dim3A_1 {strides = array<i32>} : memref<16x128xf32, #tpu.memory_space<vmem>>, vector<16xf32>,
    %swap3A_287 = arith.constant 8 : i32
    %swap3A_288 = arith.index_cast %swap3A_287 : i32 to index
    %swap3A_289 = arith.constant 80 : index
    %swap3A_290 = tpu.vector_load %arg12[%swap3A_288, %swap3A_289] {strides = array<i32>} : memref<16x128xf32, #tpu.memory_space<vmem>>, vector<16xf32>,
    tpu.vector_store %arg12[%swap3A_288, %swap3A_289], %broadcast_in_dim3A_1 {strides = array<i32>} : memref<16x128xf32, #tpu.memory_space<vmem>>, vector<16xf32>,
    %swap3A_291 = arith.constant 8 : i32
    %swap3A_292 = arith.index_cast %swap3A_291 : i32 to index
    %swap3A_293 = arith.constant 96 : index
    %swap3A_294 = tpu.vector_load %arg12[%swap3A_292, %swap3A_293] {strides = array<i32>} : memref<16x128xf32, #tpu.memory_space<vmem>>, vector<16xf32>,
    tpu.vector_store %arg12[%swap3A_292, %swap3A_293], %broadcast_in_dim3A_1 {strides = array<i32>} : memref<16x128xf32, #tpu.memory_space<vmem>>, vector<16xf32>,
    %swap3A_295 = arith.constant 8 : i32
    %swap3A_296 = arith.index_cast %swap3A_295 : i32 to index
    %swap3A_297 = arith.constant 112 : index
    %swap3A_298 = tpu.vector_load %arg12[%swap3A_296, %swap3A_297] {strides = array<i32>} : memref<16x128xf32, #tpu.memory_space<vmem>>, vector<16xf32>,
    tpu.vector_store %arg12[%swap3A_296, %swap3A_297], %broadcast_in_dim3A_1 {strides = array<i32>} : memref<16x128xf32, #tpu.memory_space<vmem>>, vector<16xf32>,
    %swap3A_299 = arith.constant 9 : i32
    %swap3A_300 = arith.index_cast %swap3A_299 : i32 to index
    %swap3A_301 = arith.constant 0 : index
    %swap3A_302 = tpu.vector_load %arg12[%swap3A_300, %swap3A_301] {strides = array<i32>} : memref<16x128xf32, #tpu.memory_space<vmem>>, vector<16xf32>,
    tpu.vector_store %arg12[%swap3A_300, %swap3A_301], %broadcast_in_dim3A_1 {strides = array<i32>} : memref<16x128xf32, #tpu.memory_space<vmem>>, vector<16xf32>,
    %swap3A_303 = arith.constant 9 : i32
    %swap3A_304 = arith.index_cast %swap3A_303 : i32 to index
    %swap3A_305 = arith.constant 16 : index
    %swap3A_306 = tpu.vector_load %arg12[%swap3A_304, %swap3A_305] {strides = array<i32>} : memref<16x128xf32, #tpu.memory_space<vmem>>, vector<16xf32>,
    tpu.vector_store %arg12[%swap3A_304, %swap3A_305], %broadcast_in_dim3A_1 {strides = array<i32>} : memref<16x128xf32, #tpu.memory_space<vmem>>, vector<16xf32>,
    %swap3A_307 = arith.constant 9 : i32
    %swap3A_308 = arith.index_cast %swap3A_307 : i32 to index
    %swap3A_309 = arith.constant 32 : index
    %swap3A_310 = tpu.vector_load %arg12[%swap3A_308, %swap3A_309] {strides = array<i32>} : memref<16x128xf32, #tpu.memory_space<vmem>>, vector<16xf32>,
    tpu.vector_store %arg12[%swap3A_308, %swap3A_309], %broadcast_in_dim3A_1 {strides = array<i32>} : memref<16x128xf32, #tpu.memory_space<vmem>>, vector<16xf32>,
    %swap3A_311 = arith.constant 9 : i32
    %swap3A_312 = arith.index_cast %swap3A_311 : i32 to index
    %swap3A_313 = arith.constant 48 : index
    %swap3A_314 = tpu.vector_load %arg12[%swap3A_312, %swap3A_313] {strides = array<i32>} : memref<16x128xf32, #tpu.memory_space<vmem>>, vector<16xf32>,
    tpu.vector_store %arg12[%swap3A_312, %swap3A_313], %broadcast_in_dim3A_1 {strides = array<i32>} : memref<16x128xf32, #tpu.memory_space<vmem>>, vector<16xf32>,
    %swap3A_315 = arith.constant 9 : i32
    %swap3A_316 = arith.index_cast %swap3A_315 : i32 to index
    %swap3A_317 = arith.constant 64 : index
    %swap3A_318 = tpu.vector_load %arg12[%swap3A_316, %swap3A_317] {strides = array<i32>} : memref<16x128xf32, #tpu.memory_space<vmem>>, vector<16xf32>,
    tpu.vector_store %arg12[%swap3A_316, %swap3A_317], %broadcast_in_dim3A_1 {strides = array<i32>} : memref<16x128xf32, #tpu.memory_space<vmem>>, vector<16xf32>,
    %swap3A_319 = arith.constant 9 : i32
    %swap3A_320 = arith.index_cast %swap3A_319 : i32 to index
    %swap3A_321 = arith.constant 80 : index
    %swap3A_322 = tpu.vector_load %arg12[%swap3A_320, %swap3A_321] {strides = array<i32>} : memref<16x128xf32, #tpu.memory_space<vmem>>, vector<16xf32>,
    tpu.vector_store %arg12[%swap3A_320, %swap3A_321], %broadcast_in_dim3A_1 {strides = array<i32>} : memref<16x128xf32, #tpu.memory_space<vmem>>, vector<16xf32>,
    %swap3A_323 = arith.constant 9 : i32
    %swap3A_324 = arith.index_cast %swap3A_323 : i32 to index
    %swap3A_325 = arith.constant 96 : index
    %swap3A_326 = tpu.vector_load %arg12[%swap3A_324, %swap3A_325] {strides = array<i32>} : memref<16x128xf32, #tpu.memory_space<vmem>>, vector<16xf32>,
    tpu.vector_store %arg12[%swap3A_324, %swap3A_325], %broadcast_in_dim3A_1 {strides = array<i32>} : memref<16x128xf32, #tpu.memory_space<vmem>>, vector<16xf32>,
    %swap3A_327 = arith.constant 9 : i32
    %swap3A_328 = arith.index_cast %swap3A_327 : i32 to index
    %swap3A_329 = arith.constant 112 : index
    %swap3A_330 = tpu.vector_load %arg12[%swap3A_328, %swap3A_329] {strides = array<i32>} : memref<16x128xf32, #tpu.memory_space<vmem>>, vector<16xf32>,
    tpu.vector_store %arg12[%swap3A_328, %swap3A_329], %broadcast_in_dim3A_1 {strides = array<i32>} : memref<16x128xf32, #tpu.memory_space<vmem>>, vector<16xf32>,
    %swap3A_331 = arith.constant 10 : i32
    %swap3A_332 = arith.index_cast %swap3A_331 : i32 to index
    %swap3A_333 = arith.constant 0 : index
    %swap3A_334 = tpu.vector_load %arg12[%swap3A_332, %swap3A_333] {strides = array<i32>} : memref<16x128xf32, #tpu.memory_space<vmem>>, vector<16xf32>,
    tpu.vector_store %arg12[%swap3A_332, %swap3A_333], %broadcast_in_dim3A_1 {strides = array<i32>} : memref<16x128xf32, #tpu.memory_space<vmem>>, vector<16xf32>,
    %swap3A_335 = arith.constant 10 : i32
    %swap3A_336 = arith.index_cast %swap3A_335 : i32 to index
    %swap3A_337 = arith.constant 16 : index
    %swap3A_338 = tpu.vector_load %arg12[%swap3A_336, %swap3A_337] {strides = array<i32>} : memref<16x128xf32, #tpu.memory_space<vmem>>, vector<16xf32>,
    tpu.vector_store %arg12[%swap3A_336, %swap3A_337], %broadcast_in_dim3A_1 {strides = array<i32>} : memref<16x128xf32, #tpu.memory_space<vmem>>, vector<16xf32>,
    %swap3A_339 = arith.constant 10 : i32
    %swap3A_340 = arith.index_cast %swap3A_339 : i32 to index
    %swap3A_341 = arith.constant 32 : index
    %swap3A_342 = tpu.vector_load %arg12[%swap3A_340, %swap3A_341] {strides = array<i32>} : memref<16x128xf32, #tpu.memory_space<vmem>>, vector<16xf32>,
    tpu.vector_store %arg12[%swap3A_340, %swap3A_341], %broadcast_in_dim3A_1 {strides = array<i32>} : memref<16x128xf32, #tpu.memory_space<vmem>>, vector<16xf32>,
    %swap3A_343 = arith.constant 10 : i32
    %swap3A_344 = arith.index_cast %swap3A_343 : i32 to index
    %swap3A_345 = arith.constant 48 : index
    %swap3A_346 = tpu.vector_load %arg12[%swap3A_344, %swap3A_345] {strides = array<i32>} : memref<16x128xf32, #tpu.memory_space<vmem>>, vector<16xf32>,
    tpu.vector_store %arg12[%swap3A_344, %swap3A_345], %broadcast_in_dim3A_1 {strides = array<i32>} : memref<16x128xf32, #tpu.memory_space<vmem>>, vector<16xf32>,
    %swap3A_347 = arith.constant 10 : i32
    %swap3A_348 = arith.index_cast %swap3A_347 : i32 to index
    %swap3A_349 = arith.constant 64 : index
    %swap3A_350 = tpu.vector_load %arg12[%swap3A_348, %swap3A_349] {strides = array<i32>} : memref<16x128xf32, #tpu.memory_space<vmem>>, vector<16xf32>,
    tpu.vector_store %arg12[%swap3A_348, %swap3A_349], %broadcast_in_dim3A_1 {strides = array<i32>} : memref<16x128xf32, #tpu.memory_space<vmem>>, vector<16xf32>,
    %swap3A_351 = arith.constant 10 : i32
    %swap3A_352 = arith.index_cast %swap3A_351 : i32 to index
    %swap3A_353 = arith.constant 80 : index
    %swap3A_354 = tpu.vector_load %arg12[%swap3A_352, %swap3A_353] {strides = array<i32>} : memref<16x128xf32, #tpu.memory_space<vmem>>, vector<16xf32>,
    tpu.vector_store %arg12[%swap3A_352, %swap3A_353], %broadcast_in_dim3A_1 {strides = array<i32>} : memref<16x128xf32, #tpu.memory_space<vmem>>, vector<16xf32>,
    %swap3A_355 = arith.constant 10 : i32
    %swap3A_356 = arith.index_cast %swap3A_355 : i32 to index
    %swap3A_357 = arith.constant 96 : index
    %swap3A_358 = tpu.vector_load %arg12[%swap3A_356, %swap3A_357] {strides = array<i32>} : memref<16x128xf32, #tpu.memory_space<vmem>>, vector<16xf32>,
    tpu.vector_store %arg12[%swap3A_356, %swap3A_357], %broadcast_in_dim3A_1 {strides = array<i32>} : memref<16x128xf32, #tpu.memory_space<vmem>>, vector<16xf32>,
    %swap3A_359 = arith.constant 10 : i32
    %swap3A_360 = arith.index_cast %swap3A_359 : i32 to index
    %swap3A_361 = arith.constant 112 : index
    %swap3A_362 = tpu.vector_load %arg12[%swap3A_360, %swap3A_361] {strides = array<i32>} : memref<16x128xf32, #tpu.memory_space<vmem>>, vector<16xf32>,
    tpu.vector_store %arg12[%swap3A_360, %swap3A_361], %broadcast_in_dim3A_1 {strides = array<i32>} : memref<16x128xf32, #tpu.memory_space<vmem>>, vector<16xf32>,
    %swap3A_363 = arith.constant 11 : i32
    %swap3A_364 = arith.index_cast %swap3A_363 : i32 to index
    %swap3A_365 = arith.constant 0 : index
    %swap3A_366 = tpu.vector_load %arg12[%swap3A_364, %swap3A_365] {strides = array<i32>} : memref<16x128xf32, #tpu.memory_space<vmem>>, vector<16xf32>,
    tpu.vector_store %arg12[%swap3A_364, %swap3A_365], %broadcast_in_dim3A_1 {strides = array<i32>} : memref<16x128xf32, #tpu.memory_space<vmem>>, vector<16xf32>,
    %swap3A_367 = arith.constant 11 : i32
    %swap3A_368 = arith.index_cast %swap3A_367 : i32 to index
    %swap3A_369 = arith.constant 16 : index
    %swap3A_370 = tpu.vector_load %arg12[%swap3A_368, %swap3A_369] {strides = array<i32>} : memref<16x128xf32, #tpu.memory_space<vmem>>, vector<16xf32>,
    tpu.vector_store %arg12[%swap3A_368, %swap3A_369], %broadcast_in_dim3A_1 {strides = array<i32>} : memref<16x128xf32, #tpu.memory_space<vmem>>, vector<16xf32>,
    %swap3A_371 = arith.constant 11 : i32
    %swap3A_372 = arith.index_cast %swap3A_371 : i32 to index
    %swap3A_373 = arith.constant 32 : index
    %swap3A_374 = tpu.vector_load %arg12[%swap3A_372, %swap3A_373] {strides = array<i32>} : memref<16x128xf32, #tpu.memory_space<vmem>>, vector<16xf32>,
    tpu.vector_store %arg12[%swap3A_372, %swap3A_373], %broadcast_in_dim3A_1 {strides = array<i32>} : memref<16x128xf32, #tpu.memory_space<vmem>>, vector<16xf32>,
    %swap3A_375 = arith.constant 11 : i32
    %swap3A_376 = arith.index_cast %swap3A_375 : i32 to index
    %swap3A_377 = arith.constant 48 : index
    %swap3A_378 = tpu.vector_load %arg12[%swap3A_376, %swap3A_377] {strides = array<i32>} : memref<16x128xf32, #tpu.memory_space<vmem>>, vector<16xf32>,
    tpu.vector_store %arg12[%swap3A_376, %swap3A_377], %broadcast_in_dim3A_1 {strides = array<i32>} : memref<16x128xf32, #tpu.memory_space<vmem>>, vector<16xf32>,
    %swap3A_379 = arith.constant 11 : i32
    %swap3A_380 = arith.index_cast %swap3A_379 : i32 to index
    %swap3A_381 = arith.constant 64 : index
    %swap3A_382 = tpu.vector_load %arg12[%swap3A_380, %swap3A_381] {strides = array<i32>} : memref<16x128xf32, #tpu.memory_space<vmem>>, vector<16xf32>,
    tpu.vector_store %arg12[%swap3A_380, %swap3A_381], %broadcast_in_dim3A_1 {strides = array<i32>} : memref<16x128xf32, #tpu.memory_space<vmem>>, vector<16xf32>,
    %swap3A_383 = arith.constant 11 : i32
    %swap3A_384 = arith.index_cast %swap3A_383 : i32 to index
    %swap3A_385 = arith.constant 80 : index
    %swap3A_386 = tpu.vector_load %arg12[%swap3A_384, %swap3A_385] {strides = array<i32>} : memref<16x128xf32, #tpu.memory_space<vmem>>, vector<16xf32>,
    tpu.vector_store %arg12[%swap3A_384, %swap3A_385], %broadcast_in_dim3A_1 {strides = array<i32>} : memref<16x128xf32, #tpu.memory_space<vmem>>, vector<16xf32>,
    %swap3A_387 = arith.constant 11 : i32
    %swap3A_388 = arith.index_cast %swap3A_387 : i32 to index
    %swap3A_389 = arith.constant 96 : index
    %swap3A_390 = tpu.vector_load %arg12[%swap3A_388, %swap3A_389] {strides = array<i32>} : memref<16x128xf32, #tpu.memory_space<vmem>>, vector<16xf32>,
    tpu.vector_store %arg12[%swap3A_388, %swap3A_389], %broadcast_in_dim3A_1 {strides = array<i32>} : memref<16x128xf32, #tpu.memory_space<vmem>>, vector<16xf32>,
    %swap3A_391 = arith.constant 11 : i32
    %swap3A_392 = arith.index_cast %swap3A_391 : i32 to index
    %swap3A_393 = arith.constant 112 : index
    %swap3A_394 = tpu.vector_load %arg12[%swap3A_392, %swap3A_393] {strides = array<i32>} : memref<16x128xf32, #tpu.memory_space<vmem>>, vector<16xf32>,
    tpu.vector_store %arg12[%swap3A_392, %swap3A_393], %broadcast_in_dim3A_1 {strides = array<i32>} : memref<16x128xf32, #tpu.memory_space<vmem>>, vector<16xf32>,
    %swap3A_395 = arith.constant 12 : i32
    %swap3A_396 = arith.index_cast %swap3A_395 : i32 to index
    %swap3A_397 = arith.constant 0 : index
    %swap3A_398 = tpu.vector_load %arg12[%swap3A_396, %swap3A_397] {strides = array<i32>} : memref<16x128xf32, #tpu.memory_space<vmem>>, vector<16xf32>,
    tpu.vector_store %arg12[%swap3A_396, %swap3A_397], %broadcast_in_dim3A_1 {strides = array<i32>} : memref<16x128xf32, #tpu.memory_space<vmem>>, vector<16xf32>,
    %swap3A_399 = arith.constant 12 : i32
    %swap3A_400 = arith.index_cast %swap3A_399 : i32 to index
    %swap3A_401 = arith.constant 16 : index
    %swap3A_402 = tpu.vector_load %arg12[%swap3A_400, %swap3A_401] {strides = array<i32>} : memref<16x128xf32, #tpu.memory_space<vmem>>, vector<16xf32>,
    tpu.vector_store %arg12[%swap3A_400, %swap3A_401], %broadcast_in_dim3A_1 {strides = array<i32>} : memref<16x128xf32, #tpu.memory_space<vmem>>, vector<16xf32>,
    %swap3A_403 = arith.constant 12 : i32
    %swap3A_404 = arith.index_cast %swap3A_403 : i32 to index
    %swap3A_405 = arith.constant 32 : index
    %swap3A_406 = tpu.vector_load %arg12[%swap3A_404, %swap3A_405] {strides = array<i32>} : memref<16x128xf32, #tpu.memory_space<vmem>>, vector<16xf32>,
    tpu.vector_store %arg12[%swap3A_404, %swap3A_405], %broadcast_in_dim3A_1 {strides = array<i32>} : memref<16x128xf32, #tpu.memory_space<vmem>>, vector<16xf32>,
    %swap3A_407 = arith.constant 12 : i32
    %swap3A_408 = arith.index_cast %swap3A_407 : i32 to index
    %swap3A_409 = arith.constant 48 : index
    %swap3A_410 = tpu.vector_load %arg12[%swap3A_408, %swap3A_409] {strides = array<i32>} : memref<16x128xf32, #tpu.memory_space<vmem>>, vector<16xf32>,
    tpu.vector_store %arg12[%swap3A_408, %swap3A_409], %broadcast_in_dim3A_1 {strides = array<i32>} : memref<16x128xf32, #tpu.memory_space<vmem>>, vector<16xf32>,
    %swap3A_411 = arith.constant 12 : i32
    %swap3A_412 = arith.index_cast %swap3A_411 : i32 to index
    %swap3A_413 = arith.constant 64 : index
    %swap3A_414 = tpu.vector_load %arg12[%swap3A_412, %swap3A_413] {strides = array<i32>} : memref<16x128xf32, #tpu.memory_space<vmem>>, vector<16xf32>,
    tpu.vector_store %arg12[%swap3A_412, %swap3A_413], %broadcast_in_dim3A_1 {strides = array<i32>} : memref<16x128xf32, #tpu.memory_space<vmem>>, vector<16xf32>,
    %swap3A_415 = arith.constant 12 : i32
    %swap3A_416 = arith.index_cast %swap3A_415 : i32 to index
    %swap3A_417 = arith.constant 80 : index
    %swap3A_418 = tpu.vector_load %arg12[%swap3A_416, %swap3A_417] {strides = array<i32>} : memref<16x128xf32, #tpu.memory_space<vmem>>, vector<16xf32>,
    tpu.vector_store %arg12[%swap3A_416, %swap3A_417], %broadcast_in_dim3A_1 {strides = array<i32>} : memref<16x128xf32, #tpu.memory_space<vmem>>, vector<16xf32>,
    %swap3A_419 = arith.constant 12 : i32
    %swap3A_420 = arith.index_cast %swap3A_419 : i32 to index
    %swap3A_421 = arith.constant 96 : index
    %swap3A_422 = tpu.vector_load %arg12[%swap3A_420, %swap3A_421] {strides = array<i32>} : memref<16x128xf32, #tpu.memory_space<vmem>>, vector<16xf32>,
    tpu.vector_store %arg12[%swap3A_420, %swap3A_421], %broadcast_in_dim3A_1 {strides = array<i32>} : memref<16x128xf32, #tpu.memory_space<vmem>>, vector<16xf32>,
    %swap3A_423 = arith.constant 12 : i32
    %swap3A_424 = arith.index_cast %swap3A_423 : i32 to index
    %swap3A_425 = arith.constant 112 : index
    %swap3A_426 = tpu.vector_load %arg12[%swap3A_424, %swap3A_425] {strides = array<i32>} : memref<16x128xf32, #tpu.memory_space<vmem>>, vector<16xf32>,
    tpu.vector_store %arg12[%swap3A_424, %swap3A_425], %broadcast_in_dim3A_1 {strides = array<i32>} : memref<16x128xf32, #tpu.memory_space<vmem>>, vector<16xf32>,
    %swap3A_427 = arith.constant 13 : i32
    %swap3A_428 = arith.index_cast %swap3A_427 : i32 to index
    %swap3A_429 = arith.constant 0 : index
    %swap3A_430 = tpu.vector_load %arg12[%swap3A_428, %swap3A_429] {strides = array<i32>} : memref<16x128xf32, #tpu.memory_space<vmem>>, vector<16xf32>,
    tpu.vector_store %arg12[%swap3A_428, %swap3A_429], %broadcast_in_dim3A_1 {strides = array<i32>} : memref<16x128xf32, #tpu.memory_space<vmem>>, vector<16xf32>,
    %swap3A_431 = arith.constant 13 : i32
    %swap3A_432 = arith.index_cast %swap3A_431 : i32 to index
    %swap3A_433 = arith.constant 16 : index
    %swap3A_434 = tpu.vector_load %arg12[%swap3A_432, %swap3A_433] {strides = array<i32>} : memref<16x128xf32, #tpu.memory_space<vmem>>, vector<16xf32>,
    tpu.vector_store %arg12[%swap3A_432, %swap3A_433], %broadcast_in_dim3A_1 {strides = array<i32>} : memref<16x128xf32, #tpu.memory_space<vmem>>, vector<16xf32>,
    %swap3A_435 = arith.constant 13 : i32
    %swap3A_436 = arith.index_cast %swap3A_435 : i32 to index
    %swap3A_437 = arith.constant 32 : index
    %swap3A_438 = tpu.vector_load %arg12[%swap3A_436, %swap3A_437] {strides = array<i32>} : memref<16x128xf32, #tpu.memory_space<vmem>>, vector<16xf32>,
    tpu.vector_store %arg12[%swap3A_436, %swap3A_437], %broadcast_in_dim3A_1 {strides = array<i32>} : memref<16x128xf32, #tpu.memory_space<vmem>>, vector<16xf32>,
    %swap3A_439 = arith.constant 13 : i32
    %swap3A_440 = arith.index_cast %swap3A_439 : i32 to index
    %swap3A_441 = arith.constant 48 : index
    %swap3A_442 = tpu.vector_load %arg12[%swap3A_440, %swap3A_441] {strides = array<i32>} : memref<16x128xf32, #tpu.memory_space<vmem>>, vector<16xf32>,
    tpu.vector_store %arg12[%swap3A_440, %swap3A_441], %broadcast_in_dim3A_1 {strides = array<i32>} : memref<16x128xf32, #tpu.memory_space<vmem>>, vector<16xf32>,
    %swap3A_443 = arith.constant 13 : i32
    %swap3A_444 = arith.index_cast %swap3A_443 : i32 to index
    %swap3A_445 = arith.constant 64 : index
    %swap3A_446 = tpu.vector_load %arg12[%swap3A_444, %swap3A_445] {strides = array<i32>} : memref<16x128xf32, #tpu.memory_space<vmem>>, vector<16xf32>,
    tpu.vector_store %arg12[%swap3A_444, %swap3A_445], %broadcast_in_dim3A_1 {strides = array<i32>} : memref<16x128xf32, #tpu.memory_space<vmem>>, vector<16xf32>,
    %swap3A_447 = arith.constant 13 : i32
    %swap3A_448 = arith.index_cast %swap3A_447 : i32 to index
    %swap3A_449 = arith.constant 80 : index
    %swap3A_450 = tpu.vector_load %arg12[%swap3A_448, %swap3A_449] {strides = array<i32>} : memref<16x128xf32, #tpu.memory_space<vmem>>, vector<16xf32>,
    tpu.vector_store %arg12[%swap3A_448, %swap3A_449], %broadcast_in_dim3A_1 {strides = array<i32>} : memref<16x128xf32, #tpu.memory_space<vmem>>, vector<16xf32>,
    %swap3A_451 = arith.constant 13 : i32
    %swap3A_452 = arith.index_cast %swap3A_451 : i32 to index
    %swap3A_453 = arith.constant 96 : index
    %swap3A_454 = tpu.vector_load %arg12[%swap3A_452, %swap3A_453] {strides = array<i32>} : memref<16x128xf32, #tpu.memory_space<vmem>>, vector<16xf32>,
    tpu.vector_store %arg12[%swap3A_452, %swap3A_453], %broadcast_in_dim3A_1 {strides = array<i32>} : memref<16x128xf32, #tpu.memory_space<vmem>>, vector<16xf32>,
    %swap3A_455 = arith.constant 13 : i32
    %swap3A_456 = arith.index_cast %swap3A_455 : i32 to index
    %swap3A_457 = arith.constant 112 : index
    %swap3A_458 = tpu.vector_load %arg12[%swap3A_456, %swap3A_457] {strides = array<i32>} : memref<16x128xf32, #tpu.memory_space<vmem>>, vector<16xf32>,
    tpu.vector_store %arg12[%swap3A_456, %swap3A_457], %broadcast_in_dim3A_1 {strides = array<i32>} : memref<16x128xf32, #tpu.memory_space<vmem>>, vector<16xf32>,
    %swap3A_459 = arith.constant 14 : i32
    %swap3A_460 = arith.index_cast %swap3A_459 : i32 to index
    %swap3A_461 = arith.constant 0 : index
    %swap3A_462 = tpu.vector_load %arg12[%swap3A_460, %swap3A_461] {strides = array<i32>} : memref<16x128xf32, #tpu.memory_space<vmem>>, vector<16xf32>,
    tpu.vector_store %arg12[%swap3A_460, %swap3A_461], %broadcast_in_dim3A_1 {strides = array<i32>} : memref<16x128xf32, #tpu.memory_space<vmem>>, vector<16xf32>,
    %swap3A_463 = arith.constant 14 : i32
    %swap3A_464 = arith.index_cast %swap3A_463 : i32 to index
    %swap3A_465 = arith.constant 16 : index
    %swap3A_466 = tpu.vector_load %arg12[%swap3A_464, %swap3A_465] {strides = array<i32>} : memref<16x128xf32, #tpu.memory_space<vmem>>, vector<16xf32>,
    tpu.vector_store %arg12[%swap3A_464, %swap3A_465], %broadcast_in_dim3A_1 {strides = array<i32>} : memref<16x128xf32, #tpu.memory_space<vmem>>, vector<16xf32>,
    %swap3A_467 = arith.constant 14 : i32
    %swap3A_468 = arith.index_cast %swap3A_467 : i32 to index
    %swap3A_469 = arith.constant 32 : index
    %swap3A_470 = tpu.vector_load %arg12[%swap3A_468, %swap3A_469] {strides = array<i32>} : memref<16x128xf32, #tpu.memory_space<vmem>>, vector<16xf32>,
    tpu.vector_store %arg12[%swap3A_468, %swap3A_469], %broadcast_in_dim3A_1 {strides = array<i32>} : memref<16x128xf32, #tpu.memory_space<vmem>>, vector<16xf32>,
    %swap3A_471 = arith.constant 14 : i32
    %swap3A_472 = arith.index_cast %swap3A_471 : i32 to index
    %swap3A_473 = arith.constant 48 : index
    %swap3A_474 = tpu.vector_load %arg12[%swap3A_472, %swap3A_473] {strides = array<i32>} : memref<16x128xf32, #tpu.memory_space<vmem>>, vector<16xf32>,
    tpu.vector_store %arg12[%swap3A_472, %swap3A_473], %broadcast_in_dim3A_1 {strides = array<i32>} : memref<16x128xf32, #tpu.memory_space<vmem>>, vector<16xf32>,
    %swap3A_475 = arith.constant 14 : i32
    %swap3A_476 = arith.index_cast %swap3A_475 : i32 to index
    %swap3A_477 = arith.constant 64 : index
    %swap3A_478 = tpu.vector_load %arg12[%swap3A_476, %swap3A_477] {strides = array<i32>} : memref<16x128xf32, #tpu.memory_space<vmem>>, vector<16xf32>,
    tpu.vector_store %arg12[%swap3A_476, %swap3A_477], %broadcast_in_dim3A_1 {strides = array<i32>} : memref<16x128xf32, #tpu.memory_space<vmem>>, vector<16xf32>,
    %swap3A_479 = arith.constant 14 : i32
    %swap3A_480 = arith.index_cast %swap3A_479 : i32 to index
    %swap3A_481 = arith.constant 80 : index
    %swap3A_482 = tpu.vector_load %arg12[%swap3A_480, %swap3A_481] {strides = array<i32>} : memref<16x128xf32, #tpu.memory_space<vmem>>, vector<16xf32>,
    tpu.vector_store %arg12[%swap3A_480, %swap3A_481], %broadcast_in_dim3A_1 {strides = array<i32>} : memref<16x128xf32, #tpu.memory_space<vmem>>, vector<16xf32>,
    %swap3A_483 = arith.constant 14 : i32
    %swap3A_484 = arith.index_cast %swap3A_483 : i32 to index
    %swap3A_485 = arith.constant 96 : index
    %swap3A_486 = tpu.vector_load %arg12[%swap3A_484, %swap3A_485] {strides = array<i32>} : memref<16x128xf32, #tpu.memory_space<vmem>>, vector<16xf32>,
    tpu.vector_store %arg12[%swap3A_484, %swap3A_485], %broadcast_in_dim3A_1 {strides = array<i32>} : memref<16x128xf32, #tpu.memory_space<vmem>>, vector<16xf32>,
    %swap3A_487 = arith.constant 14 : i32
    %swap3A_488 = arith.index_cast %swap3A_487 : i32 to index
    %swap3A_489 = arith.constant 112 : index
    %swap3A_490 = tpu.vector_load %arg12[%swap3A_488, %swap3A_489] {strides = array<i32>} : memref<16x128xf32, #tpu.memory_space<vmem>>, vector<16xf32>,
    tpu.vector_store %arg12[%swap3A_488, %swap3A_489], %broadcast_in_dim3A_1 {strides = array<i32>} : memref<16x128xf32, #tpu.memory_space<vmem>>, vector<16xf32>,
    %swap3A_491 = arith.constant 15 : i32
    %swap3A_492 = arith.index_cast %swap3A_491 : i32 to index
    %swap3A_493 = arith.constant 0 : index
    %swap3A_494 = tpu.vector_load %arg12[%swap3A_492, %swap3A_493] {strides = array<i32>} : memref<16x128xf32, #tpu.memory_space<vmem>>, vector<16xf32>,
    tpu.vector_store %arg12[%swap3A_492, %swap3A_493], %broadcast_in_dim3A_1 {strides = array<i32>} : memref<16x128xf32, #tpu.memory_space<vmem>>, vector<16xf32>,
    %swap3A_495 = arith.constant 15 : i32
    %swap3A_496 = arith.index_cast %swap3A_495 : i32 to index
    %swap3A_497 = arith.constant 16 : index
    %swap3A_498 = tpu.vector_load %arg12[%swap3A_496, %swap3A_497] {strides = array<i32>} : memref<16x128xf32, #tpu.memory_space<vmem>>, vector<16xf32>,
    tpu.vector_store %arg12[%swap3A_496, %swap3A_497], %broadcast_in_dim3A_1 {strides = array<i32>} : memref<16x128xf32, #tpu.memory_space<vmem>>, vector<16xf32>,
    %swap3A_499 = arith.constant 15 : i32
    %swap3A_500 = arith.index_cast %swap3A_499 : i32 to index
    %swap3A_501 = arith.constant 32 : index
    %swap3A_502 = tpu.vector_load %arg12[%swap3A_500, %swap3A_501] {strides = array<i32>} : memref<16x128xf32, #tpu.memory_space<vmem>>, vector<16xf32>,
    tpu.vector_store %arg12[%swap3A_500, %swap3A_501], %broadcast_in_dim3A_1 {strides = array<i32>} : memref<16x128xf32, #tpu.memory_space<vmem>>, vector<16xf32>,
    %swap3A_503 = arith.constant 15 : i32
    %swap3A_504 = arith.index_cast %swap3A_503 : i32 to index
    %swap3A_505 = arith.constant 48 : index
    %swap3A_506 = tpu.vector_load %arg12[%swap3A_504, %swap3A_505] {strides = array<i32>} : memref<16x128xf32, #tpu.memory_space<vmem>>, vector<16xf32>,
    tpu.vector_store %arg12[%swap3A_504, %swap3A_505], %broadcast_in_dim3A_1 {strides = array<i32>} : memref<16x128xf32, #tpu.memory_space<vmem>>, vector<16xf32>,
    %swap3A_507 = arith.constant 15 : i32
    %swap3A_508 = arith.index_cast %swap3A_507 : i32 to index
    %swap3A_509 = arith.constant 64 : index
    %swap3A_510 = tpu.vector_load %arg12[%swap3A_508, %swap3A_509] {strides = array<i32>} : memref<16x128xf32, #tpu.memory_space<vmem>>, vector<16xf32>,
    tpu.vector_store %arg12[%swap3A_508, %swap3A_509], %broadcast_in_dim3A_1 {strides = array<i32>} : memref<16x128xf32, #tpu.memory_space<vmem>>, vector<16xf32>,
    %swap3A_511 = arith.constant 15 : i32
    %swap3A_512 = arith.index_cast %swap3A_511 : i32 to index
    %swap3A_513 = arith.constant 80 : index
    %swap3A_514 = tpu.vector_load %arg12[%swap3A_512, %swap3A_513] {strides = array<i32>} : memref<16x128xf32, #tpu.memory_space<vmem>>, vector<16xf32>,
    tpu.vector_store %arg12[%swap3A_512, %swap3A_513], %broadcast_in_dim3A_1 {strides = array<i32>} : memref<16x128xf32, #tpu.memory_space<vmem>>, vector<16xf32>,
    %swap3A_515 = arith.constant 15 : i32
    %swap3A_516 = arith.index_cast %swap3A_515 : i32 to index
    %swap3A_517 = arith.constant 96 : index
    %swap3A_518 = tpu.vector_load %arg12[%swap3A_516, %swap3A_517] {strides = array<i32>} : memref<16x128xf32, #tpu.memory_space<vmem>>, vector<16xf32>,
    tpu.vector_store %arg12[%swap3A_516, %swap3A_517], %broadcast_in_dim3A_1 {strides = array<i32>} : memref<16x128xf32, #tpu.memory_space<vmem>>, vector<16xf32>,
    %swap3A_519 = arith.constant 15 : i32
    %swap3A_520 = arith.index_cast %swap3A_519 : i32 to index
    %swap3A_521 = arith.constant 112 : index
    %swap3A_522 = tpu.vector_load %arg12[%swap3A_520, %swap3A_521] {strides = array<i32>} : memref<16x128xf32, #tpu.memory_space<vmem>>, vector<16xf32>,
    tpu.vector_store %arg12[%swap3A_520, %swap3A_521], %broadcast_in_dim3A_1 {strides = array<i32>} : memref<16x128xf32, #tpu.memory_space<vmem>>, vector<16xf32>,
    %mul3A_523 = arith.constant 64 : i32
    %mul3A_524 = arith.muli %arg1, %mul3A_523 : i32
    %add3A_525 = arith.constant 0 : i32
    %add3A_526 = arith.addi %mul3A_524, %add3A_525 : i32
    "tpu.region"() ({
      %run_scoped3A = tpu.sem_alloc : memref<!tpu.dma_semaphore, #tpu.memory_space<semaphore_mem>>
      %dma_start3A_614 = arith.constant 0 : i32
      %dma_start3A_615 = tpu.memref_slice %arg15[%add3A_526, %dma_start3A_614] : memref<1024x128xf32, #tpu.memory_space<vmem_shared>> -> memref<16x128xf32, #tpu.memory_space<vmem_shared>>
      %dma_start3A_616 = arith.constant 0 : i32
      %dma_start3A_617 = tpu.memref_slice %arg15[%add3A_526, %dma_start3A_616] : memref<1024x128xf32, #tpu.memory_space<vmem_shared>> -> memref<16x128xf32, #tpu.memory_space<vmem_shared>>
      tpu.enqueue_dma source(%arg12 : memref<16x128xf32, #tpu.memory_space<vmem>>) target(%dma_start3A_617 : memref<16x128xf32, #tpu.memory_space<vmem_shared>>) target_semaphore(%run_scoped3A : memref<!tpu.dma_semaphore, #tpu.memory_space<semaphore_mem>>)
      %dma_wait3A_618 = arith.constant 0 : i32
      %dma_wait3A_619 = tpu.memref_slice %arg15[%add3A_526, %dma_wait3A_618] : memref<1024x128xf32, #tpu.memory_space<vmem_shared>> -> memref<16x128xf32, #tpu.memory_space<vmem_shared>>
      %dma_wait3A_620 = arith.constant 0 : i32
      %dma_wait3A_621 = tpu.memref_slice %arg15[%add3A_526, %dma_wait3A_620] : memref<1024x128xf32, #tpu.memory_space<vmem_shared>> -> memref<16x128xf32, #tpu.memory_space<vmem_shared>>
      tpu.wait_dma2 semaphore(%run_scoped3A : memref<!tpu.dma_semaphore, #tpu.memory_space<semaphore_mem>>) src(%arg12 : memref<16x128xf32, #tpu.memory_space<vmem>>) dst(%dma_wait3A_621 : memref<16x128xf32, #tpu.memory_space<vmem_shared>>)
      tpu.yield
    }) : () -> ()
    %mul3A_527 = arith.constant 64 : i32
    %mul3A_528 = arith.muli %arg1, %mul3A_527 : i32
    %add3A_529 = arith.constant 16 : i32
    %add3A_530 = arith.addi %mul3A_528, %add3A_529 : i32
    "tpu.region"() ({
      %run_scoped3A = tpu.sem_alloc : memref<!tpu.dma_semaphore, #tpu.memory_space<semaphore_mem>>
      %dma_start3A_614 = arith.constant 0 : i32
      %dma_start3A_615 = tpu.memref_slice %arg15[%add3A_530, %dma_start3A_614] : memref<1024x128xf32, #tpu.memory_space<vmem_shared>> -> memref<16x128xf32, #tpu.memory_space<vmem_shared>>
      %dma_start3A_616 = arith.constant 0 : i32
      %dma_start3A_617 = tpu.memref_slice %arg15[%add3A_530, %dma_start3A_616] : memref<1024x128xf32, #tpu.memory_space<vmem_shared>> -> memref<16x128xf32, #tpu.memory_space<vmem_shared>>
      tpu.enqueue_dma source(%arg12 : memref<16x128xf32, #tpu.memory_space<vmem>>) target(%dma_start3A_617 : memref<16x128xf32, #tpu.memory_space<vmem_shared>>) target_semaphore(%run_scoped3A : memref<!tpu.dma_semaphore, #tpu.memory_space<semaphore_mem>>)
      %dma_wait3A_618 = arith.constant 0 : i32
      %dma_wait3A_619 = tpu.memref_slice %arg15[%add3A_530, %dma_wait3A_618] : memref<1024x128xf32, #tpu.memory_space<vmem_shared>> -> memref<16x128xf32, #tpu.memory_space<vmem_shared>>
      %dma_wait3A_620 = arith.constant 0 : i32
      %dma_wait3A_621 = tpu.memref_slice %arg15[%add3A_530, %dma_wait3A_620] : memref<1024x128xf32, #tpu.memory_space<vmem_shared>> -> memref<16x128xf32, #tpu.memory_space<vmem_shared>>
      tpu.wait_dma2 semaphore(%run_scoped3A : memref<!tpu.dma_semaphore, #tpu.memory_space<semaphore_mem>>) src(%arg12 : memref<16x128xf32, #tpu.memory_space<vmem>>) dst(%dma_wait3A_621 : memref<16x128xf32, #tpu.memory_space<vmem_shared>>)
      tpu.yield
    }) : () -> ()
    %mul3A_531 = arith.constant 64 : i32
    %mul3A_532 = arith.muli %arg1, %mul3A_531 : i32
    %add3A_533 = arith.constant 32 : i32
    %add3A_534 = arith.addi %mul3A_532, %add3A_533 : i32
    "tpu.region"() ({
      %run_scoped3A = tpu.sem_alloc : memref<!tpu.dma_semaphore, #tpu.memory_space<semaphore_mem>>
      %dma_start3A_614 = arith.constant 0 : i32
      %dma_start3A_615 = tpu.memref_slice %arg15[%add3A_534, %dma_start3A_614] : memref<1024x128xf32, #tpu.memory_space<vmem_shared>> -> memref<16x128xf32, #tpu.memory_space<vmem_shared>>
      %dma_start3A_616 = arith.constant 0 : i32
      %dma_start3A_617 = tpu.memref_slice %arg15[%add3A_534, %dma_start3A_616] : memref<1024x128xf32, #tpu.memory_space<vmem_shared>> -> memref<16x128xf32, #tpu.memory_space<vmem_shared>>
      tpu.enqueue_dma source(%arg12 : memref<16x128xf32, #tpu.memory_space<vmem>>) target(%dma_start3A_617 : memref<16x128xf32, #tpu.memory_space<vmem_shared>>) target_semaphore(%run_scoped3A : memref<!tpu.dma_semaphore, #tpu.memory_space<semaphore_mem>>)
      %dma_wait3A_618 = arith.constant 0 : i32
      %dma_wait3A_619 = tpu.memref_slice %arg15[%add3A_534, %dma_wait3A_618] : memref<1024x128xf32, #tpu.memory_space<vmem_shared>> -> memref<16x128xf32, #tpu.memory_space<vmem_shared>>
      %dma_wait3A_620 = arith.constant 0 : i32
      %dma_wait3A_621 = tpu.memref_slice %arg15[%add3A_534, %dma_wait3A_620] : memref<1024x128xf32, #tpu.memory_space<vmem_shared>> -> memref<16x128xf32, #tpu.memory_space<vmem_shared>>
      tpu.wait_dma2 semaphore(%run_scoped3A : memref<!tpu.dma_semaphore, #tpu.memory_space<semaphore_mem>>) src(%arg12 : memref<16x128xf32, #tpu.memory_space<vmem>>) dst(%dma_wait3A_621 : memref<16x128xf32, #tpu.memory_space<vmem_shared>>)
      tpu.yield
    }) : () -> ()
    %mul3A_535 = arith.constant 64 : i32
    %mul3A_536 = arith.muli %arg1, %mul3A_535 : i32
    %add3A_537 = arith.constant 48 : i32
    %add3A_538 = arith.addi %mul3A_536, %add3A_537 : i32
    "tpu.region"() ({
      %run_scoped3A = tpu.sem_alloc : memref<!tpu.dma_semaphore, #tpu.memory_space<semaphore_mem>>
      %dma_start3A_614 = arith.constant 0 : i32
      %dma_start3A_615 = tpu.memref_slice %arg15[%add3A_538, %dma_start3A_614] : memref<1024x128xf32, #tpu.memory_space<vmem_shared>> -> memref<16x128xf32, #tpu.memory_space<vmem_shared>>
      %dma_start3A_616 = arith.constant 0 : i32
      %dma_start3A_617 = tpu.memref_slice %arg15[%add3A_538, %dma_start3A_616] : memref<1024x128xf32, #tpu.memory_space<vmem_shared>> -> memref<16x128xf32, #tpu.memory_space<vmem_shared>>
      tpu.enqueue_dma source(%arg12 : memref<16x128xf32, #tpu.memory_space<vmem>>) target(%dma_start3A_617 : memref<16x128xf32, #tpu.memory_space<vmem_shared>>) target_semaphore(%run_scoped3A : memref<!tpu.dma_semaphore, #tpu.memory_space<semaphore_mem>>)
      %dma_wait3A_618 = arith.constant 0 : i32
      %dma_wait3A_619 = tpu.memref_slice %arg15[%add3A_538, %dma_wait3A_618] : memref<1024x128xf32, #tpu.memory_space<vmem_shared>> -> memref<16x128xf32, #tpu.memory_space<vmem_shared>>
      %dma_wait3A_620 = arith.constant 0 : i32
      %dma_wait3A_621 = tpu.memref_slice %arg15[%add3A_538, %dma_wait3A_620] : memref<1024x128xf32, #tpu.memory_space<vmem_shared>> -> memref<16x128xf32, #tpu.memory_space<vmem_shared>>
      tpu.wait_dma2 semaphore(%run_scoped3A : memref<!tpu.dma_semaphore, #tpu.memory_space<semaphore_mem>>) src(%arg12 : memref<16x128xf32, #tpu.memory_space<vmem>>) dst(%dma_wait3A_621 : memref<16x128xf32, #tpu.memory_space<vmem_shared>>)
      tpu.yield
    }) : () -> ()
    %barrier3A = arith.constant 0 : index
    tpu.barrier barrier_id(%barrier3A)
    %get3A = arith.constant 0 : index
    %get3A_539 = tpu.vector_load %arg11[%get3A] {strides = array<i32>} : memref<16xi32, #tpu.memory_space<vmem>>, vector<16xi32>,
    %reduce_max3A = arith.constant true
    %reduce_max3A_540 = vector.broadcast %reduce_max3A : i1 to vector<16xi1>
    %reduce_max3A_541 = arith.constant -2147483648 : i32
    %reduce_max3A_542 = vector.broadcast %reduce_max3A_541 : i32 to vector<16xi32>
    %reduce_max3A_543 = arith.xori %get3A_539, %reduce_max3A_542 : vector<16xi32>
    %reduce_max3A_544 = tpu.scan <max>, %reduce_max3A_543 masked %reduce_max3A_540 : vector<16xi32>, vector<16xi1> -> vector<16xi32>
    %reduce_max3A_545 = arith.xori %reduce_max3A_544, %reduce_max3A_542 : vector<16xi32>
    %reduce_max3A_546 = vector.extract %reduce_max3A_545[15] : i32 from vector<16xi32>
    %add3A_547 = arith.constant 15 : i32
    %add3A_548 = arith.addi %reduce_max3A_546, %add3A_547 : i32
    %jit3A = arith.constant 16 : i32
    %div3A = arith.divsi %add3A_548, %jit3A : i32
    %sign3A = arith.constant 0 : i32
    %sign3A_549 = arith.cmpi sgt, %add3A_548, %sign3A : i32
    %sign3A_550 = arith.extui %sign3A_549 : i1 to i32
    %sign3A_551 = arith.constant 0 : i32
    %sign3A_552 = arith.cmpi slt, %add3A_548, %sign3A_551 : i32
    %sign3A_553 = arith.extui %sign3A_552 : i1 to i32
    %sign3A_554 = arith.subi %sign3A_550, %sign3A_553 : i32
    %sign3A_555 = arith.constant 0 : i32
    %sign3A_556 = arith.cmpi sgt, %jit3A, %sign3A_555 : i32
    %sign3A_557 = arith.extui %sign3A_556 : i1 to i32
    %sign3A_558 = arith.constant 0 : i32
    %sign3A_559 = arith.cmpi slt, %jit3A, %sign3A_558 : i32
    %sign3A_560 = arith.extui %sign3A_559 : i1 to i32
    %sign3A_561 = arith.subi %sign3A_557, %sign3A_560 : i32
    %ne3A = arith.cmpi ne, %sign3A_554, %sign3A_561 : i32
    %rem3A = arith.remsi %add3A_548, %jit3A : i32
    %ne3A_562 = arith.constant 0 : i32
    %ne3A_563 = arith.cmpi ne, %rem3A, %ne3A_562 : i32
    %and3A = arith.andi %ne3A, %ne3A_563 : i1
    %sub3A = arith.constant 1 : i32
    %sub3A_564 = arith.subi %div3A, %sub3A : i32
    %select_n3A = arith.select %and3A, %sub3A_564, %div3A : i32
    %iota3A = tpu.iota {dimensions = array<i32: 0>} : vector<16xi32>
    %broadcast_in_dim3A_565 = arith.constant 64 : i32
    %broadcast_in_dim3A_566 = vector.broadcast %broadcast_in_dim3A_565 : i32 to vector<16xi32>
    %dma_wait3A = arith.constant 0 : i32
    %dma_wait3A_567 = tpu.memref_slice %arg2[%add3A, %dma_wait3A] : memref<32x16384xi32, #tpu.memory_space<hbm>> -> memref<1x16384xi32, #tpu.memory_space<hbm>>
    %dma_wait3A_568 = tpu.memref_squeeze %dma_wait3A_567 : memref<1x16384xi32, #tpu.memory_space<hbm>> -> memref<16384xi32, #tpu.memory_space<hbm>>
    %dma_wait3A_569 = arith.constant 0 : i32
    %dma_wait3A_570 = tpu.memref_slice %arg2[%add3A, %dma_wait3A_569] : memref<32x16384xi32, #tpu.memory_space<hbm>> -> memref<1x16384xi32, #tpu.memory_space<hbm>>
    %dma_wait3A_571 = tpu.memref_squeeze %dma_wait3A_570 : memref<1x16384xi32, #tpu.memory_space<hbm>> -> memref<16384xi32, #tpu.memory_space<hbm>>
    tpu.wait_dma2 semaphore(%arg16 : memref<!tpu.dma_semaphore, #tpu.memory_space<semaphore_mem>>) src(%dma_wait3A_571 : memref<16384xi32, #tpu.memory_space<hbm>>) dst(%arg10 : memref<16384xi32, #tpu.memory_space<vmem>>)
    %while3A = arith.constant 0 : i32
    %while3A_572 = arith.constant 0 : i32
    %while3A_573 = arith.subi %select_n3A, %while3A_572 : i32
    %while3A_574 = arith.addi %while3A_572, %while3A_573 : i32
    %while3A_575 = arith.constant 1 : i32
    %while3A_576 = arith.divsi %while3A_573, %while3A_575 : i32
    %while3A_577 = arith.muli %while3A_576, %while3A_575 : i32
    %while3A_578 = arith.addi %while3A_572, %while3A_577 : i32
    %while3A_579 = arith.constant 1 : i32
    scf.for %while3A_614 = %while3A_572 to %while3A_578 step %while3A_579  : i32 {
      %mul3A_615 = arith.constant 16 : i32
      %mul3A_616 = arith.muli %while3A_614, %mul3A_615 : i32
      %get3A_617 = arith.index_cast %mul3A_616 : i32 to index
      %get3A_618 = tpu.vector_load %arg10[%get3A_617] {strides = array<i32>} : memref<16384xi32, #tpu.memory_space<vmem>>, vector<16xi32>,
      %mul3A_619 = arith.constant 16 : i32
      %mul3A_620 = arith.muli %while3A_614, %mul3A_619 : i32
      %add3A_621 = vector.broadcast %mul3A_620 : i32 to vector<16xi32>
      %add3A_622 = arith.addi %add3A_621, %iota3A : vector<16xi32>
      %lt3A = vector.broadcast %reduce_max3A_546 : i32 to vector<16xi32>
      %lt3A_623 = arith.cmpi slt, %add3A_622, %lt3A : vector<16xi32>
      %jit3A_624 = arith.constant 0 : i32
      %broadcast_in_dim3A_625 = vector.broadcast %jit3A_624 : i32 to vector<16xi32>
      %select_n3A_626 = arith.select %lt3A_623, %get3A_618, %broadcast_in_dim3A_625 : vector<16xi1>, vector<16xi32>
      %jit3A_627 = arith.constant 1024 : i32
      %div3A_628 = vector.broadcast %jit3A_627 : i32 to vector<16xi32>
      %div3A_629 = arith.divsi %select_n3A_626, %div3A_628 : vector<16xi32>
      %sign3A_630 = arith.constant 0 : i32
      %sign3A_631 = vector.broadcast %sign3A_630 : i32 to vector<16xi32>
      %sign3A_632 = arith.cmpi sgt, %select_n3A_626, %sign3A_631 : vector<16xi32>
      %sign3A_633 = arith.extui %sign3A_632 : vector<16xi1> to vector<16xi32>
      %sign3A_634 = arith.constant 0 : i32
      %sign3A_635 = vector.broadcast %sign3A_634 : i32 to vector<16xi32>
      %sign3A_636 = arith.cmpi slt, %select_n3A_626, %sign3A_635 : vector<16xi32>
      %sign3A_637 = arith.extui %sign3A_636 : vector<16xi1> to vector<16xi32>
      %sign3A_638 = arith.subi %sign3A_633, %sign3A_637 : vector<16xi32>
      %sign3A_639 = arith.constant 0 : i32
      %sign3A_640 = arith.cmpi sgt, %jit3A_627, %sign3A_639 : i32
      %sign3A_641 = arith.extui %sign3A_640 : i1 to i32
      %sign3A_642 = arith.constant 0 : i32
      %sign3A_643 = arith.cmpi slt, %jit3A_627, %sign3A_642 : i32
      %sign3A_644 = arith.extui %sign3A_643 : i1 to i32
      %sign3A_645 = arith.subi %sign3A_641, %sign3A_644 : i32
      %ne3A_646 = vector.broadcast %sign3A_645 : i32 to vector<16xi32>
      %ne3A_647 = arith.cmpi ne, %sign3A_638, %ne3A_646 : vector<16xi32>
      %rem3A_648 = vector.broadcast %jit3A_627 : i32 to vector<16xi32>
      %rem3A_649 = arith.remsi %select_n3A_626, %rem3A_648 : vector<16xi32>
      %ne3A_650 = arith.constant 0 : i32
      %ne3A_651 = vector.broadcast %ne3A_650 : i32 to vector<16xi32>
      %ne3A_652 = arith.cmpi ne, %rem3A_649, %ne3A_651 : vector<16xi32>
      %and3A_653 = arith.andi %ne3A_647, %ne3A_652 : vector<16xi1>
      %sub3A_654 = arith.constant 1 : i32
      %sub3A_655 = vector.broadcast %sub3A_654 : i32 to vector<16xi32>
      %sub3A_656 = arith.subi %div3A_629, %sub3A_655 : vector<16xi32>
      %select_n3A_657 = arith.select %and3A_653, %sub3A_656, %div3A_629 : vector<16xi1>, vector<16xi32>
      %mul3A_658 = arith.constant 1024 : i32
      %mul3A_659 = vector.broadcast %mul3A_658 : i32 to vector<16xi32>
      %mul3A_660 = arith.muli %select_n3A_657, %mul3A_659 : vector<16xi32>
      %sub3A_661 = arith.subi %select_n3A_626, %mul3A_660 : vector<16xi32>
      %swap3A_662 = arith.constant 0 : index
      %swap3A_663 = tpu.vector_load %arg13[%swap3A_662] {strides = array<i32>} : memref<16xi32, #tpu.memory_space<vmem>>, vector<16xi32>,
      tpu.vector_store %arg13[%swap3A_662], %select_n3A_657 {strides = array<i32>} : memref<16xi32, #tpu.memory_space<vmem>>, vector<16xi32>,
      %swap3A_664 = arith.constant 0 : index
      %swap3A_665 = tpu.vector_load %arg14[%swap3A_664] {strides = array<i32>} : memref<16xi32, #tpu.memory_space<vmem>>, vector<16xi32>,
      tpu.vector_store %arg14[%swap3A_664], %sub3A_661 {strides = array<i32>} : memref<16xi32, #tpu.memory_space<vmem>>, vector<16xi32>,
      %dma_start3A_666 = arith.constant 0 : i32
      %dma_start3A_667 = arith.constant 0 : i32
      %dma_start3A_668 = tpu.memref_slice %arg5[%dma_start3A_666, %dma_start3A_667] : memref<50000x128xf32, #tpu.memory_space<hbm>> -> memref<50000x128xf32, #tpu.memory_space<hbm>>
      tpu.enqueue_indirect_dma source(%dma_start3A_668 : memref<50000x128xf32, #tpu.memory_space<hbm>>) target(%arg12 : memref<16x128xf32, #tpu.memory_space<vmem>>) offsets(%arg13 : memref<16xi32, #tpu.memory_space<vmem>>) semaphore(%arg16 : memref<!tpu.dma_semaphore, #tpu.memory_space<semaphore_mem>>)
      %dma_wait3A_669 = arith.constant 0 : i32
      %dma_wait3A_670 = arith.constant 0 : i32
      %dma_wait3A_671 = tpu.memref_slice %arg5[%dma_wait3A_669, %dma_wait3A_670] : memref<50000x128xf32, #tpu.memory_space<hbm>> -> memref<50000x128xf32, #tpu.memory_space<hbm>>
      tpu.wait_indirect_dma semaphore(%arg16 : memref<!tpu.dma_semaphore, #tpu.memory_space<semaphore_mem>>) src(%dma_wait3A_671 : memref<50000x128xf32, #tpu.memory_space<hbm>>) dst(%arg12 : memref<16x128xf32, #tpu.memory_space<vmem>>)
      %gather3A = tpu.vector_load_idx %arg12[%iota3A, %broadcast_in_dim3A_566] : memref<16x128xf32, #tpu.memory_space<vmem>>[vector<16xi32>, vector<16xi32>], vector<16xf32>,
      %gather3A_672 = tpu.vector_load_idx %arg8[%sub3A_661] : memref<1024xf32, #tpu.memory_space<vmem>>[vector<16xi32>], vector<16xf32>,
      %add3A_673 = arith.addf %gather3A, %gather3A_672 : vector<16xf32>
      %gt3A = arith.constant 0.000000e+00 : f32
      %gt3A_674 = vector.broadcast %gt3A : f32 to vector<16xf32>
      %gt3A_675 = arith.cmpf ogt, %add3A_673, %gt3A_674 : vector<16xf32>
      %mul3A_676 = arith.constant 2.000000e-01 : f32
      %mul3A_677 = vector.broadcast %mul3A_676 : f32 to vector<16xf32>
      %mul3A_678 = arith.mulf %mul3A_677, %add3A_673 : vector<16xf32>
      %select_n3A_679 = arith.select %gt3A_675, %add3A_673, %mul3A_678 : vector<16xi1>, vector<16xf32>
      %exp3A = math.exp %select_n3A_679 : vector<16xf32>
      %jit3A_680 = arith.constant 0.000000e+00 : f32
      %broadcast_in_dim3A_681 = vector.broadcast %jit3A_680 : f32 to vector<16xf32>
      %select_n3A_682 = arith.select %lt3A_623, %exp3A, %broadcast_in_dim3A_681 : vector<16xi1>, vector<16xf32>
      tpu.vector_store_idx %arg9[%sub3A_661], %select_n3A_682 masked %lt3A_623 {add = true} : memref<1024xf32, #tpu.memory_space<vmem>>[vector<16xi32>], vector<16xf32>, vector<16xi1>
      %slice3A = vector.extract_strided_slice %select_n3A_682 {offsets = [0], sizes = [1], strides = [1]} : vector<16xf32> to vector<1xf32>
      %squeeze3A = vector.extract %slice3A[0] : f32 from vector<1xf32>
      %get3A_683 = arith.constant 0 : i32
      %get3A_684 = arith.index_cast %get3A_683 : i32 to index
      %get3A_685 = arith.constant 0 : index
      %get3A_686 = tpu.vector_load %arg12[%get3A_684, %get3A_685] {strides = array<i32>} : memref<16x128xf32, #tpu.memory_space<vmem>>, vector<16xf32>,
      %mul3A_687 = vector.broadcast %squeeze3A : f32 to vector<16xf32>
      %mul3A_688 = arith.mulf %get3A_686, %mul3A_687 : vector<16xf32>
      %swap3A_689 = arith.constant 0 : i32
      %swap3A_690 = arith.index_cast %swap3A_689 : i32 to index
      %swap3A_691 = arith.constant 0 : index
      %swap3A_692 = tpu.vector_load %arg12[%swap3A_690, %swap3A_691] {strides = array<i32>} : memref<16x128xf32, #tpu.memory_space<vmem>>, vector<16xf32>,
      tpu.vector_store %arg12[%swap3A_690, %swap3A_691], %mul3A_688 {strides = array<i32>} : memref<16x128xf32, #tpu.memory_space<vmem>>, vector<16xf32>,
      %get3A_693 = arith.constant 0 : i32
      %get3A_694 = arith.index_cast %get3A_693 : i32 to index
      %get3A_695 = arith.constant 16 : index
      %get3A_696 = tpu.vector_load %arg12[%get3A_694, %get3A_695] {strides = array<i32>} : memref<16x128xf32, #tpu.memory_space<vmem>>, vector<16xf32>,
      %mul3A_697 = vector.broadcast %squeeze3A : f32 to vector<16xf32>
      %mul3A_698 = arith.mulf %get3A_696, %mul3A_697 : vector<16xf32>
      %swap3A_699 = arith.constant 0 : i32
      %swap3A_700 = arith.index_cast %swap3A_699 : i32 to index
      %swap3A_701 = arith.constant 16 : index
      %swap3A_702 = tpu.vector_load %arg12[%swap3A_700, %swap3A_701] {strides = array<i32>} : memref<16x128xf32, #tpu.memory_space<vmem>>, vector<16xf32>,
      tpu.vector_store %arg12[%swap3A_700, %swap3A_701], %mul3A_698 {strides = array<i32>} : memref<16x128xf32, #tpu.memory_space<vmem>>, vector<16xf32>,
      %get3A_703 = arith.constant 0 : i32
      %get3A_704 = arith.index_cast %get3A_703 : i32 to index
      %get3A_705 = arith.constant 32 : index
      %get3A_706 = tpu.vector_load %arg12[%get3A_704, %get3A_705] {strides = array<i32>} : memref<16x128xf32, #tpu.memory_space<vmem>>, vector<16xf32>,
      %mul3A_707 = vector.broadcast %squeeze3A : f32 to vector<16xf32>
      %mul3A_708 = arith.mulf %get3A_706, %mul3A_707 : vector<16xf32>
      %swap3A_709 = arith.constant 0 : i32
      %swap3A_710 = arith.index_cast %swap3A_709 : i32 to index
      %swap3A_711 = arith.constant 32 : index
      %swap3A_712 = tpu.vector_load %arg12[%swap3A_710, %swap3A_711] {strides = array<i32>} : memref<16x128xf32, #tpu.memory_space<vmem>>, vector<16xf32>,
      tpu.vector_store %arg12[%swap3A_710, %swap3A_711], %mul3A_708 {strides = array<i32>} : memref<16x128xf32, #tpu.memory_space<vmem>>, vector<16xf32>,
      %get3A_713 = arith.constant 0 : i32
      %get3A_714 = arith.index_cast %get3A_713 : i32 to index
      %get3A_715 = arith.constant 48 : index
      %get3A_716 = tpu.vector_load %arg12[%get3A_714, %get3A_715] {strides = array<i32>} : memref<16x128xf32, #tpu.memory_space<vmem>>, vector<16xf32>,
      %mul3A_717 = vector.broadcast %squeeze3A : f32 to vector<16xf32>
      %mul3A_718 = arith.mulf %get3A_716, %mul3A_717 : vector<16xf32>
      %swap3A_719 = arith.constant 0 : i32
      %swap3A_720 = arith.index_cast %swap3A_719 : i32 to index
      %swap3A_721 = arith.constant 48 : index
      %swap3A_722 = tpu.vector_load %arg12[%swap3A_720, %swap3A_721] {strides = array<i32>} : memref<16x128xf32, #tpu.memory_space<vmem>>, vector<16xf32>,
      tpu.vector_store %arg12[%swap3A_720, %swap3A_721], %mul3A_718 {strides = array<i32>} : memref<16x128xf32, #tpu.memory_space<vmem>>, vector<16xf32>,
      %slice3A_723 = vector.extract_strided_slice %select_n3A_682 {offsets = [1], sizes = [1], strides = [1]} : vector<16xf32> to vector<1xf32>
      %squeeze3A_724 = vector.extract %slice3A_723[0] : f32 from vector<1xf32>
      %get3A_725 = arith.constant 1 : i32
      %get3A_726 = arith.index_cast %get3A_725 : i32 to index
      %get3A_727 = arith.constant 0 : index
      %get3A_728 = tpu.vector_load %arg12[%get3A_726, %get3A_727] {strides = array<i32>} : memref<16x128xf32, #tpu.memory_space<vmem>>, vector<16xf32>,
      %mul3A_729 = vector.broadcast %squeeze3A_724 : f32 to vector<16xf32>
      %mul3A_730 = arith.mulf %get3A_728, %mul3A_729 : vector<16xf32>
      %swap3A_731 = arith.constant 1 : i32
      %swap3A_732 = arith.index_cast %swap3A_731 : i32 to index
      %swap3A_733 = arith.constant 0 : index
      %swap3A_734 = tpu.vector_load %arg12[%swap3A_732, %swap3A_733] {strides = array<i32>} : memref<16x128xf32, #tpu.memory_space<vmem>>, vector<16xf32>,
      tpu.vector_store %arg12[%swap3A_732, %swap3A_733], %mul3A_730 {strides = array<i32>} : memref<16x128xf32, #tpu.memory_space<vmem>>, vector<16xf32>,
      %get3A_735 = arith.constant 1 : i32
      %get3A_736 = arith.index_cast %get3A_735 : i32 to index
      %get3A_737 = arith.constant 16 : index
      %get3A_738 = tpu.vector_load %arg12[%get3A_736, %get3A_737] {strides = array<i32>} : memref<16x128xf32, #tpu.memory_space<vmem>>, vector<16xf32>,
      %mul3A_739 = vector.broadcast %squeeze3A_724 : f32 to vector<16xf32>
      %mul3A_740 = arith.mulf %get3A_738, %mul3A_739 : vector<16xf32>
      %swap3A_741 = arith.constant 1 : i32
      %swap3A_742 = arith.index_cast %swap3A_741 : i32 to index
      %swap3A_743 = arith.constant 16 : index
      %swap3A_744 = tpu.vector_load %arg12[%swap3A_742, %swap3A_743] {strides = array<i32>} : memref<16x128xf32, #tpu.memory_space<vmem>>, vector<16xf32>,
      tpu.vector_store %arg12[%swap3A_742, %swap3A_743], %mul3A_740 {strides = array<i32>} : memref<16x128xf32, #tpu.memory_space<vmem>>, vector<16xf32>,
      %get3A_745 = arith.constant 1 : i32
      %get3A_746 = arith.index_cast %get3A_745 : i32 to index
      %get3A_747 = arith.constant 32 : index
      %get3A_748 = tpu.vector_load %arg12[%get3A_746, %get3A_747] {strides = array<i32>} : memref<16x128xf32, #tpu.memory_space<vmem>>, vector<16xf32>,
      %mul3A_749 = vector.broadcast %squeeze3A_724 : f32 to vector<16xf32>
      %mul3A_750 = arith.mulf %get3A_748, %mul3A_749 : vector<16xf32>
      %swap3A_751 = arith.constant 1 : i32
      %swap3A_752 = arith.index_cast %swap3A_751 : i32 to index
      %swap3A_753 = arith.constant 32 : index
      %swap3A_754 = tpu.vector_load %arg12[%swap3A_752, %swap3A_753] {strides = array<i32>} : memref<16x128xf32, #tpu.memory_space<vmem>>, vector<16xf32>,
      tpu.vector_store %arg12[%swap3A_752, %swap3A_753], %mul3A_750 {strides = array<i32>} : memref<16x128xf32, #tpu.memory_space<vmem>>, vector<16xf32>,
      %get3A_755 = arith.constant 1 : i32
      %get3A_756 = arith.index_cast %get3A_755 : i32 to index
      %get3A_757 = arith.constant 48 : index
      %get3A_758 = tpu.vector_load %arg12[%get3A_756, %get3A_757] {strides = array<i32>} : memref<16x128xf32, #tpu.memory_space<vmem>>, vector<16xf32>,
      %mul3A_759 = vector.broadcast %squeeze3A_724 : f32 to vector<16xf32>
      %mul3A_760 = arith.mulf %get3A_758, %mul3A_759 : vector<16xf32>
      %swap3A_761 = arith.constant 1 : i32
      %swap3A_762 = arith.index_cast %swap3A_761 : i32 to index
      %swap3A_763 = arith.constant 48 : index
      %swap3A_764 = tpu.vector_load %arg12[%swap3A_762, %swap3A_763] {strides = array<i32>} : memref<16x128xf32, #tpu.memory_space<vmem>>, vector<16xf32>,
      tpu.vector_store %arg12[%swap3A_762, %swap3A_763], %mul3A_760 {strides = array<i32>} : memref<16x128xf32, #tpu.memory_space<vmem>>, vector<16xf32>,
      %slice3A_765 = vector.extract_strided_slice %select_n3A_682 {offsets = [2], sizes = [1], strides = [1]} : vector<16xf32> to vector<1xf32>
      %squeeze3A_766 = vector.extract %slice3A_765[0] : f32 from vector<1xf32>
      %get3A_767 = arith.constant 2 : i32
      %get3A_768 = arith.index_cast %get3A_767 : i32 to index
      %get3A_769 = arith.constant 0 : index
      %get3A_770 = tpu.vector_load %arg12[%get3A_768, %get3A_769] {strides = array<i32>} : memref<16x128xf32, #tpu.memory_space<vmem>>, vector<16xf32>,
      %mul3A_771 = vector.broadcast %squeeze3A_766 : f32 to vector<16xf32>
      %mul3A_772 = arith.mulf %get3A_770, %mul3A_771 : vector<16xf32>
      %swap3A_773 = arith.constant 2 : i32
      %swap3A_774 = arith.index_cast %swap3A_773 : i32 to index
      %swap3A_775 = arith.constant 0 : index
      %swap3A_776 = tpu.vector_load %arg12[%swap3A_774, %swap3A_775] {strides = array<i32>} : memref<16x128xf32, #tpu.memory_space<vmem>>, vector<16xf32>,
      tpu.vector_store %arg12[%swap3A_774, %swap3A_775], %mul3A_772 {strides = array<i32>} : memref<16x128xf32, #tpu.memory_space<vmem>>, vector<16xf32>,
      %get3A_777 = arith.constant 2 : i32
      %get3A_778 = arith.index_cast %get3A_777 : i32 to index
      %get3A_779 = arith.constant 16 : index
      %get3A_780 = tpu.vector_load %arg12[%get3A_778, %get3A_779] {strides = array<i32>} : memref<16x128xf32, #tpu.memory_space<vmem>>, vector<16xf32>,
      %mul3A_781 = vector.broadcast %squeeze3A_766 : f32 to vector<16xf32>
      %mul3A_782 = arith.mulf %get3A_780, %mul3A_781 : vector<16xf32>
      %swap3A_783 = arith.constant 2 : i32
      %swap3A_784 = arith.index_cast %swap3A_783 : i32 to index
      %swap3A_785 = arith.constant 16 : index
      %swap3A_786 = tpu.vector_load %arg12[%swap3A_784, %swap3A_785] {strides = array<i32>} : memref<16x128xf32, #tpu.memory_space<vmem>>, vector<16xf32>,
      tpu.vector_store %arg12[%swap3A_784, %swap3A_785], %mul3A_782 {strides = array<i32>} : memref<16x128xf32, #tpu.memory_space<vmem>>, vector<16xf32>,
      %get3A_787 = arith.constant 2 : i32
      %get3A_788 = arith.index_cast %get3A_787 : i32 to index
      %get3A_789 = arith.constant 32 : index
      %get3A_790 = tpu.vector_load %arg12[%get3A_788, %get3A_789] {strides = array<i32>} : memref<16x128xf32, #tpu.memory_space<vmem>>, vector<16xf32>,
      %mul3A_791 = vector.broadcast %squeeze3A_766 : f32 to vector<16xf32>
      %mul3A_792 = arith.mulf %get3A_790, %mul3A_791 : vector<16xf32>
      %swap3A_793 = arith.constant 2 : i32
      %swap3A_794 = arith.index_cast %swap3A_793 : i32 to index
      %swap3A_795 = arith.constant 32 : index
      %swap3A_796 = tpu.vector_load %arg12[%swap3A_794, %swap3A_795] {strides = array<i32>} : memref<16x128xf32, #tpu.memory_space<vmem>>, vector<16xf32>,
      tpu.vector_store %arg12[%swap3A_794, %swap3A_795], %mul3A_792 {strides = array<i32>} : memref<16x128xf32, #tpu.memory_space<vmem>>, vector<16xf32>,
      %get3A_797 = arith.constant 2 : i32
      %get3A_798 = arith.index_cast %get3A_797 : i32 to index
      %get3A_799 = arith.constant 48 : index
      %get3A_800 = tpu.vector_load %arg12[%get3A_798, %get3A_799] {strides = array<i32>} : memref<16x128xf32, #tpu.memory_space<vmem>>, vector<16xf32>,
      %mul3A_801 = vector.broadcast %squeeze3A_766 : f32 to vector<16xf32>
      %mul3A_802 = arith.mulf %get3A_800, %mul3A_801 : vector<16xf32>
      %swap3A_803 = arith.constant 2 : i32
      %swap3A_804 = arith.index_cast %swap3A_803 : i32 to index
      %swap3A_805 = arith.constant 48 : index
      %swap3A_806 = tpu.vector_load %arg12[%swap3A_804, %swap3A_805] {strides = array<i32>} : memref<16x128xf32, #tpu.memory_space<vmem>>, vector<16xf32>,
      tpu.vector_store %arg12[%swap3A_804, %swap3A_805], %mul3A_802 {strides = array<i32>} : memref<16x128xf32, #tpu.memory_space<vmem>>, vector<16xf32>,
      %slice3A_807 = vector.extract_strided_slice %select_n3A_682 {offsets = [3], sizes = [1], strides = [1]} : vector<16xf32> to vector<1xf32>
      %squeeze3A_808 = vector.extract %slice3A_807[0] : f32 from vector<1xf32>
      %get3A_809 = arith.constant 3 : i32
      %get3A_810 = arith.index_cast %get3A_809 : i32 to index
      %get3A_811 = arith.constant 0 : index
      %get3A_812 = tpu.vector_load %arg12[%get3A_810, %get3A_811] {strides = array<i32>} : memref<16x128xf32, #tpu.memory_space<vmem>>, vector<16xf32>,
      %mul3A_813 = vector.broadcast %squeeze3A_808 : f32 to vector<16xf32>
      %mul3A_814 = arith.mulf %get3A_812, %mul3A_813 : vector<16xf32>
      %swap3A_815 = arith.constant 3 : i32
      %swap3A_816 = arith.index_cast %swap3A_815 : i32 to index
      %swap3A_817 = arith.constant 0 : index
      %swap3A_818 = tpu.vector_load %arg12[%swap3A_816, %swap3A_817] {strides = array<i32>} : memref<16x128xf32, #tpu.memory_space<vmem>>, vector<16xf32>,
      tpu.vector_store %arg12[%swap3A_816, %swap3A_817], %mul3A_814 {strides = array<i32>} : memref<16x128xf32, #tpu.memory_space<vmem>>, vector<16xf32>,
      %get3A_819 = arith.constant 3 : i32
      %get3A_820 = arith.index_cast %get3A_819 : i32 to index
      %get3A_821 = arith.constant 16 : index
      %get3A_822 = tpu.vector_load %arg12[%get3A_820, %get3A_821] {strides = array<i32>} : memref<16x128xf32, #tpu.memory_space<vmem>>, vector<16xf32>,
      %mul3A_823 = vector.broadcast %squeeze3A_808 : f32 to vector<16xf32>
      %mul3A_824 = arith.mulf %get3A_822, %mul3A_823 : vector<16xf32>
      %swap3A_825 = arith.constant 3 : i32
      %swap3A_826 = arith.index_cast %swap3A_825 : i32 to index
      %swap3A_827 = arith.constant 16 : index
      %swap3A_828 = tpu.vector_load %arg12[%swap3A_826, %swap3A_827] {strides = array<i32>} : memref<16x128xf32, #tpu.memory_space<vmem>>, vector<16xf32>,
      tpu.vector_store %arg12[%swap3A_826, %swap3A_827], %mul3A_824 {strides = array<i32>} : memref<16x128xf32, #tpu.memory_space<vmem>>, vector<16xf32>,
      %get3A_829 = arith.constant 3 : i32
      %get3A_830 = arith.index_cast %get3A_829 : i32 to index
      %get3A_831 = arith.constant 32 : index
      %get3A_832 = tpu.vector_load %arg12[%get3A_830, %get3A_831] {strides = array<i32>} : memref<16x128xf32, #tpu.memory_space<vmem>>, vector<16xf32>,
      %mul3A_833 = vector.broadcast %squeeze3A_808 : f32 to vector<16xf32>
      %mul3A_834 = arith.mulf %get3A_832, %mul3A_833 : vector<16xf32>
      %swap3A_835 = arith.constant 3 : i32
      %swap3A_836 = arith.index_cast %swap3A_835 : i32 to index
      %swap3A_837 = arith.constant 32 : index
      %swap3A_838 = tpu.vector_load %arg12[%swap3A_836, %swap3A_837] {strides = array<i32>} : memref<16x128xf32, #tpu.memory_space<vmem>>, vector<16xf32>,
      tpu.vector_store %arg12[%swap3A_836, %swap3A_837], %mul3A_834 {strides = array<i32>} : memref<16x128xf32, #tpu.memory_space<vmem>>, vector<16xf32>,
      %get3A_839 = arith.constant 3 : i32
      %get3A_840 = arith.index_cast %get3A_839 : i32 to index
      %get3A_841 = arith.constant 48 : index
      %get3A_842 = tpu.vector_load %arg12[%get3A_840, %get3A_841] {strides = array<i32>} : memref<16x128xf32, #tpu.memory_space<vmem>>, vector<16xf32>,
      %mul3A_843 = vector.broadcast %squeeze3A_808 : f32 to vector<16xf32>
      %mul3A_844 = arith.mulf %get3A_842, %mul3A_843 : vector<16xf32>
      %swap3A_845 = arith.constant 3 : i32
      %swap3A_846 = arith.index_cast %swap3A_845 : i32 to index
      %swap3A_847 = arith.constant 48 : index
      %swap3A_848 = tpu.vector_load %arg12[%swap3A_846, %swap3A_847] {strides = array<i32>} : memref<16x128xf32, #tpu.memory_space<vmem>>, vector<16xf32>,
      tpu.vector_store %arg12[%swap3A_846, %swap3A_847], %mul3A_844 {strides = array<i32>} : memref<16x128xf32, #tpu.memory_space<vmem>>, vector<16xf32>,
      %slice3A_849 = vector.extract_strided_slice %select_n3A_682 {offsets = [4], sizes = [1], strides = [1]} : vector<16xf32> to vector<1xf32>
      %squeeze3A_850 = vector.extract %slice3A_849[0] : f32 from vector<1xf32>
      %get3A_851 = arith.constant 4 : i32
      %get3A_852 = arith.index_cast %get3A_851 : i32 to index
      %get3A_853 = arith.constant 0 : index
      %get3A_854 = tpu.vector_load %arg12[%get3A_852, %get3A_853] {strides = array<i32>} : memref<16x128xf32, #tpu.memory_space<vmem>>, vector<16xf32>,
      %mul3A_855 = vector.broadcast %squeeze3A_850 : f32 to vector<16xf32>
      %mul3A_856 = arith.mulf %get3A_854, %mul3A_855 : vector<16xf32>
      %swap3A_857 = arith.constant 4 : i32
      %swap3A_858 = arith.index_cast %swap3A_857 : i32 to index
      %swap3A_859 = arith.constant 0 : index
      %swap3A_860 = tpu.vector_load %arg12[%swap3A_858, %swap3A_859] {strides = array<i32>} : memref<16x128xf32, #tpu.memory_space<vmem>>, vector<16xf32>,
      tpu.vector_store %arg12[%swap3A_858, %swap3A_859], %mul3A_856 {strides = array<i32>} : memref<16x128xf32, #tpu.memory_space<vmem>>, vector<16xf32>,
      %get3A_861 = arith.constant 4 : i32
      %get3A_862 = arith.index_cast %get3A_861 : i32 to index
      %get3A_863 = arith.constant 16 : index
      %get3A_864 = tpu.vector_load %arg12[%get3A_862, %get3A_863] {strides = array<i32>} : memref<16x128xf32, #tpu.memory_space<vmem>>, vector<16xf32>,
      %mul3A_865 = vector.broadcast %squeeze3A_850 : f32 to vector<16xf32>
      %mul3A_866 = arith.mulf %get3A_864, %mul3A_865 : vector<16xf32>
      %swap3A_867 = arith.constant 4 : i32
      %swap3A_868 = arith.index_cast %swap3A_867 : i32 to index
      %swap3A_869 = arith.constant 16 : index
      %swap3A_870 = tpu.vector_load %arg12[%swap3A_868, %swap3A_869] {strides = array<i32>} : memref<16x128xf32, #tpu.memory_space<vmem>>, vector<16xf32>,
      tpu.vector_store %arg12[%swap3A_868, %swap3A_869], %mul3A_866 {strides = array<i32>} : memref<16x128xf32, #tpu.memory_space<vmem>>, vector<16xf32>,
      %get3A_871 = arith.constant 4 : i32
      %get3A_872 = arith.index_cast %get3A_871 : i32 to index
      %get3A_873 = arith.constant 32 : index
      %get3A_874 = tpu.vector_load %arg12[%get3A_872, %get3A_873] {strides = array<i32>} : memref<16x128xf32, #tpu.memory_space<vmem>>, vector<16xf32>,
      %mul3A_875 = vector.broadcast %squeeze3A_850 : f32 to vector<16xf32>
      %mul3A_876 = arith.mulf %get3A_874, %mul3A_875 : vector<16xf32>
      %swap3A_877 = arith.constant 4 : i32
      %swap3A_878 = arith.index_cast %swap3A_877 : i32 to index
      %swap3A_879 = arith.constant 32 : index
      %swap3A_880 = tpu.vector_load %arg12[%swap3A_878, %swap3A_879] {strides = array<i32>} : memref<16x128xf32, #tpu.memory_space<vmem>>, vector<16xf32>,
      tpu.vector_store %arg12[%swap3A_878, %swap3A_879], %mul3A_876 {strides = array<i32>} : memref<16x128xf32, #tpu.memory_space<vmem>>, vector<16xf32>,
      %get3A_881 = arith.constant 4 : i32
      %get3A_882 = arith.index_cast %get3A_881 : i32 to index
      %get3A_883 = arith.constant 48 : index
      %get3A_884 = tpu.vector_load %arg12[%get3A_882, %get3A_883] {strides = array<i32>} : memref<16x128xf32, #tpu.memory_space<vmem>>, vector<16xf32>,
      %mul3A_885 = vector.broadcast %squeeze3A_850 : f32 to vector<16xf32>
      %mul3A_886 = arith.mulf %get3A_884, %mul3A_885 : vector<16xf32>
      %swap3A_887 = arith.constant 4 : i32
      %swap3A_888 = arith.index_cast %swap3A_887 : i32 to index
      %swap3A_889 = arith.constant 48 : index
      %swap3A_890 = tpu.vector_load %arg12[%swap3A_888, %swap3A_889] {strides = array<i32>} : memref<16x128xf32, #tpu.memory_space<vmem>>, vector<16xf32>,
      tpu.vector_store %arg12[%swap3A_888, %swap3A_889], %mul3A_886 {strides = array<i32>} : memref<16x128xf32, #tpu.memory_space<vmem>>, vector<16xf32>,
      %slice3A_891 = vector.extract_strided_slice %select_n3A_682 {offsets = [5], sizes = [1], strides = [1]} : vector<16xf32> to vector<1xf32>
      %squeeze3A_892 = vector.extract %slice3A_891[0] : f32 from vector<1xf32>
      %get3A_893 = arith.constant 5 : i32
      %get3A_894 = arith.index_cast %get3A_893 : i32 to index
      %get3A_895 = arith.constant 0 : index
      %get3A_896 = tpu.vector_load %arg12[%get3A_894, %get3A_895] {strides = array<i32>} : memref<16x128xf32, #tpu.memory_space<vmem>>, vector<16xf32>,
      %mul3A_897 = vector.broadcast %squeeze3A_892 : f32 to vector<16xf32>
      %mul3A_898 = arith.mulf %get3A_896, %mul3A_897 : vector<16xf32>
      %swap3A_899 = arith.constant 5 : i32
      %swap3A_900 = arith.index_cast %swap3A_899 : i32 to index
      %swap3A_901 = arith.constant 0 : index
      %swap3A_902 = tpu.vector_load %arg12[%swap3A_900, %swap3A_901] {strides = array<i32>} : memref<16x128xf32, #tpu.memory_space<vmem>>, vector<16xf32>,
      tpu.vector_store %arg12[%swap3A_900, %swap3A_901], %mul3A_898 {strides = array<i32>} : memref<16x128xf32, #tpu.memory_space<vmem>>, vector<16xf32>,
      %get3A_903 = arith.constant 5 : i32
      %get3A_904 = arith.index_cast %get3A_903 : i32 to index
      %get3A_905 = arith.constant 16 : index
      %get3A_906 = tpu.vector_load %arg12[%get3A_904, %get3A_905] {strides = array<i32>} : memref<16x128xf32, #tpu.memory_space<vmem>>, vector<16xf32>,
      %mul3A_907 = vector.broadcast %squeeze3A_892 : f32 to vector<16xf32>
      %mul3A_908 = arith.mulf %get3A_906, %mul3A_907 : vector<16xf32>
      %swap3A_909 = arith.constant 5 : i32
      %swap3A_910 = arith.index_cast %swap3A_909 : i32 to index
      %swap3A_911 = arith.constant 16 : index
      %swap3A_912 = tpu.vector_load %arg12[%swap3A_910, %swap3A_911] {strides = array<i32>} : memref<16x128xf32, #tpu.memory_space<vmem>>, vector<16xf32>,
      tpu.vector_store %arg12[%swap3A_910, %swap3A_911], %mul3A_908 {strides = array<i32>} : memref<16x128xf32, #tpu.memory_space<vmem>>, vector<16xf32>,
      %get3A_913 = arith.constant 5 : i32
      %get3A_914 = arith.index_cast %get3A_913 : i32 to index
      %get3A_915 = arith.constant 32 : index
      %get3A_916 = tpu.vector_load %arg12[%get3A_914, %get3A_915] {strides = array<i32>} : memref<16x128xf32, #tpu.memory_space<vmem>>, vector<16xf32>,
      %mul3A_917 = vector.broadcast %squeeze3A_892 : f32 to vector<16xf32>
      %mul3A_918 = arith.mulf %get3A_916, %mul3A_917 : vector<16xf32>
      %swap3A_919 = arith.constant 5 : i32
      %swap3A_920 = arith.index_cast %swap3A_919 : i32 to index
      %swap3A_921 = arith.constant 32 : index
      %swap3A_922 = tpu.vector_load %arg12[%swap3A_920, %swap3A_921] {strides = array<i32>} : memref<16x128xf32, #tpu.memory_space<vmem>>, vector<16xf32>,
      tpu.vector_store %arg12[%swap3A_920, %swap3A_921], %mul3A_918 {strides = array<i32>} : memref<16x128xf32, #tpu.memory_space<vmem>>, vector<16xf32>,
      %get3A_923 = arith.constant 5 : i32
      %get3A_924 = arith.index_cast %get3A_923 : i32 to index
      %get3A_925 = arith.constant 48 : index
      %get3A_926 = tpu.vector_load %arg12[%get3A_924, %get3A_925] {strides = array<i32>} : memref<16x128xf32, #tpu.memory_space<vmem>>, vector<16xf32>,
      %mul3A_927 = vector.broadcast %squeeze3A_892 : f32 to vector<16xf32>
      %mul3A_928 = arith.mulf %get3A_926, %mul3A_927 : vector<16xf32>
      %swap3A_929 = arith.constant 5 : i32
      %swap3A_930 = arith.index_cast %swap3A_929 : i32 to index
      %swap3A_931 = arith.constant 48 : index
      %swap3A_932 = tpu.vector_load %arg12[%swap3A_930, %swap3A_931] {strides = array<i32>} : memref<16x128xf32, #tpu.memory_space<vmem>>, vector<16xf32>,
      tpu.vector_store %arg12[%swap3A_930, %swap3A_931], %mul3A_928 {strides = array<i32>} : memref<16x128xf32, #tpu.memory_space<vmem>>, vector<16xf32>,
      %slice3A_933 = vector.extract_strided_slice %select_n3A_682 {offsets = [6], sizes = [1], strides = [1]} : vector<16xf32> to vector<1xf32>
      %squeeze3A_934 = vector.extract %slice3A_933[0] : f32 from vector<1xf32>
      %get3A_935 = arith.constant 6 : i32
      %get3A_936 = arith.index_cast %get3A_935 : i32 to index
      %get3A_937 = arith.constant 0 : index
      %get3A_938 = tpu.vector_load %arg12[%get3A_936, %get3A_937] {strides = array<i32>} : memref<16x128xf32, #tpu.memory_space<vmem>>, vector<16xf32>,
      %mul3A_939 = vector.broadcast %squeeze3A_934 : f32 to vector<16xf32>
      %mul3A_940 = arith.mulf %get3A_938, %mul3A_939 : vector<16xf32>
      %swap3A_941 = arith.constant 6 : i32
      %swap3A_942 = arith.index_cast %swap3A_941 : i32 to index
      %swap3A_943 = arith.constant 0 : index
      %swap3A_944 = tpu.vector_load %arg12[%swap3A_942, %swap3A_943] {strides = array<i32>} : memref<16x128xf32, #tpu.memory_space<vmem>>, vector<16xf32>,
      tpu.vector_store %arg12[%swap3A_942, %swap3A_943], %mul3A_940 {strides = array<i32>} : memref<16x128xf32, #tpu.memory_space<vmem>>, vector<16xf32>,
      %get3A_945 = arith.constant 6 : i32
      %get3A_946 = arith.index_cast %get3A_945 : i32 to index
      %get3A_947 = arith.constant 16 : index
      %get3A_948 = tpu.vector_load %arg12[%get3A_946, %get3A_947] {strides = array<i32>} : memref<16x128xf32, #tpu.memory_space<vmem>>, vector<16xf32>,
      %mul3A_949 = vector.broadcast %squeeze3A_934 : f32 to vector<16xf32>
      %mul3A_950 = arith.mulf %get3A_948, %mul3A_949 : vector<16xf32>
      %swap3A_951 = arith.constant 6 : i32
      %swap3A_952 = arith.index_cast %swap3A_951 : i32 to index
      %swap3A_953 = arith.constant 16 : index
      %swap3A_954 = tpu.vector_load %arg12[%swap3A_952, %swap3A_953] {strides = array<i32>} : memref<16x128xf32, #tpu.memory_space<vmem>>, vector<16xf32>,
      tpu.vector_store %arg12[%swap3A_952, %swap3A_953], %mul3A_950 {strides = array<i32>} : memref<16x128xf32, #tpu.memory_space<vmem>>, vector<16xf32>,
      %get3A_955 = arith.constant 6 : i32
      %get3A_956 = arith.index_cast %get3A_955 : i32 to index
      %get3A_957 = arith.constant 32 : index
      %get3A_958 = tpu.vector_load %arg12[%get3A_956, %get3A_957] {strides = array<i32>} : memref<16x128xf32, #tpu.memory_space<vmem>>, vector<16xf32>,
      %mul3A_959 = vector.broadcast %squeeze3A_934 : f32 to vector<16xf32>
      %mul3A_960 = arith.mulf %get3A_958, %mul3A_959 : vector<16xf32>
      %swap3A_961 = arith.constant 6 : i32
      %swap3A_962 = arith.index_cast %swap3A_961 : i32 to index
      %swap3A_963 = arith.constant 32 : index
      %swap3A_964 = tpu.vector_load %arg12[%swap3A_962, %swap3A_963] {strides = array<i32>} : memref<16x128xf32, #tpu.memory_space<vmem>>, vector<16xf32>,
      tpu.vector_store %arg12[%swap3A_962, %swap3A_963], %mul3A_960 {strides = array<i32>} : memref<16x128xf32, #tpu.memory_space<vmem>>, vector<16xf32>,
      %get3A_965 = arith.constant 6 : i32
      %get3A_966 = arith.index_cast %get3A_965 : i32 to index
      %get3A_967 = arith.constant 48 : index
      %get3A_968 = tpu.vector_load %arg12[%get3A_966, %get3A_967] {strides = array<i32>} : memref<16x128xf32, #tpu.memory_space<vmem>>, vector<16xf32>,
      %mul3A_969 = vector.broadcast %squeeze3A_934 : f32 to vector<16xf32>
      %mul3A_970 = arith.mulf %get3A_968, %mul3A_969 : vector<16xf32>
      %swap3A_971 = arith.constant 6 : i32
      %swap3A_972 = arith.index_cast %swap3A_971 : i32 to index
      %swap3A_973 = arith.constant 48 : index
      %swap3A_974 = tpu.vector_load %arg12[%swap3A_972, %swap3A_973] {strides = array<i32>} : memref<16x128xf32, #tpu.memory_space<vmem>>, vector<16xf32>,
      tpu.vector_store %arg12[%swap3A_972, %swap3A_973], %mul3A_970 {strides = array<i32>} : memref<16x128xf32, #tpu.memory_space<vmem>>, vector<16xf32>,
      %slice3A_975 = vector.extract_strided_slice %select_n3A_682 {offsets = [7], sizes = [1], strides = [1]} : vector<16xf32> to vector<1xf32>
      %squeeze3A_976 = vector.extract %slice3A_975[0] : f32 from vector<1xf32>
      %get3A_977 = arith.constant 7 : i32
      %get3A_978 = arith.index_cast %get3A_977 : i32 to index
      %get3A_979 = arith.constant 0 : index
      %get3A_980 = tpu.vector_load %arg12[%get3A_978, %get3A_979] {strides = array<i32>} : memref<16x128xf32, #tpu.memory_space<vmem>>, vector<16xf32>,
      %mul3A_981 = vector.broadcast %squeeze3A_976 : f32 to vector<16xf32>
      %mul3A_982 = arith.mulf %get3A_980, %mul3A_981 : vector<16xf32>
      %swap3A_983 = arith.constant 7 : i32
      %swap3A_984 = arith.index_cast %swap3A_983 : i32 to index
      %swap3A_985 = arith.constant 0 : index
      %swap3A_986 = tpu.vector_load %arg12[%swap3A_984, %swap3A_985] {strides = array<i32>} : memref<16x128xf32, #tpu.memory_space<vmem>>, vector<16xf32>,
      tpu.vector_store %arg12[%swap3A_984, %swap3A_985], %mul3A_982 {strides = array<i32>} : memref<16x128xf32, #tpu.memory_space<vmem>>, vector<16xf32>,
      %get3A_987 = arith.constant 7 : i32
      %get3A_988 = arith.index_cast %get3A_987 : i32 to index
      %get3A_989 = arith.constant 16 : index
      %get3A_990 = tpu.vector_load %arg12[%get3A_988, %get3A_989] {strides = array<i32>} : memref<16x128xf32, #tpu.memory_space<vmem>>, vector<16xf32>,
      %mul3A_991 = vector.broadcast %squeeze3A_976 : f32 to vector<16xf32>
      %mul3A_992 = arith.mulf %get3A_990, %mul3A_991 : vector<16xf32>
      %swap3A_993 = arith.constant 7 : i32
      %swap3A_994 = arith.index_cast %swap3A_993 : i32 to index
      %swap3A_995 = arith.constant 16 : index
      %swap3A_996 = tpu.vector_load %arg12[%swap3A_994, %swap3A_995] {strides = array<i32>} : memref<16x128xf32, #tpu.memory_space<vmem>>, vector<16xf32>,
      tpu.vector_store %arg12[%swap3A_994, %swap3A_995], %mul3A_992 {strides = array<i32>} : memref<16x128xf32, #tpu.memory_space<vmem>>, vector<16xf32>,
      %get3A_997 = arith.constant 7 : i32
      %get3A_998 = arith.index_cast %get3A_997 : i32 to index
      %get3A_999 = arith.constant 32 : index
      %get3A_1000 = tpu.vector_load %arg12[%get3A_998, %get3A_999] {strides = array<i32>} : memref<16x128xf32, #tpu.memory_space<vmem>>, vector<16xf32>,
      %mul3A_1001 = vector.broadcast %squeeze3A_976 : f32 to vector<16xf32>
      %mul3A_1002 = arith.mulf %get3A_1000, %mul3A_1001 : vector<16xf32>
      %swap3A_1003 = arith.constant 7 : i32
      %swap3A_1004 = arith.index_cast %swap3A_1003 : i32 to index
      %swap3A_1005 = arith.constant 32 : index
      %swap3A_1006 = tpu.vector_load %arg12[%swap3A_1004, %swap3A_1005] {strides = array<i32>} : memref<16x128xf32, #tpu.memory_space<vmem>>, vector<16xf32>,
      tpu.vector_store %arg12[%swap3A_1004, %swap3A_1005], %mul3A_1002 {strides = array<i32>} : memref<16x128xf32, #tpu.memory_space<vmem>>, vector<16xf32>,
      %get3A_1007 = arith.constant 7 : i32
      %get3A_1008 = arith.index_cast %get3A_1007 : i32 to index
      %get3A_1009 = arith.constant 48 : index
      %get3A_1010 = tpu.vector_load %arg12[%get3A_1008, %get3A_1009] {strides = array<i32>} : memref<16x128xf32, #tpu.memory_space<vmem>>, vector<16xf32>,
      %mul3A_1011 = vector.broadcast %squeeze3A_976 : f32 to vector<16xf32>
      %mul3A_1012 = arith.mulf %get3A_1010, %mul3A_1011 : vector<16xf32>
      %swap3A_1013 = arith.constant 7 : i32
      %swap3A_1014 = arith.index_cast %swap3A_1013 : i32 to index
      %swap3A_1015 = arith.constant 48 : index
      %swap3A_1016 = tpu.vector_load %arg12[%swap3A_1014, %swap3A_1015] {strides = array<i32>} : memref<16x128xf32, #tpu.memory_space<vmem>>, vector<16xf32>,
      tpu.vector_store %arg12[%swap3A_1014, %swap3A_1015], %mul3A_1012 {strides = array<i32>} : memref<16x128xf32, #tpu.memory_space<vmem>>, vector<16xf32>,
      %slice3A_1017 = vector.extract_strided_slice %select_n3A_682 {offsets = [8], sizes = [1], strides = [1]} : vector<16xf32> to vector<1xf32>
      %squeeze3A_1018 = vector.extract %slice3A_1017[0] : f32 from vector<1xf32>
      %get3A_1019 = arith.constant 8 : i32
      %get3A_1020 = arith.index_cast %get3A_1019 : i32 to index
      %get3A_1021 = arith.constant 0 : index
      %get3A_1022 = tpu.vector_load %arg12[%get3A_1020, %get3A_1021] {strides = array<i32>} : memref<16x128xf32, #tpu.memory_space<vmem>>, vector<16xf32>,
      %mul3A_1023 = vector.broadcast %squeeze3A_1018 : f32 to vector<16xf32>
      %mul3A_1024 = arith.mulf %get3A_1022, %mul3A_1023 : vector<16xf32>
      %swap3A_1025 = arith.constant 8 : i32
      %swap3A_1026 = arith.index_cast %swap3A_1025 : i32 to index
      %swap3A_1027 = arith.constant 0 : index
      %swap3A_1028 = tpu.vector_load %arg12[%swap3A_1026, %swap3A_1027] {strides = array<i32>} : memref<16x128xf32, #tpu.memory_space<vmem>>, vector<16xf32>,
      tpu.vector_store %arg12[%swap3A_1026, %swap3A_1027], %mul3A_1024 {strides = array<i32>} : memref<16x128xf32, #tpu.memory_space<vmem>>, vector<16xf32>,
      %get3A_1029 = arith.constant 8 : i32
      %get3A_1030 = arith.index_cast %get3A_1029 : i32 to index
      %get3A_1031 = arith.constant 16 : index
      %get3A_1032 = tpu.vector_load %arg12[%get3A_1030, %get3A_1031] {strides = array<i32>} : memref<16x128xf32, #tpu.memory_space<vmem>>, vector<16xf32>,
      %mul3A_1033 = vector.broadcast %squeeze3A_1018 : f32 to vector<16xf32>
      %mul3A_1034 = arith.mulf %get3A_1032, %mul3A_1033 : vector<16xf32>
      %swap3A_1035 = arith.constant 8 : i32
      %swap3A_1036 = arith.index_cast %swap3A_1035 : i32 to index
      %swap3A_1037 = arith.constant 16 : index
      %swap3A_1038 = tpu.vector_load %arg12[%swap3A_1036, %swap3A_1037] {strides = array<i32>} : memref<16x128xf32, #tpu.memory_space<vmem>>, vector<16xf32>,
      tpu.vector_store %arg12[%swap3A_1036, %swap3A_1037], %mul3A_1034 {strides = array<i32>} : memref<16x128xf32, #tpu.memory_space<vmem>>, vector<16xf32>,
      %get3A_1039 = arith.constant 8 : i32
      %get3A_1040 = arith.index_cast %get3A_1039 : i32 to index
      %get3A_1041 = arith.constant 32 : index
      %get3A_1042 = tpu.vector_load %arg12[%get3A_1040, %get3A_1041] {strides = array<i32>} : memref<16x128xf32, #tpu.memory_space<vmem>>, vector<16xf32>,
      %mul3A_1043 = vector.broadcast %squeeze3A_1018 : f32 to vector<16xf32>
      %mul3A_1044 = arith.mulf %get3A_1042, %mul3A_1043 : vector<16xf32>
      %swap3A_1045 = arith.constant 8 : i32
      %swap3A_1046 = arith.index_cast %swap3A_1045 : i32 to index
      %swap3A_1047 = arith.constant 32 : index
      %swap3A_1048 = tpu.vector_load %arg12[%swap3A_1046, %swap3A_1047] {strides = array<i32>} : memref<16x128xf32, #tpu.memory_space<vmem>>, vector<16xf32>,
      tpu.vector_store %arg12[%swap3A_1046, %swap3A_1047], %mul3A_1044 {strides = array<i32>} : memref<16x128xf32, #tpu.memory_space<vmem>>, vector<16xf32>,
      %get3A_1049 = arith.constant 8 : i32
      %get3A_1050 = arith.index_cast %get3A_1049 : i32 to index
      %get3A_1051 = arith.constant 48 : index
      %get3A_1052 = tpu.vector_load %arg12[%get3A_1050, %get3A_1051] {strides = array<i32>} : memref<16x128xf32, #tpu.memory_space<vmem>>, vector<16xf32>,
      %mul3A_1053 = vector.broadcast %squeeze3A_1018 : f32 to vector<16xf32>
      %mul3A_1054 = arith.mulf %get3A_1052, %mul3A_1053 : vector<16xf32>
      %swap3A_1055 = arith.constant 8 : i32
      %swap3A_1056 = arith.index_cast %swap3A_1055 : i32 to index
      %swap3A_1057 = arith.constant 48 : index
      %swap3A_1058 = tpu.vector_load %arg12[%swap3A_1056, %swap3A_1057] {strides = array<i32>} : memref<16x128xf32, #tpu.memory_space<vmem>>, vector<16xf32>,
      tpu.vector_store %arg12[%swap3A_1056, %swap3A_1057], %mul3A_1054 {strides = array<i32>} : memref<16x128xf32, #tpu.memory_space<vmem>>, vector<16xf32>,
      %slice3A_1059 = vector.extract_strided_slice %select_n3A_682 {offsets = [9], sizes = [1], strides = [1]} : vector<16xf32> to vector<1xf32>
      %squeeze3A_1060 = vector.extract %slice3A_1059[0] : f32 from vector<1xf32>
      %get3A_1061 = arith.constant 9 : i32
      %get3A_1062 = arith.index_cast %get3A_1061 : i32 to index
      %get3A_1063 = arith.constant 0 : index
      %get3A_1064 = tpu.vector_load %arg12[%get3A_1062, %get3A_1063] {strides = array<i32>} : memref<16x128xf32, #tpu.memory_space<vmem>>, vector<16xf32>,
      %mul3A_1065 = vector.broadcast %squeeze3A_1060 : f32 to vector<16xf32>
      %mul3A_1066 = arith.mulf %get3A_1064, %mul3A_1065 : vector<16xf32>
      %swap3A_1067 = arith.constant 9 : i32
      %swap3A_1068 = arith.index_cast %swap3A_1067 : i32 to index
      %swap3A_1069 = arith.constant 0 : index
      %swap3A_1070 = tpu.vector_load %arg12[%swap3A_1068, %swap3A_1069] {strides = array<i32>} : memref<16x128xf32, #tpu.memory_space<vmem>>, vector<16xf32>,
      tpu.vector_store %arg12[%swap3A_1068, %swap3A_1069], %mul3A_1066 {strides = array<i32>} : memref<16x128xf32, #tpu.memory_space<vmem>>, vector<16xf32>,
      %get3A_1071 = arith.constant 9 : i32
      %get3A_1072 = arith.index_cast %get3A_1071 : i32 to index
      %get3A_1073 = arith.constant 16 : index
      %get3A_1074 = tpu.vector_load %arg12[%get3A_1072, %get3A_1073] {strides = array<i32>} : memref<16x128xf32, #tpu.memory_space<vmem>>, vector<16xf32>,
      %mul3A_1075 = vector.broadcast %squeeze3A_1060 : f32 to vector<16xf32>
      %mul3A_1076 = arith.mulf %get3A_1074, %mul3A_1075 : vector<16xf32>
      %swap3A_1077 = arith.constant 9 : i32
      %swap3A_1078 = arith.index_cast %swap3A_1077 : i32 to index
      %swap3A_1079 = arith.constant 16 : index
      %swap3A_1080 = tpu.vector_load %arg12[%swap3A_1078, %swap3A_1079] {strides = array<i32>} : memref<16x128xf32, #tpu.memory_space<vmem>>, vector<16xf32>,
      tpu.vector_store %arg12[%swap3A_1078, %swap3A_1079], %mul3A_1076 {strides = array<i32>} : memref<16x128xf32, #tpu.memory_space<vmem>>, vector<16xf32>,
      %get3A_1081 = arith.constant 9 : i32
      %get3A_1082 = arith.index_cast %get3A_1081 : i32 to index
      %get3A_1083 = arith.constant 32 : index
      %get3A_1084 = tpu.vector_load %arg12[%get3A_1082, %get3A_1083] {strides = array<i32>} : memref<16x128xf32, #tpu.memory_space<vmem>>, vector<16xf32>,
      %mul3A_1085 = vector.broadcast %squeeze3A_1060 : f32 to vector<16xf32>
      %mul3A_1086 = arith.mulf %get3A_1084, %mul3A_1085 : vector<16xf32>
      %swap3A_1087 = arith.constant 9 : i32
      %swap3A_1088 = arith.index_cast %swap3A_1087 : i32 to index
      %swap3A_1089 = arith.constant 32 : index
      %swap3A_1090 = tpu.vector_load %arg12[%swap3A_1088, %swap3A_1089] {strides = array<i32>} : memref<16x128xf32, #tpu.memory_space<vmem>>, vector<16xf32>,
      tpu.vector_store %arg12[%swap3A_1088, %swap3A_1089], %mul3A_1086 {strides = array<i32>} : memref<16x128xf32, #tpu.memory_space<vmem>>, vector<16xf32>,
      %get3A_1091 = arith.constant 9 : i32
      %get3A_1092 = arith.index_cast %get3A_1091 : i32 to index
      %get3A_1093 = arith.constant 48 : index
      %get3A_1094 = tpu.vector_load %arg12[%get3A_1092, %get3A_1093] {strides = array<i32>} : memref<16x128xf32, #tpu.memory_space<vmem>>, vector<16xf32>,
      %mul3A_1095 = vector.broadcast %squeeze3A_1060 : f32 to vector<16xf32>
      %mul3A_1096 = arith.mulf %get3A_1094, %mul3A_1095 : vector<16xf32>
      %swap3A_1097 = arith.constant 9 : i32
      %swap3A_1098 = arith.index_cast %swap3A_1097 : i32 to index
      %swap3A_1099 = arith.constant 48 : index
      %swap3A_1100 = tpu.vector_load %arg12[%swap3A_1098, %swap3A_1099] {strides = array<i32>} : memref<16x128xf32, #tpu.memory_space<vmem>>, vector<16xf32>,
      tpu.vector_store %arg12[%swap3A_1098, %swap3A_1099], %mul3A_1096 {strides = array<i32>} : memref<16x128xf32, #tpu.memory_space<vmem>>, vector<16xf32>,
      %slice3A_1101 = vector.extract_strided_slice %select_n3A_682 {offsets = [10], sizes = [1], strides = [1]} : vector<16xf32> to vector<1xf32>
      %squeeze3A_1102 = vector.extract %slice3A_1101[0] : f32 from vector<1xf32>
      %get3A_1103 = arith.constant 10 : i32
      %get3A_1104 = arith.index_cast %get3A_1103 : i32 to index
      %get3A_1105 = arith.constant 0 : index
      %get3A_1106 = tpu.vector_load %arg12[%get3A_1104, %get3A_1105] {strides = array<i32>} : memref<16x128xf32, #tpu.memory_space<vmem>>, vector<16xf32>,
      %mul3A_1107 = vector.broadcast %squeeze3A_1102 : f32 to vector<16xf32>
      %mul3A_1108 = arith.mulf %get3A_1106, %mul3A_1107 : vector<16xf32>
      %swap3A_1109 = arith.constant 10 : i32
      %swap3A_1110 = arith.index_cast %swap3A_1109 : i32 to index
      %swap3A_1111 = arith.constant 0 : index
      %swap3A_1112 = tpu.vector_load %arg12[%swap3A_1110, %swap3A_1111] {strides = array<i32>} : memref<16x128xf32, #tpu.memory_space<vmem>>, vector<16xf32>,
      tpu.vector_store %arg12[%swap3A_1110, %swap3A_1111], %mul3A_1108 {strides = array<i32>} : memref<16x128xf32, #tpu.memory_space<vmem>>, vector<16xf32>,
      %get3A_1113 = arith.constant 10 : i32
      %get3A_1114 = arith.index_cast %get3A_1113 : i32 to index
      %get3A_1115 = arith.constant 16 : index
      %get3A_1116 = tpu.vector_load %arg12[%get3A_1114, %get3A_1115] {strides = array<i32>} : memref<16x128xf32, #tpu.memory_space<vmem>>, vector<16xf32>,
      %mul3A_1117 = vector.broadcast %squeeze3A_1102 : f32 to vector<16xf32>
      %mul3A_1118 = arith.mulf %get3A_1116, %mul3A_1117 : vector<16xf32>
      %swap3A_1119 = arith.constant 10 : i32
      %swap3A_1120 = arith.index_cast %swap3A_1119 : i32 to index
      %swap3A_1121 = arith.constant 16 : index
      %swap3A_1122 = tpu.vector_load %arg12[%swap3A_1120, %swap3A_1121] {strides = array<i32>} : memref<16x128xf32, #tpu.memory_space<vmem>>, vector<16xf32>,
      tpu.vector_store %arg12[%swap3A_1120, %swap3A_1121], %mul3A_1118 {strides = array<i32>} : memref<16x128xf32, #tpu.memory_space<vmem>>, vector<16xf32>,
      %get3A_1123 = arith.constant 10 : i32
      %get3A_1124 = arith.index_cast %get3A_1123 : i32 to index
      %get3A_1125 = arith.constant 32 : index
      %get3A_1126 = tpu.vector_load %arg12[%get3A_1124, %get3A_1125] {strides = array<i32>} : memref<16x128xf32, #tpu.memory_space<vmem>>, vector<16xf32>,
      %mul3A_1127 = vector.broadcast %squeeze3A_1102 : f32 to vector<16xf32>
      %mul3A_1128 = arith.mulf %get3A_1126, %mul3A_1127 : vector<16xf32>
      %swap3A_1129 = arith.constant 10 : i32
      %swap3A_1130 = arith.index_cast %swap3A_1129 : i32 to index
      %swap3A_1131 = arith.constant 32 : index
      %swap3A_1132 = tpu.vector_load %arg12[%swap3A_1130, %swap3A_1131] {strides = array<i32>} : memref<16x128xf32, #tpu.memory_space<vmem>>, vector<16xf32>,
      tpu.vector_store %arg12[%swap3A_1130, %swap3A_1131], %mul3A_1128 {strides = array<i32>} : memref<16x128xf32, #tpu.memory_space<vmem>>, vector<16xf32>,
      %get3A_1133 = arith.constant 10 : i32
      %get3A_1134 = arith.index_cast %get3A_1133 : i32 to index
      %get3A_1135 = arith.constant 48 : index
      %get3A_1136 = tpu.vector_load %arg12[%get3A_1134, %get3A_1135] {strides = array<i32>} : memref<16x128xf32, #tpu.memory_space<vmem>>, vector<16xf32>,
      %mul3A_1137 = vector.broadcast %squeeze3A_1102 : f32 to vector<16xf32>
      %mul3A_1138 = arith.mulf %get3A_1136, %mul3A_1137 : vector<16xf32>
      %swap3A_1139 = arith.constant 10 : i32
      %swap3A_1140 = arith.index_cast %swap3A_1139 : i32 to index
      %swap3A_1141 = arith.constant 48 : index
      %swap3A_1142 = tpu.vector_load %arg12[%swap3A_1140, %swap3A_1141] {strides = array<i32>} : memref<16x128xf32, #tpu.memory_space<vmem>>, vector<16xf32>,
      tpu.vector_store %arg12[%swap3A_1140, %swap3A_1141], %mul3A_1138 {strides = array<i32>} : memref<16x128xf32, #tpu.memory_space<vmem>>, vector<16xf32>,
      %slice3A_1143 = vector.extract_strided_slice %select_n3A_682 {offsets = [11], sizes = [1], strides = [1]} : vector<16xf32> to vector<1xf32>
      %squeeze3A_1144 = vector.extract %slice3A_1143[0] : f32 from vector<1xf32>
      %get3A_1145 = arith.constant 11 : i32
      %get3A_1146 = arith.index_cast %get3A_1145 : i32 to index
      %get3A_1147 = arith.constant 0 : index
      %get3A_1148 = tpu.vector_load %arg12[%get3A_1146, %get3A_1147] {strides = array<i32>} : memref<16x128xf32, #tpu.memory_space<vmem>>, vector<16xf32>,
      %mul3A_1149 = vector.broadcast %squeeze3A_1144 : f32 to vector<16xf32>
      %mul3A_1150 = arith.mulf %get3A_1148, %mul3A_1149 : vector<16xf32>
      %swap3A_1151 = arith.constant 11 : i32
      %swap3A_1152 = arith.index_cast %swap3A_1151 : i32 to index
      %swap3A_1153 = arith.constant 0 : index
      %swap3A_1154 = tpu.vector_load %arg12[%swap3A_1152, %swap3A_1153] {strides = array<i32>} : memref<16x128xf32, #tpu.memory_space<vmem>>, vector<16xf32>,
      tpu.vector_store %arg12[%swap3A_1152, %swap3A_1153], %mul3A_1150 {strides = array<i32>} : memref<16x128xf32, #tpu.memory_space<vmem>>, vector<16xf32>,
      %get3A_1155 = arith.constant 11 : i32
      %get3A_1156 = arith.index_cast %get3A_1155 : i32 to index
      %get3A_1157 = arith.constant 16 : index
      %get3A_1158 = tpu.vector_load %arg12[%get3A_1156, %get3A_1157] {strides = array<i32>} : memref<16x128xf32, #tpu.memory_space<vmem>>, vector<16xf32>,
      %mul3A_1159 = vector.broadcast %squeeze3A_1144 : f32 to vector<16xf32>
      %mul3A_1160 = arith.mulf %get3A_1158, %mul3A_1159 : vector<16xf32>
      %swap3A_1161 = arith.constant 11 : i32
      %swap3A_1162 = arith.index_cast %swap3A_1161 : i32 to index
      %swap3A_1163 = arith.constant 16 : index
      %swap3A_1164 = tpu.vector_load %arg12[%swap3A_1162, %swap3A_1163] {strides = array<i32>} : memref<16x128xf32, #tpu.memory_space<vmem>>, vector<16xf32>,
      tpu.vector_store %arg12[%swap3A_1162, %swap3A_1163], %mul3A_1160 {strides = array<i32>} : memref<16x128xf32, #tpu.memory_space<vmem>>, vector<16xf32>,
      %get3A_1165 = arith.constant 11 : i32
      %get3A_1166 = arith.index_cast %get3A_1165 : i32 to index
      %get3A_1167 = arith.constant 32 : index
      %get3A_1168 = tpu.vector_load %arg12[%get3A_1166, %get3A_1167] {strides = array<i32>} : memref<16x128xf32, #tpu.memory_space<vmem>>, vector<16xf32>,
      %mul3A_1169 = vector.broadcast %squeeze3A_1144 : f32 to vector<16xf32>
      %mul3A_1170 = arith.mulf %get3A_1168, %mul3A_1169 : vector<16xf32>
      %swap3A_1171 = arith.constant 11 : i32
      %swap3A_1172 = arith.index_cast %swap3A_1171 : i32 to index
      %swap3A_1173 = arith.constant 32 : index
      %swap3A_1174 = tpu.vector_load %arg12[%swap3A_1172, %swap3A_1173] {strides = array<i32>} : memref<16x128xf32, #tpu.memory_space<vmem>>, vector<16xf32>,
      tpu.vector_store %arg12[%swap3A_1172, %swap3A_1173], %mul3A_1170 {strides = array<i32>} : memref<16x128xf32, #tpu.memory_space<vmem>>, vector<16xf32>,
      %get3A_1175 = arith.constant 11 : i32
      %get3A_1176 = arith.index_cast %get3A_1175 : i32 to index
      %get3A_1177 = arith.constant 48 : index
      %get3A_1178 = tpu.vector_load %arg12[%get3A_1176, %get3A_1177] {strides = array<i32>} : memref<16x128xf32, #tpu.memory_space<vmem>>, vector<16xf32>,
      %mul3A_1179 = vector.broadcast %squeeze3A_1144 : f32 to vector<16xf32>
      %mul3A_1180 = arith.mulf %get3A_1178, %mul3A_1179 : vector<16xf32>
      %swap3A_1181 = arith.constant 11 : i32
      %swap3A_1182 = arith.index_cast %swap3A_1181 : i32 to index
      %swap3A_1183 = arith.constant 48 : index
      %swap3A_1184 = tpu.vector_load %arg12[%swap3A_1182, %swap3A_1183] {strides = array<i32>} : memref<16x128xf32, #tpu.memory_space<vmem>>, vector<16xf32>,
      tpu.vector_store %arg12[%swap3A_1182, %swap3A_1183], %mul3A_1180 {strides = array<i32>} : memref<16x128xf32, #tpu.memory_space<vmem>>, vector<16xf32>,
      %slice3A_1185 = vector.extract_strided_slice %select_n3A_682 {offsets = [12], sizes = [1], strides = [1]} : vector<16xf32> to vector<1xf32>
      %squeeze3A_1186 = vector.extract %slice3A_1185[0] : f32 from vector<1xf32>
      %get3A_1187 = arith.constant 12 : i32
      %get3A_1188 = arith.index_cast %get3A_1187 : i32 to index
      %get3A_1189 = arith.constant 0 : index
      %get3A_1190 = tpu.vector_load %arg12[%get3A_1188, %get3A_1189] {strides = array<i32>} : memref<16x128xf32, #tpu.memory_space<vmem>>, vector<16xf32>,
      %mul3A_1191 = vector.broadcast %squeeze3A_1186 : f32 to vector<16xf32>
      %mul3A_1192 = arith.mulf %get3A_1190, %mul3A_1191 : vector<16xf32>
      %swap3A_1193 = arith.constant 12 : i32
      %swap3A_1194 = arith.index_cast %swap3A_1193 : i32 to index
      %swap3A_1195 = arith.constant 0 : index
      %swap3A_1196 = tpu.vector_load %arg12[%swap3A_1194, %swap3A_1195] {strides = array<i32>} : memref<16x128xf32, #tpu.memory_space<vmem>>, vector<16xf32>,
      tpu.vector_store %arg12[%swap3A_1194, %swap3A_1195], %mul3A_1192 {strides = array<i32>} : memref<16x128xf32, #tpu.memory_space<vmem>>, vector<16xf32>,
      %get3A_1197 = arith.constant 12 : i32
      %get3A_1198 = arith.index_cast %get3A_1197 : i32 to index
      %get3A_1199 = arith.constant 16 : index
      %get3A_1200 = tpu.vector_load %arg12[%get3A_1198, %get3A_1199] {strides = array<i32>} : memref<16x128xf32, #tpu.memory_space<vmem>>, vector<16xf32>,
      %mul3A_1201 = vector.broadcast %squeeze3A_1186 : f32 to vector<16xf32>
      %mul3A_1202 = arith.mulf %get3A_1200, %mul3A_1201 : vector<16xf32>
      %swap3A_1203 = arith.constant 12 : i32
      %swap3A_1204 = arith.index_cast %swap3A_1203 : i32 to index
      %swap3A_1205 = arith.constant 16 : index
      %swap3A_1206 = tpu.vector_load %arg12[%swap3A_1204, %swap3A_1205] {strides = array<i32>} : memref<16x128xf32, #tpu.memory_space<vmem>>, vector<16xf32>,
      tpu.vector_store %arg12[%swap3A_1204, %swap3A_1205], %mul3A_1202 {strides = array<i32>} : memref<16x128xf32, #tpu.memory_space<vmem>>, vector<16xf32>,
      %get3A_1207 = arith.constant 12 : i32
      %get3A_1208 = arith.index_cast %get3A_1207 : i32 to index
      %get3A_1209 = arith.constant 32 : index
      %get3A_1210 = tpu.vector_load %arg12[%get3A_1208, %get3A_1209] {strides = array<i32>} : memref<16x128xf32, #tpu.memory_space<vmem>>, vector<16xf32>,
      %mul3A_1211 = vector.broadcast %squeeze3A_1186 : f32 to vector<16xf32>
      %mul3A_1212 = arith.mulf %get3A_1210, %mul3A_1211 : vector<16xf32>
      %swap3A_1213 = arith.constant 12 : i32
      %swap3A_1214 = arith.index_cast %swap3A_1213 : i32 to index
      %swap3A_1215 = arith.constant 32 : index
      %swap3A_1216 = tpu.vector_load %arg12[%swap3A_1214, %swap3A_1215] {strides = array<i32>} : memref<16x128xf32, #tpu.memory_space<vmem>>, vector<16xf32>,
      tpu.vector_store %arg12[%swap3A_1214, %swap3A_1215], %mul3A_1212 {strides = array<i32>} : memref<16x128xf32, #tpu.memory_space<vmem>>, vector<16xf32>,
      %get3A_1217 = arith.constant 12 : i32
      %get3A_1218 = arith.index_cast %get3A_1217 : i32 to index
      %get3A_1219 = arith.constant 48 : index
      %get3A_1220 = tpu.vector_load %arg12[%get3A_1218, %get3A_1219] {strides = array<i32>} : memref<16x128xf32, #tpu.memory_space<vmem>>, vector<16xf32>,
      %mul3A_1221 = vector.broadcast %squeeze3A_1186 : f32 to vector<16xf32>
      %mul3A_1222 = arith.mulf %get3A_1220, %mul3A_1221 : vector<16xf32>
      %swap3A_1223 = arith.constant 12 : i32
      %swap3A_1224 = arith.index_cast %swap3A_1223 : i32 to index
      %swap3A_1225 = arith.constant 48 : index
      %swap3A_1226 = tpu.vector_load %arg12[%swap3A_1224, %swap3A_1225] {strides = array<i32>} : memref<16x128xf32, #tpu.memory_space<vmem>>, vector<16xf32>,
      tpu.vector_store %arg12[%swap3A_1224, %swap3A_1225], %mul3A_1222 {strides = array<i32>} : memref<16x128xf32, #tpu.memory_space<vmem>>, vector<16xf32>,
      %slice3A_1227 = vector.extract_strided_slice %select_n3A_682 {offsets = [13], sizes = [1], strides = [1]} : vector<16xf32> to vector<1xf32>
      %squeeze3A_1228 = vector.extract %slice3A_1227[0] : f32 from vector<1xf32>
      %get3A_1229 = arith.constant 13 : i32
      %get3A_1230 = arith.index_cast %get3A_1229 : i32 to index
      %get3A_1231 = arith.constant 0 : index
      %get3A_1232 = tpu.vector_load %arg12[%get3A_1230, %get3A_1231] {strides = array<i32>} : memref<16x128xf32, #tpu.memory_space<vmem>>, vector<16xf32>,
      %mul3A_1233 = vector.broadcast %squeeze3A_1228 : f32 to vector<16xf32>
      %mul3A_1234 = arith.mulf %get3A_1232, %mul3A_1233 : vector<16xf32>
      %swap3A_1235 = arith.constant 13 : i32
      %swap3A_1236 = arith.index_cast %swap3A_1235 : i32 to index
      %swap3A_1237 = arith.constant 0 : index
      %swap3A_1238 = tpu.vector_load %arg12[%swap3A_1236, %swap3A_1237] {strides = array<i32>} : memref<16x128xf32, #tpu.memory_space<vmem>>, vector<16xf32>,
      tpu.vector_store %arg12[%swap3A_1236, %swap3A_1237], %mul3A_1234 {strides = array<i32>} : memref<16x128xf32, #tpu.memory_space<vmem>>, vector<16xf32>,
      %get3A_1239 = arith.constant 13 : i32
      %get3A_1240 = arith.index_cast %get3A_1239 : i32 to index
      %get3A_1241 = arith.constant 16 : index
      %get3A_1242 = tpu.vector_load %arg12[%get3A_1240, %get3A_1241] {strides = array<i32>} : memref<16x128xf32, #tpu.memory_space<vmem>>, vector<16xf32>,
      %mul3A_1243 = vector.broadcast %squeeze3A_1228 : f32 to vector<16xf32>
      %mul3A_1244 = arith.mulf %get3A_1242, %mul3A_1243 : vector<16xf32>
      %swap3A_1245 = arith.constant 13 : i32
      %swap3A_1246 = arith.index_cast %swap3A_1245 : i32 to index
      %swap3A_1247 = arith.constant 16 : index
      %swap3A_1248 = tpu.vector_load %arg12[%swap3A_1246, %swap3A_1247] {strides = array<i32>} : memref<16x128xf32, #tpu.memory_space<vmem>>, vector<16xf32>,
      tpu.vector_store %arg12[%swap3A_1246, %swap3A_1247], %mul3A_1244 {strides = array<i32>} : memref<16x128xf32, #tpu.memory_space<vmem>>, vector<16xf32>,
      %get3A_1249 = arith.constant 13 : i32
      %get3A_1250 = arith.index_cast %get3A_1249 : i32 to index
      %get3A_1251 = arith.constant 32 : index
      %get3A_1252 = tpu.vector_load %arg12[%get3A_1250, %get3A_1251] {strides = array<i32>} : memref<16x128xf32, #tpu.memory_space<vmem>>, vector<16xf32>,
      %mul3A_1253 = vector.broadcast %squeeze3A_1228 : f32 to vector<16xf32>
      %mul3A_1254 = arith.mulf %get3A_1252, %mul3A_1253 : vector<16xf32>
      %swap3A_1255 = arith.constant 13 : i32
      %swap3A_1256 = arith.index_cast %swap3A_1255 : i32 to index
      %swap3A_1257 = arith.constant 32 : index
      %swap3A_1258 = tpu.vector_load %arg12[%swap3A_1256, %swap3A_1257] {strides = array<i32>} : memref<16x128xf32, #tpu.memory_space<vmem>>, vector<16xf32>,
      tpu.vector_store %arg12[%swap3A_1256, %swap3A_1257], %mul3A_1254 {strides = array<i32>} : memref<16x128xf32, #tpu.memory_space<vmem>>, vector<16xf32>,
      %get3A_1259 = arith.constant 13 : i32
      %get3A_1260 = arith.index_cast %get3A_1259 : i32 to index
      %get3A_1261 = arith.constant 48 : index
      %get3A_1262 = tpu.vector_load %arg12[%get3A_1260, %get3A_1261] {strides = array<i32>} : memref<16x128xf32, #tpu.memory_space<vmem>>, vector<16xf32>,
      %mul3A_1263 = vector.broadcast %squeeze3A_1228 : f32 to vector<16xf32>
      %mul3A_1264 = arith.mulf %get3A_1262, %mul3A_1263 : vector<16xf32>
      %swap3A_1265 = arith.constant 13 : i32
      %swap3A_1266 = arith.index_cast %swap3A_1265 : i32 to index
      %swap3A_1267 = arith.constant 48 : index
      %swap3A_1268 = tpu.vector_load %arg12[%swap3A_1266, %swap3A_1267] {strides = array<i32>} : memref<16x128xf32, #tpu.memory_space<vmem>>, vector<16xf32>,
      tpu.vector_store %arg12[%swap3A_1266, %swap3A_1267], %mul3A_1264 {strides = array<i32>} : memref<16x128xf32, #tpu.memory_space<vmem>>, vector<16xf32>,
      %slice3A_1269 = vector.extract_strided_slice %select_n3A_682 {offsets = [14], sizes = [1], strides = [1]} : vector<16xf32> to vector<1xf32>
      %squeeze3A_1270 = vector.extract %slice3A_1269[0] : f32 from vector<1xf32>
      %get3A_1271 = arith.constant 14 : i32
      %get3A_1272 = arith.index_cast %get3A_1271 : i32 to index
      %get3A_1273 = arith.constant 0 : index
      %get3A_1274 = tpu.vector_load %arg12[%get3A_1272, %get3A_1273] {strides = array<i32>} : memref<16x128xf32, #tpu.memory_space<vmem>>, vector<16xf32>,
      %mul3A_1275 = vector.broadcast %squeeze3A_1270 : f32 to vector<16xf32>
      %mul3A_1276 = arith.mulf %get3A_1274, %mul3A_1275 : vector<16xf32>
      %swap3A_1277 = arith.constant 14 : i32
      %swap3A_1278 = arith.index_cast %swap3A_1277 : i32 to index
      %swap3A_1279 = arith.constant 0 : index
      %swap3A_1280 = tpu.vector_load %arg12[%swap3A_1278, %swap3A_1279] {strides = array<i32>} : memref<16x128xf32, #tpu.memory_space<vmem>>, vector<16xf32>,
      tpu.vector_store %arg12[%swap3A_1278, %swap3A_1279], %mul3A_1276 {strides = array<i32>} : memref<16x128xf32, #tpu.memory_space<vmem>>, vector<16xf32>,
      %get3A_1281 = arith.constant 14 : i32
      %get3A_1282 = arith.index_cast %get3A_1281 : i32 to index
      %get3A_1283 = arith.constant 16 : index
      %get3A_1284 = tpu.vector_load %arg12[%get3A_1282, %get3A_1283] {strides = array<i32>} : memref<16x128xf32, #tpu.memory_space<vmem>>, vector<16xf32>,
      %mul3A_1285 = vector.broadcast %squeeze3A_1270 : f32 to vector<16xf32>
      %mul3A_1286 = arith.mulf %get3A_1284, %mul3A_1285 : vector<16xf32>
      %swap3A_1287 = arith.constant 14 : i32
      %swap3A_1288 = arith.index_cast %swap3A_1287 : i32 to index
      %swap3A_1289 = arith.constant 16 : index
      %swap3A_1290 = tpu.vector_load %arg12[%swap3A_1288, %swap3A_1289] {strides = array<i32>} : memref<16x128xf32, #tpu.memory_space<vmem>>, vector<16xf32>,
      tpu.vector_store %arg12[%swap3A_1288, %swap3A_1289], %mul3A_1286 {strides = array<i32>} : memref<16x128xf32, #tpu.memory_space<vmem>>, vector<16xf32>,
      %get3A_1291 = arith.constant 14 : i32
      %get3A_1292 = arith.index_cast %get3A_1291 : i32 to index
      %get3A_1293 = arith.constant 32 : index
      %get3A_1294 = tpu.vector_load %arg12[%get3A_1292, %get3A_1293] {strides = array<i32>} : memref<16x128xf32, #tpu.memory_space<vmem>>, vector<16xf32>,
      %mul3A_1295 = vector.broadcast %squeeze3A_1270 : f32 to vector<16xf32>
      %mul3A_1296 = arith.mulf %get3A_1294, %mul3A_1295 : vector<16xf32>
      %swap3A_1297 = arith.constant 14 : i32
      %swap3A_1298 = arith.index_cast %swap3A_1297 : i32 to index
      %swap3A_1299 = arith.constant 32 : index
      %swap3A_1300 = tpu.vector_load %arg12[%swap3A_1298, %swap3A_1299] {strides = array<i32>} : memref<16x128xf32, #tpu.memory_space<vmem>>, vector<16xf32>,
      tpu.vector_store %arg12[%swap3A_1298, %swap3A_1299], %mul3A_1296 {strides = array<i32>} : memref<16x128xf32, #tpu.memory_space<vmem>>, vector<16xf32>,
      %get3A_1301 = arith.constant 14 : i32
      %get3A_1302 = arith.index_cast %get3A_1301 : i32 to index
      %get3A_1303 = arith.constant 48 : index
      %get3A_1304 = tpu.vector_load %arg12[%get3A_1302, %get3A_1303] {strides = array<i32>} : memref<16x128xf32, #tpu.memory_space<vmem>>, vector<16xf32>,
      %mul3A_1305 = vector.broadcast %squeeze3A_1270 : f32 to vector<16xf32>
      %mul3A_1306 = arith.mulf %get3A_1304, %mul3A_1305 : vector<16xf32>
      %swap3A_1307 = arith.constant 14 : i32
      %swap3A_1308 = arith.index_cast %swap3A_1307 : i32 to index
      %swap3A_1309 = arith.constant 48 : index
      %swap3A_1310 = tpu.vector_load %arg12[%swap3A_1308, %swap3A_1309] {strides = array<i32>} : memref<16x128xf32, #tpu.memory_space<vmem>>, vector<16xf32>,
      tpu.vector_store %arg12[%swap3A_1308, %swap3A_1309], %mul3A_1306 {strides = array<i32>} : memref<16x128xf32, #tpu.memory_space<vmem>>, vector<16xf32>,
      %slice3A_1311 = vector.extract_strided_slice %select_n3A_682 {offsets = [15], sizes = [1], strides = [1]} : vector<16xf32> to vector<1xf32>
      %squeeze3A_1312 = vector.extract %slice3A_1311[0] : f32 from vector<1xf32>
      %get3A_1313 = arith.constant 15 : i32
      %get3A_1314 = arith.index_cast %get3A_1313 : i32 to index
      %get3A_1315 = arith.constant 0 : index
      %get3A_1316 = tpu.vector_load %arg12[%get3A_1314, %get3A_1315] {strides = array<i32>} : memref<16x128xf32, #tpu.memory_space<vmem>>, vector<16xf32>,
      %mul3A_1317 = vector.broadcast %squeeze3A_1312 : f32 to vector<16xf32>
      %mul3A_1318 = arith.mulf %get3A_1316, %mul3A_1317 : vector<16xf32>
      %swap3A_1319 = arith.constant 15 : i32
      %swap3A_1320 = arith.index_cast %swap3A_1319 : i32 to index
      %swap3A_1321 = arith.constant 0 : index
      %swap3A_1322 = tpu.vector_load %arg12[%swap3A_1320, %swap3A_1321] {strides = array<i32>} : memref<16x128xf32, #tpu.memory_space<vmem>>, vector<16xf32>,
      tpu.vector_store %arg12[%swap3A_1320, %swap3A_1321], %mul3A_1318 {strides = array<i32>} : memref<16x128xf32, #tpu.memory_space<vmem>>, vector<16xf32>,
      %get3A_1323 = arith.constant 15 : i32
      %get3A_1324 = arith.index_cast %get3A_1323 : i32 to index
      %get3A_1325 = arith.constant 16 : index
      %get3A_1326 = tpu.vector_load %arg12[%get3A_1324, %get3A_1325] {strides = array<i32>} : memref<16x128xf32, #tpu.memory_space<vmem>>, vector<16xf32>,
      %mul3A_1327 = vector.broadcast %squeeze3A_1312 : f32 to vector<16xf32>
      %mul3A_1328 = arith.mulf %get3A_1326, %mul3A_1327 : vector<16xf32>
      %swap3A_1329 = arith.constant 15 : i32
      %swap3A_1330 = arith.index_cast %swap3A_1329 : i32 to index
      %swap3A_1331 = arith.constant 16 : index
      %swap3A_1332 = tpu.vector_load %arg12[%swap3A_1330, %swap3A_1331] {strides = array<i32>} : memref<16x128xf32, #tpu.memory_space<vmem>>, vector<16xf32>,
      tpu.vector_store %arg12[%swap3A_1330, %swap3A_1331], %mul3A_1328 {strides = array<i32>} : memref<16x128xf32, #tpu.memory_space<vmem>>, vector<16xf32>,
      %get3A_1333 = arith.constant 15 : i32
      %get3A_1334 = arith.index_cast %get3A_1333 : i32 to index
      %get3A_1335 = arith.constant 32 : index
      %get3A_1336 = tpu.vector_load %arg12[%get3A_1334, %get3A_1335] {strides = array<i32>} : memref<16x128xf32, #tpu.memory_space<vmem>>, vector<16xf32>,
      %mul3A_1337 = vector.broadcast %squeeze3A_1312 : f32 to vector<16xf32>
      %mul3A_1338 = arith.mulf %get3A_1336, %mul3A_1337 : vector<16xf32>
      %swap3A_1339 = arith.constant 15 : i32
      %swap3A_1340 = arith.index_cast %swap3A_1339 : i32 to index
      %swap3A_1341 = arith.constant 32 : index
      %swap3A_1342 = tpu.vector_load %arg12[%swap3A_1340, %swap3A_1341] {strides = array<i32>} : memref<16x128xf32, #tpu.memory_space<vmem>>, vector<16xf32>,
      tpu.vector_store %arg12[%swap3A_1340, %swap3A_1341], %mul3A_1338 {strides = array<i32>} : memref<16x128xf32, #tpu.memory_space<vmem>>, vector<16xf32>,
      %get3A_1343 = arith.constant 15 : i32
      %get3A_1344 = arith.index_cast %get3A_1343 : i32 to index
      %get3A_1345 = arith.constant 48 : index
      %get3A_1346 = tpu.vector_load %arg12[%get3A_1344, %get3A_1345] {strides = array<i32>} : memref<16x128xf32, #tpu.memory_space<vmem>>, vector<16xf32>,
      %mul3A_1347 = vector.broadcast %squeeze3A_1312 : f32 to vector<16xf32>
      %mul3A_1348 = arith.mulf %get3A_1346, %mul3A_1347 : vector<16xf32>
      %swap3A_1349 = arith.constant 15 : i32
      %swap3A_1350 = arith.index_cast %swap3A_1349 : i32 to index
      %swap3A_1351 = arith.constant 48 : index
      %swap3A_1352 = tpu.vector_load %arg12[%swap3A_1350, %swap3A_1351] {strides = array<i32>} : memref<16x128xf32, #tpu.memory_space<vmem>>, vector<16xf32>,
      tpu.vector_store %arg12[%swap3A_1350, %swap3A_1351], %mul3A_1348 {strides = array<i32>} : memref<16x128xf32, #tpu.memory_space<vmem>>, vector<16xf32>,
      "tpu.region"() ({
        %run_scoped3A = tpu.sem_alloc : memref<!tpu.dma_semaphore, #tpu.memory_space<semaphore_mem>>
        %dma_start3A_1353 = arith.constant 0 : i32
        %dma_start3A_1354 = arith.constant 0 : i32
        %dma_start3A_1355 = tpu.memref_slice %arg15[%dma_start3A_1353, %dma_start3A_1354] : memref<1024x128xf32, #tpu.memory_space<vmem_shared>> -> memref<1024x128xf32, #tpu.memory_space<vmem_shared>>
        tpu.enqueue_indirect_dma source(%arg12 : memref<16x128xf32, #tpu.memory_space<vmem>>) target(%dma_start3A_1355 : memref<1024x128xf32, #tpu.memory_space<vmem_shared>>) offsets(%arg14 : memref<16xi32, #tpu.memory_space<vmem>>) semaphore(%run_scoped3A : memref<!tpu.dma_semaphore, #tpu.memory_space<semaphore_mem>>) {add = true}
        %dma_wait3A_1356 = arith.constant 0 : i32
        %dma_wait3A_1357 = arith.constant 0 : i32
        %dma_wait3A_1358 = tpu.memref_slice %arg15[%dma_wait3A_1356, %dma_wait3A_1357] : memref<1024x128xf32, #tpu.memory_space<vmem_shared>> -> memref<1024x128xf32, #tpu.memory_space<vmem_shared>>
        tpu.wait_indirect_dma semaphore(%run_scoped3A : memref<!tpu.dma_semaphore, #tpu.memory_space<semaphore_mem>>) src(%arg12 : memref<16x128xf32, #tpu.memory_space<vmem>>) dst(%dma_wait3A_1358 : memref<1024x128xf32, #tpu.memory_space<vmem_shared>>)
        tpu.yield
      }) : () -> ()
    }
    %while3A_580 = arith.constant 1 : i32
    scf.for %while3A_614 = %while3A_578 to %while3A_574 step %while3A_580  : i32 {
      %mul3A_615 = arith.constant 16 : i32
      %mul3A_616 = arith.muli %while3A_614, %mul3A_615 : i32
      %get3A_617 = arith.index_cast %mul3A_616 : i32 to index
      %get3A_618 = tpu.vector_load %arg10[%get3A_617] {strides = array<i32>} : memref<16384xi32, #tpu.memory_space<vmem>>, vector<16xi32>,
      %mul3A_619 = arith.constant 16 : i32
      %mul3A_620 = arith.muli %while3A_614, %mul3A_619 : i32
      %add3A_621 = vector.broadcast %mul3A_620 : i32 to vector<16xi32>
      %add3A_622 = arith.addi %add3A_621, %iota3A : vector<16xi32>
      %lt3A = vector.broadcast %reduce_max3A_546 : i32 to vector<16xi32>
      %lt3A_623 = arith.cmpi slt, %add3A_622, %lt3A : vector<16xi32>
      %jit3A_624 = arith.constant 0 : i32
      %broadcast_in_dim3A_625 = vector.broadcast %jit3A_624 : i32 to vector<16xi32>
      %select_n3A_626 = arith.select %lt3A_623, %get3A_618, %broadcast_in_dim3A_625 : vector<16xi1>, vector<16xi32>
      %jit3A_627 = arith.constant 1024 : i32
      %div3A_628 = vector.broadcast %jit3A_627 : i32 to vector<16xi32>
      %div3A_629 = arith.divsi %select_n3A_626, %div3A_628 : vector<16xi32>
      %sign3A_630 = arith.constant 0 : i32
      %sign3A_631 = vector.broadcast %sign3A_630 : i32 to vector<16xi32>
      %sign3A_632 = arith.cmpi sgt, %select_n3A_626, %sign3A_631 : vector<16xi32>
      %sign3A_633 = arith.extui %sign3A_632 : vector<16xi1> to vector<16xi32>
      %sign3A_634 = arith.constant 0 : i32
      %sign3A_635 = vector.broadcast %sign3A_634 : i32 to vector<16xi32>
      %sign3A_636 = arith.cmpi slt, %select_n3A_626, %sign3A_635 : vector<16xi32>
      %sign3A_637 = arith.extui %sign3A_636 : vector<16xi1> to vector<16xi32>
      %sign3A_638 = arith.subi %sign3A_633, %sign3A_637 : vector<16xi32>
      %sign3A_639 = arith.constant 0 : i32
      %sign3A_640 = arith.cmpi sgt, %jit3A_627, %sign3A_639 : i32
      %sign3A_641 = arith.extui %sign3A_640 : i1 to i32
      %sign3A_642 = arith.constant 0 : i32
      %sign3A_643 = arith.cmpi slt, %jit3A_627, %sign3A_642 : i32
      %sign3A_644 = arith.extui %sign3A_643 : i1 to i32
      %sign3A_645 = arith.subi %sign3A_641, %sign3A_644 : i32
      %ne3A_646 = vector.broadcast %sign3A_645 : i32 to vector<16xi32>
      %ne3A_647 = arith.cmpi ne, %sign3A_638, %ne3A_646 : vector<16xi32>
      %rem3A_648 = vector.broadcast %jit3A_627 : i32 to vector<16xi32>
      %rem3A_649 = arith.remsi %select_n3A_626, %rem3A_648 : vector<16xi32>
      %ne3A_650 = arith.constant 0 : i32
      %ne3A_651 = vector.broadcast %ne3A_650 : i32 to vector<16xi32>
      %ne3A_652 = arith.cmpi ne, %rem3A_649, %ne3A_651 : vector<16xi32>
      %and3A_653 = arith.andi %ne3A_647, %ne3A_652 : vector<16xi1>
      %sub3A_654 = arith.constant 1 : i32
      %sub3A_655 = vector.broadcast %sub3A_654 : i32 to vector<16xi32>
      %sub3A_656 = arith.subi %div3A_629, %sub3A_655 : vector<16xi32>
      %select_n3A_657 = arith.select %and3A_653, %sub3A_656, %div3A_629 : vector<16xi1>, vector<16xi32>
      %mul3A_658 = arith.constant 1024 : i32
      %mul3A_659 = vector.broadcast %mul3A_658 : i32 to vector<16xi32>
      %mul3A_660 = arith.muli %select_n3A_657, %mul3A_659 : vector<16xi32>
      %sub3A_661 = arith.subi %select_n3A_626, %mul3A_660 : vector<16xi32>
      %swap3A_662 = arith.constant 0 : index
      %swap3A_663 = tpu.vector_load %arg13[%swap3A_662] {strides = array<i32>} : memref<16xi32, #tpu.memory_space<vmem>>, vector<16xi32>,
      tpu.vector_store %arg13[%swap3A_662], %select_n3A_657 {strides = array<i32>} : memref<16xi32, #tpu.memory_space<vmem>>, vector<16xi32>,
      %swap3A_664 = arith.constant 0 : index
      %swap3A_665 = tpu.vector_load %arg14[%swap3A_664] {strides = array<i32>} : memref<16xi32, #tpu.memory_space<vmem>>, vector<16xi32>,
      tpu.vector_store %arg14[%swap3A_664], %sub3A_661 {strides = array<i32>} : memref<16xi32, #tpu.memory_space<vmem>>, vector<16xi32>,
      %dma_start3A_666 = arith.constant 0 : i32
      %dma_start3A_667 = arith.constant 0 : i32
      %dma_start3A_668 = tpu.memref_slice %arg5[%dma_start3A_666, %dma_start3A_667] : memref<50000x128xf32, #tpu.memory_space<hbm>> -> memref<50000x128xf32, #tpu.memory_space<hbm>>
      tpu.enqueue_indirect_dma source(%dma_start3A_668 : memref<50000x128xf32, #tpu.memory_space<hbm>>) target(%arg12 : memref<16x128xf32, #tpu.memory_space<vmem>>) offsets(%arg13 : memref<16xi32, #tpu.memory_space<vmem>>) semaphore(%arg16 : memref<!tpu.dma_semaphore, #tpu.memory_space<semaphore_mem>>)
      %dma_wait3A_669 = arith.constant 0 : i32
      %dma_wait3A_670 = arith.constant 0 : i32
      %dma_wait3A_671 = tpu.memref_slice %arg5[%dma_wait3A_669, %dma_wait3A_670] : memref<50000x128xf32, #tpu.memory_space<hbm>> -> memref<50000x128xf32, #tpu.memory_space<hbm>>
      tpu.wait_indirect_dma semaphore(%arg16 : memref<!tpu.dma_semaphore, #tpu.memory_space<semaphore_mem>>) src(%dma_wait3A_671 : memref<50000x128xf32, #tpu.memory_space<hbm>>) dst(%arg12 : memref<16x128xf32, #tpu.memory_space<vmem>>)
      %gather3A = tpu.vector_load_idx %arg12[%iota3A, %broadcast_in_dim3A_566] : memref<16x128xf32, #tpu.memory_space<vmem>>[vector<16xi32>, vector<16xi32>], vector<16xf32>,
      %gather3A_672 = tpu.vector_load_idx %arg8[%sub3A_661] : memref<1024xf32, #tpu.memory_space<vmem>>[vector<16xi32>], vector<16xf32>,
      %add3A_673 = arith.addf %gather3A, %gather3A_672 : vector<16xf32>
      %gt3A = arith.constant 0.000000e+00 : f32
      %gt3A_674 = vector.broadcast %gt3A : f32 to vector<16xf32>
      %gt3A_675 = arith.cmpf ogt, %add3A_673, %gt3A_674 : vector<16xf32>
      %mul3A_676 = arith.constant 2.000000e-01 : f32
      %mul3A_677 = vector.broadcast %mul3A_676 : f32 to vector<16xf32>
      %mul3A_678 = arith.mulf %mul3A_677, %add3A_673 : vector<16xf32>
      %select_n3A_679 = arith.select %gt3A_675, %add3A_673, %mul3A_678 : vector<16xi1>, vector<16xf32>
      %exp3A = math.exp %select_n3A_679 : vector<16xf32>
      %jit3A_680 = arith.constant 0.000000e+00 : f32
      %broadcast_in_dim3A_681 = vector.broadcast %jit3A_680 : f32 to vector<16xf32>
      %select_n3A_682 = arith.select %lt3A_623, %exp3A, %broadcast_in_dim3A_681 : vector<16xi1>, vector<16xf32>
      tpu.vector_store_idx %arg9[%sub3A_661], %select_n3A_682 masked %lt3A_623 {add = true} : memref<1024xf32, #tpu.memory_space<vmem>>[vector<16xi32>], vector<16xf32>, vector<16xi1>
      %slice3A = vector.extract_strided_slice %select_n3A_682 {offsets = [0], sizes = [1], strides = [1]} : vector<16xf32> to vector<1xf32>
      %squeeze3A = vector.extract %slice3A[0] : f32 from vector<1xf32>
      %get3A_683 = arith.constant 0 : i32
      %get3A_684 = arith.index_cast %get3A_683 : i32 to index
      %get3A_685 = arith.constant 0 : index
      %get3A_686 = tpu.vector_load %arg12[%get3A_684, %get3A_685] {strides = array<i32>} : memref<16x128xf32, #tpu.memory_space<vmem>>, vector<16xf32>,
      %mul3A_687 = vector.broadcast %squeeze3A : f32 to vector<16xf32>
      %mul3A_688 = arith.mulf %get3A_686, %mul3A_687 : vector<16xf32>
      %swap3A_689 = arith.constant 0 : i32
      %swap3A_690 = arith.index_cast %swap3A_689 : i32 to index
      %swap3A_691 = arith.constant 0 : index
      %swap3A_692 = tpu.vector_load %arg12[%swap3A_690, %swap3A_691] {strides = array<i32>} : memref<16x128xf32, #tpu.memory_space<vmem>>, vector<16xf32>,
      tpu.vector_store %arg12[%swap3A_690, %swap3A_691], %mul3A_688 {strides = array<i32>} : memref<16x128xf32, #tpu.memory_space<vmem>>, vector<16xf32>,
      %get3A_693 = arith.constant 0 : i32
      %get3A_694 = arith.index_cast %get3A_693 : i32 to index
      %get3A_695 = arith.constant 16 : index
      %get3A_696 = tpu.vector_load %arg12[%get3A_694, %get3A_695] {strides = array<i32>} : memref<16x128xf32, #tpu.memory_space<vmem>>, vector<16xf32>,
      %mul3A_697 = vector.broadcast %squeeze3A : f32 to vector<16xf32>
      %mul3A_698 = arith.mulf %get3A_696, %mul3A_697 : vector<16xf32>
      %swap3A_699 = arith.constant 0 : i32
      %swap3A_700 = arith.index_cast %swap3A_699 : i32 to index
      %swap3A_701 = arith.constant 16 : index
      %swap3A_702 = tpu.vector_load %arg12[%swap3A_700, %swap3A_701] {strides = array<i32>} : memref<16x128xf32, #tpu.memory_space<vmem>>, vector<16xf32>,
      tpu.vector_store %arg12[%swap3A_700, %swap3A_701], %mul3A_698 {strides = array<i32>} : memref<16x128xf32, #tpu.memory_space<vmem>>, vector<16xf32>,
      %get3A_703 = arith.constant 0 : i32
      %get3A_704 = arith.index_cast %get3A_703 : i32 to index
      %get3A_705 = arith.constant 32 : index
      %get3A_706 = tpu.vector_load %arg12[%get3A_704, %get3A_705] {strides = array<i32>} : memref<16x128xf32, #tpu.memory_space<vmem>>, vector<16xf32>,
      %mul3A_707 = vector.broadcast %squeeze3A : f32 to vector<16xf32>
      %mul3A_708 = arith.mulf %get3A_706, %mul3A_707 : vector<16xf32>
      %swap3A_709 = arith.constant 0 : i32
      %swap3A_710 = arith.index_cast %swap3A_709 : i32 to index
      %swap3A_711 = arith.constant 32 : index
      %swap3A_712 = tpu.vector_load %arg12[%swap3A_710, %swap3A_711] {strides = array<i32>} : memref<16x128xf32, #tpu.memory_space<vmem>>, vector<16xf32>,
      tpu.vector_store %arg12[%swap3A_710, %swap3A_711], %mul3A_708 {strides = array<i32>} : memref<16x128xf32, #tpu.memory_space<vmem>>, vector<16xf32>,
      %get3A_713 = arith.constant 0 : i32
      %get3A_714 = arith.index_cast %get3A_713 : i32 to index
      %get3A_715 = arith.constant 48 : index
      %get3A_716 = tpu.vector_load %arg12[%get3A_714, %get3A_715] {strides = array<i32>} : memref<16x128xf32, #tpu.memory_space<vmem>>, vector<16xf32>,
      %mul3A_717 = vector.broadcast %squeeze3A : f32 to vector<16xf32>
      %mul3A_718 = arith.mulf %get3A_716, %mul3A_717 : vector<16xf32>
      %swap3A_719 = arith.constant 0 : i32
      %swap3A_720 = arith.index_cast %swap3A_719 : i32 to index
      %swap3A_721 = arith.constant 48 : index
      %swap3A_722 = tpu.vector_load %arg12[%swap3A_720, %swap3A_721] {strides = array<i32>} : memref<16x128xf32, #tpu.memory_space<vmem>>, vector<16xf32>,
      tpu.vector_store %arg12[%swap3A_720, %swap3A_721], %mul3A_718 {strides = array<i32>} : memref<16x128xf32, #tpu.memory_space<vmem>>, vector<16xf32>,
      %slice3A_723 = vector.extract_strided_slice %select_n3A_682 {offsets = [1], sizes = [1], strides = [1]} : vector<16xf32> to vector<1xf32>
      %squeeze3A_724 = vector.extract %slice3A_723[0] : f32 from vector<1xf32>
      %get3A_725 = arith.constant 1 : i32
      %get3A_726 = arith.index_cast %get3A_725 : i32 to index
      %get3A_727 = arith.constant 0 : index
      %get3A_728 = tpu.vector_load %arg12[%get3A_726, %get3A_727] {strides = array<i32>} : memref<16x128xf32, #tpu.memory_space<vmem>>, vector<16xf32>,
      %mul3A_729 = vector.broadcast %squeeze3A_724 : f32 to vector<16xf32>
      %mul3A_730 = arith.mulf %get3A_728, %mul3A_729 : vector<16xf32>
      %swap3A_731 = arith.constant 1 : i32
      %swap3A_732 = arith.index_cast %swap3A_731 : i32 to index
      %swap3A_733 = arith.constant 0 : index
      %swap3A_734 = tpu.vector_load %arg12[%swap3A_732, %swap3A_733] {strides = array<i32>} : memref<16x128xf32, #tpu.memory_space<vmem>>, vector<16xf32>,
      tpu.vector_store %arg12[%swap3A_732, %swap3A_733], %mul3A_730 {strides = array<i32>} : memref<16x128xf32, #tpu.memory_space<vmem>>, vector<16xf32>,
      %get3A_735 = arith.constant 1 : i32
      %get3A_736 = arith.index_cast %get3A_735 : i32 to index
      %get3A_737 = arith.constant 16 : index
      %get3A_738 = tpu.vector_load %arg12[%get3A_736, %get3A_737] {strides = array<i32>} : memref<16x128xf32, #tpu.memory_space<vmem>>, vector<16xf32>,
      %mul3A_739 = vector.broadcast %squeeze3A_724 : f32 to vector<16xf32>
      %mul3A_740 = arith.mulf %get3A_738, %mul3A_739 : vector<16xf32>
      %swap3A_741 = arith.constant 1 : i32
      %swap3A_742 = arith.index_cast %swap3A_741 : i32 to index
      %swap3A_743 = arith.constant 16 : index
      %swap3A_744 = tpu.vector_load %arg12[%swap3A_742, %swap3A_743] {strides = array<i32>} : memref<16x128xf32, #tpu.memory_space<vmem>>, vector<16xf32>,
      tpu.vector_store %arg12[%swap3A_742, %swap3A_743], %mul3A_740 {strides = array<i32>} : memref<16x128xf32, #tpu.memory_space<vmem>>, vector<16xf32>,
      %get3A_745 = arith.constant 1 : i32
      %get3A_746 = arith.index_cast %get3A_745 : i32 to index
      %get3A_747 = arith.constant 32 : index
      %get3A_748 = tpu.vector_load %arg12[%get3A_746, %get3A_747] {strides = array<i32>} : memref<16x128xf32, #tpu.memory_space<vmem>>, vector<16xf32>,
      %mul3A_749 = vector.broadcast %squeeze3A_724 : f32 to vector<16xf32>
      %mul3A_750 = arith.mulf %get3A_748, %mul3A_749 : vector<16xf32>
      %swap3A_751 = arith.constant 1 : i32
      %swap3A_752 = arith.index_cast %swap3A_751 : i32 to index
      %swap3A_753 = arith.constant 32 : index
      %swap3A_754 = tpu.vector_load %arg12[%swap3A_752, %swap3A_753] {strides = array<i32>} : memref<16x128xf32, #tpu.memory_space<vmem>>, vector<16xf32>,
      tpu.vector_store %arg12[%swap3A_752, %swap3A_753], %mul3A_750 {strides = array<i32>} : memref<16x128xf32, #tpu.memory_space<vmem>>, vector<16xf32>,
      %get3A_755 = arith.constant 1 : i32
      %get3A_756 = arith.index_cast %get3A_755 : i32 to index
      %get3A_757 = arith.constant 48 : index
      %get3A_758 = tpu.vector_load %arg12[%get3A_756, %get3A_757] {strides = array<i32>} : memref<16x128xf32, #tpu.memory_space<vmem>>, vector<16xf32>,
      %mul3A_759 = vector.broadcast %squeeze3A_724 : f32 to vector<16xf32>
      %mul3A_760 = arith.mulf %get3A_758, %mul3A_759 : vector<16xf32>
      %swap3A_761 = arith.constant 1 : i32
      %swap3A_762 = arith.index_cast %swap3A_761 : i32 to index
      %swap3A_763 = arith.constant 48 : index
      %swap3A_764 = tpu.vector_load %arg12[%swap3A_762, %swap3A_763] {strides = array<i32>} : memref<16x128xf32, #tpu.memory_space<vmem>>, vector<16xf32>,
      tpu.vector_store %arg12[%swap3A_762, %swap3A_763], %mul3A_760 {strides = array<i32>} : memref<16x128xf32, #tpu.memory_space<vmem>>, vector<16xf32>,
      %slice3A_765 = vector.extract_strided_slice %select_n3A_682 {offsets = [2], sizes = [1], strides = [1]} : vector<16xf32> to vector<1xf32>
      %squeeze3A_766 = vector.extract %slice3A_765[0] : f32 from vector<1xf32>
      %get3A_767 = arith.constant 2 : i32
      %get3A_768 = arith.index_cast %get3A_767 : i32 to index
      %get3A_769 = arith.constant 0 : index
      %get3A_770 = tpu.vector_load %arg12[%get3A_768, %get3A_769] {strides = array<i32>} : memref<16x128xf32, #tpu.memory_space<vmem>>, vector<16xf32>,
      %mul3A_771 = vector.broadcast %squeeze3A_766 : f32 to vector<16xf32>
      %mul3A_772 = arith.mulf %get3A_770, %mul3A_771 : vector<16xf32>
      %swap3A_773 = arith.constant 2 : i32
      %swap3A_774 = arith.index_cast %swap3A_773 : i32 to index
      %swap3A_775 = arith.constant 0 : index
      %swap3A_776 = tpu.vector_load %arg12[%swap3A_774, %swap3A_775] {strides = array<i32>} : memref<16x128xf32, #tpu.memory_space<vmem>>, vector<16xf32>,
      tpu.vector_store %arg12[%swap3A_774, %swap3A_775], %mul3A_772 {strides = array<i32>} : memref<16x128xf32, #tpu.memory_space<vmem>>, vector<16xf32>,
      %get3A_777 = arith.constant 2 : i32
      %get3A_778 = arith.index_cast %get3A_777 : i32 to index
      %get3A_779 = arith.constant 16 : index
      %get3A_780 = tpu.vector_load %arg12[%get3A_778, %get3A_779] {strides = array<i32>} : memref<16x128xf32, #tpu.memory_space<vmem>>, vector<16xf32>,
      %mul3A_781 = vector.broadcast %squeeze3A_766 : f32 to vector<16xf32>
      %mul3A_782 = arith.mulf %get3A_780, %mul3A_781 : vector<16xf32>
      %swap3A_783 = arith.constant 2 : i32
      %swap3A_784 = arith.index_cast %swap3A_783 : i32 to index
      %swap3A_785 = arith.constant 16 : index
      %swap3A_786 = tpu.vector_load %arg12[%swap3A_784, %swap3A_785] {strides = array<i32>} : memref<16x128xf32, #tpu.memory_space<vmem>>, vector<16xf32>,
      tpu.vector_store %arg12[%swap3A_784, %swap3A_785], %mul3A_782 {strides = array<i32>} : memref<16x128xf32, #tpu.memory_space<vmem>>, vector<16xf32>,
      %get3A_787 = arith.constant 2 : i32
      %get3A_788 = arith.index_cast %get3A_787 : i32 to index
      %get3A_789 = arith.constant 32 : index
      %get3A_790 = tpu.vector_load %arg12[%get3A_788, %get3A_789] {strides = array<i32>} : memref<16x128xf32, #tpu.memory_space<vmem>>, vector<16xf32>,
      %mul3A_791 = vector.broadcast %squeeze3A_766 : f32 to vector<16xf32>
      %mul3A_792 = arith.mulf %get3A_790, %mul3A_791 : vector<16xf32>
      %swap3A_793 = arith.constant 2 : i32
      %swap3A_794 = arith.index_cast %swap3A_793 : i32 to index
      %swap3A_795 = arith.constant 32 : index
      %swap3A_796 = tpu.vector_load %arg12[%swap3A_794, %swap3A_795] {strides = array<i32>} : memref<16x128xf32, #tpu.memory_space<vmem>>, vector<16xf32>,
      tpu.vector_store %arg12[%swap3A_794, %swap3A_795], %mul3A_792 {strides = array<i32>} : memref<16x128xf32, #tpu.memory_space<vmem>>, vector<16xf32>,
      %get3A_797 = arith.constant 2 : i32
      %get3A_798 = arith.index_cast %get3A_797 : i32 to index
      %get3A_799 = arith.constant 48 : index
      %get3A_800 = tpu.vector_load %arg12[%get3A_798, %get3A_799] {strides = array<i32>} : memref<16x128xf32, #tpu.memory_space<vmem>>, vector<16xf32>,
      %mul3A_801 = vector.broadcast %squeeze3A_766 : f32 to vector<16xf32>
      %mul3A_802 = arith.mulf %get3A_800, %mul3A_801 : vector<16xf32>
      %swap3A_803 = arith.constant 2 : i32
      %swap3A_804 = arith.index_cast %swap3A_803 : i32 to index
      %swap3A_805 = arith.constant 48 : index
      %swap3A_806 = tpu.vector_load %arg12[%swap3A_804, %swap3A_805] {strides = array<i32>} : memref<16x128xf32, #tpu.memory_space<vmem>>, vector<16xf32>,
      tpu.vector_store %arg12[%swap3A_804, %swap3A_805], %mul3A_802 {strides = array<i32>} : memref<16x128xf32, #tpu.memory_space<vmem>>, vector<16xf32>,
      %slice3A_807 = vector.extract_strided_slice %select_n3A_682 {offsets = [3], sizes = [1], strides = [1]} : vector<16xf32> to vector<1xf32>
      %squeeze3A_808 = vector.extract %slice3A_807[0] : f32 from vector<1xf32>
      %get3A_809 = arith.constant 3 : i32
      %get3A_810 = arith.index_cast %get3A_809 : i32 to index
      %get3A_811 = arith.constant 0 : index
      %get3A_812 = tpu.vector_load %arg12[%get3A_810, %get3A_811] {strides = array<i32>} : memref<16x128xf32, #tpu.memory_space<vmem>>, vector<16xf32>,
      %mul3A_813 = vector.broadcast %squeeze3A_808 : f32 to vector<16xf32>
      %mul3A_814 = arith.mulf %get3A_812, %mul3A_813 : vector<16xf32>
      %swap3A_815 = arith.constant 3 : i32
      %swap3A_816 = arith.index_cast %swap3A_815 : i32 to index
      %swap3A_817 = arith.constant 0 : index
      %swap3A_818 = tpu.vector_load %arg12[%swap3A_816, %swap3A_817] {strides = array<i32>} : memref<16x128xf32, #tpu.memory_space<vmem>>, vector<16xf32>,
      tpu.vector_store %arg12[%swap3A_816, %swap3A_817], %mul3A_814 {strides = array<i32>} : memref<16x128xf32, #tpu.memory_space<vmem>>, vector<16xf32>,
      %get3A_819 = arith.constant 3 : i32
      %get3A_820 = arith.index_cast %get3A_819 : i32 to index
      %get3A_821 = arith.constant 16 : index
      %get3A_822 = tpu.vector_load %arg12[%get3A_820, %get3A_821] {strides = array<i32>} : memref<16x128xf32, #tpu.memory_space<vmem>>, vector<16xf32>,
      %mul3A_823 = vector.broadcast %squeeze3A_808 : f32 to vector<16xf32>
      %mul3A_824 = arith.mulf %get3A_822, %mul3A_823 : vector<16xf32>
      %swap3A_825 = arith.constant 3 : i32
      %swap3A_826 = arith.index_cast %swap3A_825 : i32 to index
      %swap3A_827 = arith.constant 16 : index
      %swap3A_828 = tpu.vector_load %arg12[%swap3A_826, %swap3A_827] {strides = array<i32>} : memref<16x128xf32, #tpu.memory_space<vmem>>, vector<16xf32>,
      tpu.vector_store %arg12[%swap3A_826, %swap3A_827], %mul3A_824 {strides = array<i32>} : memref<16x128xf32, #tpu.memory_space<vmem>>, vector<16xf32>,
      %get3A_829 = arith.constant 3 : i32
      %get3A_830 = arith.index_cast %get3A_829 : i32 to index
      %get3A_831 = arith.constant 32 : index
      %get3A_832 = tpu.vector_load %arg12[%get3A_830, %get3A_831] {strides = array<i32>} : memref<16x128xf32, #tpu.memory_space<vmem>>, vector<16xf32>,
      %mul3A_833 = vector.broadcast %squeeze3A_808 : f32 to vector<16xf32>
      %mul3A_834 = arith.mulf %get3A_832, %mul3A_833 : vector<16xf32>
      %swap3A_835 = arith.constant 3 : i32
      %swap3A_836 = arith.index_cast %swap3A_835 : i32 to index
      %swap3A_837 = arith.constant 32 : index
      %swap3A_838 = tpu.vector_load %arg12[%swap3A_836, %swap3A_837] {strides = array<i32>} : memref<16x128xf32, #tpu.memory_space<vmem>>, vector<16xf32>,
      tpu.vector_store %arg12[%swap3A_836, %swap3A_837], %mul3A_834 {strides = array<i32>} : memref<16x128xf32, #tpu.memory_space<vmem>>, vector<16xf32>,
      %get3A_839 = arith.constant 3 : i32
      %get3A_840 = arith.index_cast %get3A_839 : i32 to index
      %get3A_841 = arith.constant 48 : index
      %get3A_842 = tpu.vector_load %arg12[%get3A_840, %get3A_841] {strides = array<i32>} : memref<16x128xf32, #tpu.memory_space<vmem>>, vector<16xf32>,
      %mul3A_843 = vector.broadcast %squeeze3A_808 : f32 to vector<16xf32>
      %mul3A_844 = arith.mulf %get3A_842, %mul3A_843 : vector<16xf32>
      %swap3A_845 = arith.constant 3 : i32
      %swap3A_846 = arith.index_cast %swap3A_845 : i32 to index
      %swap3A_847 = arith.constant 48 : index
      %swap3A_848 = tpu.vector_load %arg12[%swap3A_846, %swap3A_847] {strides = array<i32>} : memref<16x128xf32, #tpu.memory_space<vmem>>, vector<16xf32>,
      tpu.vector_store %arg12[%swap3A_846, %swap3A_847], %mul3A_844 {strides = array<i32>} : memref<16x128xf32, #tpu.memory_space<vmem>>, vector<16xf32>,
      %slice3A_849 = vector.extract_strided_slice %select_n3A_682 {offsets = [4], sizes = [1], strides = [1]} : vector<16xf32> to vector<1xf32>
      %squeeze3A_850 = vector.extract %slice3A_849[0] : f32 from vector<1xf32>
      %get3A_851 = arith.constant 4 : i32
      %get3A_852 = arith.index_cast %get3A_851 : i32 to index
      %get3A_853 = arith.constant 0 : index
      %get3A_854 = tpu.vector_load %arg12[%get3A_852, %get3A_853] {strides = array<i32>} : memref<16x128xf32, #tpu.memory_space<vmem>>, vector<16xf32>,
      %mul3A_855 = vector.broadcast %squeeze3A_850 : f32 to vector<16xf32>
      %mul3A_856 = arith.mulf %get3A_854, %mul3A_855 : vector<16xf32>
      %swap3A_857 = arith.constant 4 : i32
      %swap3A_858 = arith.index_cast %swap3A_857 : i32 to index
      %swap3A_859 = arith.constant 0 : index
      %swap3A_860 = tpu.vector_load %arg12[%swap3A_858, %swap3A_859] {strides = array<i32>} : memref<16x128xf32, #tpu.memory_space<vmem>>, vector<16xf32>,
      tpu.vector_store %arg12[%swap3A_858, %swap3A_859], %mul3A_856 {strides = array<i32>} : memref<16x128xf32, #tpu.memory_space<vmem>>, vector<16xf32>,
      %get3A_861 = arith.constant 4 : i32
      %get3A_862 = arith.index_cast %get3A_861 : i32 to index
      %get3A_863 = arith.constant 16 : index
      %get3A_864 = tpu.vector_load %arg12[%get3A_862, %get3A_863] {strides = array<i32>} : memref<16x128xf32, #tpu.memory_space<vmem>>, vector<16xf32>,
      %mul3A_865 = vector.broadcast %squeeze3A_850 : f32 to vector<16xf32>
      %mul3A_866 = arith.mulf %get3A_864, %mul3A_865 : vector<16xf32>
      %swap3A_867 = arith.constant 4 : i32
      %swap3A_868 = arith.index_cast %swap3A_867 : i32 to index
      %swap3A_869 = arith.constant 16 : index
      %swap3A_870 = tpu.vector_load %arg12[%swap3A_868, %swap3A_869] {strides = array<i32>} : memref<16x128xf32, #tpu.memory_space<vmem>>, vector<16xf32>,
      tpu.vector_store %arg12[%swap3A_868, %swap3A_869], %mul3A_866 {strides = array<i32>} : memref<16x128xf32, #tpu.memory_space<vmem>>, vector<16xf32>,
      %get3A_871 = arith.constant 4 : i32
      %get3A_872 = arith.index_cast %get3A_871 : i32 to index
      %get3A_873 = arith.constant 32 : index
      %get3A_874 = tpu.vector_load %arg12[%get3A_872, %get3A_873] {strides = array<i32>} : memref<16x128xf32, #tpu.memory_space<vmem>>, vector<16xf32>,
      %mul3A_875 = vector.broadcast %squeeze3A_850 : f32 to vector<16xf32>
      %mul3A_876 = arith.mulf %get3A_874, %mul3A_875 : vector<16xf32>
      %swap3A_877 = arith.constant 4 : i32
      %swap3A_878 = arith.index_cast %swap3A_877 : i32 to index
      %swap3A_879 = arith.constant 32 : index
      %swap3A_880 = tpu.vector_load %arg12[%swap3A_878, %swap3A_879] {strides = array<i32>} : memref<16x128xf32, #tpu.memory_space<vmem>>, vector<16xf32>,
      tpu.vector_store %arg12[%swap3A_878, %swap3A_879], %mul3A_876 {strides = array<i32>} : memref<16x128xf32, #tpu.memory_space<vmem>>, vector<16xf32>,
      %get3A_881 = arith.constant 4 : i32
      %get3A_882 = arith.index_cast %get3A_881 : i32 to index
      %get3A_883 = arith.constant 48 : index
      %get3A_884 = tpu.vector_load %arg12[%get3A_882, %get3A_883] {strides = array<i32>} : memref<16x128xf32, #tpu.memory_space<vmem>>, vector<16xf32>,
      %mul3A_885 = vector.broadcast %squeeze3A_850 : f32 to vector<16xf32>
      %mul3A_886 = arith.mulf %get3A_884, %mul3A_885 : vector<16xf32>
      %swap3A_887 = arith.constant 4 : i32
      %swap3A_888 = arith.index_cast %swap3A_887 : i32 to index
      %swap3A_889 = arith.constant 48 : index
      %swap3A_890 = tpu.vector_load %arg12[%swap3A_888, %swap3A_889] {strides = array<i32>} : memref<16x128xf32, #tpu.memory_space<vmem>>, vector<16xf32>,
      tpu.vector_store %arg12[%swap3A_888, %swap3A_889], %mul3A_886 {strides = array<i32>} : memref<16x128xf32, #tpu.memory_space<vmem>>, vector<16xf32>,
      %slice3A_891 = vector.extract_strided_slice %select_n3A_682 {offsets = [5], sizes = [1], strides = [1]} : vector<16xf32> to vector<1xf32>
      %squeeze3A_892 = vector.extract %slice3A_891[0] : f32 from vector<1xf32>
      %get3A_893 = arith.constant 5 : i32
      %get3A_894 = arith.index_cast %get3A_893 : i32 to index
      %get3A_895 = arith.constant 0 : index
      %get3A_896 = tpu.vector_load %arg12[%get3A_894, %get3A_895] {strides = array<i32>} : memref<16x128xf32, #tpu.memory_space<vmem>>, vector<16xf32>,
      %mul3A_897 = vector.broadcast %squeeze3A_892 : f32 to vector<16xf32>
      %mul3A_898 = arith.mulf %get3A_896, %mul3A_897 : vector<16xf32>
      %swap3A_899 = arith.constant 5 : i32
      %swap3A_900 = arith.index_cast %swap3A_899 : i32 to index
      %swap3A_901 = arith.constant 0 : index
      %swap3A_902 = tpu.vector_load %arg12[%swap3A_900, %swap3A_901] {strides = array<i32>} : memref<16x128xf32, #tpu.memory_space<vmem>>, vector<16xf32>,
      tpu.vector_store %arg12[%swap3A_900, %swap3A_901], %mul3A_898 {strides = array<i32>} : memref<16x128xf32, #tpu.memory_space<vmem>>, vector<16xf32>,
      %get3A_903 = arith.constant 5 : i32
      %get3A_904 = arith.index_cast %get3A_903 : i32 to index
      %get3A_905 = arith.constant 16 : index
      %get3A_906 = tpu.vector_load %arg12[%get3A_904, %get3A_905] {strides = array<i32>} : memref<16x128xf32, #tpu.memory_space<vmem>>, vector<16xf32>,
      %mul3A_907 = vector.broadcast %squeeze3A_892 : f32 to vector<16xf32>
      %mul3A_908 = arith.mulf %get3A_906, %mul3A_907 : vector<16xf32>
      %swap3A_909 = arith.constant 5 : i32
      %swap3A_910 = arith.index_cast %swap3A_909 : i32 to index
      %swap3A_911 = arith.constant 16 : index
      %swap3A_912 = tpu.vector_load %arg12[%swap3A_910, %swap3A_911] {strides = array<i32>} : memref<16x128xf32, #tpu.memory_space<vmem>>, vector<16xf32>,
      tpu.vector_store %arg12[%swap3A_910, %swap3A_911], %mul3A_908 {strides = array<i32>} : memref<16x128xf32, #tpu.memory_space<vmem>>, vector<16xf32>,
      %get3A_913 = arith.constant 5 : i32
      %get3A_914 = arith.index_cast %get3A_913 : i32 to index
      %get3A_915 = arith.constant 32 : index
      %get3A_916 = tpu.vector_load %arg12[%get3A_914, %get3A_915] {strides = array<i32>} : memref<16x128xf32, #tpu.memory_space<vmem>>, vector<16xf32>,
      %mul3A_917 = vector.broadcast %squeeze3A_892 : f32 to vector<16xf32>
      %mul3A_918 = arith.mulf %get3A_916, %mul3A_917 : vector<16xf32>
      %swap3A_919 = arith.constant 5 : i32
      %swap3A_920 = arith.index_cast %swap3A_919 : i32 to index
      %swap3A_921 = arith.constant 32 : index
      %swap3A_922 = tpu.vector_load %arg12[%swap3A_920, %swap3A_921] {strides = array<i32>} : memref<16x128xf32, #tpu.memory_space<vmem>>, vector<16xf32>,
      tpu.vector_store %arg12[%swap3A_920, %swap3A_921], %mul3A_918 {strides = array<i32>} : memref<16x128xf32, #tpu.memory_space<vmem>>, vector<16xf32>,
      %get3A_923 = arith.constant 5 : i32
      %get3A_924 = arith.index_cast %get3A_923 : i32 to index
      %get3A_925 = arith.constant 48 : index
      %get3A_926 = tpu.vector_load %arg12[%get3A_924, %get3A_925] {strides = array<i32>} : memref<16x128xf32, #tpu.memory_space<vmem>>, vector<16xf32>,
      %mul3A_927 = vector.broadcast %squeeze3A_892 : f32 to vector<16xf32>
      %mul3A_928 = arith.mulf %get3A_926, %mul3A_927 : vector<16xf32>
      %swap3A_929 = arith.constant 5 : i32
      %swap3A_930 = arith.index_cast %swap3A_929 : i32 to index
      %swap3A_931 = arith.constant 48 : index
      %swap3A_932 = tpu.vector_load %arg12[%swap3A_930, %swap3A_931] {strides = array<i32>} : memref<16x128xf32, #tpu.memory_space<vmem>>, vector<16xf32>,
      tpu.vector_store %arg12[%swap3A_930, %swap3A_931], %mul3A_928 {strides = array<i32>} : memref<16x128xf32, #tpu.memory_space<vmem>>, vector<16xf32>,
      %slice3A_933 = vector.extract_strided_slice %select_n3A_682 {offsets = [6], sizes = [1], strides = [1]} : vector<16xf32> to vector<1xf32>
      %squeeze3A_934 = vector.extract %slice3A_933[0] : f32 from vector<1xf32>
      %get3A_935 = arith.constant 6 : i32
      %get3A_936 = arith.index_cast %get3A_935 : i32 to index
      %get3A_937 = arith.constant 0 : index
      %get3A_938 = tpu.vector_load %arg12[%get3A_936, %get3A_937] {strides = array<i32>} : memref<16x128xf32, #tpu.memory_space<vmem>>, vector<16xf32>,
      %mul3A_939 = vector.broadcast %squeeze3A_934 : f32 to vector<16xf32>
      %mul3A_940 = arith.mulf %get3A_938, %mul3A_939 : vector<16xf32>
      %swap3A_941 = arith.constant 6 : i32
      %swap3A_942 = arith.index_cast %swap3A_941 : i32 to index
      %swap3A_943 = arith.constant 0 : index
      %swap3A_944 = tpu.vector_load %arg12[%swap3A_942, %swap3A_943] {strides = array<i32>} : memref<16x128xf32, #tpu.memory_space<vmem>>, vector<16xf32>,
      tpu.vector_store %arg12[%swap3A_942, %swap3A_943], %mul3A_940 {strides = array<i32>} : memref<16x128xf32, #tpu.memory_space<vmem>>, vector<16xf32>,
      %get3A_945 = arith.constant 6 : i32
      %get3A_946 = arith.index_cast %get3A_945 : i32 to index
      %get3A_947 = arith.constant 16 : index
      %get3A_948 = tpu.vector_load %arg12[%get3A_946, %get3A_947] {strides = array<i32>} : memref<16x128xf32, #tpu.memory_space<vmem>>, vector<16xf32>,
      %mul3A_949 = vector.broadcast %squeeze3A_934 : f32 to vector<16xf32>
      %mul3A_950 = arith.mulf %get3A_948, %mul3A_949 : vector<16xf32>
      %swap3A_951 = arith.constant 6 : i32
      %swap3A_952 = arith.index_cast %swap3A_951 : i32 to index
      %swap3A_953 = arith.constant 16 : index
      %swap3A_954 = tpu.vector_load %arg12[%swap3A_952, %swap3A_953] {strides = array<i32>} : memref<16x128xf32, #tpu.memory_space<vmem>>, vector<16xf32>,
      tpu.vector_store %arg12[%swap3A_952, %swap3A_953], %mul3A_950 {strides = array<i32>} : memref<16x128xf32, #tpu.memory_space<vmem>>, vector<16xf32>,
      %get3A_955 = arith.constant 6 : i32
      %get3A_956 = arith.index_cast %get3A_955 : i32 to index
      %get3A_957 = arith.constant 32 : index
      %get3A_958 = tpu.vector_load %arg12[%get3A_956, %get3A_957] {strides = array<i32>} : memref<16x128xf32, #tpu.memory_space<vmem>>, vector<16xf32>,
      %mul3A_959 = vector.broadcast %squeeze3A_934 : f32 to vector<16xf32>
      %mul3A_960 = arith.mulf %get3A_958, %mul3A_959 : vector<16xf32>
      %swap3A_961 = arith.constant 6 : i32
      %swap3A_962 = arith.index_cast %swap3A_961 : i32 to index
      %swap3A_963 = arith.constant 32 : index
      %swap3A_964 = tpu.vector_load %arg12[%swap3A_962, %swap3A_963] {strides = array<i32>} : memref<16x128xf32, #tpu.memory_space<vmem>>, vector<16xf32>,
      tpu.vector_store %arg12[%swap3A_962, %swap3A_963], %mul3A_960 {strides = array<i32>} : memref<16x128xf32, #tpu.memory_space<vmem>>, vector<16xf32>,
      %get3A_965 = arith.constant 6 : i32
      %get3A_966 = arith.index_cast %get3A_965 : i32 to index
      %get3A_967 = arith.constant 48 : index
      %get3A_968 = tpu.vector_load %arg12[%get3A_966, %get3A_967] {strides = array<i32>} : memref<16x128xf32, #tpu.memory_space<vmem>>, vector<16xf32>,
      %mul3A_969 = vector.broadcast %squeeze3A_934 : f32 to vector<16xf32>
      %mul3A_970 = arith.mulf %get3A_968, %mul3A_969 : vector<16xf32>
      %swap3A_971 = arith.constant 6 : i32
      %swap3A_972 = arith.index_cast %swap3A_971 : i32 to index
      %swap3A_973 = arith.constant 48 : index
      %swap3A_974 = tpu.vector_load %arg12[%swap3A_972, %swap3A_973] {strides = array<i32>} : memref<16x128xf32, #tpu.memory_space<vmem>>, vector<16xf32>,
      tpu.vector_store %arg12[%swap3A_972, %swap3A_973], %mul3A_970 {strides = array<i32>} : memref<16x128xf32, #tpu.memory_space<vmem>>, vector<16xf32>,
      %slice3A_975 = vector.extract_strided_slice %select_n3A_682 {offsets = [7], sizes = [1], strides = [1]} : vector<16xf32> to vector<1xf32>
      %squeeze3A_976 = vector.extract %slice3A_975[0] : f32 from vector<1xf32>
      %get3A_977 = arith.constant 7 : i32
      %get3A_978 = arith.index_cast %get3A_977 : i32 to index
      %get3A_979 = arith.constant 0 : index
      %get3A_980 = tpu.vector_load %arg12[%get3A_978, %get3A_979] {strides = array<i32>} : memref<16x128xf32, #tpu.memory_space<vmem>>, vector<16xf32>,
      %mul3A_981 = vector.broadcast %squeeze3A_976 : f32 to vector<16xf32>
      %mul3A_982 = arith.mulf %get3A_980, %mul3A_981 : vector<16xf32>
      %swap3A_983 = arith.constant 7 : i32
      %swap3A_984 = arith.index_cast %swap3A_983 : i32 to index
      %swap3A_985 = arith.constant 0 : index
      %swap3A_986 = tpu.vector_load %arg12[%swap3A_984, %swap3A_985] {strides = array<i32>} : memref<16x128xf32, #tpu.memory_space<vmem>>, vector<16xf32>,
      tpu.vector_store %arg12[%swap3A_984, %swap3A_985], %mul3A_982 {strides = array<i32>} : memref<16x128xf32, #tpu.memory_space<vmem>>, vector<16xf32>,
      %get3A_987 = arith.constant 7 : i32
      %get3A_988 = arith.index_cast %get3A_987 : i32 to index
      %get3A_989 = arith.constant 16 : index
      %get3A_990 = tpu.vector_load %arg12[%get3A_988, %get3A_989] {strides = array<i32>} : memref<16x128xf32, #tpu.memory_space<vmem>>, vector<16xf32>,
      %mul3A_991 = vector.broadcast %squeeze3A_976 : f32 to vector<16xf32>
      %mul3A_992 = arith.mulf %get3A_990, %mul3A_991 : vector<16xf32>
      %swap3A_993 = arith.constant 7 : i32
      %swap3A_994 = arith.index_cast %swap3A_993 : i32 to index
      %swap3A_995 = arith.constant 16 : index
      %swap3A_996 = tpu.vector_load %arg12[%swap3A_994, %swap3A_995] {strides = array<i32>} : memref<16x128xf32, #tpu.memory_space<vmem>>, vector<16xf32>,
      tpu.vector_store %arg12[%swap3A_994, %swap3A_995], %mul3A_992 {strides = array<i32>} : memref<16x128xf32, #tpu.memory_space<vmem>>, vector<16xf32>,
      %get3A_997 = arith.constant 7 : i32
      %get3A_998 = arith.index_cast %get3A_997 : i32 to index
      %get3A_999 = arith.constant 32 : index
      %get3A_1000 = tpu.vector_load %arg12[%get3A_998, %get3A_999] {strides = array<i32>} : memref<16x128xf32, #tpu.memory_space<vmem>>, vector<16xf32>,
      %mul3A_1001 = vector.broadcast %squeeze3A_976 : f32 to vector<16xf32>
      %mul3A_1002 = arith.mulf %get3A_1000, %mul3A_1001 : vector<16xf32>
      %swap3A_1003 = arith.constant 7 : i32
      %swap3A_1004 = arith.index_cast %swap3A_1003 : i32 to index
      %swap3A_1005 = arith.constant 32 : index
      %swap3A_1006 = tpu.vector_load %arg12[%swap3A_1004, %swap3A_1005] {strides = array<i32>} : memref<16x128xf32, #tpu.memory_space<vmem>>, vector<16xf32>,
      tpu.vector_store %arg12[%swap3A_1004, %swap3A_1005], %mul3A_1002 {strides = array<i32>} : memref<16x128xf32, #tpu.memory_space<vmem>>, vector<16xf32>,
      %get3A_1007 = arith.constant 7 : i32
      %get3A_1008 = arith.index_cast %get3A_1007 : i32 to index
      %get3A_1009 = arith.constant 48 : index
      %get3A_1010 = tpu.vector_load %arg12[%get3A_1008, %get3A_1009] {strides = array<i32>} : memref<16x128xf32, #tpu.memory_space<vmem>>, vector<16xf32>,
      %mul3A_1011 = vector.broadcast %squeeze3A_976 : f32 to vector<16xf32>
      %mul3A_1012 = arith.mulf %get3A_1010, %mul3A_1011 : vector<16xf32>
      %swap3A_1013 = arith.constant 7 : i32
      %swap3A_1014 = arith.index_cast %swap3A_1013 : i32 to index
      %swap3A_1015 = arith.constant 48 : index
      %swap3A_1016 = tpu.vector_load %arg12[%swap3A_1014, %swap3A_1015] {strides = array<i32>} : memref<16x128xf32, #tpu.memory_space<vmem>>, vector<16xf32>,
      tpu.vector_store %arg12[%swap3A_1014, %swap3A_1015], %mul3A_1012 {strides = array<i32>} : memref<16x128xf32, #tpu.memory_space<vmem>>, vector<16xf32>,
      %slice3A_1017 = vector.extract_strided_slice %select_n3A_682 {offsets = [8], sizes = [1], strides = [1]} : vector<16xf32> to vector<1xf32>
      %squeeze3A_1018 = vector.extract %slice3A_1017[0] : f32 from vector<1xf32>
      %get3A_1019 = arith.constant 8 : i32
      %get3A_1020 = arith.index_cast %get3A_1019 : i32 to index
      %get3A_1021 = arith.constant 0 : index
      %get3A_1022 = tpu.vector_load %arg12[%get3A_1020, %get3A_1021] {strides = array<i32>} : memref<16x128xf32, #tpu.memory_space<vmem>>, vector<16xf32>,
      %mul3A_1023 = vector.broadcast %squeeze3A_1018 : f32 to vector<16xf32>
      %mul3A_1024 = arith.mulf %get3A_1022, %mul3A_1023 : vector<16xf32>
      %swap3A_1025 = arith.constant 8 : i32
      %swap3A_1026 = arith.index_cast %swap3A_1025 : i32 to index
      %swap3A_1027 = arith.constant 0 : index
      %swap3A_1028 = tpu.vector_load %arg12[%swap3A_1026, %swap3A_1027] {strides = array<i32>} : memref<16x128xf32, #tpu.memory_space<vmem>>, vector<16xf32>,
      tpu.vector_store %arg12[%swap3A_1026, %swap3A_1027], %mul3A_1024 {strides = array<i32>} : memref<16x128xf32, #tpu.memory_space<vmem>>, vector<16xf32>,
      %get3A_1029 = arith.constant 8 : i32
      %get3A_1030 = arith.index_cast %get3A_1029 : i32 to index
      %get3A_1031 = arith.constant 16 : index
      %get3A_1032 = tpu.vector_load %arg12[%get3A_1030, %get3A_1031] {strides = array<i32>} : memref<16x128xf32, #tpu.memory_space<vmem>>, vector<16xf32>,
      %mul3A_1033 = vector.broadcast %squeeze3A_1018 : f32 to vector<16xf32>
      %mul3A_1034 = arith.mulf %get3A_1032, %mul3A_1033 : vector<16xf32>
      %swap3A_1035 = arith.constant 8 : i32
      %swap3A_1036 = arith.index_cast %swap3A_1035 : i32 to index
      %swap3A_1037 = arith.constant 16 : index
      %swap3A_1038 = tpu.vector_load %arg12[%swap3A_1036, %swap3A_1037] {strides = array<i32>} : memref<16x128xf32, #tpu.memory_space<vmem>>, vector<16xf32>,
      tpu.vector_store %arg12[%swap3A_1036, %swap3A_1037], %mul3A_1034 {strides = array<i32>} : memref<16x128xf32, #tpu.memory_space<vmem>>, vector<16xf32>,
      %get3A_1039 = arith.constant 8 : i32
      %get3A_1040 = arith.index_cast %get3A_1039 : i32 to index
      %get3A_1041 = arith.constant 32 : index
      %get3A_1042 = tpu.vector_load %arg12[%get3A_1040, %get3A_1041] {strides = array<i32>} : memref<16x128xf32, #tpu.memory_space<vmem>>, vector<16xf32>,
      %mul3A_1043 = vector.broadcast %squeeze3A_1018 : f32 to vector<16xf32>
      %mul3A_1044 = arith.mulf %get3A_1042, %mul3A_1043 : vector<16xf32>
      %swap3A_1045 = arith.constant 8 : i32
      %swap3A_1046 = arith.index_cast %swap3A_1045 : i32 to index
      %swap3A_1047 = arith.constant 32 : index
      %swap3A_1048 = tpu.vector_load %arg12[%swap3A_1046, %swap3A_1047] {strides = array<i32>} : memref<16x128xf32, #tpu.memory_space<vmem>>, vector<16xf32>,
      tpu.vector_store %arg12[%swap3A_1046, %swap3A_1047], %mul3A_1044 {strides = array<i32>} : memref<16x128xf32, #tpu.memory_space<vmem>>, vector<16xf32>,
      %get3A_1049 = arith.constant 8 : i32
      %get3A_1050 = arith.index_cast %get3A_1049 : i32 to index
      %get3A_1051 = arith.constant 48 : index
      %get3A_1052 = tpu.vector_load %arg12[%get3A_1050, %get3A_1051] {strides = array<i32>} : memref<16x128xf32, #tpu.memory_space<vmem>>, vector<16xf32>,
      %mul3A_1053 = vector.broadcast %squeeze3A_1018 : f32 to vector<16xf32>
      %mul3A_1054 = arith.mulf %get3A_1052, %mul3A_1053 : vector<16xf32>
      %swap3A_1055 = arith.constant 8 : i32
      %swap3A_1056 = arith.index_cast %swap3A_1055 : i32 to index
      %swap3A_1057 = arith.constant 48 : index
      %swap3A_1058 = tpu.vector_load %arg12[%swap3A_1056, %swap3A_1057] {strides = array<i32>} : memref<16x128xf32, #tpu.memory_space<vmem>>, vector<16xf32>,
      tpu.vector_store %arg12[%swap3A_1056, %swap3A_1057], %mul3A_1054 {strides = array<i32>} : memref<16x128xf32, #tpu.memory_space<vmem>>, vector<16xf32>,
      %slice3A_1059 = vector.extract_strided_slice %select_n3A_682 {offsets = [9], sizes = [1], strides = [1]} : vector<16xf32> to vector<1xf32>
      %squeeze3A_1060 = vector.extract %slice3A_1059[0] : f32 from vector<1xf32>
      %get3A_1061 = arith.constant 9 : i32
      %get3A_1062 = arith.index_cast %get3A_1061 : i32 to index
      %get3A_1063 = arith.constant 0 : index
      %get3A_1064 = tpu.vector_load %arg12[%get3A_1062, %get3A_1063] {strides = array<i32>} : memref<16x128xf32, #tpu.memory_space<vmem>>, vector<16xf32>,
      %mul3A_1065 = vector.broadcast %squeeze3A_1060 : f32 to vector<16xf32>
      %mul3A_1066 = arith.mulf %get3A_1064, %mul3A_1065 : vector<16xf32>
      %swap3A_1067 = arith.constant 9 : i32
      %swap3A_1068 = arith.index_cast %swap3A_1067 : i32 to index
      %swap3A_1069 = arith.constant 0 : index
      %swap3A_1070 = tpu.vector_load %arg12[%swap3A_1068, %swap3A_1069] {strides = array<i32>} : memref<16x128xf32, #tpu.memory_space<vmem>>, vector<16xf32>,
      tpu.vector_store %arg12[%swap3A_1068, %swap3A_1069], %mul3A_1066 {strides = array<i32>} : memref<16x128xf32, #tpu.memory_space<vmem>>, vector<16xf32>,
      %get3A_1071 = arith.constant 9 : i32
      %get3A_1072 = arith.index_cast %get3A_1071 : i32 to index
      %get3A_1073 = arith.constant 16 : index
      %get3A_1074 = tpu.vector_load %arg12[%get3A_1072, %get3A_1073] {strides = array<i32>} : memref<16x128xf32, #tpu.memory_space<vmem>>, vector<16xf32>,
      %mul3A_1075 = vector.broadcast %squeeze3A_1060 : f32 to vector<16xf32>
      %mul3A_1076 = arith.mulf %get3A_1074, %mul3A_1075 : vector<16xf32>
      %swap3A_1077 = arith.constant 9 : i32
      %swap3A_1078 = arith.index_cast %swap3A_1077 : i32 to index
      %swap3A_1079 = arith.constant 16 : index
      %swap3A_1080 = tpu.vector_load %arg12[%swap3A_1078, %swap3A_1079] {strides = array<i32>} : memref<16x128xf32, #tpu.memory_space<vmem>>, vector<16xf32>,
      tpu.vector_store %arg12[%swap3A_1078, %swap3A_1079], %mul3A_1076 {strides = array<i32>} : memref<16x128xf32, #tpu.memory_space<vmem>>, vector<16xf32>,
      %get3A_1081 = arith.constant 9 : i32
      %get3A_1082 = arith.index_cast %get3A_1081 : i32 to index
      %get3A_1083 = arith.constant 32 : index
      %get3A_1084 = tpu.vector_load %arg12[%get3A_1082, %get3A_1083] {strides = array<i32>} : memref<16x128xf32, #tpu.memory_space<vmem>>, vector<16xf32>,
      %mul3A_1085 = vector.broadcast %squeeze3A_1060 : f32 to vector<16xf32>
      %mul3A_1086 = arith.mulf %get3A_1084, %mul3A_1085 : vector<16xf32>
      %swap3A_1087 = arith.constant 9 : i32
      %swap3A_1088 = arith.index_cast %swap3A_1087 : i32 to index
      %swap3A_1089 = arith.constant 32 : index
      %swap3A_1090 = tpu.vector_load %arg12[%swap3A_1088, %swap3A_1089] {strides = array<i32>} : memref<16x128xf32, #tpu.memory_space<vmem>>, vector<16xf32>,
      tpu.vector_store %arg12[%swap3A_1088, %swap3A_1089], %mul3A_1086 {strides = array<i32>} : memref<16x128xf32, #tpu.memory_space<vmem>>, vector<16xf32>,
      %get3A_1091 = arith.constant 9 : i32
      %get3A_1092 = arith.index_cast %get3A_1091 : i32 to index
      %get3A_1093 = arith.constant 48 : index
      %get3A_1094 = tpu.vector_load %arg12[%get3A_1092, %get3A_1093] {strides = array<i32>} : memref<16x128xf32, #tpu.memory_space<vmem>>, vector<16xf32>,
      %mul3A_1095 = vector.broadcast %squeeze3A_1060 : f32 to vector<16xf32>
      %mul3A_1096 = arith.mulf %get3A_1094, %mul3A_1095 : vector<16xf32>
      %swap3A_1097 = arith.constant 9 : i32
      %swap3A_1098 = arith.index_cast %swap3A_1097 : i32 to index
      %swap3A_1099 = arith.constant 48 : index
      %swap3A_1100 = tpu.vector_load %arg12[%swap3A_1098, %swap3A_1099] {strides = array<i32>} : memref<16x128xf32, #tpu.memory_space<vmem>>, vector<16xf32>,
      tpu.vector_store %arg12[%swap3A_1098, %swap3A_1099], %mul3A_1096 {strides = array<i32>} : memref<16x128xf32, #tpu.memory_space<vmem>>, vector<16xf32>,
      %slice3A_1101 = vector.extract_strided_slice %select_n3A_682 {offsets = [10], sizes = [1], strides = [1]} : vector<16xf32> to vector<1xf32>
      %squeeze3A_1102 = vector.extract %slice3A_1101[0] : f32 from vector<1xf32>
      %get3A_1103 = arith.constant 10 : i32
      %get3A_1104 = arith.index_cast %get3A_1103 : i32 to index
      %get3A_1105 = arith.constant 0 : index
      %get3A_1106 = tpu.vector_load %arg12[%get3A_1104, %get3A_1105] {strides = array<i32>} : memref<16x128xf32, #tpu.memory_space<vmem>>, vector<16xf32>,
      %mul3A_1107 = vector.broadcast %squeeze3A_1102 : f32 to vector<16xf32>
      %mul3A_1108 = arith.mulf %get3A_1106, %mul3A_1107 : vector<16xf32>
      %swap3A_1109 = arith.constant 10 : i32
      %swap3A_1110 = arith.index_cast %swap3A_1109 : i32 to index
      %swap3A_1111 = arith.constant 0 : index
      %swap3A_1112 = tpu.vector_load %arg12[%swap3A_1110, %swap3A_1111] {strides = array<i32>} : memref<16x128xf32, #tpu.memory_space<vmem>>, vector<16xf32>,
      tpu.vector_store %arg12[%swap3A_1110, %swap3A_1111], %mul3A_1108 {strides = array<i32>} : memref<16x128xf32, #tpu.memory_space<vmem>>, vector<16xf32>,
      %get3A_1113 = arith.constant 10 : i32
      %get3A_1114 = arith.index_cast %get3A_1113 : i32 to index
      %get3A_1115 = arith.constant 16 : index
      %get3A_1116 = tpu.vector_load %arg12[%get3A_1114, %get3A_1115] {strides = array<i32>} : memref<16x128xf32, #tpu.memory_space<vmem>>, vector<16xf32>,
      %mul3A_1117 = vector.broadcast %squeeze3A_1102 : f32 to vector<16xf32>
      %mul3A_1118 = arith.mulf %get3A_1116, %mul3A_1117 : vector<16xf32>
      %swap3A_1119 = arith.constant 10 : i32
      %swap3A_1120 = arith.index_cast %swap3A_1119 : i32 to index
      %swap3A_1121 = arith.constant 16 : index
      %swap3A_1122 = tpu.vector_load %arg12[%swap3A_1120, %swap3A_1121] {strides = array<i32>} : memref<16x128xf32, #tpu.memory_space<vmem>>, vector<16xf32>,
      tpu.vector_store %arg12[%swap3A_1120, %swap3A_1121], %mul3A_1118 {strides = array<i32>} : memref<16x128xf32, #tpu.memory_space<vmem>>, vector<16xf32>,
      %get3A_1123 = arith.constant 10 : i32
      %get3A_1124 = arith.index_cast %get3A_1123 : i32 to index
      %get3A_1125 = arith.constant 32 : index
      %get3A_1126 = tpu.vector_load %arg12[%get3A_1124, %get3A_1125] {strides = array<i32>} : memref<16x128xf32, #tpu.memory_space<vmem>>, vector<16xf32>,
      %mul3A_1127 = vector.broadcast %squeeze3A_1102 : f32 to vector<16xf32>
      %mul3A_1128 = arith.mulf %get3A_1126, %mul3A_1127 : vector<16xf32>
      %swap3A_1129 = arith.constant 10 : i32
      %swap3A_1130 = arith.index_cast %swap3A_1129 : i32 to index
      %swap3A_1131 = arith.constant 32 : index
      %swap3A_1132 = tpu.vector_load %arg12[%swap3A_1130, %swap3A_1131] {strides = array<i32>} : memref<16x128xf32, #tpu.memory_space<vmem>>, vector<16xf32>,
      tpu.vector_store %arg12[%swap3A_1130, %swap3A_1131], %mul3A_1128 {strides = array<i32>} : memref<16x128xf32, #tpu.memory_space<vmem>>, vector<16xf32>,
      %get3A_1133 = arith.constant 10 : i32
      %get3A_1134 = arith.index_cast %get3A_1133 : i32 to index
      %get3A_1135 = arith.constant 48 : index
      %get3A_1136 = tpu.vector_load %arg12[%get3A_1134, %get3A_1135] {strides = array<i32>} : memref<16x128xf32, #tpu.memory_space<vmem>>, vector<16xf32>,
      %mul3A_1137 = vector.broadcast %squeeze3A_1102 : f32 to vector<16xf32>
      %mul3A_1138 = arith.mulf %get3A_1136, %mul3A_1137 : vector<16xf32>
      %swap3A_1139 = arith.constant 10 : i32
      %swap3A_1140 = arith.index_cast %swap3A_1139 : i32 to index
      %swap3A_1141 = arith.constant 48 : index
      %swap3A_1142 = tpu.vector_load %arg12[%swap3A_1140, %swap3A_1141] {strides = array<i32>} : memref<16x128xf32, #tpu.memory_space<vmem>>, vector<16xf32>,
      tpu.vector_store %arg12[%swap3A_1140, %swap3A_1141], %mul3A_1138 {strides = array<i32>} : memref<16x128xf32, #tpu.memory_space<vmem>>, vector<16xf32>,
      %slice3A_1143 = vector.extract_strided_slice %select_n3A_682 {offsets = [11], sizes = [1], strides = [1]} : vector<16xf32> to vector<1xf32>
      %squeeze3A_1144 = vector.extract %slice3A_1143[0] : f32 from vector<1xf32>
      %get3A_1145 = arith.constant 11 : i32
      %get3A_1146 = arith.index_cast %get3A_1145 : i32 to index
      %get3A_1147 = arith.constant 0 : index
      %get3A_1148 = tpu.vector_load %arg12[%get3A_1146, %get3A_1147] {strides = array<i32>} : memref<16x128xf32, #tpu.memory_space<vmem>>, vector<16xf32>,
      %mul3A_1149 = vector.broadcast %squeeze3A_1144 : f32 to vector<16xf32>
      %mul3A_1150 = arith.mulf %get3A_1148, %mul3A_1149 : vector<16xf32>
      %swap3A_1151 = arith.constant 11 : i32
      %swap3A_1152 = arith.index_cast %swap3A_1151 : i32 to index
      %swap3A_1153 = arith.constant 0 : index
      %swap3A_1154 = tpu.vector_load %arg12[%swap3A_1152, %swap3A_1153] {strides = array<i32>} : memref<16x128xf32, #tpu.memory_space<vmem>>, vector<16xf32>,
      tpu.vector_store %arg12[%swap3A_1152, %swap3A_1153], %mul3A_1150 {strides = array<i32>} : memref<16x128xf32, #tpu.memory_space<vmem>>, vector<16xf32>,
      %get3A_1155 = arith.constant 11 : i32
      %get3A_1156 = arith.index_cast %get3A_1155 : i32 to index
      %get3A_1157 = arith.constant 16 : index
      %get3A_1158 = tpu.vector_load %arg12[%get3A_1156, %get3A_1157] {strides = array<i32>} : memref<16x128xf32, #tpu.memory_space<vmem>>, vector<16xf32>,
      %mul3A_1159 = vector.broadcast %squeeze3A_1144 : f32 to vector<16xf32>
      %mul3A_1160 = arith.mulf %get3A_1158, %mul3A_1159 : vector<16xf32>
      %swap3A_1161 = arith.constant 11 : i32
      %swap3A_1162 = arith.index_cast %swap3A_1161 : i32 to index
      %swap3A_1163 = arith.constant 16 : index
      %swap3A_1164 = tpu.vector_load %arg12[%swap3A_1162, %swap3A_1163] {strides = array<i32>} : memref<16x128xf32, #tpu.memory_space<vmem>>, vector<16xf32>,
      tpu.vector_store %arg12[%swap3A_1162, %swap3A_1163], %mul3A_1160 {strides = array<i32>} : memref<16x128xf32, #tpu.memory_space<vmem>>, vector<16xf32>,
      %get3A_1165 = arith.constant 11 : i32
      %get3A_1166 = arith.index_cast %get3A_1165 : i32 to index
      %get3A_1167 = arith.constant 32 : index
      %get3A_1168 = tpu.vector_load %arg12[%get3A_1166, %get3A_1167] {strides = array<i32>} : memref<16x128xf32, #tpu.memory_space<vmem>>, vector<16xf32>,
      %mul3A_1169 = vector.broadcast %squeeze3A_1144 : f32 to vector<16xf32>
      %mul3A_1170 = arith.mulf %get3A_1168, %mul3A_1169 : vector<16xf32>
      %swap3A_1171 = arith.constant 11 : i32
      %swap3A_1172 = arith.index_cast %swap3A_1171 : i32 to index
      %swap3A_1173 = arith.constant 32 : index
      %swap3A_1174 = tpu.vector_load %arg12[%swap3A_1172, %swap3A_1173] {strides = array<i32>} : memref<16x128xf32, #tpu.memory_space<vmem>>, vector<16xf32>,
      tpu.vector_store %arg12[%swap3A_1172, %swap3A_1173], %mul3A_1170 {strides = array<i32>} : memref<16x128xf32, #tpu.memory_space<vmem>>, vector<16xf32>,
      %get3A_1175 = arith.constant 11 : i32
      %get3A_1176 = arith.index_cast %get3A_1175 : i32 to index
      %get3A_1177 = arith.constant 48 : index
      %get3A_1178 = tpu.vector_load %arg12[%get3A_1176, %get3A_1177] {strides = array<i32>} : memref<16x128xf32, #tpu.memory_space<vmem>>, vector<16xf32>,
      %mul3A_1179 = vector.broadcast %squeeze3A_1144 : f32 to vector<16xf32>
      %mul3A_1180 = arith.mulf %get3A_1178, %mul3A_1179 : vector<16xf32>
      %swap3A_1181 = arith.constant 11 : i32
      %swap3A_1182 = arith.index_cast %swap3A_1181 : i32 to index
      %swap3A_1183 = arith.constant 48 : index
      %swap3A_1184 = tpu.vector_load %arg12[%swap3A_1182, %swap3A_1183] {strides = array<i32>} : memref<16x128xf32, #tpu.memory_space<vmem>>, vector<16xf32>,
      tpu.vector_store %arg12[%swap3A_1182, %swap3A_1183], %mul3A_1180 {strides = array<i32>} : memref<16x128xf32, #tpu.memory_space<vmem>>, vector<16xf32>,
      %slice3A_1185 = vector.extract_strided_slice %select_n3A_682 {offsets = [12], sizes = [1], strides = [1]} : vector<16xf32> to vector<1xf32>
      %squeeze3A_1186 = vector.extract %slice3A_1185[0] : f32 from vector<1xf32>
      %get3A_1187 = arith.constant 12 : i32
      %get3A_1188 = arith.index_cast %get3A_1187 : i32 to index
      %get3A_1189 = arith.constant 0 : index
      %get3A_1190 = tpu.vector_load %arg12[%get3A_1188, %get3A_1189] {strides = array<i32>} : memref<16x128xf32, #tpu.memory_space<vmem>>, vector<16xf32>,
      %mul3A_1191 = vector.broadcast %squeeze3A_1186 : f32 to vector<16xf32>
      %mul3A_1192 = arith.mulf %get3A_1190, %mul3A_1191 : vector<16xf32>
      %swap3A_1193 = arith.constant 12 : i32
      %swap3A_1194 = arith.index_cast %swap3A_1193 : i32 to index
      %swap3A_1195 = arith.constant 0 : index
      %swap3A_1196 = tpu.vector_load %arg12[%swap3A_1194, %swap3A_1195] {strides = array<i32>} : memref<16x128xf32, #tpu.memory_space<vmem>>, vector<16xf32>,
      tpu.vector_store %arg12[%swap3A_1194, %swap3A_1195], %mul3A_1192 {strides = array<i32>} : memref<16x128xf32, #tpu.memory_space<vmem>>, vector<16xf32>,
      %get3A_1197 = arith.constant 12 : i32
      %get3A_1198 = arith.index_cast %get3A_1197 : i32 to index
      %get3A_1199 = arith.constant 16 : index
      %get3A_1200 = tpu.vector_load %arg12[%get3A_1198, %get3A_1199] {strides = array<i32>} : memref<16x128xf32, #tpu.memory_space<vmem>>, vector<16xf32>,
      %mul3A_1201 = vector.broadcast %squeeze3A_1186 : f32 to vector<16xf32>
      %mul3A_1202 = arith.mulf %get3A_1200, %mul3A_1201 : vector<16xf32>
      %swap3A_1203 = arith.constant 12 : i32
      %swap3A_1204 = arith.index_cast %swap3A_1203 : i32 to index
      %swap3A_1205 = arith.constant 16 : index
      %swap3A_1206 = tpu.vector_load %arg12[%swap3A_1204, %swap3A_1205] {strides = array<i32>} : memref<16x128xf32, #tpu.memory_space<vmem>>, vector<16xf32>,
      tpu.vector_store %arg12[%swap3A_1204, %swap3A_1205], %mul3A_1202 {strides = array<i32>} : memref<16x128xf32, #tpu.memory_space<vmem>>, vector<16xf32>,
      %get3A_1207 = arith.constant 12 : i32
      %get3A_1208 = arith.index_cast %get3A_1207 : i32 to index
      %get3A_1209 = arith.constant 32 : index
      %get3A_1210 = tpu.vector_load %arg12[%get3A_1208, %get3A_1209] {strides = array<i32>} : memref<16x128xf32, #tpu.memory_space<vmem>>, vector<16xf32>,
      %mul3A_1211 = vector.broadcast %squeeze3A_1186 : f32 to vector<16xf32>
      %mul3A_1212 = arith.mulf %get3A_1210, %mul3A_1211 : vector<16xf32>
      %swap3A_1213 = arith.constant 12 : i32
      %swap3A_1214 = arith.index_cast %swap3A_1213 : i32 to index
      %swap3A_1215 = arith.constant 32 : index
      %swap3A_1216 = tpu.vector_load %arg12[%swap3A_1214, %swap3A_1215] {strides = array<i32>} : memref<16x128xf32, #tpu.memory_space<vmem>>, vector<16xf32>,
      tpu.vector_store %arg12[%swap3A_1214, %swap3A_1215], %mul3A_1212 {strides = array<i32>} : memref<16x128xf32, #tpu.memory_space<vmem>>, vector<16xf32>,
      %get3A_1217 = arith.constant 12 : i32
      %get3A_1218 = arith.index_cast %get3A_1217 : i32 to index
      %get3A_1219 = arith.constant 48 : index
      %get3A_1220 = tpu.vector_load %arg12[%get3A_1218, %get3A_1219] {strides = array<i32>} : memref<16x128xf32, #tpu.memory_space<vmem>>, vector<16xf32>,
      %mul3A_1221 = vector.broadcast %squeeze3A_1186 : f32 to vector<16xf32>
      %mul3A_1222 = arith.mulf %get3A_1220, %mul3A_1221 : vector<16xf32>
      %swap3A_1223 = arith.constant 12 : i32
      %swap3A_1224 = arith.index_cast %swap3A_1223 : i32 to index
      %swap3A_1225 = arith.constant 48 : index
      %swap3A_1226 = tpu.vector_load %arg12[%swap3A_1224, %swap3A_1225] {strides = array<i32>} : memref<16x128xf32, #tpu.memory_space<vmem>>, vector<16xf32>,
      tpu.vector_store %arg12[%swap3A_1224, %swap3A_1225], %mul3A_1222 {strides = array<i32>} : memref<16x128xf32, #tpu.memory_space<vmem>>, vector<16xf32>,
      %slice3A_1227 = vector.extract_strided_slice %select_n3A_682 {offsets = [13], sizes = [1], strides = [1]} : vector<16xf32> to vector<1xf32>
      %squeeze3A_1228 = vector.extract %slice3A_1227[0] : f32 from vector<1xf32>
      %get3A_1229 = arith.constant 13 : i32
      %get3A_1230 = arith.index_cast %get3A_1229 : i32 to index
      %get3A_1231 = arith.constant 0 : index
      %get3A_1232 = tpu.vector_load %arg12[%get3A_1230, %get3A_1231] {strides = array<i32>} : memref<16x128xf32, #tpu.memory_space<vmem>>, vector<16xf32>,
      %mul3A_1233 = vector.broadcast %squeeze3A_1228 : f32 to vector<16xf32>
      %mul3A_1234 = arith.mulf %get3A_1232, %mul3A_1233 : vector<16xf32>
      %swap3A_1235 = arith.constant 13 : i32
      %swap3A_1236 = arith.index_cast %swap3A_1235 : i32 to index
      %swap3A_1237 = arith.constant 0 : index
      %swap3A_1238 = tpu.vector_load %arg12[%swap3A_1236, %swap3A_1237] {strides = array<i32>} : memref<16x128xf32, #tpu.memory_space<vmem>>, vector<16xf32>,
      tpu.vector_store %arg12[%swap3A_1236, %swap3A_1237], %mul3A_1234 {strides = array<i32>} : memref<16x128xf32, #tpu.memory_space<vmem>>, vector<16xf32>,
      %get3A_1239 = arith.constant 13 : i32
      %get3A_1240 = arith.index_cast %get3A_1239 : i32 to index
      %get3A_1241 = arith.constant 16 : index
      %get3A_1242 = tpu.vector_load %arg12[%get3A_1240, %get3A_1241] {strides = array<i32>} : memref<16x128xf32, #tpu.memory_space<vmem>>, vector<16xf32>,
      %mul3A_1243 = vector.broadcast %squeeze3A_1228 : f32 to vector<16xf32>
      %mul3A_1244 = arith.mulf %get3A_1242, %mul3A_1243 : vector<16xf32>
      %swap3A_1245 = arith.constant 13 : i32
      %swap3A_1246 = arith.index_cast %swap3A_1245 : i32 to index
      %swap3A_1247 = arith.constant 16 : index
      %swap3A_1248 = tpu.vector_load %arg12[%swap3A_1246, %swap3A_1247] {strides = array<i32>} : memref<16x128xf32, #tpu.memory_space<vmem>>, vector<16xf32>,
      tpu.vector_store %arg12[%swap3A_1246, %swap3A_1247], %mul3A_1244 {strides = array<i32>} : memref<16x128xf32, #tpu.memory_space<vmem>>, vector<16xf32>,
      %get3A_1249 = arith.constant 13 : i32
      %get3A_1250 = arith.index_cast %get3A_1249 : i32 to index
      %get3A_1251 = arith.constant 32 : index
      %get3A_1252 = tpu.vector_load %arg12[%get3A_1250, %get3A_1251] {strides = array<i32>} : memref<16x128xf32, #tpu.memory_space<vmem>>, vector<16xf32>,
      %mul3A_1253 = vector.broadcast %squeeze3A_1228 : f32 to vector<16xf32>
      %mul3A_1254 = arith.mulf %get3A_1252, %mul3A_1253 : vector<16xf32>
      %swap3A_1255 = arith.constant 13 : i32
      %swap3A_1256 = arith.index_cast %swap3A_1255 : i32 to index
      %swap3A_1257 = arith.constant 32 : index
      %swap3A_1258 = tpu.vector_load %arg12[%swap3A_1256, %swap3A_1257] {strides = array<i32>} : memref<16x128xf32, #tpu.memory_space<vmem>>, vector<16xf32>,
      tpu.vector_store %arg12[%swap3A_1256, %swap3A_1257], %mul3A_1254 {strides = array<i32>} : memref<16x128xf32, #tpu.memory_space<vmem>>, vector<16xf32>,
      %get3A_1259 = arith.constant 13 : i32
      %get3A_1260 = arith.index_cast %get3A_1259 : i32 to index
      %get3A_1261 = arith.constant 48 : index
      %get3A_1262 = tpu.vector_load %arg12[%get3A_1260, %get3A_1261] {strides = array<i32>} : memref<16x128xf32, #tpu.memory_space<vmem>>, vector<16xf32>,
      %mul3A_1263 = vector.broadcast %squeeze3A_1228 : f32 to vector<16xf32>
      %mul3A_1264 = arith.mulf %get3A_1262, %mul3A_1263 : vector<16xf32>
      %swap3A_1265 = arith.constant 13 : i32
      %swap3A_1266 = arith.index_cast %swap3A_1265 : i32 to index
      %swap3A_1267 = arith.constant 48 : index
      %swap3A_1268 = tpu.vector_load %arg12[%swap3A_1266, %swap3A_1267] {strides = array<i32>} : memref<16x128xf32, #tpu.memory_space<vmem>>, vector<16xf32>,
      tpu.vector_store %arg12[%swap3A_1266, %swap3A_1267], %mul3A_1264 {strides = array<i32>} : memref<16x128xf32, #tpu.memory_space<vmem>>, vector<16xf32>,
      %slice3A_1269 = vector.extract_strided_slice %select_n3A_682 {offsets = [14], sizes = [1], strides = [1]} : vector<16xf32> to vector<1xf32>
      %squeeze3A_1270 = vector.extract %slice3A_1269[0] : f32 from vector<1xf32>
      %get3A_1271 = arith.constant 14 : i32
      %get3A_1272 = arith.index_cast %get3A_1271 : i32 to index
      %get3A_1273 = arith.constant 0 : index
      %get3A_1274 = tpu.vector_load %arg12[%get3A_1272, %get3A_1273] {strides = array<i32>} : memref<16x128xf32, #tpu.memory_space<vmem>>, vector<16xf32>,
      %mul3A_1275 = vector.broadcast %squeeze3A_1270 : f32 to vector<16xf32>
      %mul3A_1276 = arith.mulf %get3A_1274, %mul3A_1275 : vector<16xf32>
      %swap3A_1277 = arith.constant 14 : i32
      %swap3A_1278 = arith.index_cast %swap3A_1277 : i32 to index
      %swap3A_1279 = arith.constant 0 : index
      %swap3A_1280 = tpu.vector_load %arg12[%swap3A_1278, %swap3A_1279] {strides = array<i32>} : memref<16x128xf32, #tpu.memory_space<vmem>>, vector<16xf32>,
      tpu.vector_store %arg12[%swap3A_1278, %swap3A_1279], %mul3A_1276 {strides = array<i32>} : memref<16x128xf32, #tpu.memory_space<vmem>>, vector<16xf32>,
      %get3A_1281 = arith.constant 14 : i32
      %get3A_1282 = arith.index_cast %get3A_1281 : i32 to index
      %get3A_1283 = arith.constant 16 : index
      %get3A_1284 = tpu.vector_load %arg12[%get3A_1282, %get3A_1283] {strides = array<i32>} : memref<16x128xf32, #tpu.memory_space<vmem>>, vector<16xf32>,
      %mul3A_1285 = vector.broadcast %squeeze3A_1270 : f32 to vector<16xf32>
      %mul3A_1286 = arith.mulf %get3A_1284, %mul3A_1285 : vector<16xf32>
      %swap3A_1287 = arith.constant 14 : i32
      %swap3A_1288 = arith.index_cast %swap3A_1287 : i32 to index
      %swap3A_1289 = arith.constant 16 : index
      %swap3A_1290 = tpu.vector_load %arg12[%swap3A_1288, %swap3A_1289] {strides = array<i32>} : memref<16x128xf32, #tpu.memory_space<vmem>>, vector<16xf32>,
      tpu.vector_store %arg12[%swap3A_1288, %swap3A_1289], %mul3A_1286 {strides = array<i32>} : memref<16x128xf32, #tpu.memory_space<vmem>>, vector<16xf32>,
      %get3A_1291 = arith.constant 14 : i32
      %get3A_1292 = arith.index_cast %get3A_1291 : i32 to index
      %get3A_1293 = arith.constant 32 : index
      %get3A_1294 = tpu.vector_load %arg12[%get3A_1292, %get3A_1293] {strides = array<i32>} : memref<16x128xf32, #tpu.memory_space<vmem>>, vector<16xf32>,
      %mul3A_1295 = vector.broadcast %squeeze3A_1270 : f32 to vector<16xf32>
      %mul3A_1296 = arith.mulf %get3A_1294, %mul3A_1295 : vector<16xf32>
      %swap3A_1297 = arith.constant 14 : i32
      %swap3A_1298 = arith.index_cast %swap3A_1297 : i32 to index
      %swap3A_1299 = arith.constant 32 : index
      %swap3A_1300 = tpu.vector_load %arg12[%swap3A_1298, %swap3A_1299] {strides = array<i32>} : memref<16x128xf32, #tpu.memory_space<vmem>>, vector<16xf32>,
      tpu.vector_store %arg12[%swap3A_1298, %swap3A_1299], %mul3A_1296 {strides = array<i32>} : memref<16x128xf32, #tpu.memory_space<vmem>>, vector<16xf32>,
      %get3A_1301 = arith.constant 14 : i32
      %get3A_1302 = arith.index_cast %get3A_1301 : i32 to index
      %get3A_1303 = arith.constant 48 : index
      %get3A_1304 = tpu.vector_load %arg12[%get3A_1302, %get3A_1303] {strides = array<i32>} : memref<16x128xf32, #tpu.memory_space<vmem>>, vector<16xf32>,
      %mul3A_1305 = vector.broadcast %squeeze3A_1270 : f32 to vector<16xf32>
      %mul3A_1306 = arith.mulf %get3A_1304, %mul3A_1305 : vector<16xf32>
      %swap3A_1307 = arith.constant 14 : i32
      %swap3A_1308 = arith.index_cast %swap3A_1307 : i32 to index
      %swap3A_1309 = arith.constant 48 : index
      %swap3A_1310 = tpu.vector_load %arg12[%swap3A_1308, %swap3A_1309] {strides = array<i32>} : memref<16x128xf32, #tpu.memory_space<vmem>>, vector<16xf32>,
      tpu.vector_store %arg12[%swap3A_1308, %swap3A_1309], %mul3A_1306 {strides = array<i32>} : memref<16x128xf32, #tpu.memory_space<vmem>>, vector<16xf32>,
      %slice3A_1311 = vector.extract_strided_slice %select_n3A_682 {offsets = [15], sizes = [1], strides = [1]} : vector<16xf32> to vector<1xf32>
      %squeeze3A_1312 = vector.extract %slice3A_1311[0] : f32 from vector<1xf32>
      %get3A_1313 = arith.constant 15 : i32
      %get3A_1314 = arith.index_cast %get3A_1313 : i32 to index
      %get3A_1315 = arith.constant 0 : index
      %get3A_1316 = tpu.vector_load %arg12[%get3A_1314, %get3A_1315] {strides = array<i32>} : memref<16x128xf32, #tpu.memory_space<vmem>>, vector<16xf32>,
      %mul3A_1317 = vector.broadcast %squeeze3A_1312 : f32 to vector<16xf32>
      %mul3A_1318 = arith.mulf %get3A_1316, %mul3A_1317 : vector<16xf32>
      %swap3A_1319 = arith.constant 15 : i32
      %swap3A_1320 = arith.index_cast %swap3A_1319 : i32 to index
      %swap3A_1321 = arith.constant 0 : index
      %swap3A_1322 = tpu.vector_load %arg12[%swap3A_1320, %swap3A_1321] {strides = array<i32>} : memref<16x128xf32, #tpu.memory_space<vmem>>, vector<16xf32>,
      tpu.vector_store %arg12[%swap3A_1320, %swap3A_1321], %mul3A_1318 {strides = array<i32>} : memref<16x128xf32, #tpu.memory_space<vmem>>, vector<16xf32>,
      %get3A_1323 = arith.constant 15 : i32
      %get3A_1324 = arith.index_cast %get3A_1323 : i32 to index
      %get3A_1325 = arith.constant 16 : index
      %get3A_1326 = tpu.vector_load %arg12[%get3A_1324, %get3A_1325] {strides = array<i32>} : memref<16x128xf32, #tpu.memory_space<vmem>>, vector<16xf32>,
      %mul3A_1327 = vector.broadcast %squeeze3A_1312 : f32 to vector<16xf32>
      %mul3A_1328 = arith.mulf %get3A_1326, %mul3A_1327 : vector<16xf32>
      %swap3A_1329 = arith.constant 15 : i32
      %swap3A_1330 = arith.index_cast %swap3A_1329 : i32 to index
      %swap3A_1331 = arith.constant 16 : index
      %swap3A_1332 = tpu.vector_load %arg12[%swap3A_1330, %swap3A_1331] {strides = array<i32>} : memref<16x128xf32, #tpu.memory_space<vmem>>, vector<16xf32>,
      tpu.vector_store %arg12[%swap3A_1330, %swap3A_1331], %mul3A_1328 {strides = array<i32>} : memref<16x128xf32, #tpu.memory_space<vmem>>, vector<16xf32>,
      %get3A_1333 = arith.constant 15 : i32
      %get3A_1334 = arith.index_cast %get3A_1333 : i32 to index
      %get3A_1335 = arith.constant 32 : index
      %get3A_1336 = tpu.vector_load %arg12[%get3A_1334, %get3A_1335] {strides = array<i32>} : memref<16x128xf32, #tpu.memory_space<vmem>>, vector<16xf32>,
      %mul3A_1337 = vector.broadcast %squeeze3A_1312 : f32 to vector<16xf32>
      %mul3A_1338 = arith.mulf %get3A_1336, %mul3A_1337 : vector<16xf32>
      %swap3A_1339 = arith.constant 15 : i32
      %swap3A_1340 = arith.index_cast %swap3A_1339 : i32 to index
      %swap3A_1341 = arith.constant 32 : index
      %swap3A_1342 = tpu.vector_load %arg12[%swap3A_1340, %swap3A_1341] {strides = array<i32>} : memref<16x128xf32, #tpu.memory_space<vmem>>, vector<16xf32>,
      tpu.vector_store %arg12[%swap3A_1340, %swap3A_1341], %mul3A_1338 {strides = array<i32>} : memref<16x128xf32, #tpu.memory_space<vmem>>, vector<16xf32>,
      %get3A_1343 = arith.constant 15 : i32
      %get3A_1344 = arith.index_cast %get3A_1343 : i32 to index
      %get3A_1345 = arith.constant 48 : index
      %get3A_1346 = tpu.vector_load %arg12[%get3A_1344, %get3A_1345] {strides = array<i32>} : memref<16x128xf32, #tpu.memory_space<vmem>>, vector<16xf32>,
      %mul3A_1347 = vector.broadcast %squeeze3A_1312 : f32 to vector<16xf32>
      %mul3A_1348 = arith.mulf %get3A_1346, %mul3A_1347 : vector<16xf32>
      %swap3A_1349 = arith.constant 15 : i32
      %swap3A_1350 = arith.index_cast %swap3A_1349 : i32 to index
      %swap3A_1351 = arith.constant 48 : index
      %swap3A_1352 = tpu.vector_load %arg12[%swap3A_1350, %swap3A_1351] {strides = array<i32>} : memref<16x128xf32, #tpu.memory_space<vmem>>, vector<16xf32>,
      tpu.vector_store %arg12[%swap3A_1350, %swap3A_1351], %mul3A_1348 {strides = array<i32>} : memref<16x128xf32, #tpu.memory_space<vmem>>, vector<16xf32>,
      "tpu.region"() ({
        %run_scoped3A = tpu.sem_alloc : memref<!tpu.dma_semaphore, #tpu.memory_space<semaphore_mem>>
        %dma_start3A_1353 = arith.constant 0 : i32
        %dma_start3A_1354 = arith.constant 0 : i32
        %dma_start3A_1355 = tpu.memref_slice %arg15[%dma_start3A_1353, %dma_start3A_1354] : memref<1024x128xf32, #tpu.memory_space<vmem_shared>> -> memref<1024x128xf32, #tpu.memory_space<vmem_shared>>
        tpu.enqueue_indirect_dma source(%arg12 : memref<16x128xf32, #tpu.memory_space<vmem>>) target(%dma_start3A_1355 : memref<1024x128xf32, #tpu.memory_space<vmem_shared>>) offsets(%arg14 : memref<16xi32, #tpu.memory_space<vmem>>) semaphore(%run_scoped3A : memref<!tpu.dma_semaphore, #tpu.memory_space<semaphore_mem>>) {add = true}
        %dma_wait3A_1356 = arith.constant 0 : i32
        %dma_wait3A_1357 = arith.constant 0 : i32
        %dma_wait3A_1358 = tpu.memref_slice %arg15[%dma_wait3A_1356, %dma_wait3A_1357] : memref<1024x128xf32, #tpu.memory_space<vmem_shared>> -> memref<1024x128xf32, #tpu.memory_space<vmem_shared>>
        tpu.wait_indirect_dma semaphore(%run_scoped3A : memref<!tpu.dma_semaphore, #tpu.memory_space<semaphore_mem>>) src(%arg12 : memref<16x128xf32, #tpu.memory_space<vmem>>) dst(%dma_wait3A_1358 : memref<1024x128xf32, #tpu.memory_space<vmem_shared>>)
        tpu.yield
      }) : () -> ()
    }
    "tpu.region"() ({
      %run_scoped3A = tpu.sem_alloc : memref<!tpu.dma_semaphore, #tpu.memory_space<semaphore_mem>>
      %dma_start3A_614 = arith.constant 0 : i32
      %dma_start3A_615 = tpu.memref_slice %arg7[%add3A, %dma_start3A_614] : memref<32x1024xf32, #tpu.memory_space<hbm>> -> memref<1x1024xf32, #tpu.memory_space<hbm>>
      %dma_start3A_616 = tpu.memref_squeeze %dma_start3A_615 : memref<1x1024xf32, #tpu.memory_space<hbm>> -> memref<1024xf32, #tpu.memory_space<hbm>>
      %dma_start3A_617 = arith.constant 0 : i32
      %dma_start3A_618 = tpu.memref_slice %arg7[%add3A, %dma_start3A_617] : memref<32x1024xf32, #tpu.memory_space<hbm>> -> memref<1x1024xf32, #tpu.memory_space<hbm>>
      %dma_start3A_619 = tpu.memref_squeeze %dma_start3A_618 : memref<1x1024xf32, #tpu.memory_space<hbm>> -> memref<1024xf32, #tpu.memory_space<hbm>>
      tpu.enqueue_dma source(%arg9 : memref<1024xf32, #tpu.memory_space<vmem>>) target(%dma_start3A_619 : memref<1024xf32, #tpu.memory_space<hbm>>) target_semaphore(%run_scoped3A : memref<!tpu.dma_semaphore, #tpu.memory_space<semaphore_mem>>)
      %dma_wait3A_620 = arith.constant 0 : i32
      %dma_wait3A_621 = tpu.memref_slice %arg7[%add3A, %dma_wait3A_620] : memref<32x1024xf32, #tpu.memory_space<hbm>> -> memref<1x1024xf32, #tpu.memory_space<hbm>>
      %dma_wait3A_622 = tpu.memref_squeeze %dma_wait3A_621 : memref<1x1024xf32, #tpu.memory_space<hbm>> -> memref<1024xf32, #tpu.memory_space<hbm>>
      %dma_wait3A_623 = arith.constant 0 : i32
      %dma_wait3A_624 = tpu.memref_slice %arg7[%add3A, %dma_wait3A_623] : memref<32x1024xf32, #tpu.memory_space<hbm>> -> memref<1x1024xf32, #tpu.memory_space<hbm>>
      %dma_wait3A_625 = tpu.memref_squeeze %dma_wait3A_624 : memref<1x1024xf32, #tpu.memory_space<hbm>> -> memref<1024xf32, #tpu.memory_space<hbm>>
      tpu.wait_dma2 semaphore(%run_scoped3A : memref<!tpu.dma_semaphore, #tpu.memory_space<semaphore_mem>>) src(%arg9 : memref<1024xf32, #tpu.memory_space<vmem>>) dst(%dma_wait3A_625 : memref<1024xf32, #tpu.memory_space<hbm>>)
      tpu.yield
    }) : () -> ()
    %barrier3A_581 = arith.constant 0 : index
    tpu.barrier barrier_id(%barrier3A_581)
    %mul3A_582 = arith.constant 64 : i32
    %mul3A_583 = arith.muli %arg1, %mul3A_582 : i32
    %add3A_584 = arith.constant 0 : i32
    %add3A_585 = arith.addi %mul3A_583, %add3A_584 : i32
    "tpu.region"() ({
      %run_scoped3A = tpu.sem_alloc : memref<!tpu.dma_semaphore, #tpu.memory_space<semaphore_mem>>
      %dma_start3A_614 = arith.constant 0 : i32
      %dma_start3A_615 = tpu.memref_slice %arg15[%add3A_585, %dma_start3A_614] : memref<1024x128xf32, #tpu.memory_space<vmem_shared>> -> memref<16x128xf32, #tpu.memory_space<vmem_shared>>
      %dma_start3A_616 = arith.constant 0 : i32
      %dma_start3A_617 = tpu.memref_slice %arg15[%add3A_585, %dma_start3A_616] : memref<1024x128xf32, #tpu.memory_space<vmem_shared>> -> memref<16x128xf32, #tpu.memory_space<vmem_shared>>
      tpu.enqueue_dma source(%dma_start3A_617 : memref<16x128xf32, #tpu.memory_space<vmem_shared>>) target(%arg12 : memref<16x128xf32, #tpu.memory_space<vmem>>) target_semaphore(%run_scoped3A : memref<!tpu.dma_semaphore, #tpu.memory_space<semaphore_mem>>)
      %dma_wait3A_618 = arith.constant 0 : i32
      %dma_wait3A_619 = tpu.memref_slice %arg15[%add3A_585, %dma_wait3A_618] : memref<1024x128xf32, #tpu.memory_space<vmem_shared>> -> memref<16x128xf32, #tpu.memory_space<vmem_shared>>
      %dma_wait3A_620 = arith.constant 0 : i32
      %dma_wait3A_621 = tpu.memref_slice %arg15[%add3A_585, %dma_wait3A_620] : memref<1024x128xf32, #tpu.memory_space<vmem_shared>> -> memref<16x128xf32, #tpu.memory_space<vmem_shared>>
      tpu.wait_dma2 semaphore(%run_scoped3A : memref<!tpu.dma_semaphore, #tpu.memory_space<semaphore_mem>>) src(%dma_wait3A_621 : memref<16x128xf32, #tpu.memory_space<vmem_shared>>) dst(%arg12 : memref<16x128xf32, #tpu.memory_space<vmem>>)
      tpu.yield
    }) : () -> ()
    %mul3A_586 = arith.constant 64 : i32
    %mul3A_587 = arith.muli %arg1, %mul3A_586 : i32
    %add3A_588 = arith.constant 0 : i32
    %add3A_589 = arith.addi %mul3A_587, %add3A_588 : i32
    "tpu.region"() ({
      %run_scoped3A = tpu.sem_alloc : memref<!tpu.dma_semaphore, #tpu.memory_space<semaphore_mem>>
      %dma_start3A_614 = arith.constant 0 : i32
      %dma_start3A_615 = tpu.memref_slice %arg6[%arg0, %add3A_589, %dma_start3A_614] : memref<2x1024x128xf32, #tpu.memory_space<hbm>> -> memref<1x16x128xf32, #tpu.memory_space<hbm>>
      %dma_start3A_616 = tpu.memref_squeeze %dma_start3A_615 : memref<1x16x128xf32, #tpu.memory_space<hbm>> -> memref<16x128xf32, #tpu.memory_space<hbm>>
      %dma_start3A_617 = arith.constant 0 : i32
      %dma_start3A_618 = tpu.memref_slice %arg6[%arg0, %add3A_589, %dma_start3A_617] : memref<2x1024x128xf32, #tpu.memory_space<hbm>> -> memref<1x16x128xf32, #tpu.memory_space<hbm>>
      %dma_start3A_619 = tpu.memref_squeeze %dma_start3A_618 : memref<1x16x128xf32, #tpu.memory_space<hbm>> -> memref<16x128xf32, #tpu.memory_space<hbm>>
      tpu.enqueue_dma source(%arg12 : memref<16x128xf32, #tpu.memory_space<vmem>>) target(%dma_start3A_619 : memref<16x128xf32, #tpu.memory_space<hbm>>) target_semaphore(%run_scoped3A : memref<!tpu.dma_semaphore, #tpu.memory_space<semaphore_mem>>)
      %dma_wait3A_620 = arith.constant 0 : i32
      %dma_wait3A_621 = tpu.memref_slice %arg6[%arg0, %add3A_589, %dma_wait3A_620] : memref<2x1024x128xf32, #tpu.memory_space<hbm>> -> memref<1x16x128xf32, #tpu.memory_space<hbm>>
      %dma_wait3A_622 = tpu.memref_squeeze %dma_wait3A_621 : memref<1x16x128xf32, #tpu.memory_space<hbm>> -> memref<16x128xf32, #tpu.memory_space<hbm>>
      %dma_wait3A_623 = arith.constant 0 : i32
      %dma_wait3A_624 = tpu.memref_slice %arg6[%arg0, %add3A_589, %dma_wait3A_623] : memref<2x1024x128xf32, #tpu.memory_space<hbm>> -> memref<1x16x128xf32, #tpu.memory_space<hbm>>
      %dma_wait3A_625 = tpu.memref_squeeze %dma_wait3A_624 : memref<1x16x128xf32, #tpu.memory_space<hbm>> -> memref<16x128xf32, #tpu.memory_space<hbm>>
      tpu.wait_dma2 semaphore(%run_scoped3A : memref<!tpu.dma_semaphore, #tpu.memory_space<semaphore_mem>>) src(%arg12 : memref<16x128xf32, #tpu.memory_space<vmem>>) dst(%dma_wait3A_625 : memref<16x128xf32, #tpu.memory_space<hbm>>)
      tpu.yield
    }) : () -> ()
    %mul3A_590 = arith.constant 64 : i32
    %mul3A_591 = arith.muli %arg1, %mul3A_590 : i32
    %add3A_592 = arith.constant 16 : i32
    %add3A_593 = arith.addi %mul3A_591, %add3A_592 : i32
    "tpu.region"() ({
      %run_scoped3A = tpu.sem_alloc : memref<!tpu.dma_semaphore, #tpu.memory_space<semaphore_mem>>
      %dma_start3A_614 = arith.constant 0 : i32
      %dma_start3A_615 = tpu.memref_slice %arg15[%add3A_593, %dma_start3A_614] : memref<1024x128xf32, #tpu.memory_space<vmem_shared>> -> memref<16x128xf32, #tpu.memory_space<vmem_shared>>
      %dma_start3A_616 = arith.constant 0 : i32
      %dma_start3A_617 = tpu.memref_slice %arg15[%add3A_593, %dma_start3A_616] : memref<1024x128xf32, #tpu.memory_space<vmem_shared>> -> memref<16x128xf32, #tpu.memory_space<vmem_shared>>
      tpu.enqueue_dma source(%dma_start3A_617 : memref<16x128xf32, #tpu.memory_space<vmem_shared>>) target(%arg12 : memref<16x128xf32, #tpu.memory_space<vmem>>) target_semaphore(%run_scoped3A : memref<!tpu.dma_semaphore, #tpu.memory_space<semaphore_mem>>)
      %dma_wait3A_618 = arith.constant 0 : i32
      %dma_wait3A_619 = tpu.memref_slice %arg15[%add3A_593, %dma_wait3A_618] : memref<1024x128xf32, #tpu.memory_space<vmem_shared>> -> memref<16x128xf32, #tpu.memory_space<vmem_shared>>
      %dma_wait3A_620 = arith.constant 0 : i32
      %dma_wait3A_621 = tpu.memref_slice %arg15[%add3A_593, %dma_wait3A_620] : memref<1024x128xf32, #tpu.memory_space<vmem_shared>> -> memref<16x128xf32, #tpu.memory_space<vmem_shared>>
      tpu.wait_dma2 semaphore(%run_scoped3A : memref<!tpu.dma_semaphore, #tpu.memory_space<semaphore_mem>>) src(%dma_wait3A_621 : memref<16x128xf32, #tpu.memory_space<vmem_shared>>) dst(%arg12 : memref<16x128xf32, #tpu.memory_space<vmem>>)
      tpu.yield
    }) : () -> ()
    %mul3A_594 = arith.constant 64 : i32
    %mul3A_595 = arith.muli %arg1, %mul3A_594 : i32
    %add3A_596 = arith.constant 16 : i32
    %add3A_597 = arith.addi %mul3A_595, %add3A_596 : i32
    "tpu.region"() ({
      %run_scoped3A = tpu.sem_alloc : memref<!tpu.dma_semaphore, #tpu.memory_space<semaphore_mem>>
      %dma_start3A_614 = arith.constant 0 : i32
      %dma_start3A_615 = tpu.memref_slice %arg6[%arg0, %add3A_597, %dma_start3A_614] : memref<2x1024x128xf32, #tpu.memory_space<hbm>> -> memref<1x16x128xf32, #tpu.memory_space<hbm>>
      %dma_start3A_616 = tpu.memref_squeeze %dma_start3A_615 : memref<1x16x128xf32, #tpu.memory_space<hbm>> -> memref<16x128xf32, #tpu.memory_space<hbm>>
      %dma_start3A_617 = arith.constant 0 : i32
      %dma_start3A_618 = tpu.memref_slice %arg6[%arg0, %add3A_597, %dma_start3A_617] : memref<2x1024x128xf32, #tpu.memory_space<hbm>> -> memref<1x16x128xf32, #tpu.memory_space<hbm>>
      %dma_start3A_619 = tpu.memref_squeeze %dma_start3A_618 : memref<1x16x128xf32, #tpu.memory_space<hbm>> -> memref<16x128xf32, #tpu.memory_space<hbm>>
      tpu.enqueue_dma source(%arg12 : memref<16x128xf32, #tpu.memory_space<vmem>>) target(%dma_start3A_619 : memref<16x128xf32, #tpu.memory_space<hbm>>) target_semaphore(%run_scoped3A : memref<!tpu.dma_semaphore, #tpu.memory_space<semaphore_mem>>)
      %dma_wait3A_620 = arith.constant 0 : i32
      %dma_wait3A_621 = tpu.memref_slice %arg6[%arg0, %add3A_597, %dma_wait3A_620] : memref<2x1024x128xf32, #tpu.memory_space<hbm>> -> memref<1x16x128xf32, #tpu.memory_space<hbm>>
      %dma_wait3A_622 = tpu.memref_squeeze %dma_wait3A_621 : memref<1x16x128xf32, #tpu.memory_space<hbm>> -> memref<16x128xf32, #tpu.memory_space<hbm>>
      %dma_wait3A_623 = arith.constant 0 : i32
      %dma_wait3A_624 = tpu.memref_slice %arg6[%arg0, %add3A_597, %dma_wait3A_623] : memref<2x1024x128xf32, #tpu.memory_space<hbm>> -> memref<1x16x128xf32, #tpu.memory_space<hbm>>
      %dma_wait3A_625 = tpu.memref_squeeze %dma_wait3A_624 : memref<1x16x128xf32, #tpu.memory_space<hbm>> -> memref<16x128xf32, #tpu.memory_space<hbm>>
      tpu.wait_dma2 semaphore(%run_scoped3A : memref<!tpu.dma_semaphore, #tpu.memory_space<semaphore_mem>>) src(%arg12 : memref<16x128xf32, #tpu.memory_space<vmem>>) dst(%dma_wait3A_625 : memref<16x128xf32, #tpu.memory_space<hbm>>)
      tpu.yield
    }) : () -> ()
    %mul3A_598 = arith.constant 64 : i32
    %mul3A_599 = arith.muli %arg1, %mul3A_598 : i32
    %add3A_600 = arith.constant 32 : i32
    %add3A_601 = arith.addi %mul3A_599, %add3A_600 : i32
    "tpu.region"() ({
      %run_scoped3A = tpu.sem_alloc : memref<!tpu.dma_semaphore, #tpu.memory_space<semaphore_mem>>
      %dma_start3A_614 = arith.constant 0 : i32
      %dma_start3A_615 = tpu.memref_slice %arg15[%add3A_601, %dma_start3A_614] : memref<1024x128xf32, #tpu.memory_space<vmem_shared>> -> memref<16x128xf32, #tpu.memory_space<vmem_shared>>
      %dma_start3A_616 = arith.constant 0 : i32
      %dma_start3A_617 = tpu.memref_slice %arg15[%add3A_601, %dma_start3A_616] : memref<1024x128xf32, #tpu.memory_space<vmem_shared>> -> memref<16x128xf32, #tpu.memory_space<vmem_shared>>
      tpu.enqueue_dma source(%dma_start3A_617 : memref<16x128xf32, #tpu.memory_space<vmem_shared>>) target(%arg12 : memref<16x128xf32, #tpu.memory_space<vmem>>) target_semaphore(%run_scoped3A : memref<!tpu.dma_semaphore, #tpu.memory_space<semaphore_mem>>)
      %dma_wait3A_618 = arith.constant 0 : i32
      %dma_wait3A_619 = tpu.memref_slice %arg15[%add3A_601, %dma_wait3A_618] : memref<1024x128xf32, #tpu.memory_space<vmem_shared>> -> memref<16x128xf32, #tpu.memory_space<vmem_shared>>
      %dma_wait3A_620 = arith.constant 0 : i32
      %dma_wait3A_621 = tpu.memref_slice %arg15[%add3A_601, %dma_wait3A_620] : memref<1024x128xf32, #tpu.memory_space<vmem_shared>> -> memref<16x128xf32, #tpu.memory_space<vmem_shared>>
      tpu.wait_dma2 semaphore(%run_scoped3A : memref<!tpu.dma_semaphore, #tpu.memory_space<semaphore_mem>>) src(%dma_wait3A_621 : memref<16x128xf32, #tpu.memory_space<vmem_shared>>) dst(%arg12 : memref<16x128xf32, #tpu.memory_space<vmem>>)
      tpu.yield
    }) : () -> ()
    %mul3A_602 = arith.constant 64 : i32
    %mul3A_603 = arith.muli %arg1, %mul3A_602 : i32
    %add3A_604 = arith.constant 32 : i32
    %add3A_605 = arith.addi %mul3A_603, %add3A_604 : i32
    "tpu.region"() ({
      %run_scoped3A = tpu.sem_alloc : memref<!tpu.dma_semaphore, #tpu.memory_space<semaphore_mem>>
      %dma_start3A_614 = arith.constant 0 : i32
      %dma_start3A_615 = tpu.memref_slice %arg6[%arg0, %add3A_605, %dma_start3A_614] : memref<2x1024x128xf32, #tpu.memory_space<hbm>> -> memref<1x16x128xf32, #tpu.memory_space<hbm>>
      %dma_start3A_616 = tpu.memref_squeeze %dma_start3A_615 : memref<1x16x128xf32, #tpu.memory_space<hbm>> -> memref<16x128xf32, #tpu.memory_space<hbm>>
      %dma_start3A_617 = arith.constant 0 : i32
      %dma_start3A_618 = tpu.memref_slice %arg6[%arg0, %add3A_605, %dma_start3A_617] : memref<2x1024x128xf32, #tpu.memory_space<hbm>> -> memref<1x16x128xf32, #tpu.memory_space<hbm>>
      %dma_start3A_619 = tpu.memref_squeeze %dma_start3A_618 : memref<1x16x128xf32, #tpu.memory_space<hbm>> -> memref<16x128xf32, #tpu.memory_space<hbm>>
      tpu.enqueue_dma source(%arg12 : memref<16x128xf32, #tpu.memory_space<vmem>>) target(%dma_start3A_619 : memref<16x128xf32, #tpu.memory_space<hbm>>) target_semaphore(%run_scoped3A : memref<!tpu.dma_semaphore, #tpu.memory_space<semaphore_mem>>)
      %dma_wait3A_620 = arith.constant 0 : i32
      %dma_wait3A_621 = tpu.memref_slice %arg6[%arg0, %add3A_605, %dma_wait3A_620] : memref<2x1024x128xf32, #tpu.memory_space<hbm>> -> memref<1x16x128xf32, #tpu.memory_space<hbm>>
      %dma_wait3A_622 = tpu.memref_squeeze %dma_wait3A_621 : memref<1x16x128xf32, #tpu.memory_space<hbm>> -> memref<16x128xf32, #tpu.memory_space<hbm>>
      %dma_wait3A_623 = arith.constant 0 : i32
      %dma_wait3A_624 = tpu.memref_slice %arg6[%arg0, %add3A_605, %dma_wait3A_623] : memref<2x1024x128xf32, #tpu.memory_space<hbm>> -> memref<1x16x128xf32, #tpu.memory_space<hbm>>
      %dma_wait3A_625 = tpu.memref_squeeze %dma_wait3A_624 : memref<1x16x128xf32, #tpu.memory_space<hbm>> -> memref<16x128xf32, #tpu.memory_space<hbm>>
      tpu.wait_dma2 semaphore(%run_scoped3A : memref<!tpu.dma_semaphore, #tpu.memory_space<semaphore_mem>>) src(%arg12 : memref<16x128xf32, #tpu.memory_space<vmem>>) dst(%dma_wait3A_625 : memref<16x128xf32, #tpu.memory_space<hbm>>)
      tpu.yield
    }) : () -> ()
    %mul3A_606 = arith.constant 64 : i32
    %mul3A_607 = arith.muli %arg1, %mul3A_606 : i32
    %add3A_608 = arith.constant 48 : i32
    %add3A_609 = arith.addi %mul3A_607, %add3A_608 : i32
    "tpu.region"() ({
      %run_scoped3A = tpu.sem_alloc : memref<!tpu.dma_semaphore, #tpu.memory_space<semaphore_mem>>
      %dma_start3A_614 = arith.constant 0 : i32
      %dma_start3A_615 = tpu.memref_slice %arg15[%add3A_609, %dma_start3A_614] : memref<1024x128xf32, #tpu.memory_space<vmem_shared>> -> memref<16x128xf32, #tpu.memory_space<vmem_shared>>
      %dma_start3A_616 = arith.constant 0 : i32
      %dma_start3A_617 = tpu.memref_slice %arg15[%add3A_609, %dma_start3A_616] : memref<1024x128xf32, #tpu.memory_space<vmem_shared>> -> memref<16x128xf32, #tpu.memory_space<vmem_shared>>
      tpu.enqueue_dma source(%dma_start3A_617 : memref<16x128xf32, #tpu.memory_space<vmem_shared>>) target(%arg12 : memref<16x128xf32, #tpu.memory_space<vmem>>) target_semaphore(%run_scoped3A : memref<!tpu.dma_semaphore, #tpu.memory_space<semaphore_mem>>)
      %dma_wait3A_618 = arith.constant 0 : i32
      %dma_wait3A_619 = tpu.memref_slice %arg15[%add3A_609, %dma_wait3A_618] : memref<1024x128xf32, #tpu.memory_space<vmem_shared>> -> memref<16x128xf32, #tpu.memory_space<vmem_shared>>
      %dma_wait3A_620 = arith.constant 0 : i32
      %dma_wait3A_621 = tpu.memref_slice %arg15[%add3A_609, %dma_wait3A_620] : memref<1024x128xf32, #tpu.memory_space<vmem_shared>> -> memref<16x128xf32, #tpu.memory_space<vmem_shared>>
      tpu.wait_dma2 semaphore(%run_scoped3A : memref<!tpu.dma_semaphore, #tpu.memory_space<semaphore_mem>>) src(%dma_wait3A_621 : memref<16x128xf32, #tpu.memory_space<vmem_shared>>) dst(%arg12 : memref<16x128xf32, #tpu.memory_space<vmem>>)
      tpu.yield
    }) : () -> ()
    %mul3A_610 = arith.constant 64 : i32
    %mul3A_611 = arith.muli %arg1, %mul3A_610 : i32
    %add3A_612 = arith.constant 48 : i32
    %add3A_613 = arith.addi %mul3A_611, %add3A_612 : i32
    "tpu.region"() ({
      %run_scoped3A = tpu.sem_alloc : memref<!tpu.dma_semaphore, #tpu.memory_space<semaphore_mem>>
      %dma_start3A_614 = arith.constant 0 : i32
      %dma_start3A_615 = tpu.memref_slice %arg6[%arg0, %add3A_613, %dma_start3A_614] : memref<2x1024x128xf32, #tpu.memory_space<hbm>> -> memref<1x16x128xf32, #tpu.memory_space<hbm>>
      %dma_start3A_616 = tpu.memref_squeeze %dma_start3A_615 : memref<1x16x128xf32, #tpu.memory_space<hbm>> -> memref<16x128xf32, #tpu.memory_space<hbm>>
      %dma_start3A_617 = arith.constant 0 : i32
      %dma_start3A_618 = tpu.memref_slice %arg6[%arg0, %add3A_613, %dma_start3A_617] : memref<2x1024x128xf32, #tpu.memory_space<hbm>> -> memref<1x16x128xf32, #tpu.memory_space<hbm>>
      %dma_start3A_619 = tpu.memref_squeeze %dma_start3A_618 : memref<1x16x128xf32, #tpu.memory_space<hbm>> -> memref<16x128xf32, #tpu.memory_space<hbm>>
      tpu.enqueue_dma source(%arg12 : memref<16x128xf32, #tpu.memory_space<vmem>>) target(%dma_start3A_619 : memref<16x128xf32, #tpu.memory_space<hbm>>) target_semaphore(%run_scoped3A : memref<!tpu.dma_semaphore, #tpu.memory_space<semaphore_mem>>)
      %dma_wait3A_620 = arith.constant 0 : i32
      %dma_wait3A_621 = tpu.memref_slice %arg6[%arg0, %add3A_613, %dma_wait3A_620] : memref<2x1024x128xf32, #tpu.memory_space<hbm>> -> memref<1x16x128xf32, #tpu.memory_space<hbm>>
      %dma_wait3A_622 = tpu.memref_squeeze %dma_wait3A_621 : memref<1x16x128xf32, #tpu.memory_space<hbm>> -> memref<16x128xf32, #tpu.memory_space<hbm>>
      %dma_wait3A_623 = arith.constant 0 : i32
      %dma_wait3A_624 = tpu.memref_slice %arg6[%arg0, %add3A_613, %dma_wait3A_623] : memref<2x1024x128xf32, #tpu.memory_space<hbm>> -> memref<1x16x128xf32, #tpu.memory_space<hbm>>
      %dma_wait3A_625 = tpu.memref_squeeze %dma_wait3A_624 : memref<1x16x128xf32, #tpu.memory_space<hbm>> -> memref<16x128xf32, #tpu.memory_space<hbm>>
      tpu.wait_dma2 semaphore(%run_scoped3A : memref<!tpu.dma_semaphore, #tpu.memory_space<semaphore_mem>>) src(%arg12 : memref<16x128xf32, #tpu.memory_space<vmem>>) dst(%dma_wait3A_625 : memref<16x128xf32, #tpu.memory_space<hbm>>)
      tpu.yield
    }) : () -> ()
    return
  }
}

#map = affine_map<(d0, d1) -> (0, 0)>
#map1 = affine_map<(d0, d1) -> (0)>
module attributes {stable_mosaic.version = 14 : i64} {
  func.func @_sc_p1_body(%arg0: i32, %arg1: i32, %arg2: memref<2x524288xi32, #tpu.memory_space<hbm>>, %arg3: memref<50016xi32, #tpu.memory_space<hbm>>, %arg4: memref<32x16384xi32, #tpu.memory_space<hbm>>, %arg5: memref<32x16xi32, #tpu.memory_space<hbm>>, %arg6: memref<50016xi32, #tpu.memory_space<vmem>>, %arg7: memref<2x1024xi32, #tpu.memory_space<vmem>>, %arg8: memref<2x1024xi32, #tpu.memory_space<vmem>>, %arg9: memref<16384xi32, #tpu.memory_space<vmem>>, %arg10: memref<16xi32, #tpu.memory_space<vmem>>, %arg11: memref<!tpu.dma_semaphore, #tpu.memory_space<semaphore_mem>>) attributes {dimension_semantics = [#tpu.dimension_semantics<core_parallel>, #tpu.dimension_semantics<subcore_parallel>], iteration_bounds = array<i64: 2, 16>, scalar_prefetch = 0 : i64, scratch_operands = 6 : i64, tpu.core_type = #tpu.core_type<sc_vector_subcore>, window_params = [{transform_indices = #map}, {transform_indices = #map1}, {transform_indices = #map}, {transform_indices = #map}]} {
    %mul3A = arith.constant 2 : i32
    %mul3A_0 = arith.muli %arg1, %mul3A : i32
    %add3A = arith.addi %mul3A_0, %arg0 : i32
    %mul3A_1 = arith.constant 16384 : i32
    %mul3A_2 = arith.muli %add3A, %mul3A_1 : i32
    "tpu.region"() ({
      %run_scoped3A = tpu.sem_alloc : memref<!tpu.dma_semaphore, #tpu.memory_space<semaphore_mem>>
      tpu.enqueue_dma source(%arg3 : memref<50016xi32, #tpu.memory_space<hbm>>) target(%arg6 : memref<50016xi32, #tpu.memory_space<vmem>>) target_semaphore(%run_scoped3A : memref<!tpu.dma_semaphore, #tpu.memory_space<semaphore_mem>>)
      tpu.wait_dma2 semaphore(%run_scoped3A : memref<!tpu.dma_semaphore, #tpu.memory_space<semaphore_mem>>) src(%arg3 : memref<50016xi32, #tpu.memory_space<hbm>>) dst(%arg6 : memref<50016xi32, #tpu.memory_space<vmem>>)
      tpu.yield
    }) : () -> ()
    %broadcast_in_dim3A = arith.constant 0 : i32
    %broadcast_in_dim3A_3 = vector.broadcast %broadcast_in_dim3A : i32 to vector<16xi32>
    %dma_start3A = arith.constant 0 : i32
    %dma_start3A_4 = tpu.memref_slice %arg2[%dma_start3A, %mul3A_2] : memref<2x524288xi32, #tpu.memory_space<hbm>> -> memref<2x1024xi32, #tpu.memory_space<hbm>>
    %dma_start3A_5 = arith.constant 0 : i32
    %dma_start3A_6 = tpu.memref_slice %arg2[%dma_start3A_5, %mul3A_2] : memref<2x524288xi32, #tpu.memory_space<hbm>> -> memref<2x1024xi32, #tpu.memory_space<hbm>>
    tpu.enqueue_dma source(%dma_start3A_6 : memref<2x1024xi32, #tpu.memory_space<hbm>>) target(%arg7 : memref<2x1024xi32, #tpu.memory_space<vmem>>) target_semaphore(%arg11 : memref<!tpu.dma_semaphore, #tpu.memory_space<semaphore_mem>>)
    %dma_wait3A = arith.constant 0 : i32
    %dma_wait3A_7 = tpu.memref_slice %arg2[%dma_wait3A, %mul3A_2] : memref<2x524288xi32, #tpu.memory_space<hbm>> -> memref<2x1024xi32, #tpu.memory_space<hbm>>
    %dma_wait3A_8 = arith.constant 0 : i32
    %dma_wait3A_9 = tpu.memref_slice %arg2[%dma_wait3A_8, %mul3A_2] : memref<2x524288xi32, #tpu.memory_space<hbm>> -> memref<2x1024xi32, #tpu.memory_space<hbm>>
    tpu.wait_dma2 semaphore(%arg11 : memref<!tpu.dma_semaphore, #tpu.memory_space<semaphore_mem>>) src(%dma_wait3A_9 : memref<2x1024xi32, #tpu.memory_space<hbm>>) dst(%arg7 : memref<2x1024xi32, #tpu.memory_space<vmem>>)
    %add3A_10 = arith.constant 1024 : i32
    %add3A_11 = arith.addi %mul3A_2, %add3A_10 : i32
    %dma_start3A_12 = arith.constant 0 : i32
    %dma_start3A_13 = tpu.memref_slice %arg2[%dma_start3A_12, %add3A_11] : memref<2x524288xi32, #tpu.memory_space<hbm>> -> memref<2x1024xi32, #tpu.memory_space<hbm>>
    %dma_start3A_14 = arith.constant 0 : i32
    %dma_start3A_15 = tpu.memref_slice %arg2[%dma_start3A_14, %add3A_11] : memref<2x524288xi32, #tpu.memory_space<hbm>> -> memref<2x1024xi32, #tpu.memory_space<hbm>>
    tpu.enqueue_dma source(%dma_start3A_15 : memref<2x1024xi32, #tpu.memory_space<hbm>>) target(%arg8 : memref<2x1024xi32, #tpu.memory_space<vmem>>) target_semaphore(%arg11 : memref<!tpu.dma_semaphore, #tpu.memory_space<semaphore_mem>>)
    %scan3A = arith.constant 0 : i32
    %scan3A_16 = arith.constant 64 : i32
    %scan3A_17 = arith.addi %scan3A, %scan3A_16 : i32
    %scan3A_18 = arith.constant 1 : i32
    %scan3A_19 = scf.for %scan3A_256 = %scan3A to %scan3A_17 step %scan3A_18 iter_args(%scan3A_257 = %broadcast_in_dim3A_3) -> (vector<16xi32>)  : i32 {
      %mul3A_258 = arith.constant 16 : i32
      %mul3A_259 = arith.muli %scan3A_256, %mul3A_258 : i32
      %get3A = arith.constant 0 : i32
      %get3A_260 = arith.index_cast %get3A : i32 to index
      %get3A_261 = arith.index_cast %mul3A_259 : i32 to index
      %get3A_262 = tpu.vector_load %arg7[%get3A_260, %get3A_261] {strides = array<i32>} : memref<2x1024xi32, #tpu.memory_space<vmem>>, vector<16xi32>,
      %mul3A_263 = arith.constant 16 : i32
      %mul3A_264 = arith.muli %scan3A_256, %mul3A_263 : i32
      %get3A_265 = arith.constant 1 : i32
      %get3A_266 = arith.index_cast %get3A_265 : i32 to index
      %get3A_267 = arith.index_cast %mul3A_264 : i32 to index
      %get3A_268 = tpu.vector_load %arg7[%get3A_266, %get3A_267] {strides = array<i32>} : memref<2x1024xi32, #tpu.memory_space<vmem>>, vector<16xi32>,
      %gather3A = tpu.vector_load_idx %arg6[%get3A_268] : memref<50016xi32, #tpu.memory_space<vmem>>[vector<16xi32>], vector<16xi32>,
      %ge3A = arith.constant 0 : i32
      %ge3A_269 = vector.broadcast %ge3A : i32 to vector<16xi32>
      %ge3A_270 = arith.cmpi sge, %gather3A, %ge3A_269 : vector<16xi32>
      %max3A = arith.constant 0 : i32
      %max3A_271 = vector.broadcast %max3A : i32 to vector<16xi32>
      %max3A_272 = arith.maxsi %gather3A, %max3A_271 : vector<16xi32>
      %convert_element_type3A = arith.extui %ge3A_270 : vector<16xi1> to vector<16xi32>
      %cumsum3A = arith.constant true
      %cumsum3A_273 = vector.broadcast %cumsum3A : i1 to vector<16xi1>
      %cumsum3A_274 = tpu.scan <sum>, %convert_element_type3A masked %cumsum3A_273 : vector<16xi32>, vector<16xi1> -> vector<16xi32>
      %add3A_275 = arith.addi %scan3A_257, %cumsum3A_274 : vector<16xi32>
      %sub3A = arith.constant 1 : i32
      %sub3A_276 = vector.broadcast %sub3A : i32 to vector<16xi32>
      %sub3A_277 = arith.subi %add3A_275, %sub3A_276 : vector<16xi32>
      %mul3A_278 = arith.constant 1024 : i32
      %mul3A_279 = vector.broadcast %mul3A_278 : i32 to vector<16xi32>
      %mul3A_280 = arith.muli %get3A_262, %mul3A_279 : vector<16xi32>
      %add3A_281 = arith.addi %mul3A_280, %max3A_272 : vector<16xi32>
      tpu.vector_store_idx %arg9[%sub3A_277], %add3A_281 masked %ge3A_270 : memref<16384xi32, #tpu.memory_space<vmem>>[vector<16xi32>], vector<16xi32>, vector<16xi1>
      %all_reduce_population_count3A = tpu.all_reduce %ge3A_270 {dim = 0 : i64, kind = #tpu.reduction_kind<sum>} : vector<16xi1> -> vector<16xi32>
      %add3A_282 = arith.addi %scan3A_257, %all_reduce_population_count3A : vector<16xi32>
      scf.yield %add3A_282 : vector<16xi32>
    }
    %scan3A_20 = arith.constant 64 : i32
    %dma_wait3A_21 = arith.constant 0 : i32
    %dma_wait3A_22 = tpu.memref_slice %arg2[%dma_wait3A_21, %add3A_11] : memref<2x524288xi32, #tpu.memory_space<hbm>> -> memref<2x1024xi32, #tpu.memory_space<hbm>>
    %dma_wait3A_23 = arith.constant 0 : i32
    %dma_wait3A_24 = tpu.memref_slice %arg2[%dma_wait3A_23, %add3A_11] : memref<2x524288xi32, #tpu.memory_space<hbm>> -> memref<2x1024xi32, #tpu.memory_space<hbm>>
    tpu.wait_dma2 semaphore(%arg11 : memref<!tpu.dma_semaphore, #tpu.memory_space<semaphore_mem>>) src(%dma_wait3A_24 : memref<2x1024xi32, #tpu.memory_space<hbm>>) dst(%arg8 : memref<2x1024xi32, #tpu.memory_space<vmem>>)
    %add3A_25 = arith.constant 2048 : i32
    %add3A_26 = arith.addi %mul3A_2, %add3A_25 : i32
    %dma_start3A_27 = arith.constant 0 : i32
    %dma_start3A_28 = tpu.memref_slice %arg2[%dma_start3A_27, %add3A_26] : memref<2x524288xi32, #tpu.memory_space<hbm>> -> memref<2x1024xi32, #tpu.memory_space<hbm>>
    %dma_start3A_29 = arith.constant 0 : i32
    %dma_start3A_30 = tpu.memref_slice %arg2[%dma_start3A_29, %add3A_26] : memref<2x524288xi32, #tpu.memory_space<hbm>> -> memref<2x1024xi32, #tpu.memory_space<hbm>>
    tpu.enqueue_dma source(%dma_start3A_30 : memref<2x1024xi32, #tpu.memory_space<hbm>>) target(%arg7 : memref<2x1024xi32, #tpu.memory_space<vmem>>) target_semaphore(%arg11 : memref<!tpu.dma_semaphore, #tpu.memory_space<semaphore_mem>>)
    %scan3A_31 = arith.constant 0 : i32
    %scan3A_32 = arith.constant 64 : i32
    %scan3A_33 = arith.addi %scan3A_31, %scan3A_32 : i32
    %scan3A_34 = arith.constant 1 : i32
    %scan3A_35 = scf.for %scan3A_256 = %scan3A_31 to %scan3A_33 step %scan3A_34 iter_args(%scan3A_257 = %scan3A_19) -> (vector<16xi32>)  : i32 {
      %mul3A_258 = arith.constant 16 : i32
      %mul3A_259 = arith.muli %scan3A_256, %mul3A_258 : i32
      %get3A = arith.constant 0 : i32
      %get3A_260 = arith.index_cast %get3A : i32 to index
      %get3A_261 = arith.index_cast %mul3A_259 : i32 to index
      %get3A_262 = tpu.vector_load %arg8[%get3A_260, %get3A_261] {strides = array<i32>} : memref<2x1024xi32, #tpu.memory_space<vmem>>, vector<16xi32>,
      %mul3A_263 = arith.constant 16 : i32
      %mul3A_264 = arith.muli %scan3A_256, %mul3A_263 : i32
      %get3A_265 = arith.constant 1 : i32
      %get3A_266 = arith.index_cast %get3A_265 : i32 to index
      %get3A_267 = arith.index_cast %mul3A_264 : i32 to index
      %get3A_268 = tpu.vector_load %arg8[%get3A_266, %get3A_267] {strides = array<i32>} : memref<2x1024xi32, #tpu.memory_space<vmem>>, vector<16xi32>,
      %gather3A = tpu.vector_load_idx %arg6[%get3A_268] : memref<50016xi32, #tpu.memory_space<vmem>>[vector<16xi32>], vector<16xi32>,
      %ge3A = arith.constant 0 : i32
      %ge3A_269 = vector.broadcast %ge3A : i32 to vector<16xi32>
      %ge3A_270 = arith.cmpi sge, %gather3A, %ge3A_269 : vector<16xi32>
      %max3A = arith.constant 0 : i32
      %max3A_271 = vector.broadcast %max3A : i32 to vector<16xi32>
      %max3A_272 = arith.maxsi %gather3A, %max3A_271 : vector<16xi32>
      %convert_element_type3A = arith.extui %ge3A_270 : vector<16xi1> to vector<16xi32>
      %cumsum3A = arith.constant true
      %cumsum3A_273 = vector.broadcast %cumsum3A : i1 to vector<16xi1>
      %cumsum3A_274 = tpu.scan <sum>, %convert_element_type3A masked %cumsum3A_273 : vector<16xi32>, vector<16xi1> -> vector<16xi32>
      %add3A_275 = arith.addi %scan3A_257, %cumsum3A_274 : vector<16xi32>
      %sub3A = arith.constant 1 : i32
      %sub3A_276 = vector.broadcast %sub3A : i32 to vector<16xi32>
      %sub3A_277 = arith.subi %add3A_275, %sub3A_276 : vector<16xi32>
      %mul3A_278 = arith.constant 1024 : i32
      %mul3A_279 = vector.broadcast %mul3A_278 : i32 to vector<16xi32>
      %mul3A_280 = arith.muli %get3A_262, %mul3A_279 : vector<16xi32>
      %add3A_281 = arith.addi %mul3A_280, %max3A_272 : vector<16xi32>
      tpu.vector_store_idx %arg9[%sub3A_277], %add3A_281 masked %ge3A_270 : memref<16384xi32, #tpu.memory_space<vmem>>[vector<16xi32>], vector<16xi32>, vector<16xi1>
      %all_reduce_population_count3A = tpu.all_reduce %ge3A_270 {dim = 0 : i64, kind = #tpu.reduction_kind<sum>} : vector<16xi1> -> vector<16xi32>
      %add3A_282 = arith.addi %scan3A_257, %all_reduce_population_count3A : vector<16xi32>
      scf.yield %add3A_282 : vector<16xi32>
    }
    %scan3A_36 = arith.constant 64 : i32
    %dma_wait3A_37 = arith.constant 0 : i32
    %dma_wait3A_38 = tpu.memref_slice %arg2[%dma_wait3A_37, %add3A_26] : memref<2x524288xi32, #tpu.memory_space<hbm>> -> memref<2x1024xi32, #tpu.memory_space<hbm>>
    %dma_wait3A_39 = arith.constant 0 : i32
    %dma_wait3A_40 = tpu.memref_slice %arg2[%dma_wait3A_39, %add3A_26] : memref<2x524288xi32, #tpu.memory_space<hbm>> -> memref<2x1024xi32, #tpu.memory_space<hbm>>
    tpu.wait_dma2 semaphore(%arg11 : memref<!tpu.dma_semaphore, #tpu.memory_space<semaphore_mem>>) src(%dma_wait3A_40 : memref<2x1024xi32, #tpu.memory_space<hbm>>) dst(%arg7 : memref<2x1024xi32, #tpu.memory_space<vmem>>)
    %add3A_41 = arith.constant 3072 : i32
    %add3A_42 = arith.addi %mul3A_2, %add3A_41 : i32
    %dma_start3A_43 = arith.constant 0 : i32
    %dma_start3A_44 = tpu.memref_slice %arg2[%dma_start3A_43, %add3A_42] : memref<2x524288xi32, #tpu.memory_space<hbm>> -> memref<2x1024xi32, #tpu.memory_space<hbm>>
    %dma_start3A_45 = arith.constant 0 : i32
    %dma_start3A_46 = tpu.memref_slice %arg2[%dma_start3A_45, %add3A_42] : memref<2x524288xi32, #tpu.memory_space<hbm>> -> memref<2x1024xi32, #tpu.memory_space<hbm>>
    tpu.enqueue_dma source(%dma_start3A_46 : memref<2x1024xi32, #tpu.memory_space<hbm>>) target(%arg8 : memref<2x1024xi32, #tpu.memory_space<vmem>>) target_semaphore(%arg11 : memref<!tpu.dma_semaphore, #tpu.memory_space<semaphore_mem>>)
    %scan3A_47 = arith.constant 0 : i32
    %scan3A_48 = arith.constant 64 : i32
    %scan3A_49 = arith.addi %scan3A_47, %scan3A_48 : i32
    %scan3A_50 = arith.constant 1 : i32
    %scan3A_51 = scf.for %scan3A_256 = %scan3A_47 to %scan3A_49 step %scan3A_50 iter_args(%scan3A_257 = %scan3A_35) -> (vector<16xi32>)  : i32 {
      %mul3A_258 = arith.constant 16 : i32
      %mul3A_259 = arith.muli %scan3A_256, %mul3A_258 : i32
      %get3A = arith.constant 0 : i32
      %get3A_260 = arith.index_cast %get3A : i32 to index
      %get3A_261 = arith.index_cast %mul3A_259 : i32 to index
      %get3A_262 = tpu.vector_load %arg7[%get3A_260, %get3A_261] {strides = array<i32>} : memref<2x1024xi32, #tpu.memory_space<vmem>>, vector<16xi32>,
      %mul3A_263 = arith.constant 16 : i32
      %mul3A_264 = arith.muli %scan3A_256, %mul3A_263 : i32
      %get3A_265 = arith.constant 1 : i32
      %get3A_266 = arith.index_cast %get3A_265 : i32 to index
      %get3A_267 = arith.index_cast %mul3A_264 : i32 to index
      %get3A_268 = tpu.vector_load %arg7[%get3A_266, %get3A_267] {strides = array<i32>} : memref<2x1024xi32, #tpu.memory_space<vmem>>, vector<16xi32>,
      %gather3A = tpu.vector_load_idx %arg6[%get3A_268] : memref<50016xi32, #tpu.memory_space<vmem>>[vector<16xi32>], vector<16xi32>,
      %ge3A = arith.constant 0 : i32
      %ge3A_269 = vector.broadcast %ge3A : i32 to vector<16xi32>
      %ge3A_270 = arith.cmpi sge, %gather3A, %ge3A_269 : vector<16xi32>
      %max3A = arith.constant 0 : i32
      %max3A_271 = vector.broadcast %max3A : i32 to vector<16xi32>
      %max3A_272 = arith.maxsi %gather3A, %max3A_271 : vector<16xi32>
      %convert_element_type3A = arith.extui %ge3A_270 : vector<16xi1> to vector<16xi32>
      %cumsum3A = arith.constant true
      %cumsum3A_273 = vector.broadcast %cumsum3A : i1 to vector<16xi1>
      %cumsum3A_274 = tpu.scan <sum>, %convert_element_type3A masked %cumsum3A_273 : vector<16xi32>, vector<16xi1> -> vector<16xi32>
      %add3A_275 = arith.addi %scan3A_257, %cumsum3A_274 : vector<16xi32>
      %sub3A = arith.constant 1 : i32
      %sub3A_276 = vector.broadcast %sub3A : i32 to vector<16xi32>
      %sub3A_277 = arith.subi %add3A_275, %sub3A_276 : vector<16xi32>
      %mul3A_278 = arith.constant 1024 : i32
      %mul3A_279 = vector.broadcast %mul3A_278 : i32 to vector<16xi32>
      %mul3A_280 = arith.muli %get3A_262, %mul3A_279 : vector<16xi32>
      %add3A_281 = arith.addi %mul3A_280, %max3A_272 : vector<16xi32>
      tpu.vector_store_idx %arg9[%sub3A_277], %add3A_281 masked %ge3A_270 : memref<16384xi32, #tpu.memory_space<vmem>>[vector<16xi32>], vector<16xi32>, vector<16xi1>
      %all_reduce_population_count3A = tpu.all_reduce %ge3A_270 {dim = 0 : i64, kind = #tpu.reduction_kind<sum>} : vector<16xi1> -> vector<16xi32>
      %add3A_282 = arith.addi %scan3A_257, %all_reduce_population_count3A : vector<16xi32>
      scf.yield %add3A_282 : vector<16xi32>
    }
    %scan3A_52 = arith.constant 64 : i32
    %dma_wait3A_53 = arith.constant 0 : i32
    %dma_wait3A_54 = tpu.memref_slice %arg2[%dma_wait3A_53, %add3A_42] : memref<2x524288xi32, #tpu.memory_space<hbm>> -> memref<2x1024xi32, #tpu.memory_space<hbm>>
    %dma_wait3A_55 = arith.constant 0 : i32
    %dma_wait3A_56 = tpu.memref_slice %arg2[%dma_wait3A_55, %add3A_42] : memref<2x524288xi32, #tpu.memory_space<hbm>> -> memref<2x1024xi32, #tpu.memory_space<hbm>>
    tpu.wait_dma2 semaphore(%arg11 : memref<!tpu.dma_semaphore, #tpu.memory_space<semaphore_mem>>) src(%dma_wait3A_56 : memref<2x1024xi32, #tpu.memory_space<hbm>>) dst(%arg8 : memref<2x1024xi32, #tpu.memory_space<vmem>>)
    %add3A_57 = arith.constant 4096 : i32
    %add3A_58 = arith.addi %mul3A_2, %add3A_57 : i32
    %dma_start3A_59 = arith.constant 0 : i32
    %dma_start3A_60 = tpu.memref_slice %arg2[%dma_start3A_59, %add3A_58] : memref<2x524288xi32, #tpu.memory_space<hbm>> -> memref<2x1024xi32, #tpu.memory_space<hbm>>
    %dma_start3A_61 = arith.constant 0 : i32
    %dma_start3A_62 = tpu.memref_slice %arg2[%dma_start3A_61, %add3A_58] : memref<2x524288xi32, #tpu.memory_space<hbm>> -> memref<2x1024xi32, #tpu.memory_space<hbm>>
    tpu.enqueue_dma source(%dma_start3A_62 : memref<2x1024xi32, #tpu.memory_space<hbm>>) target(%arg7 : memref<2x1024xi32, #tpu.memory_space<vmem>>) target_semaphore(%arg11 : memref<!tpu.dma_semaphore, #tpu.memory_space<semaphore_mem>>)
    %scan3A_63 = arith.constant 0 : i32
    %scan3A_64 = arith.constant 64 : i32
    %scan3A_65 = arith.addi %scan3A_63, %scan3A_64 : i32
    %scan3A_66 = arith.constant 1 : i32
    %scan3A_67 = scf.for %scan3A_256 = %scan3A_63 to %scan3A_65 step %scan3A_66 iter_args(%scan3A_257 = %scan3A_51) -> (vector<16xi32>)  : i32 {
      %mul3A_258 = arith.constant 16 : i32
      %mul3A_259 = arith.muli %scan3A_256, %mul3A_258 : i32
      %get3A = arith.constant 0 : i32
      %get3A_260 = arith.index_cast %get3A : i32 to index
      %get3A_261 = arith.index_cast %mul3A_259 : i32 to index
      %get3A_262 = tpu.vector_load %arg8[%get3A_260, %get3A_261] {strides = array<i32>} : memref<2x1024xi32, #tpu.memory_space<vmem>>, vector<16xi32>,
      %mul3A_263 = arith.constant 16 : i32
      %mul3A_264 = arith.muli %scan3A_256, %mul3A_263 : i32
      %get3A_265 = arith.constant 1 : i32
      %get3A_266 = arith.index_cast %get3A_265 : i32 to index
      %get3A_267 = arith.index_cast %mul3A_264 : i32 to index
      %get3A_268 = tpu.vector_load %arg8[%get3A_266, %get3A_267] {strides = array<i32>} : memref<2x1024xi32, #tpu.memory_space<vmem>>, vector<16xi32>,
      %gather3A = tpu.vector_load_idx %arg6[%get3A_268] : memref<50016xi32, #tpu.memory_space<vmem>>[vector<16xi32>], vector<16xi32>,
      %ge3A = arith.constant 0 : i32
      %ge3A_269 = vector.broadcast %ge3A : i32 to vector<16xi32>
      %ge3A_270 = arith.cmpi sge, %gather3A, %ge3A_269 : vector<16xi32>
      %max3A = arith.constant 0 : i32
      %max3A_271 = vector.broadcast %max3A : i32 to vector<16xi32>
      %max3A_272 = arith.maxsi %gather3A, %max3A_271 : vector<16xi32>
      %convert_element_type3A = arith.extui %ge3A_270 : vector<16xi1> to vector<16xi32>
      %cumsum3A = arith.constant true
      %cumsum3A_273 = vector.broadcast %cumsum3A : i1 to vector<16xi1>
      %cumsum3A_274 = tpu.scan <sum>, %convert_element_type3A masked %cumsum3A_273 : vector<16xi32>, vector<16xi1> -> vector<16xi32>
      %add3A_275 = arith.addi %scan3A_257, %cumsum3A_274 : vector<16xi32>
      %sub3A = arith.constant 1 : i32
      %sub3A_276 = vector.broadcast %sub3A : i32 to vector<16xi32>
      %sub3A_277 = arith.subi %add3A_275, %sub3A_276 : vector<16xi32>
      %mul3A_278 = arith.constant 1024 : i32
      %mul3A_279 = vector.broadcast %mul3A_278 : i32 to vector<16xi32>
      %mul3A_280 = arith.muli %get3A_262, %mul3A_279 : vector<16xi32>
      %add3A_281 = arith.addi %mul3A_280, %max3A_272 : vector<16xi32>
      tpu.vector_store_idx %arg9[%sub3A_277], %add3A_281 masked %ge3A_270 : memref<16384xi32, #tpu.memory_space<vmem>>[vector<16xi32>], vector<16xi32>, vector<16xi1>
      %all_reduce_population_count3A = tpu.all_reduce %ge3A_270 {dim = 0 : i64, kind = #tpu.reduction_kind<sum>} : vector<16xi1> -> vector<16xi32>
      %add3A_282 = arith.addi %scan3A_257, %all_reduce_population_count3A : vector<16xi32>
      scf.yield %add3A_282 : vector<16xi32>
    }
    %scan3A_68 = arith.constant 64 : i32
    %dma_wait3A_69 = arith.constant 0 : i32
    %dma_wait3A_70 = tpu.memref_slice %arg2[%dma_wait3A_69, %add3A_58] : memref<2x524288xi32, #tpu.memory_space<hbm>> -> memref<2x1024xi32, #tpu.memory_space<hbm>>
    %dma_wait3A_71 = arith.constant 0 : i32
    %dma_wait3A_72 = tpu.memref_slice %arg2[%dma_wait3A_71, %add3A_58] : memref<2x524288xi32, #tpu.memory_space<hbm>> -> memref<2x1024xi32, #tpu.memory_space<hbm>>
    tpu.wait_dma2 semaphore(%arg11 : memref<!tpu.dma_semaphore, #tpu.memory_space<semaphore_mem>>) src(%dma_wait3A_72 : memref<2x1024xi32, #tpu.memory_space<hbm>>) dst(%arg7 : memref<2x1024xi32, #tpu.memory_space<vmem>>)
    %add3A_73 = arith.constant 5120 : i32
    %add3A_74 = arith.addi %mul3A_2, %add3A_73 : i32
    %dma_start3A_75 = arith.constant 0 : i32
    %dma_start3A_76 = tpu.memref_slice %arg2[%dma_start3A_75, %add3A_74] : memref<2x524288xi32, #tpu.memory_space<hbm>> -> memref<2x1024xi32, #tpu.memory_space<hbm>>
    %dma_start3A_77 = arith.constant 0 : i32
    %dma_start3A_78 = tpu.memref_slice %arg2[%dma_start3A_77, %add3A_74] : memref<2x524288xi32, #tpu.memory_space<hbm>> -> memref<2x1024xi32, #tpu.memory_space<hbm>>
    tpu.enqueue_dma source(%dma_start3A_78 : memref<2x1024xi32, #tpu.memory_space<hbm>>) target(%arg8 : memref<2x1024xi32, #tpu.memory_space<vmem>>) target_semaphore(%arg11 : memref<!tpu.dma_semaphore, #tpu.memory_space<semaphore_mem>>)
    %scan3A_79 = arith.constant 0 : i32
    %scan3A_80 = arith.constant 64 : i32
    %scan3A_81 = arith.addi %scan3A_79, %scan3A_80 : i32
    %scan3A_82 = arith.constant 1 : i32
    %scan3A_83 = scf.for %scan3A_256 = %scan3A_79 to %scan3A_81 step %scan3A_82 iter_args(%scan3A_257 = %scan3A_67) -> (vector<16xi32>)  : i32 {
      %mul3A_258 = arith.constant 16 : i32
      %mul3A_259 = arith.muli %scan3A_256, %mul3A_258 : i32
      %get3A = arith.constant 0 : i32
      %get3A_260 = arith.index_cast %get3A : i32 to index
      %get3A_261 = arith.index_cast %mul3A_259 : i32 to index
      %get3A_262 = tpu.vector_load %arg7[%get3A_260, %get3A_261] {strides = array<i32>} : memref<2x1024xi32, #tpu.memory_space<vmem>>, vector<16xi32>,
      %mul3A_263 = arith.constant 16 : i32
      %mul3A_264 = arith.muli %scan3A_256, %mul3A_263 : i32
      %get3A_265 = arith.constant 1 : i32
      %get3A_266 = arith.index_cast %get3A_265 : i32 to index
      %get3A_267 = arith.index_cast %mul3A_264 : i32 to index
      %get3A_268 = tpu.vector_load %arg7[%get3A_266, %get3A_267] {strides = array<i32>} : memref<2x1024xi32, #tpu.memory_space<vmem>>, vector<16xi32>,
      %gather3A = tpu.vector_load_idx %arg6[%get3A_268] : memref<50016xi32, #tpu.memory_space<vmem>>[vector<16xi32>], vector<16xi32>,
      %ge3A = arith.constant 0 : i32
      %ge3A_269 = vector.broadcast %ge3A : i32 to vector<16xi32>
      %ge3A_270 = arith.cmpi sge, %gather3A, %ge3A_269 : vector<16xi32>
      %max3A = arith.constant 0 : i32
      %max3A_271 = vector.broadcast %max3A : i32 to vector<16xi32>
      %max3A_272 = arith.maxsi %gather3A, %max3A_271 : vector<16xi32>
      %convert_element_type3A = arith.extui %ge3A_270 : vector<16xi1> to vector<16xi32>
      %cumsum3A = arith.constant true
      %cumsum3A_273 = vector.broadcast %cumsum3A : i1 to vector<16xi1>
      %cumsum3A_274 = tpu.scan <sum>, %convert_element_type3A masked %cumsum3A_273 : vector<16xi32>, vector<16xi1> -> vector<16xi32>
      %add3A_275 = arith.addi %scan3A_257, %cumsum3A_274 : vector<16xi32>
      %sub3A = arith.constant 1 : i32
      %sub3A_276 = vector.broadcast %sub3A : i32 to vector<16xi32>
      %sub3A_277 = arith.subi %add3A_275, %sub3A_276 : vector<16xi32>
      %mul3A_278 = arith.constant 1024 : i32
      %mul3A_279 = vector.broadcast %mul3A_278 : i32 to vector<16xi32>
      %mul3A_280 = arith.muli %get3A_262, %mul3A_279 : vector<16xi32>
      %add3A_281 = arith.addi %mul3A_280, %max3A_272 : vector<16xi32>
      tpu.vector_store_idx %arg9[%sub3A_277], %add3A_281 masked %ge3A_270 : memref<16384xi32, #tpu.memory_space<vmem>>[vector<16xi32>], vector<16xi32>, vector<16xi1>
      %all_reduce_population_count3A = tpu.all_reduce %ge3A_270 {dim = 0 : i64, kind = #tpu.reduction_kind<sum>} : vector<16xi1> -> vector<16xi32>
      %add3A_282 = arith.addi %scan3A_257, %all_reduce_population_count3A : vector<16xi32>
      scf.yield %add3A_282 : vector<16xi32>
    }
    %scan3A_84 = arith.constant 64 : i32
    %dma_wait3A_85 = arith.constant 0 : i32
    %dma_wait3A_86 = tpu.memref_slice %arg2[%dma_wait3A_85, %add3A_74] : memref<2x524288xi32, #tpu.memory_space<hbm>> -> memref<2x1024xi32, #tpu.memory_space<hbm>>
    %dma_wait3A_87 = arith.constant 0 : i32
    %dma_wait3A_88 = tpu.memref_slice %arg2[%dma_wait3A_87, %add3A_74] : memref<2x524288xi32, #tpu.memory_space<hbm>> -> memref<2x1024xi32, #tpu.memory_space<hbm>>
    tpu.wait_dma2 semaphore(%arg11 : memref<!tpu.dma_semaphore, #tpu.memory_space<semaphore_mem>>) src(%dma_wait3A_88 : memref<2x1024xi32, #tpu.memory_space<hbm>>) dst(%arg8 : memref<2x1024xi32, #tpu.memory_space<vmem>>)
    %add3A_89 = arith.constant 6144 : i32
    %add3A_90 = arith.addi %mul3A_2, %add3A_89 : i32
    %dma_start3A_91 = arith.constant 0 : i32
    %dma_start3A_92 = tpu.memref_slice %arg2[%dma_start3A_91, %add3A_90] : memref<2x524288xi32, #tpu.memory_space<hbm>> -> memref<2x1024xi32, #tpu.memory_space<hbm>>
    %dma_start3A_93 = arith.constant 0 : i32
    %dma_start3A_94 = tpu.memref_slice %arg2[%dma_start3A_93, %add3A_90] : memref<2x524288xi32, #tpu.memory_space<hbm>> -> memref<2x1024xi32, #tpu.memory_space<hbm>>
    tpu.enqueue_dma source(%dma_start3A_94 : memref<2x1024xi32, #tpu.memory_space<hbm>>) target(%arg7 : memref<2x1024xi32, #tpu.memory_space<vmem>>) target_semaphore(%arg11 : memref<!tpu.dma_semaphore, #tpu.memory_space<semaphore_mem>>)
    %scan3A_95 = arith.constant 0 : i32
    %scan3A_96 = arith.constant 64 : i32
    %scan3A_97 = arith.addi %scan3A_95, %scan3A_96 : i32
    %scan3A_98 = arith.constant 1 : i32
    %scan3A_99 = scf.for %scan3A_256 = %scan3A_95 to %scan3A_97 step %scan3A_98 iter_args(%scan3A_257 = %scan3A_83) -> (vector<16xi32>)  : i32 {
      %mul3A_258 = arith.constant 16 : i32
      %mul3A_259 = arith.muli %scan3A_256, %mul3A_258 : i32
      %get3A = arith.constant 0 : i32
      %get3A_260 = arith.index_cast %get3A : i32 to index
      %get3A_261 = arith.index_cast %mul3A_259 : i32 to index
      %get3A_262 = tpu.vector_load %arg8[%get3A_260, %get3A_261] {strides = array<i32>} : memref<2x1024xi32, #tpu.memory_space<vmem>>, vector<16xi32>,
      %mul3A_263 = arith.constant 16 : i32
      %mul3A_264 = arith.muli %scan3A_256, %mul3A_263 : i32
      %get3A_265 = arith.constant 1 : i32
      %get3A_266 = arith.index_cast %get3A_265 : i32 to index
      %get3A_267 = arith.index_cast %mul3A_264 : i32 to index
      %get3A_268 = tpu.vector_load %arg8[%get3A_266, %get3A_267] {strides = array<i32>} : memref<2x1024xi32, #tpu.memory_space<vmem>>, vector<16xi32>,
      %gather3A = tpu.vector_load_idx %arg6[%get3A_268] : memref<50016xi32, #tpu.memory_space<vmem>>[vector<16xi32>], vector<16xi32>,
      %ge3A = arith.constant 0 : i32
      %ge3A_269 = vector.broadcast %ge3A : i32 to vector<16xi32>
      %ge3A_270 = arith.cmpi sge, %gather3A, %ge3A_269 : vector<16xi32>
      %max3A = arith.constant 0 : i32
      %max3A_271 = vector.broadcast %max3A : i32 to vector<16xi32>
      %max3A_272 = arith.maxsi %gather3A, %max3A_271 : vector<16xi32>
      %convert_element_type3A = arith.extui %ge3A_270 : vector<16xi1> to vector<16xi32>
      %cumsum3A = arith.constant true
      %cumsum3A_273 = vector.broadcast %cumsum3A : i1 to vector<16xi1>
      %cumsum3A_274 = tpu.scan <sum>, %convert_element_type3A masked %cumsum3A_273 : vector<16xi32>, vector<16xi1> -> vector<16xi32>
      %add3A_275 = arith.addi %scan3A_257, %cumsum3A_274 : vector<16xi32>
      %sub3A = arith.constant 1 : i32
      %sub3A_276 = vector.broadcast %sub3A : i32 to vector<16xi32>
      %sub3A_277 = arith.subi %add3A_275, %sub3A_276 : vector<16xi32>
      %mul3A_278 = arith.constant 1024 : i32
      %mul3A_279 = vector.broadcast %mul3A_278 : i32 to vector<16xi32>
      %mul3A_280 = arith.muli %get3A_262, %mul3A_279 : vector<16xi32>
      %add3A_281 = arith.addi %mul3A_280, %max3A_272 : vector<16xi32>
      tpu.vector_store_idx %arg9[%sub3A_277], %add3A_281 masked %ge3A_270 : memref<16384xi32, #tpu.memory_space<vmem>>[vector<16xi32>], vector<16xi32>, vector<16xi1>
      %all_reduce_population_count3A = tpu.all_reduce %ge3A_270 {dim = 0 : i64, kind = #tpu.reduction_kind<sum>} : vector<16xi1> -> vector<16xi32>
      %add3A_282 = arith.addi %scan3A_257, %all_reduce_population_count3A : vector<16xi32>
      scf.yield %add3A_282 : vector<16xi32>
    }
    %scan3A_100 = arith.constant 64 : i32
    %dma_wait3A_101 = arith.constant 0 : i32
    %dma_wait3A_102 = tpu.memref_slice %arg2[%dma_wait3A_101, %add3A_90] : memref<2x524288xi32, #tpu.memory_space<hbm>> -> memref<2x1024xi32, #tpu.memory_space<hbm>>
    %dma_wait3A_103 = arith.constant 0 : i32
    %dma_wait3A_104 = tpu.memref_slice %arg2[%dma_wait3A_103, %add3A_90] : memref<2x524288xi32, #tpu.memory_space<hbm>> -> memref<2x1024xi32, #tpu.memory_space<hbm>>
    tpu.wait_dma2 semaphore(%arg11 : memref<!tpu.dma_semaphore, #tpu.memory_space<semaphore_mem>>) src(%dma_wait3A_104 : memref<2x1024xi32, #tpu.memory_space<hbm>>) dst(%arg7 : memref<2x1024xi32, #tpu.memory_space<vmem>>)
    %add3A_105 = arith.constant 7168 : i32
    %add3A_106 = arith.addi %mul3A_2, %add3A_105 : i32
    %dma_start3A_107 = arith.constant 0 : i32
    %dma_start3A_108 = tpu.memref_slice %arg2[%dma_start3A_107, %add3A_106] : memref<2x524288xi32, #tpu.memory_space<hbm>> -> memref<2x1024xi32, #tpu.memory_space<hbm>>
    %dma_start3A_109 = arith.constant 0 : i32
    %dma_start3A_110 = tpu.memref_slice %arg2[%dma_start3A_109, %add3A_106] : memref<2x524288xi32, #tpu.memory_space<hbm>> -> memref<2x1024xi32, #tpu.memory_space<hbm>>
    tpu.enqueue_dma source(%dma_start3A_110 : memref<2x1024xi32, #tpu.memory_space<hbm>>) target(%arg8 : memref<2x1024xi32, #tpu.memory_space<vmem>>) target_semaphore(%arg11 : memref<!tpu.dma_semaphore, #tpu.memory_space<semaphore_mem>>)
    %scan3A_111 = arith.constant 0 : i32
    %scan3A_112 = arith.constant 64 : i32
    %scan3A_113 = arith.addi %scan3A_111, %scan3A_112 : i32
    %scan3A_114 = arith.constant 1 : i32
    %scan3A_115 = scf.for %scan3A_256 = %scan3A_111 to %scan3A_113 step %scan3A_114 iter_args(%scan3A_257 = %scan3A_99) -> (vector<16xi32>)  : i32 {
      %mul3A_258 = arith.constant 16 : i32
      %mul3A_259 = arith.muli %scan3A_256, %mul3A_258 : i32
      %get3A = arith.constant 0 : i32
      %get3A_260 = arith.index_cast %get3A : i32 to index
      %get3A_261 = arith.index_cast %mul3A_259 : i32 to index
      %get3A_262 = tpu.vector_load %arg7[%get3A_260, %get3A_261] {strides = array<i32>} : memref<2x1024xi32, #tpu.memory_space<vmem>>, vector<16xi32>,
      %mul3A_263 = arith.constant 16 : i32
      %mul3A_264 = arith.muli %scan3A_256, %mul3A_263 : i32
      %get3A_265 = arith.constant 1 : i32
      %get3A_266 = arith.index_cast %get3A_265 : i32 to index
      %get3A_267 = arith.index_cast %mul3A_264 : i32 to index
      %get3A_268 = tpu.vector_load %arg7[%get3A_266, %get3A_267] {strides = array<i32>} : memref<2x1024xi32, #tpu.memory_space<vmem>>, vector<16xi32>,
      %gather3A = tpu.vector_load_idx %arg6[%get3A_268] : memref<50016xi32, #tpu.memory_space<vmem>>[vector<16xi32>], vector<16xi32>,
      %ge3A = arith.constant 0 : i32
      %ge3A_269 = vector.broadcast %ge3A : i32 to vector<16xi32>
      %ge3A_270 = arith.cmpi sge, %gather3A, %ge3A_269 : vector<16xi32>
      %max3A = arith.constant 0 : i32
      %max3A_271 = vector.broadcast %max3A : i32 to vector<16xi32>
      %max3A_272 = arith.maxsi %gather3A, %max3A_271 : vector<16xi32>
      %convert_element_type3A = arith.extui %ge3A_270 : vector<16xi1> to vector<16xi32>
      %cumsum3A = arith.constant true
      %cumsum3A_273 = vector.broadcast %cumsum3A : i1 to vector<16xi1>
      %cumsum3A_274 = tpu.scan <sum>, %convert_element_type3A masked %cumsum3A_273 : vector<16xi32>, vector<16xi1> -> vector<16xi32>
      %add3A_275 = arith.addi %scan3A_257, %cumsum3A_274 : vector<16xi32>
      %sub3A = arith.constant 1 : i32
      %sub3A_276 = vector.broadcast %sub3A : i32 to vector<16xi32>
      %sub3A_277 = arith.subi %add3A_275, %sub3A_276 : vector<16xi32>
      %mul3A_278 = arith.constant 1024 : i32
      %mul3A_279 = vector.broadcast %mul3A_278 : i32 to vector<16xi32>
      %mul3A_280 = arith.muli %get3A_262, %mul3A_279 : vector<16xi32>
      %add3A_281 = arith.addi %mul3A_280, %max3A_272 : vector<16xi32>
      tpu.vector_store_idx %arg9[%sub3A_277], %add3A_281 masked %ge3A_270 : memref<16384xi32, #tpu.memory_space<vmem>>[vector<16xi32>], vector<16xi32>, vector<16xi1>
      %all_reduce_population_count3A = tpu.all_reduce %ge3A_270 {dim = 0 : i64, kind = #tpu.reduction_kind<sum>} : vector<16xi1> -> vector<16xi32>
      %add3A_282 = arith.addi %scan3A_257, %all_reduce_population_count3A : vector<16xi32>
      scf.yield %add3A_282 : vector<16xi32>
    }
    %scan3A_116 = arith.constant 64 : i32
    %dma_wait3A_117 = arith.constant 0 : i32
    %dma_wait3A_118 = tpu.memref_slice %arg2[%dma_wait3A_117, %add3A_106] : memref<2x524288xi32, #tpu.memory_space<hbm>> -> memref<2x1024xi32, #tpu.memory_space<hbm>>
    %dma_wait3A_119 = arith.constant 0 : i32
    %dma_wait3A_120 = tpu.memref_slice %arg2[%dma_wait3A_119, %add3A_106] : memref<2x524288xi32, #tpu.memory_space<hbm>> -> memref<2x1024xi32, #tpu.memory_space<hbm>>
    tpu.wait_dma2 semaphore(%arg11 : memref<!tpu.dma_semaphore, #tpu.memory_space<semaphore_mem>>) src(%dma_wait3A_120 : memref<2x1024xi32, #tpu.memory_space<hbm>>) dst(%arg8 : memref<2x1024xi32, #tpu.memory_space<vmem>>)
    %add3A_121 = arith.constant 8192 : i32
    %add3A_122 = arith.addi %mul3A_2, %add3A_121 : i32
    %dma_start3A_123 = arith.constant 0 : i32
    %dma_start3A_124 = tpu.memref_slice %arg2[%dma_start3A_123, %add3A_122] : memref<2x524288xi32, #tpu.memory_space<hbm>> -> memref<2x1024xi32, #tpu.memory_space<hbm>>
    %dma_start3A_125 = arith.constant 0 : i32
    %dma_start3A_126 = tpu.memref_slice %arg2[%dma_start3A_125, %add3A_122] : memref<2x524288xi32, #tpu.memory_space<hbm>> -> memref<2x1024xi32, #tpu.memory_space<hbm>>
    tpu.enqueue_dma source(%dma_start3A_126 : memref<2x1024xi32, #tpu.memory_space<hbm>>) target(%arg7 : memref<2x1024xi32, #tpu.memory_space<vmem>>) target_semaphore(%arg11 : memref<!tpu.dma_semaphore, #tpu.memory_space<semaphore_mem>>)
    %scan3A_127 = arith.constant 0 : i32
    %scan3A_128 = arith.constant 64 : i32
    %scan3A_129 = arith.addi %scan3A_127, %scan3A_128 : i32
    %scan3A_130 = arith.constant 1 : i32
    %scan3A_131 = scf.for %scan3A_256 = %scan3A_127 to %scan3A_129 step %scan3A_130 iter_args(%scan3A_257 = %scan3A_115) -> (vector<16xi32>)  : i32 {
      %mul3A_258 = arith.constant 16 : i32
      %mul3A_259 = arith.muli %scan3A_256, %mul3A_258 : i32
      %get3A = arith.constant 0 : i32
      %get3A_260 = arith.index_cast %get3A : i32 to index
      %get3A_261 = arith.index_cast %mul3A_259 : i32 to index
      %get3A_262 = tpu.vector_load %arg8[%get3A_260, %get3A_261] {strides = array<i32>} : memref<2x1024xi32, #tpu.memory_space<vmem>>, vector<16xi32>,
      %mul3A_263 = arith.constant 16 : i32
      %mul3A_264 = arith.muli %scan3A_256, %mul3A_263 : i32
      %get3A_265 = arith.constant 1 : i32
      %get3A_266 = arith.index_cast %get3A_265 : i32 to index
      %get3A_267 = arith.index_cast %mul3A_264 : i32 to index
      %get3A_268 = tpu.vector_load %arg8[%get3A_266, %get3A_267] {strides = array<i32>} : memref<2x1024xi32, #tpu.memory_space<vmem>>, vector<16xi32>,
      %gather3A = tpu.vector_load_idx %arg6[%get3A_268] : memref<50016xi32, #tpu.memory_space<vmem>>[vector<16xi32>], vector<16xi32>,
      %ge3A = arith.constant 0 : i32
      %ge3A_269 = vector.broadcast %ge3A : i32 to vector<16xi32>
      %ge3A_270 = arith.cmpi sge, %gather3A, %ge3A_269 : vector<16xi32>
      %max3A = arith.constant 0 : i32
      %max3A_271 = vector.broadcast %max3A : i32 to vector<16xi32>
      %max3A_272 = arith.maxsi %gather3A, %max3A_271 : vector<16xi32>
      %convert_element_type3A = arith.extui %ge3A_270 : vector<16xi1> to vector<16xi32>
      %cumsum3A = arith.constant true
      %cumsum3A_273 = vector.broadcast %cumsum3A : i1 to vector<16xi1>
      %cumsum3A_274 = tpu.scan <sum>, %convert_element_type3A masked %cumsum3A_273 : vector<16xi32>, vector<16xi1> -> vector<16xi32>
      %add3A_275 = arith.addi %scan3A_257, %cumsum3A_274 : vector<16xi32>
      %sub3A = arith.constant 1 : i32
      %sub3A_276 = vector.broadcast %sub3A : i32 to vector<16xi32>
      %sub3A_277 = arith.subi %add3A_275, %sub3A_276 : vector<16xi32>
      %mul3A_278 = arith.constant 1024 : i32
      %mul3A_279 = vector.broadcast %mul3A_278 : i32 to vector<16xi32>
      %mul3A_280 = arith.muli %get3A_262, %mul3A_279 : vector<16xi32>
      %add3A_281 = arith.addi %mul3A_280, %max3A_272 : vector<16xi32>
      tpu.vector_store_idx %arg9[%sub3A_277], %add3A_281 masked %ge3A_270 : memref<16384xi32, #tpu.memory_space<vmem>>[vector<16xi32>], vector<16xi32>, vector<16xi1>
      %all_reduce_population_count3A = tpu.all_reduce %ge3A_270 {dim = 0 : i64, kind = #tpu.reduction_kind<sum>} : vector<16xi1> -> vector<16xi32>
      %add3A_282 = arith.addi %scan3A_257, %all_reduce_population_count3A : vector<16xi32>
      scf.yield %add3A_282 : vector<16xi32>
    }
    %scan3A_132 = arith.constant 64 : i32
    %dma_wait3A_133 = arith.constant 0 : i32
    %dma_wait3A_134 = tpu.memref_slice %arg2[%dma_wait3A_133, %add3A_122] : memref<2x524288xi32, #tpu.memory_space<hbm>> -> memref<2x1024xi32, #tpu.memory_space<hbm>>
    %dma_wait3A_135 = arith.constant 0 : i32
    %dma_wait3A_136 = tpu.memref_slice %arg2[%dma_wait3A_135, %add3A_122] : memref<2x524288xi32, #tpu.memory_space<hbm>> -> memref<2x1024xi32, #tpu.memory_space<hbm>>
    tpu.wait_dma2 semaphore(%arg11 : memref<!tpu.dma_semaphore, #tpu.memory_space<semaphore_mem>>) src(%dma_wait3A_136 : memref<2x1024xi32, #tpu.memory_space<hbm>>) dst(%arg7 : memref<2x1024xi32, #tpu.memory_space<vmem>>)
    %add3A_137 = arith.constant 9216 : i32
    %add3A_138 = arith.addi %mul3A_2, %add3A_137 : i32
    %dma_start3A_139 = arith.constant 0 : i32
    %dma_start3A_140 = tpu.memref_slice %arg2[%dma_start3A_139, %add3A_138] : memref<2x524288xi32, #tpu.memory_space<hbm>> -> memref<2x1024xi32, #tpu.memory_space<hbm>>
    %dma_start3A_141 = arith.constant 0 : i32
    %dma_start3A_142 = tpu.memref_slice %arg2[%dma_start3A_141, %add3A_138] : memref<2x524288xi32, #tpu.memory_space<hbm>> -> memref<2x1024xi32, #tpu.memory_space<hbm>>
    tpu.enqueue_dma source(%dma_start3A_142 : memref<2x1024xi32, #tpu.memory_space<hbm>>) target(%arg8 : memref<2x1024xi32, #tpu.memory_space<vmem>>) target_semaphore(%arg11 : memref<!tpu.dma_semaphore, #tpu.memory_space<semaphore_mem>>)
    %scan3A_143 = arith.constant 0 : i32
    %scan3A_144 = arith.constant 64 : i32
    %scan3A_145 = arith.addi %scan3A_143, %scan3A_144 : i32
    %scan3A_146 = arith.constant 1 : i32
    %scan3A_147 = scf.for %scan3A_256 = %scan3A_143 to %scan3A_145 step %scan3A_146 iter_args(%scan3A_257 = %scan3A_131) -> (vector<16xi32>)  : i32 {
      %mul3A_258 = arith.constant 16 : i32
      %mul3A_259 = arith.muli %scan3A_256, %mul3A_258 : i32
      %get3A = arith.constant 0 : i32
      %get3A_260 = arith.index_cast %get3A : i32 to index
      %get3A_261 = arith.index_cast %mul3A_259 : i32 to index
      %get3A_262 = tpu.vector_load %arg7[%get3A_260, %get3A_261] {strides = array<i32>} : memref<2x1024xi32, #tpu.memory_space<vmem>>, vector<16xi32>,
      %mul3A_263 = arith.constant 16 : i32
      %mul3A_264 = arith.muli %scan3A_256, %mul3A_263 : i32
      %get3A_265 = arith.constant 1 : i32
      %get3A_266 = arith.index_cast %get3A_265 : i32 to index
      %get3A_267 = arith.index_cast %mul3A_264 : i32 to index
      %get3A_268 = tpu.vector_load %arg7[%get3A_266, %get3A_267] {strides = array<i32>} : memref<2x1024xi32, #tpu.memory_space<vmem>>, vector<16xi32>,
      %gather3A = tpu.vector_load_idx %arg6[%get3A_268] : memref<50016xi32, #tpu.memory_space<vmem>>[vector<16xi32>], vector<16xi32>,
      %ge3A = arith.constant 0 : i32
      %ge3A_269 = vector.broadcast %ge3A : i32 to vector<16xi32>
      %ge3A_270 = arith.cmpi sge, %gather3A, %ge3A_269 : vector<16xi32>
      %max3A = arith.constant 0 : i32
      %max3A_271 = vector.broadcast %max3A : i32 to vector<16xi32>
      %max3A_272 = arith.maxsi %gather3A, %max3A_271 : vector<16xi32>
      %convert_element_type3A = arith.extui %ge3A_270 : vector<16xi1> to vector<16xi32>
      %cumsum3A = arith.constant true
      %cumsum3A_273 = vector.broadcast %cumsum3A : i1 to vector<16xi1>
      %cumsum3A_274 = tpu.scan <sum>, %convert_element_type3A masked %cumsum3A_273 : vector<16xi32>, vector<16xi1> -> vector<16xi32>
      %add3A_275 = arith.addi %scan3A_257, %cumsum3A_274 : vector<16xi32>
      %sub3A = arith.constant 1 : i32
      %sub3A_276 = vector.broadcast %sub3A : i32 to vector<16xi32>
      %sub3A_277 = arith.subi %add3A_275, %sub3A_276 : vector<16xi32>
      %mul3A_278 = arith.constant 1024 : i32
      %mul3A_279 = vector.broadcast %mul3A_278 : i32 to vector<16xi32>
      %mul3A_280 = arith.muli %get3A_262, %mul3A_279 : vector<16xi32>
      %add3A_281 = arith.addi %mul3A_280, %max3A_272 : vector<16xi32>
      tpu.vector_store_idx %arg9[%sub3A_277], %add3A_281 masked %ge3A_270 : memref<16384xi32, #tpu.memory_space<vmem>>[vector<16xi32>], vector<16xi32>, vector<16xi1>
      %all_reduce_population_count3A = tpu.all_reduce %ge3A_270 {dim = 0 : i64, kind = #tpu.reduction_kind<sum>} : vector<16xi1> -> vector<16xi32>
      %add3A_282 = arith.addi %scan3A_257, %all_reduce_population_count3A : vector<16xi32>
      scf.yield %add3A_282 : vector<16xi32>
    }
    %scan3A_148 = arith.constant 64 : i32
    %dma_wait3A_149 = arith.constant 0 : i32
    %dma_wait3A_150 = tpu.memref_slice %arg2[%dma_wait3A_149, %add3A_138] : memref<2x524288xi32, #tpu.memory_space<hbm>> -> memref<2x1024xi32, #tpu.memory_space<hbm>>
    %dma_wait3A_151 = arith.constant 0 : i32
    %dma_wait3A_152 = tpu.memref_slice %arg2[%dma_wait3A_151, %add3A_138] : memref<2x524288xi32, #tpu.memory_space<hbm>> -> memref<2x1024xi32, #tpu.memory_space<hbm>>
    tpu.wait_dma2 semaphore(%arg11 : memref<!tpu.dma_semaphore, #tpu.memory_space<semaphore_mem>>) src(%dma_wait3A_152 : memref<2x1024xi32, #tpu.memory_space<hbm>>) dst(%arg8 : memref<2x1024xi32, #tpu.memory_space<vmem>>)
    %add3A_153 = arith.constant 10240 : i32
    %add3A_154 = arith.addi %mul3A_2, %add3A_153 : i32
    %dma_start3A_155 = arith.constant 0 : i32
    %dma_start3A_156 = tpu.memref_slice %arg2[%dma_start3A_155, %add3A_154] : memref<2x524288xi32, #tpu.memory_space<hbm>> -> memref<2x1024xi32, #tpu.memory_space<hbm>>
    %dma_start3A_157 = arith.constant 0 : i32
    %dma_start3A_158 = tpu.memref_slice %arg2[%dma_start3A_157, %add3A_154] : memref<2x524288xi32, #tpu.memory_space<hbm>> -> memref<2x1024xi32, #tpu.memory_space<hbm>>
    tpu.enqueue_dma source(%dma_start3A_158 : memref<2x1024xi32, #tpu.memory_space<hbm>>) target(%arg7 : memref<2x1024xi32, #tpu.memory_space<vmem>>) target_semaphore(%arg11 : memref<!tpu.dma_semaphore, #tpu.memory_space<semaphore_mem>>)
    %scan3A_159 = arith.constant 0 : i32
    %scan3A_160 = arith.constant 64 : i32
    %scan3A_161 = arith.addi %scan3A_159, %scan3A_160 : i32
    %scan3A_162 = arith.constant 1 : i32
    %scan3A_163 = scf.for %scan3A_256 = %scan3A_159 to %scan3A_161 step %scan3A_162 iter_args(%scan3A_257 = %scan3A_147) -> (vector<16xi32>)  : i32 {
      %mul3A_258 = arith.constant 16 : i32
      %mul3A_259 = arith.muli %scan3A_256, %mul3A_258 : i32
      %get3A = arith.constant 0 : i32
      %get3A_260 = arith.index_cast %get3A : i32 to index
      %get3A_261 = arith.index_cast %mul3A_259 : i32 to index
      %get3A_262 = tpu.vector_load %arg8[%get3A_260, %get3A_261] {strides = array<i32>} : memref<2x1024xi32, #tpu.memory_space<vmem>>, vector<16xi32>,
      %mul3A_263 = arith.constant 16 : i32
      %mul3A_264 = arith.muli %scan3A_256, %mul3A_263 : i32
      %get3A_265 = arith.constant 1 : i32
      %get3A_266 = arith.index_cast %get3A_265 : i32 to index
      %get3A_267 = arith.index_cast %mul3A_264 : i32 to index
      %get3A_268 = tpu.vector_load %arg8[%get3A_266, %get3A_267] {strides = array<i32>} : memref<2x1024xi32, #tpu.memory_space<vmem>>, vector<16xi32>,
      %gather3A = tpu.vector_load_idx %arg6[%get3A_268] : memref<50016xi32, #tpu.memory_space<vmem>>[vector<16xi32>], vector<16xi32>,
      %ge3A = arith.constant 0 : i32
      %ge3A_269 = vector.broadcast %ge3A : i32 to vector<16xi32>
      %ge3A_270 = arith.cmpi sge, %gather3A, %ge3A_269 : vector<16xi32>
      %max3A = arith.constant 0 : i32
      %max3A_271 = vector.broadcast %max3A : i32 to vector<16xi32>
      %max3A_272 = arith.maxsi %gather3A, %max3A_271 : vector<16xi32>
      %convert_element_type3A = arith.extui %ge3A_270 : vector<16xi1> to vector<16xi32>
      %cumsum3A = arith.constant true
      %cumsum3A_273 = vector.broadcast %cumsum3A : i1 to vector<16xi1>
      %cumsum3A_274 = tpu.scan <sum>, %convert_element_type3A masked %cumsum3A_273 : vector<16xi32>, vector<16xi1> -> vector<16xi32>
      %add3A_275 = arith.addi %scan3A_257, %cumsum3A_274 : vector<16xi32>
      %sub3A = arith.constant 1 : i32
      %sub3A_276 = vector.broadcast %sub3A : i32 to vector<16xi32>
      %sub3A_277 = arith.subi %add3A_275, %sub3A_276 : vector<16xi32>
      %mul3A_278 = arith.constant 1024 : i32
      %mul3A_279 = vector.broadcast %mul3A_278 : i32 to vector<16xi32>
      %mul3A_280 = arith.muli %get3A_262, %mul3A_279 : vector<16xi32>
      %add3A_281 = arith.addi %mul3A_280, %max3A_272 : vector<16xi32>
      tpu.vector_store_idx %arg9[%sub3A_277], %add3A_281 masked %ge3A_270 : memref<16384xi32, #tpu.memory_space<vmem>>[vector<16xi32>], vector<16xi32>, vector<16xi1>
      %all_reduce_population_count3A = tpu.all_reduce %ge3A_270 {dim = 0 : i64, kind = #tpu.reduction_kind<sum>} : vector<16xi1> -> vector<16xi32>
      %add3A_282 = arith.addi %scan3A_257, %all_reduce_population_count3A : vector<16xi32>
      scf.yield %add3A_282 : vector<16xi32>
    }
    %scan3A_164 = arith.constant 64 : i32
    %dma_wait3A_165 = arith.constant 0 : i32
    %dma_wait3A_166 = tpu.memref_slice %arg2[%dma_wait3A_165, %add3A_154] : memref<2x524288xi32, #tpu.memory_space<hbm>> -> memref<2x1024xi32, #tpu.memory_space<hbm>>
    %dma_wait3A_167 = arith.constant 0 : i32
    %dma_wait3A_168 = tpu.memref_slice %arg2[%dma_wait3A_167, %add3A_154] : memref<2x524288xi32, #tpu.memory_space<hbm>> -> memref<2x1024xi32, #tpu.memory_space<hbm>>
    tpu.wait_dma2 semaphore(%arg11 : memref<!tpu.dma_semaphore, #tpu.memory_space<semaphore_mem>>) src(%dma_wait3A_168 : memref<2x1024xi32, #tpu.memory_space<hbm>>) dst(%arg7 : memref<2x1024xi32, #tpu.memory_space<vmem>>)
    %add3A_169 = arith.constant 11264 : i32
    %add3A_170 = arith.addi %mul3A_2, %add3A_169 : i32
    %dma_start3A_171 = arith.constant 0 : i32
    %dma_start3A_172 = tpu.memref_slice %arg2[%dma_start3A_171, %add3A_170] : memref<2x524288xi32, #tpu.memory_space<hbm>> -> memref<2x1024xi32, #tpu.memory_space<hbm>>
    %dma_start3A_173 = arith.constant 0 : i32
    %dma_start3A_174 = tpu.memref_slice %arg2[%dma_start3A_173, %add3A_170] : memref<2x524288xi32, #tpu.memory_space<hbm>> -> memref<2x1024xi32, #tpu.memory_space<hbm>>
    tpu.enqueue_dma source(%dma_start3A_174 : memref<2x1024xi32, #tpu.memory_space<hbm>>) target(%arg8 : memref<2x1024xi32, #tpu.memory_space<vmem>>) target_semaphore(%arg11 : memref<!tpu.dma_semaphore, #tpu.memory_space<semaphore_mem>>)
    %scan3A_175 = arith.constant 0 : i32
    %scan3A_176 = arith.constant 64 : i32
    %scan3A_177 = arith.addi %scan3A_175, %scan3A_176 : i32
    %scan3A_178 = arith.constant 1 : i32
    %scan3A_179 = scf.for %scan3A_256 = %scan3A_175 to %scan3A_177 step %scan3A_178 iter_args(%scan3A_257 = %scan3A_163) -> (vector<16xi32>)  : i32 {
      %mul3A_258 = arith.constant 16 : i32
      %mul3A_259 = arith.muli %scan3A_256, %mul3A_258 : i32
      %get3A = arith.constant 0 : i32
      %get3A_260 = arith.index_cast %get3A : i32 to index
      %get3A_261 = arith.index_cast %mul3A_259 : i32 to index
      %get3A_262 = tpu.vector_load %arg7[%get3A_260, %get3A_261] {strides = array<i32>} : memref<2x1024xi32, #tpu.memory_space<vmem>>, vector<16xi32>,
      %mul3A_263 = arith.constant 16 : i32
      %mul3A_264 = arith.muli %scan3A_256, %mul3A_263 : i32
      %get3A_265 = arith.constant 1 : i32
      %get3A_266 = arith.index_cast %get3A_265 : i32 to index
      %get3A_267 = arith.index_cast %mul3A_264 : i32 to index
      %get3A_268 = tpu.vector_load %arg7[%get3A_266, %get3A_267] {strides = array<i32>} : memref<2x1024xi32, #tpu.memory_space<vmem>>, vector<16xi32>,
      %gather3A = tpu.vector_load_idx %arg6[%get3A_268] : memref<50016xi32, #tpu.memory_space<vmem>>[vector<16xi32>], vector<16xi32>,
      %ge3A = arith.constant 0 : i32
      %ge3A_269 = vector.broadcast %ge3A : i32 to vector<16xi32>
      %ge3A_270 = arith.cmpi sge, %gather3A, %ge3A_269 : vector<16xi32>
      %max3A = arith.constant 0 : i32
      %max3A_271 = vector.broadcast %max3A : i32 to vector<16xi32>
      %max3A_272 = arith.maxsi %gather3A, %max3A_271 : vector<16xi32>
      %convert_element_type3A = arith.extui %ge3A_270 : vector<16xi1> to vector<16xi32>
      %cumsum3A = arith.constant true
      %cumsum3A_273 = vector.broadcast %cumsum3A : i1 to vector<16xi1>
      %cumsum3A_274 = tpu.scan <sum>, %convert_element_type3A masked %cumsum3A_273 : vector<16xi32>, vector<16xi1> -> vector<16xi32>
      %add3A_275 = arith.addi %scan3A_257, %cumsum3A_274 : vector<16xi32>
      %sub3A = arith.constant 1 : i32
      %sub3A_276 = vector.broadcast %sub3A : i32 to vector<16xi32>
      %sub3A_277 = arith.subi %add3A_275, %sub3A_276 : vector<16xi32>
      %mul3A_278 = arith.constant 1024 : i32
      %mul3A_279 = vector.broadcast %mul3A_278 : i32 to vector<16xi32>
      %mul3A_280 = arith.muli %get3A_262, %mul3A_279 : vector<16xi32>
      %add3A_281 = arith.addi %mul3A_280, %max3A_272 : vector<16xi32>
      tpu.vector_store_idx %arg9[%sub3A_277], %add3A_281 masked %ge3A_270 : memref<16384xi32, #tpu.memory_space<vmem>>[vector<16xi32>], vector<16xi32>, vector<16xi1>
      %all_reduce_population_count3A = tpu.all_reduce %ge3A_270 {dim = 0 : i64, kind = #tpu.reduction_kind<sum>} : vector<16xi1> -> vector<16xi32>
      %add3A_282 = arith.addi %scan3A_257, %all_reduce_population_count3A : vector<16xi32>
      scf.yield %add3A_282 : vector<16xi32>
    }
    %scan3A_180 = arith.constant 64 : i32
    %dma_wait3A_181 = arith.constant 0 : i32
    %dma_wait3A_182 = tpu.memref_slice %arg2[%dma_wait3A_181, %add3A_170] : memref<2x524288xi32, #tpu.memory_space<hbm>> -> memref<2x1024xi32, #tpu.memory_space<hbm>>
    %dma_wait3A_183 = arith.constant 0 : i32
    %dma_wait3A_184 = tpu.memref_slice %arg2[%dma_wait3A_183, %add3A_170] : memref<2x524288xi32, #tpu.memory_space<hbm>> -> memref<2x1024xi32, #tpu.memory_space<hbm>>
    tpu.wait_dma2 semaphore(%arg11 : memref<!tpu.dma_semaphore, #tpu.memory_space<semaphore_mem>>) src(%dma_wait3A_184 : memref<2x1024xi32, #tpu.memory_space<hbm>>) dst(%arg8 : memref<2x1024xi32, #tpu.memory_space<vmem>>)
    %add3A_185 = arith.constant 12288 : i32
    %add3A_186 = arith.addi %mul3A_2, %add3A_185 : i32
    %dma_start3A_187 = arith.constant 0 : i32
    %dma_start3A_188 = tpu.memref_slice %arg2[%dma_start3A_187, %add3A_186] : memref<2x524288xi32, #tpu.memory_space<hbm>> -> memref<2x1024xi32, #tpu.memory_space<hbm>>
    %dma_start3A_189 = arith.constant 0 : i32
    %dma_start3A_190 = tpu.memref_slice %arg2[%dma_start3A_189, %add3A_186] : memref<2x524288xi32, #tpu.memory_space<hbm>> -> memref<2x1024xi32, #tpu.memory_space<hbm>>
    tpu.enqueue_dma source(%dma_start3A_190 : memref<2x1024xi32, #tpu.memory_space<hbm>>) target(%arg7 : memref<2x1024xi32, #tpu.memory_space<vmem>>) target_semaphore(%arg11 : memref<!tpu.dma_semaphore, #tpu.memory_space<semaphore_mem>>)
    %scan3A_191 = arith.constant 0 : i32
    %scan3A_192 = arith.constant 64 : i32
    %scan3A_193 = arith.addi %scan3A_191, %scan3A_192 : i32
    %scan3A_194 = arith.constant 1 : i32
    %scan3A_195 = scf.for %scan3A_256 = %scan3A_191 to %scan3A_193 step %scan3A_194 iter_args(%scan3A_257 = %scan3A_179) -> (vector<16xi32>)  : i32 {
      %mul3A_258 = arith.constant 16 : i32
      %mul3A_259 = arith.muli %scan3A_256, %mul3A_258 : i32
      %get3A = arith.constant 0 : i32
      %get3A_260 = arith.index_cast %get3A : i32 to index
      %get3A_261 = arith.index_cast %mul3A_259 : i32 to index
      %get3A_262 = tpu.vector_load %arg8[%get3A_260, %get3A_261] {strides = array<i32>} : memref<2x1024xi32, #tpu.memory_space<vmem>>, vector<16xi32>,
      %mul3A_263 = arith.constant 16 : i32
      %mul3A_264 = arith.muli %scan3A_256, %mul3A_263 : i32
      %get3A_265 = arith.constant 1 : i32
      %get3A_266 = arith.index_cast %get3A_265 : i32 to index
      %get3A_267 = arith.index_cast %mul3A_264 : i32 to index
      %get3A_268 = tpu.vector_load %arg8[%get3A_266, %get3A_267] {strides = array<i32>} : memref<2x1024xi32, #tpu.memory_space<vmem>>, vector<16xi32>,
      %gather3A = tpu.vector_load_idx %arg6[%get3A_268] : memref<50016xi32, #tpu.memory_space<vmem>>[vector<16xi32>], vector<16xi32>,
      %ge3A = arith.constant 0 : i32
      %ge3A_269 = vector.broadcast %ge3A : i32 to vector<16xi32>
      %ge3A_270 = arith.cmpi sge, %gather3A, %ge3A_269 : vector<16xi32>
      %max3A = arith.constant 0 : i32
      %max3A_271 = vector.broadcast %max3A : i32 to vector<16xi32>
      %max3A_272 = arith.maxsi %gather3A, %max3A_271 : vector<16xi32>
      %convert_element_type3A = arith.extui %ge3A_270 : vector<16xi1> to vector<16xi32>
      %cumsum3A = arith.constant true
      %cumsum3A_273 = vector.broadcast %cumsum3A : i1 to vector<16xi1>
      %cumsum3A_274 = tpu.scan <sum>, %convert_element_type3A masked %cumsum3A_273 : vector<16xi32>, vector<16xi1> -> vector<16xi32>
      %add3A_275 = arith.addi %scan3A_257, %cumsum3A_274 : vector<16xi32>
      %sub3A = arith.constant 1 : i32
      %sub3A_276 = vector.broadcast %sub3A : i32 to vector<16xi32>
      %sub3A_277 = arith.subi %add3A_275, %sub3A_276 : vector<16xi32>
      %mul3A_278 = arith.constant 1024 : i32
      %mul3A_279 = vector.broadcast %mul3A_278 : i32 to vector<16xi32>
      %mul3A_280 = arith.muli %get3A_262, %mul3A_279 : vector<16xi32>
      %add3A_281 = arith.addi %mul3A_280, %max3A_272 : vector<16xi32>
      tpu.vector_store_idx %arg9[%sub3A_277], %add3A_281 masked %ge3A_270 : memref<16384xi32, #tpu.memory_space<vmem>>[vector<16xi32>], vector<16xi32>, vector<16xi1>
      %all_reduce_population_count3A = tpu.all_reduce %ge3A_270 {dim = 0 : i64, kind = #tpu.reduction_kind<sum>} : vector<16xi1> -> vector<16xi32>
      %add3A_282 = arith.addi %scan3A_257, %all_reduce_population_count3A : vector<16xi32>
      scf.yield %add3A_282 : vector<16xi32>
    }
    %scan3A_196 = arith.constant 64 : i32
    %dma_wait3A_197 = arith.constant 0 : i32
    %dma_wait3A_198 = tpu.memref_slice %arg2[%dma_wait3A_197, %add3A_186] : memref<2x524288xi32, #tpu.memory_space<hbm>> -> memref<2x1024xi32, #tpu.memory_space<hbm>>
    %dma_wait3A_199 = arith.constant 0 : i32
    %dma_wait3A_200 = tpu.memref_slice %arg2[%dma_wait3A_199, %add3A_186] : memref<2x524288xi32, #tpu.memory_space<hbm>> -> memref<2x1024xi32, #tpu.memory_space<hbm>>
    tpu.wait_dma2 semaphore(%arg11 : memref<!tpu.dma_semaphore, #tpu.memory_space<semaphore_mem>>) src(%dma_wait3A_200 : memref<2x1024xi32, #tpu.memory_space<hbm>>) dst(%arg7 : memref<2x1024xi32, #tpu.memory_space<vmem>>)
    %add3A_201 = arith.constant 13312 : i32
    %add3A_202 = arith.addi %mul3A_2, %add3A_201 : i32
    %dma_start3A_203 = arith.constant 0 : i32
    %dma_start3A_204 = tpu.memref_slice %arg2[%dma_start3A_203, %add3A_202] : memref<2x524288xi32, #tpu.memory_space<hbm>> -> memref<2x1024xi32, #tpu.memory_space<hbm>>
    %dma_start3A_205 = arith.constant 0 : i32
    %dma_start3A_206 = tpu.memref_slice %arg2[%dma_start3A_205, %add3A_202] : memref<2x524288xi32, #tpu.memory_space<hbm>> -> memref<2x1024xi32, #tpu.memory_space<hbm>>
    tpu.enqueue_dma source(%dma_start3A_206 : memref<2x1024xi32, #tpu.memory_space<hbm>>) target(%arg8 : memref<2x1024xi32, #tpu.memory_space<vmem>>) target_semaphore(%arg11 : memref<!tpu.dma_semaphore, #tpu.memory_space<semaphore_mem>>)
    %scan3A_207 = arith.constant 0 : i32
    %scan3A_208 = arith.constant 64 : i32
    %scan3A_209 = arith.addi %scan3A_207, %scan3A_208 : i32
    %scan3A_210 = arith.constant 1 : i32
    %scan3A_211 = scf.for %scan3A_256 = %scan3A_207 to %scan3A_209 step %scan3A_210 iter_args(%scan3A_257 = %scan3A_195) -> (vector<16xi32>)  : i32 {
      %mul3A_258 = arith.constant 16 : i32
      %mul3A_259 = arith.muli %scan3A_256, %mul3A_258 : i32
      %get3A = arith.constant 0 : i32
      %get3A_260 = arith.index_cast %get3A : i32 to index
      %get3A_261 = arith.index_cast %mul3A_259 : i32 to index
      %get3A_262 = tpu.vector_load %arg7[%get3A_260, %get3A_261] {strides = array<i32>} : memref<2x1024xi32, #tpu.memory_space<vmem>>, vector<16xi32>,
      %mul3A_263 = arith.constant 16 : i32
      %mul3A_264 = arith.muli %scan3A_256, %mul3A_263 : i32
      %get3A_265 = arith.constant 1 : i32
      %get3A_266 = arith.index_cast %get3A_265 : i32 to index
      %get3A_267 = arith.index_cast %mul3A_264 : i32 to index
      %get3A_268 = tpu.vector_load %arg7[%get3A_266, %get3A_267] {strides = array<i32>} : memref<2x1024xi32, #tpu.memory_space<vmem>>, vector<16xi32>,
      %gather3A = tpu.vector_load_idx %arg6[%get3A_268] : memref<50016xi32, #tpu.memory_space<vmem>>[vector<16xi32>], vector<16xi32>,
      %ge3A = arith.constant 0 : i32
      %ge3A_269 = vector.broadcast %ge3A : i32 to vector<16xi32>
      %ge3A_270 = arith.cmpi sge, %gather3A, %ge3A_269 : vector<16xi32>
      %max3A = arith.constant 0 : i32
      %max3A_271 = vector.broadcast %max3A : i32 to vector<16xi32>
      %max3A_272 = arith.maxsi %gather3A, %max3A_271 : vector<16xi32>
      %convert_element_type3A = arith.extui %ge3A_270 : vector<16xi1> to vector<16xi32>
      %cumsum3A = arith.constant true
      %cumsum3A_273 = vector.broadcast %cumsum3A : i1 to vector<16xi1>
      %cumsum3A_274 = tpu.scan <sum>, %convert_element_type3A masked %cumsum3A_273 : vector<16xi32>, vector<16xi1> -> vector<16xi32>
      %add3A_275 = arith.addi %scan3A_257, %cumsum3A_274 : vector<16xi32>
      %sub3A = arith.constant 1 : i32
      %sub3A_276 = vector.broadcast %sub3A : i32 to vector<16xi32>
      %sub3A_277 = arith.subi %add3A_275, %sub3A_276 : vector<16xi32>
      %mul3A_278 = arith.constant 1024 : i32
      %mul3A_279 = vector.broadcast %mul3A_278 : i32 to vector<16xi32>
      %mul3A_280 = arith.muli %get3A_262, %mul3A_279 : vector<16xi32>
      %add3A_281 = arith.addi %mul3A_280, %max3A_272 : vector<16xi32>
      tpu.vector_store_idx %arg9[%sub3A_277], %add3A_281 masked %ge3A_270 : memref<16384xi32, #tpu.memory_space<vmem>>[vector<16xi32>], vector<16xi32>, vector<16xi1>
      %all_reduce_population_count3A = tpu.all_reduce %ge3A_270 {dim = 0 : i64, kind = #tpu.reduction_kind<sum>} : vector<16xi1> -> vector<16xi32>
      %add3A_282 = arith.addi %scan3A_257, %all_reduce_population_count3A : vector<16xi32>
      scf.yield %add3A_282 : vector<16xi32>
    }
    %scan3A_212 = arith.constant 64 : i32
    %dma_wait3A_213 = arith.constant 0 : i32
    %dma_wait3A_214 = tpu.memref_slice %arg2[%dma_wait3A_213, %add3A_202] : memref<2x524288xi32, #tpu.memory_space<hbm>> -> memref<2x1024xi32, #tpu.memory_space<hbm>>
    %dma_wait3A_215 = arith.constant 0 : i32
    %dma_wait3A_216 = tpu.memref_slice %arg2[%dma_wait3A_215, %add3A_202] : memref<2x524288xi32, #tpu.memory_space<hbm>> -> memref<2x1024xi32, #tpu.memory_space<hbm>>
    tpu.wait_dma2 semaphore(%arg11 : memref<!tpu.dma_semaphore, #tpu.memory_space<semaphore_mem>>) src(%dma_wait3A_216 : memref<2x1024xi32, #tpu.memory_space<hbm>>) dst(%arg8 : memref<2x1024xi32, #tpu.memory_space<vmem>>)
    %add3A_217 = arith.constant 14336 : i32
    %add3A_218 = arith.addi %mul3A_2, %add3A_217 : i32
    %dma_start3A_219 = arith.constant 0 : i32
    %dma_start3A_220 = tpu.memref_slice %arg2[%dma_start3A_219, %add3A_218] : memref<2x524288xi32, #tpu.memory_space<hbm>> -> memref<2x1024xi32, #tpu.memory_space<hbm>>
    %dma_start3A_221 = arith.constant 0 : i32
    %dma_start3A_222 = tpu.memref_slice %arg2[%dma_start3A_221, %add3A_218] : memref<2x524288xi32, #tpu.memory_space<hbm>> -> memref<2x1024xi32, #tpu.memory_space<hbm>>
    tpu.enqueue_dma source(%dma_start3A_222 : memref<2x1024xi32, #tpu.memory_space<hbm>>) target(%arg7 : memref<2x1024xi32, #tpu.memory_space<vmem>>) target_semaphore(%arg11 : memref<!tpu.dma_semaphore, #tpu.memory_space<semaphore_mem>>)
    %scan3A_223 = arith.constant 0 : i32
    %scan3A_224 = arith.constant 64 : i32
    %scan3A_225 = arith.addi %scan3A_223, %scan3A_224 : i32
    %scan3A_226 = arith.constant 1 : i32
    %scan3A_227 = scf.for %scan3A_256 = %scan3A_223 to %scan3A_225 step %scan3A_226 iter_args(%scan3A_257 = %scan3A_211) -> (vector<16xi32>)  : i32 {
      %mul3A_258 = arith.constant 16 : i32
      %mul3A_259 = arith.muli %scan3A_256, %mul3A_258 : i32
      %get3A = arith.constant 0 : i32
      %get3A_260 = arith.index_cast %get3A : i32 to index
      %get3A_261 = arith.index_cast %mul3A_259 : i32 to index
      %get3A_262 = tpu.vector_load %arg8[%get3A_260, %get3A_261] {strides = array<i32>} : memref<2x1024xi32, #tpu.memory_space<vmem>>, vector<16xi32>,
      %mul3A_263 = arith.constant 16 : i32
      %mul3A_264 = arith.muli %scan3A_256, %mul3A_263 : i32
      %get3A_265 = arith.constant 1 : i32
      %get3A_266 = arith.index_cast %get3A_265 : i32 to index
      %get3A_267 = arith.index_cast %mul3A_264 : i32 to index
      %get3A_268 = tpu.vector_load %arg8[%get3A_266, %get3A_267] {strides = array<i32>} : memref<2x1024xi32, #tpu.memory_space<vmem>>, vector<16xi32>,
      %gather3A = tpu.vector_load_idx %arg6[%get3A_268] : memref<50016xi32, #tpu.memory_space<vmem>>[vector<16xi32>], vector<16xi32>,
      %ge3A = arith.constant 0 : i32
      %ge3A_269 = vector.broadcast %ge3A : i32 to vector<16xi32>
      %ge3A_270 = arith.cmpi sge, %gather3A, %ge3A_269 : vector<16xi32>
      %max3A = arith.constant 0 : i32
      %max3A_271 = vector.broadcast %max3A : i32 to vector<16xi32>
      %max3A_272 = arith.maxsi %gather3A, %max3A_271 : vector<16xi32>
      %convert_element_type3A = arith.extui %ge3A_270 : vector<16xi1> to vector<16xi32>
      %cumsum3A = arith.constant true
      %cumsum3A_273 = vector.broadcast %cumsum3A : i1 to vector<16xi1>
      %cumsum3A_274 = tpu.scan <sum>, %convert_element_type3A masked %cumsum3A_273 : vector<16xi32>, vector<16xi1> -> vector<16xi32>
      %add3A_275 = arith.addi %scan3A_257, %cumsum3A_274 : vector<16xi32>
      %sub3A = arith.constant 1 : i32
      %sub3A_276 = vector.broadcast %sub3A : i32 to vector<16xi32>
      %sub3A_277 = arith.subi %add3A_275, %sub3A_276 : vector<16xi32>
      %mul3A_278 = arith.constant 1024 : i32
      %mul3A_279 = vector.broadcast %mul3A_278 : i32 to vector<16xi32>
      %mul3A_280 = arith.muli %get3A_262, %mul3A_279 : vector<16xi32>
      %add3A_281 = arith.addi %mul3A_280, %max3A_272 : vector<16xi32>
      tpu.vector_store_idx %arg9[%sub3A_277], %add3A_281 masked %ge3A_270 : memref<16384xi32, #tpu.memory_space<vmem>>[vector<16xi32>], vector<16xi32>, vector<16xi1>
      %all_reduce_population_count3A = tpu.all_reduce %ge3A_270 {dim = 0 : i64, kind = #tpu.reduction_kind<sum>} : vector<16xi1> -> vector<16xi32>
      %add3A_282 = arith.addi %scan3A_257, %all_reduce_population_count3A : vector<16xi32>
      scf.yield %add3A_282 : vector<16xi32>
    }
    %scan3A_228 = arith.constant 64 : i32
    %dma_wait3A_229 = arith.constant 0 : i32
    %dma_wait3A_230 = tpu.memref_slice %arg2[%dma_wait3A_229, %add3A_218] : memref<2x524288xi32, #tpu.memory_space<hbm>> -> memref<2x1024xi32, #tpu.memory_space<hbm>>
    %dma_wait3A_231 = arith.constant 0 : i32
    %dma_wait3A_232 = tpu.memref_slice %arg2[%dma_wait3A_231, %add3A_218] : memref<2x524288xi32, #tpu.memory_space<hbm>> -> memref<2x1024xi32, #tpu.memory_space<hbm>>
    tpu.wait_dma2 semaphore(%arg11 : memref<!tpu.dma_semaphore, #tpu.memory_space<semaphore_mem>>) src(%dma_wait3A_232 : memref<2x1024xi32, #tpu.memory_space<hbm>>) dst(%arg7 : memref<2x1024xi32, #tpu.memory_space<vmem>>)
    %add3A_233 = arith.constant 15360 : i32
    %add3A_234 = arith.addi %mul3A_2, %add3A_233 : i32
    %dma_start3A_235 = arith.constant 0 : i32
    %dma_start3A_236 = tpu.memref_slice %arg2[%dma_start3A_235, %add3A_234] : memref<2x524288xi32, #tpu.memory_space<hbm>> -> memref<2x1024xi32, #tpu.memory_space<hbm>>
    %dma_start3A_237 = arith.constant 0 : i32
    %dma_start3A_238 = tpu.memref_slice %arg2[%dma_start3A_237, %add3A_234] : memref<2x524288xi32, #tpu.memory_space<hbm>> -> memref<2x1024xi32, #tpu.memory_space<hbm>>
    tpu.enqueue_dma source(%dma_start3A_238 : memref<2x1024xi32, #tpu.memory_space<hbm>>) target(%arg8 : memref<2x1024xi32, #tpu.memory_space<vmem>>) target_semaphore(%arg11 : memref<!tpu.dma_semaphore, #tpu.memory_space<semaphore_mem>>)
    %scan3A_239 = arith.constant 0 : i32
    %scan3A_240 = arith.constant 64 : i32
    %scan3A_241 = arith.addi %scan3A_239, %scan3A_240 : i32
    %scan3A_242 = arith.constant 1 : i32
    %scan3A_243 = scf.for %scan3A_256 = %scan3A_239 to %scan3A_241 step %scan3A_242 iter_args(%scan3A_257 = %scan3A_227) -> (vector<16xi32>)  : i32 {
      %mul3A_258 = arith.constant 16 : i32
      %mul3A_259 = arith.muli %scan3A_256, %mul3A_258 : i32
      %get3A = arith.constant 0 : i32
      %get3A_260 = arith.index_cast %get3A : i32 to index
      %get3A_261 = arith.index_cast %mul3A_259 : i32 to index
      %get3A_262 = tpu.vector_load %arg7[%get3A_260, %get3A_261] {strides = array<i32>} : memref<2x1024xi32, #tpu.memory_space<vmem>>, vector<16xi32>,
      %mul3A_263 = arith.constant 16 : i32
      %mul3A_264 = arith.muli %scan3A_256, %mul3A_263 : i32
      %get3A_265 = arith.constant 1 : i32
      %get3A_266 = arith.index_cast %get3A_265 : i32 to index
      %get3A_267 = arith.index_cast %mul3A_264 : i32 to index
      %get3A_268 = tpu.vector_load %arg7[%get3A_266, %get3A_267] {strides = array<i32>} : memref<2x1024xi32, #tpu.memory_space<vmem>>, vector<16xi32>,
      %gather3A = tpu.vector_load_idx %arg6[%get3A_268] : memref<50016xi32, #tpu.memory_space<vmem>>[vector<16xi32>], vector<16xi32>,
      %ge3A = arith.constant 0 : i32
      %ge3A_269 = vector.broadcast %ge3A : i32 to vector<16xi32>
      %ge3A_270 = arith.cmpi sge, %gather3A, %ge3A_269 : vector<16xi32>
      %max3A = arith.constant 0 : i32
      %max3A_271 = vector.broadcast %max3A : i32 to vector<16xi32>
      %max3A_272 = arith.maxsi %gather3A, %max3A_271 : vector<16xi32>
      %convert_element_type3A = arith.extui %ge3A_270 : vector<16xi1> to vector<16xi32>
      %cumsum3A = arith.constant true
      %cumsum3A_273 = vector.broadcast %cumsum3A : i1 to vector<16xi1>
      %cumsum3A_274 = tpu.scan <sum>, %convert_element_type3A masked %cumsum3A_273 : vector<16xi32>, vector<16xi1> -> vector<16xi32>
      %add3A_275 = arith.addi %scan3A_257, %cumsum3A_274 : vector<16xi32>
      %sub3A = arith.constant 1 : i32
      %sub3A_276 = vector.broadcast %sub3A : i32 to vector<16xi32>
      %sub3A_277 = arith.subi %add3A_275, %sub3A_276 : vector<16xi32>
      %mul3A_278 = arith.constant 1024 : i32
      %mul3A_279 = vector.broadcast %mul3A_278 : i32 to vector<16xi32>
      %mul3A_280 = arith.muli %get3A_262, %mul3A_279 : vector<16xi32>
      %add3A_281 = arith.addi %mul3A_280, %max3A_272 : vector<16xi32>
      tpu.vector_store_idx %arg9[%sub3A_277], %add3A_281 masked %ge3A_270 : memref<16384xi32, #tpu.memory_space<vmem>>[vector<16xi32>], vector<16xi32>, vector<16xi1>
      %all_reduce_population_count3A = tpu.all_reduce %ge3A_270 {dim = 0 : i64, kind = #tpu.reduction_kind<sum>} : vector<16xi1> -> vector<16xi32>
      %add3A_282 = arith.addi %scan3A_257, %all_reduce_population_count3A : vector<16xi32>
      scf.yield %add3A_282 : vector<16xi32>
    }
    %scan3A_244 = arith.constant 64 : i32
    %dma_wait3A_245 = arith.constant 0 : i32
    %dma_wait3A_246 = tpu.memref_slice %arg2[%dma_wait3A_245, %add3A_234] : memref<2x524288xi32, #tpu.memory_space<hbm>> -> memref<2x1024xi32, #tpu.memory_space<hbm>>
    %dma_wait3A_247 = arith.constant 0 : i32
    %dma_wait3A_248 = tpu.memref_slice %arg2[%dma_wait3A_247, %add3A_234] : memref<2x524288xi32, #tpu.memory_space<hbm>> -> memref<2x1024xi32, #tpu.memory_space<hbm>>
    tpu.wait_dma2 semaphore(%arg11 : memref<!tpu.dma_semaphore, #tpu.memory_space<semaphore_mem>>) src(%dma_wait3A_248 : memref<2x1024xi32, #tpu.memory_space<hbm>>) dst(%arg8 : memref<2x1024xi32, #tpu.memory_space<vmem>>)
    %scan3A_249 = arith.constant 0 : i32
    %scan3A_250 = arith.constant 64 : i32
    %scan3A_251 = arith.addi %scan3A_249, %scan3A_250 : i32
    %scan3A_252 = arith.constant 1 : i32
    %scan3A_253 = scf.for %scan3A_256 = %scan3A_249 to %scan3A_251 step %scan3A_252 iter_args(%scan3A_257 = %scan3A_243) -> (vector<16xi32>)  : i32 {
      %mul3A_258 = arith.constant 16 : i32
      %mul3A_259 = arith.muli %scan3A_256, %mul3A_258 : i32
      %get3A = arith.constant 0 : i32
      %get3A_260 = arith.index_cast %get3A : i32 to index
      %get3A_261 = arith.index_cast %mul3A_259 : i32 to index
      %get3A_262 = tpu.vector_load %arg8[%get3A_260, %get3A_261] {strides = array<i32>} : memref<2x1024xi32, #tpu.memory_space<vmem>>, vector<16xi32>,
      %mul3A_263 = arith.constant 16 : i32
      %mul3A_264 = arith.muli %scan3A_256, %mul3A_263 : i32
      %get3A_265 = arith.constant 1 : i32
      %get3A_266 = arith.index_cast %get3A_265 : i32 to index
      %get3A_267 = arith.index_cast %mul3A_264 : i32 to index
      %get3A_268 = tpu.vector_load %arg8[%get3A_266, %get3A_267] {strides = array<i32>} : memref<2x1024xi32, #tpu.memory_space<vmem>>, vector<16xi32>,
      %gather3A = tpu.vector_load_idx %arg6[%get3A_268] : memref<50016xi32, #tpu.memory_space<vmem>>[vector<16xi32>], vector<16xi32>,
      %ge3A = arith.constant 0 : i32
      %ge3A_269 = vector.broadcast %ge3A : i32 to vector<16xi32>
      %ge3A_270 = arith.cmpi sge, %gather3A, %ge3A_269 : vector<16xi32>
      %max3A = arith.constant 0 : i32
      %max3A_271 = vector.broadcast %max3A : i32 to vector<16xi32>
      %max3A_272 = arith.maxsi %gather3A, %max3A_271 : vector<16xi32>
      %convert_element_type3A = arith.extui %ge3A_270 : vector<16xi1> to vector<16xi32>
      %cumsum3A = arith.constant true
      %cumsum3A_273 = vector.broadcast %cumsum3A : i1 to vector<16xi1>
      %cumsum3A_274 = tpu.scan <sum>, %convert_element_type3A masked %cumsum3A_273 : vector<16xi32>, vector<16xi1> -> vector<16xi32>
      %add3A_275 = arith.addi %scan3A_257, %cumsum3A_274 : vector<16xi32>
      %sub3A = arith.constant 1 : i32
      %sub3A_276 = vector.broadcast %sub3A : i32 to vector<16xi32>
      %sub3A_277 = arith.subi %add3A_275, %sub3A_276 : vector<16xi32>
      %mul3A_278 = arith.constant 1024 : i32
      %mul3A_279 = vector.broadcast %mul3A_278 : i32 to vector<16xi32>
      %mul3A_280 = arith.muli %get3A_262, %mul3A_279 : vector<16xi32>
      %add3A_281 = arith.addi %mul3A_280, %max3A_272 : vector<16xi32>
      tpu.vector_store_idx %arg9[%sub3A_277], %add3A_281 masked %ge3A_270 : memref<16384xi32, #tpu.memory_space<vmem>>[vector<16xi32>], vector<16xi32>, vector<16xi1>
      %all_reduce_population_count3A = tpu.all_reduce %ge3A_270 {dim = 0 : i64, kind = #tpu.reduction_kind<sum>} : vector<16xi1> -> vector<16xi32>
      %add3A_282 = arith.addi %scan3A_257, %all_reduce_population_count3A : vector<16xi32>
      scf.yield %add3A_282 : vector<16xi32>
    }
    %scan3A_254 = arith.constant 64 : i32
    %swap3A = arith.constant 0 : index
    %swap3A_255 = tpu.vector_load %arg10[%swap3A] {strides = array<i32>} : memref<16xi32, #tpu.memory_space<vmem>>, vector<16xi32>,
    tpu.vector_store %arg10[%swap3A], %scan3A_253 {strides = array<i32>} : memref<16xi32, #tpu.memory_space<vmem>>, vector<16xi32>,
    "tpu.region"() ({
      %run_scoped3A = tpu.sem_alloc : memref<!tpu.dma_semaphore, #tpu.memory_space<semaphore_mem>>
      %dma_start3A_256 = arith.constant 0 : i32
      %dma_start3A_257 = tpu.memref_slice %arg5[%add3A, %dma_start3A_256] : memref<32x16xi32, #tpu.memory_space<hbm>> -> memref<1x16xi32, #tpu.memory_space<hbm>>
      %dma_start3A_258 = tpu.memref_squeeze %dma_start3A_257 : memref<1x16xi32, #tpu.memory_space<hbm>> -> memref<16xi32, #tpu.memory_space<hbm>>
      %dma_start3A_259 = arith.constant 0 : i32
      %dma_start3A_260 = tpu.memref_slice %arg5[%add3A, %dma_start3A_259] : memref<32x16xi32, #tpu.memory_space<hbm>> -> memref<1x16xi32, #tpu.memory_space<hbm>>
      %dma_start3A_261 = tpu.memref_squeeze %dma_start3A_260 : memref<1x16xi32, #tpu.memory_space<hbm>> -> memref<16xi32, #tpu.memory_space<hbm>>
      tpu.enqueue_dma source(%arg10 : memref<16xi32, #tpu.memory_space<vmem>>) target(%dma_start3A_261 : memref<16xi32, #tpu.memory_space<hbm>>) target_semaphore(%run_scoped3A : memref<!tpu.dma_semaphore, #tpu.memory_space<semaphore_mem>>)
      %dma_wait3A_262 = arith.constant 0 : i32
      %dma_wait3A_263 = tpu.memref_slice %arg5[%add3A, %dma_wait3A_262] : memref<32x16xi32, #tpu.memory_space<hbm>> -> memref<1x16xi32, #tpu.memory_space<hbm>>
      %dma_wait3A_264 = tpu.memref_squeeze %dma_wait3A_263 : memref<1x16xi32, #tpu.memory_space<hbm>> -> memref<16xi32, #tpu.memory_space<hbm>>
      %dma_wait3A_265 = arith.constant 0 : i32
      %dma_wait3A_266 = tpu.memref_slice %arg5[%add3A, %dma_wait3A_265] : memref<32x16xi32, #tpu.memory_space<hbm>> -> memref<1x16xi32, #tpu.memory_space<hbm>>
      %dma_wait3A_267 = tpu.memref_squeeze %dma_wait3A_266 : memref<1x16xi32, #tpu.memory_space<hbm>> -> memref<16xi32, #tpu.memory_space<hbm>>
      tpu.wait_dma2 semaphore(%run_scoped3A : memref<!tpu.dma_semaphore, #tpu.memory_space<semaphore_mem>>) src(%arg10 : memref<16xi32, #tpu.memory_space<vmem>>) dst(%dma_wait3A_267 : memref<16xi32, #tpu.memory_space<hbm>>)
      tpu.yield
    }) : () -> ()
    "tpu.region"() ({
      %run_scoped3A = tpu.sem_alloc : memref<!tpu.dma_semaphore, #tpu.memory_space<semaphore_mem>>
      %dma_start3A_256 = arith.constant 0 : i32
      %dma_start3A_257 = tpu.memref_slice %arg4[%add3A, %dma_start3A_256] : memref<32x16384xi32, #tpu.memory_space<hbm>> -> memref<1x16384xi32, #tpu.memory_space<hbm>>
      %dma_start3A_258 = tpu.memref_squeeze %dma_start3A_257 : memref<1x16384xi32, #tpu.memory_space<hbm>> -> memref<16384xi32, #tpu.memory_space<hbm>>
      %dma_start3A_259 = arith.constant 0 : i32
      %dma_start3A_260 = tpu.memref_slice %arg4[%add3A, %dma_start3A_259] : memref<32x16384xi32, #tpu.memory_space<hbm>> -> memref<1x16384xi32, #tpu.memory_space<hbm>>
      %dma_start3A_261 = tpu.memref_squeeze %dma_start3A_260 : memref<1x16384xi32, #tpu.memory_space<hbm>> -> memref<16384xi32, #tpu.memory_space<hbm>>
      tpu.enqueue_dma source(%arg9 : memref<16384xi32, #tpu.memory_space<vmem>>) target(%dma_start3A_261 : memref<16384xi32, #tpu.memory_space<hbm>>) target_semaphore(%run_scoped3A : memref<!tpu.dma_semaphore, #tpu.memory_space<semaphore_mem>>)
      %dma_wait3A_262 = arith.constant 0 : i32
      %dma_wait3A_263 = tpu.memref_slice %arg4[%add3A, %dma_wait3A_262] : memref<32x16384xi32, #tpu.memory_space<hbm>> -> memref<1x16384xi32, #tpu.memory_space<hbm>>
      %dma_wait3A_264 = tpu.memref_squeeze %dma_wait3A_263 : memref<1x16384xi32, #tpu.memory_space<hbm>> -> memref<16384xi32, #tpu.memory_space<hbm>>
      %dma_wait3A_265 = arith.constant 0 : i32
      %dma_wait3A_266 = tpu.memref_slice %arg4[%add3A, %dma_wait3A_265] : memref<32x16384xi32, #tpu.memory_space<hbm>> -> memref<1x16384xi32, #tpu.memory_space<hbm>>
      %dma_wait3A_267 = tpu.memref_squeeze %dma_wait3A_266 : memref<1x16384xi32, #tpu.memory_space<hbm>> -> memref<16384xi32, #tpu.memory_space<hbm>>
      tpu.wait_dma2 semaphore(%run_scoped3A : memref<!tpu.dma_semaphore, #tpu.memory_space<semaphore_mem>>) src(%arg9 : memref<16384xi32, #tpu.memory_space<vmem>>) dst(%dma_wait3A_267 : memref<16384xi32, #tpu.memory_space<hbm>>)
      tpu.yield
    }) : () -> ()
    return
  }
}

module attributes {stable_mosaic.version = 14 : i64} {
  func.func @_proj_body(%arg0: i32, %arg1: memref<2000x128xf32, #tpu.memory_space<vmem>>, %arg2: memref<128x64xf32, #tpu.memory_space<vmem>>, %arg3: memref<64x1xf32, #tpu.memory_space<vmem>>, %arg4: memref<2000x128xf32, #tpu.memory_space<vmem>>) attributes {dimension_semantics = [#tpu.dimension_semantics<arbitrary>], iteration_bounds = array<i64: 25>, scalar_prefetch = 0 : i64, scratch_operands = 0 : i64, tpu.core_type = #tpu.core_type<tc>, window_params = [{transform_indices = @transform_0, window_bounds = array<i64: 2000, 128>}, {pipeline_mode = #tpu.pipeline_mode<synchronous>, transform_indices = @transform_1, window_bounds = array<i64: 128, 64>}, {pipeline_mode = #tpu.pipeline_mode<synchronous>, transform_indices = @transform_2, window_bounds = array<i64: 64, 1>}, {transform_indices = @transform_3, window_bounds = array<i64: 2000, 128>}]} {
    %get3A = arith.constant 0 : index
    %get3A_0 = arith.constant 0 : index
    %get3A_1 = vector.load %arg1[%get3A, %get3A_0] : memref<2000x128xf32, #tpu.memory_space<vmem>>, vector<2000x128xf32>
    %get3A_2 = arith.constant 0 : index
    %get3A_3 = arith.constant 0 : index
    %get3A_4 = vector.load %arg2[%get3A_2, %get3A_3] : memref<128x64xf32, #tpu.memory_space<vmem>>, vector<128x64xf32>
    %dot_general3A = arith.constant dense<0.000000e+00> : vector<2000x64xf32>
    %dot_general3A_5 = tpu.matmul %get3A_1, %get3A_4, %dot_general3A {dimension_numbers = #tpu.dot_dimension_numbers<[1], [0], [0], [1], [0, 0, 1, 1], [], []>, transpose_lhs_hint = false} : vector<2000x128xf32>, vector<128x64xf32>, vector<2000x64xf32> -> vector<2000x64xf32>
    %get3A_6 = arith.constant 0 : index
    %get3A_7 = arith.constant 0 : index
    %get3A_8 = vector.load %arg3[%get3A_6, %get3A_7] : memref<64x1xf32, #tpu.memory_space<vmem>>, vector<64x1xf32>
    %dot_general3A_9 = arith.constant dense<0.000000e+00> : vector<2000x1xf32>
    %dot_general3A_10 = tpu.matmul %dot_general3A_5, %get3A_8, %dot_general3A_9 {dimension_numbers = #tpu.dot_dimension_numbers<[1], [0], [0], [1], [0, 0, 1, 1], [], []>, transpose_lhs_hint = false} : vector<2000x64xf32>, vector<64x1xf32>, vector<2000x1xf32> -> vector<2000x1xf32>
    %broadcast_in_dim3A = arith.constant 0.000000e+00 : f32
    %broadcast_in_dim3A_11 = vector.broadcast %broadcast_in_dim3A : f32 to vector<2000x63xf32>
    %concatenate3A = tpu.concatenate %dot_general3A_5, %dot_general3A_10, %broadcast_in_dim3A_11 in 1 : vector<2000x64xf32>, vector<2000x1xf32>, vector<2000x63xf32> -> vector<2000x128xf32>
    %swap3A = arith.constant 0 : index
    %swap3A_12 = arith.constant 0 : index
    %swap3A_13 = vector.load %arg4[%swap3A, %swap3A_12] : memref<2000x128xf32, #tpu.memory_space<vmem>>, vector<2000x128xf32>
    tpu.vector_store %arg4[%swap3A, %swap3A_12], %concatenate3A {strides = array<i32>} : memref<2000x128xf32, #tpu.memory_space<vmem>>, vector<2000x128xf32>,
    return
  }
  func.func @transform_0(%arg0: i32) -> (i32, i32) {
    %c0_i32 = arith.constant 0 : i32
    %c0_i32_0 = arith.constant 0 : i32
    return %arg0, %c0_i32 : i32, i32
  }
  func.func @transform_1(%arg0: i32) -> (i32, i32) {
    %c0_i32 = arith.constant 0 : i32
    %c0_i32_0 = arith.constant 0 : i32
    %c0_i32_1 = arith.constant 0 : i32
    return %c0_i32, %c0_i32_0 : i32, i32
  }
  func.func @transform_2(%arg0: i32) -> (i32, i32) {
    %c0_i32 = arith.constant 0 : i32
    %c0_i32_0 = arith.constant 0 : i32
    %c0_i32_1 = arith.constant 0 : i32
    return %c0_i32, %c0_i32_0 : i32, i32
  }
  func.func @transform_3(%arg0: i32) -> (i32, i32) {
    %c0_i32 = arith.constant 0 : i32
    %c0_i32_0 = arith.constant 0 : i32
    return %arg0, %c0_i32 : i32, i32
  }
}

module attributes {stable_mosaic.version = 14 : i64} {
  func.func @_mlp_body(%arg0: memref<2x1024x128xf32, #tpu.memory_space<vmem>>, %arg1: memref<32x1024xf32, #tpu.memory_space<vmem>>, %arg2: memref<1x64xf32, #tpu.memory_space<vmem>>, %arg3: memref<64x64xf32, #tpu.memory_space<vmem>>, %arg4: memref<1x64xf32, #tpu.memory_space<vmem>>, %arg5: memref<64x32xf32, #tpu.memory_space<vmem>>, %arg6: memref<1x32xf32, #tpu.memory_space<vmem>>, %arg7: memref<1024x32xf32, #tpu.memory_space<vmem>>) attributes {dimension_semantics = [], scalar_prefetch = 0 : i64, scratch_operands = 0 : i64, tpu.core_type = #tpu.core_type<tc>} {
    %get3A = arith.constant 0 : index
    %get3A_0 = arith.constant 0 : index
    %get3A_1 = arith.constant 0 : index
    %get3A_2 = vector.load %arg0[%get3A, %get3A_0, %get3A_1] : memref<2x1024x128xf32, #tpu.memory_space<vmem>>, vector<1x1024x64xf32>
    %get3A_3 = vector.shape_cast %get3A_2 : vector<1x1024x64xf32> to vector<1024x64xf32>
    %get3A_4 = arith.constant 1 : index
    %get3A_5 = arith.constant 0 : index
    %get3A_6 = arith.constant 0 : index
    %get3A_7 = vector.load %arg0[%get3A_4, %get3A_5, %get3A_6] : memref<2x1024x128xf32, #tpu.memory_space<vmem>>, vector<1x1024x64xf32>
    %get3A_8 = vector.shape_cast %get3A_7 : vector<1x1024x64xf32> to vector<1024x64xf32>
    %add3A = arith.addf %get3A_3, %get3A_8 : vector<1024x64xf32>
    %get3A_9 = arith.constant 0 : index
    %get3A_10 = arith.constant 0 : index
    %get3A_11 = vector.load %arg1[%get3A_9, %get3A_10] : memref<32x1024xf32, #tpu.memory_space<vmem>>, vector<32x1024xf32>
    %reduce_sum3A = arith.constant dense<0.000000e+00> : vector<1024xf32>
    %reduce_sum3A_12 = vector.multi_reduction <add>, %get3A_11, %reduce_sum3A [0] : vector<32x1024xf32> to vector<1024xf32>
    %add3A_13 = arith.constant 1.000000e-16 : f32
    %add3A_14 = vector.broadcast %add3A_13 : f32 to vector<1024xf32>
    %add3A_15 = arith.addf %reduce_sum3A_12, %add3A_14 : vector<1024xf32>
    %div3A = arith.constant 1.000000e+00 : f32
    %div3A_16 = vector.broadcast %div3A : f32 to vector<1024xf32>
    %div3A_17 = arith.divf %div3A_16, %add3A_15 : vector<1024xf32>
    %broadcast_in_dim3A = vector.shape_cast %div3A_17 : vector<1024xf32> to vector<1024x1xf32>
    %mul3A = vector.broadcast %broadcast_in_dim3A : vector<1024x1xf32> to vector<1024x64xf32>
    %mul3A_18 = arith.mulf %add3A, %mul3A : vector<1024x64xf32>
    %get3A_19 = arith.constant 0 : index
    %get3A_20 = arith.constant 0 : index
    %get3A_21 = vector.load %arg2[%get3A_19, %get3A_20] : memref<1x64xf32, #tpu.memory_space<vmem>>, vector<1x64xf32>
    %add3A_22 = vector.broadcast %get3A_21 : vector<1x64xf32> to vector<1024x64xf32>
    %add3A_23 = arith.addf %mul3A_18, %add3A_22 : vector<1024x64xf32>
    %get3A_24 = arith.constant 0 : index
    %get3A_25 = arith.constant 0 : index
    %get3A_26 = vector.load %arg3[%get3A_24, %get3A_25] : memref<64x64xf32, #tpu.memory_space<vmem>>, vector<64x64xf32>
    %dot_general3A = arith.constant dense<0.000000e+00> : vector<1024x64xf32>
    %dot_general3A_27 = tpu.matmul %add3A_23, %get3A_26, %dot_general3A {dimension_numbers = #tpu.dot_dimension_numbers<[1], [0], [0], [1], [0, 0, 1, 1], [], []>, transpose_lhs_hint = false} : vector<1024x64xf32>, vector<64x64xf32>, vector<1024x64xf32> -> vector<1024x64xf32>
    %get3A_28 = arith.constant 0 : index
    %get3A_29 = arith.constant 0 : index
    %get3A_30 = vector.load %arg4[%get3A_28, %get3A_29] : memref<1x64xf32, #tpu.memory_space<vmem>>, vector<1x64xf32>
    %add3A_31 = vector.broadcast %get3A_30 : vector<1x64xf32> to vector<1024x64xf32>
    %add3A_32 = arith.addf %dot_general3A_27, %add3A_31 : vector<1024x64xf32>
    %max3A = arith.constant 0.000000e+00 : f32
    %max3A_33 = vector.broadcast %max3A : f32 to vector<1024x64xf32>
    %max3A_34 = arith.maximumf %add3A_32, %max3A_33 : vector<1024x64xf32>
    %get3A_35 = arith.constant 0 : index
    %get3A_36 = arith.constant 0 : index
    %get3A_37 = vector.load %arg5[%get3A_35, %get3A_36] : memref<64x32xf32, #tpu.memory_space<vmem>>, vector<64x32xf32>
    %dot_general3A_38 = arith.constant dense<0.000000e+00> : vector<1024x32xf32>
    %dot_general3A_39 = tpu.matmul %max3A_34, %get3A_37, %dot_general3A_38 {dimension_numbers = #tpu.dot_dimension_numbers<[1], [0], [0], [1], [0, 0, 1, 1], [], []>, transpose_lhs_hint = false} : vector<1024x64xf32>, vector<64x32xf32>, vector<1024x32xf32> -> vector<1024x32xf32>
    %get3A_40 = arith.constant 0 : index
    %get3A_41 = arith.constant 0 : index
    %get3A_42 = vector.load %arg6[%get3A_40, %get3A_41] : memref<1x32xf32, #tpu.memory_space<vmem>>, vector<1x32xf32>
    %add3A_43 = vector.broadcast %get3A_42 : vector<1x32xf32> to vector<1024x32xf32>
    %add3A_44 = arith.addf %dot_general3A_39, %add3A_43 : vector<1024x32xf32>
    %swap3A = arith.constant 0 : index
    %swap3A_45 = arith.constant 0 : index
    %swap3A_46 = vector.load %arg7[%swap3A, %swap3A_45] : memref<1024x32xf32, #tpu.memory_space<vmem>>, vector<1024x32xf32>
    tpu.vector_store %arg7[%swap3A, %swap3A_45], %add3A_44 {strides = array<i32>} : memref<1024x32xf32, #tpu.memory_space<vmem>>, vector<1024x32xf32>,
    return
  }
}

</mosaic_0001>

<sc_bundles>
// kernel: kernel.6.cloned.1.call-start
scs
__scs_entry_jumppad:
0x0: {  	(pc) =	sbr.rel $0x88, $3  }
0x1: {  	(tag) =	ssettag $0x0;
	lr =	simm.s32 $0x1  }
0x2: {  	[smem:$0x3F95] =	sst lr;
	_ =	strace $0xD0000000  }
0x3: {  	_ = 	snop  }
0x4: {  	_ = 	snop  }
0x5: {  	_ = 	snop  }
0x6: {  	_ = 	snop  }
0x7: {  	_ = 	snop  }
__scs_overlays_trampoline_lowered:
0x8: {  	[smem:$0x3FA4] =	sst s0  }
0x9: {  	[smem:$0x3FA5] =	sst s1  }
0xa: {  	[smem:$0x3FA6] =	sst s2  }
0xb: {  	[smem:$0x3FA7] =	sst s3  }
0xc: {  	[smem:$0x3FA8] =	sst s4  }
0xd: {  	[smem:$0x3FA9] =	sst s5  }
0xe: {  	[smem:$0x3FAA] =	sst s6  }
0xf: {  	[smem:$0x3FAB] =	sst s7  }
0x10: {  	[smem:$0x3FAC] =	sst s8  }
0x11: {  	[smem:$0x3FAD] =	sst s9;
	s0 =	simm.s32 @!p0 $0x0  }
0x12: {  	s1 =	sld [smem:$0x3F93];
	s0 =	simm.s32 @p0 $0x1  }
0x13: {  	[smem:$0x3FAE] =	sst s0;
	s0 =	simm.s32 @!p1 $0x0  }
0x14: {  	s2 =	sld [smem:$0x3F92];
	s0 =	simm.s32 @p1 $0x1  }
0x15: {  	[smem:$0x3FAF] =	sst s0;
	s0 =	simm.s32 @!p2 $0x0  }
0x16: {  	s3 =	sld [smem:$0x3FDB];
	s0 =	simm.s32 @p2 $0x1  }
0x17: {  	s4 =	simm.s32 $0x1BF5;
	[smem:$0x3FB1] =	sst s0  }
0x18: {  	s0 =	sld [smem:$0x3F94];
	_ =	swait.ge [sflag:s4], $0x0  }
0x19: {  	s7 =	sld [smem:$0x3F95]  }
0x1a: {  	s8 =	sadd.s32 $0xFFFFE003, lr  }
0x1b: {  	s9 =	sadd.s32 $0xFFFFFEF7, lr;
	s5 =	simm.s32 $0xFFFFFFFF;
	p2 =	slt.u32 s8, $0xFFFFF086  }
0x1c: {  	p1 =	slt.u32 s9, $0xF7A;
	s5 =	simm.s32 @!p2 $0x0  }
0x1d: {  	s5 =	simm.s32 @p1 $0x1;
	p0 =	seq.s32 s7, s2  }
0x1e: {  	s7 =	smul.u32 @!p0 $0xF7A, s2;
	p2 =	seq.s32 @!p0 s5, $0x0  }
0x1f: {  	s9 =	smul.u32 $0xF7A, s1;
	s8 =	simm.s32 @!p0 $0x1BF5;
	p2 =	por !p2, p0  }
0x20: {  	[sflag:s8] =	ssyncset.s32 @!p0 $0xFFFFF086;
	s6 =	sadd.s32 @!p0 s3, s7;
	s7 =	simm.s32 @!p0 $0x108  }
0x21: {  	s3 =	sadd.s32 s3, s9;
	s6 =	sadd.s32 @!p0 $0x88, s6;
	s7 =	simm.s32 @p2 $0x1082  }
0x22: {  	[simem:s7], [sflag:s8] =	dma.local @!p0 [hbm:s6], $0xF7A  }
0x23: {  	s9 =	sor.u32 $0xD0000000, s2;
	s6 =	simm.s32 $0x108;
	_ =	swait.ge @!p0 [sflag:s8], $0x0  }
0x24: {  	s3 =	sadd.s32 $0x88, s3;
	s6 =	simm.s32 @!p1 $0x1082;
	[sflag:s4] =	ssyncset.s32 $0xFFFFF086  }
0x25: {  	[simem:s6], [sflag:s4] =	dma.local [hbm:s3], $0xF7A  }
0x26: {  	[smem:$0x3F95] =	sst s1;
	(tag) =	ssettag s2;
	_ =	strace s9  }
0x27: {  	s1 =	sld [smem:$0x3FA5]  }
0x28: {  	s2 =	sld [smem:$0x3FA6]  }
0x29: {  	s4 =	sld [smem:$0x3FA8]  }
0x2a: {  	p0 =	seq.s32 s5, $0x0;
	s5 =	sld [smem:$0x3FA9]  }
0x2b: {  	s6 =	sld [smem:$0x3FAA]  }
0x2c: {  	s7 =	sld [smem:$0x3FAB]  }
0x2d: {  	s3 =	simm.s32 $0x108;
	s8 =	sld [smem:$0x3FAC]  }
0x2e: {  	s3 =	simm.s32 @!p0 $0x1082;
	s9 =	sld [smem:$0x3FAD]  }
0x2f: {  	lr =	sadd.s32 s0, s3;
	s0 =	sld [smem:$0x3FA4]  }
0x30: {  	s3 =	sld [smem:$0x3FA7]  }
0x31: {  	[smem:$0x3FB0] =	sst s10  }
0x32: {  	s10 =	sld [smem:$0x3FAE];
	_ =	sdelay $0x3  }
0x33: {  	p0 =	seq.s32 s10, $0x1;
	s10 =	sld [smem:$0x3FB0];
	_ =	sdelay $0x3  }
0x34: {  	[smem:$0x3FB0] =	sst s10  }
0x35: {  	s10 =	sld [smem:$0x3FAF];
	_ =	sdelay $0x3  }
0x36: {  	p1 =	seq.s32 s10, $0x1;
	s10 =	sld [smem:$0x3FB0];
	_ =	sdelay $0x3  }
0x37: {  	[smem:$0x3FB0] =	sst s10  }
0x38: {  	s10 =	sld [smem:$0x3FB1]  }
0x39: {  	_ = 	snop;
	(pc) =	sbr.ind lr, $3  }
0x3a: {  	_ = 	snop  }
0x3b: {  	_ = 	snop  }
0x3c: {  	p2 =	seq.s32 s10, $0x1;
	s10 =	sld [smem:$0x3FB0]  }
0x3d: {  	_ =	shalt  }
0x3e: {  	_ =	shalt  }
0x3f: {  	_ =	shalt  }
0x40: {  	_ =	shalt  }
0x41: {  	_ =	shalt  }
0x42: {  	_ =	shalt  }
0x43: {  	_ =	shalt  }
0x44: {  	_ =	shalt  }
0x45: {  	_ =	shalt  }
0x46: {  	_ =	shalt  }
0x47: {  	_ =	shalt  }
0x48: {  	_ =	shalt  }
0x49: {  	_ =	shalt  }
0x4a: {  	_ =	shalt  }
0x4b: {  	_ =	shalt  }
0x4c: {  	_ =	shalt  }
0x4d: {  	_ =	shalt  }
0x4e: {  	_ =	shalt  }
0x4f: {  	_ =	shalt  }
0x50: {  	_ =	shalt  }
0x51: {  	_ =	shalt  }
0x52: {  	_ =	shalt  }
0x53: {  	_ =	shalt  }
0x54: {  	_ =	shalt  }
0x55: {  	_ =	shalt  }
0x56: {  	_ =	shalt  }
0x57: {  	_ =	shalt  }
0x58: {  	_ =	shalt  }
0x59: {  	_ =	shalt  }
0x5a: {  	_ =	shalt  }
0x5b: {  	_ =	shalt  }
0x5c: {  	_ =	shalt  }
0x5d: {  	_ =	shalt  }
0x5e: {  	_ =	shalt  }
0x5f: {  	_ =	shalt  }
0x60: {  	_ =	shalt  }
0x61: {  	_ =	shalt  }
0x62: {  	_ =	shalt  }
0x63: {  	_ =	shalt  }
0x64: {  	_ =	shalt  }
0x65: {  	_ =	shalt  }
0x66: {  	_ =	shalt  }
0x67: {  	_ =	shalt  }
0x68: {  	_ =	shalt  }
0x69: {  	_ =	shalt  }
0x6a: {  	_ =	shalt  }
0x6b: {  	_ =	shalt  }
0x6c: {  	_ =	shalt  }
0x6d: {  	_ =	shalt  }
0x6e: {  	_ =	shalt  }
0x6f: {  	_ =	shalt  }
0x70: {  	_ =	shalt  }
0x71: {  	_ =	shalt  }
0x72: {  	_ =	shalt  }
0x73: {  	_ =	shalt  }
0x74: {  	_ =	shalt  }
0x75: {  	_ =	shalt  }
0x76: {  	_ =	shalt  }
0x77: {  	_ =	shalt  }
0x78: {  	_ =	shalt  }
0x79: {  	_ =	shalt  }
0x7a: {  	_ =	shalt  }
0x7b: {  	_ =	shalt  }
0x7c: {  	_ =	shalt  }
0x7d: {  	_ =	shalt  }
0x7e: {  	_ =	shalt  }
0x7f: {  	_ =	shalt  }
0x80: {  	_ =	shalt  }
0x81: {  	_ =	shalt  }
0x82: {  	_ =	shalt  }
0x83: {  	_ =	shalt  }
0x84: {  	_ =	shalt  }
0x85: {  	_ =	shalt  }
0x86: {  	_ =	shalt  }
0x87: {  	_ =	shalt  }
.Lfunc_end0:
.L_simem_size_0:
called_computation_lowered:
.L_overlay_start_0:
0x88: {  	s2 =	sld [smem:$0x3FD9]  }
0x89: {  	s3 =	sld [smem:$0x3FFE];
	_ =	sdelay $0x1  }
0x8a: {  	s1 =	srdreg.scid  }
0x8b: {  	s0 =	sand.u32 $0x1, s1  }
0x8c: {  	s16 =	sshll.u32 s0, $0xA;
	s2 =	sadd.s32 s3, s2  }
0x8d: {  	s2 =	sadd.s32 s2, s16  }
0x8e: {  	[smem:$0x3FBC] =	sst s2  }
0x8f: {  	_ = 	snop  }
0x90: {  	(tm) =	ssettm $0x1  }
0x91: {  	s17 =	sld [smem:$0x3FFB];
	_ =	sdelay $0x3  }
0x92: {  	_ =	strace s17  }
0x93: {  	s2 =	sld [smem:$0x3FFC];
	_ =	sdelay $0x3  }
0x94: {  	_ =	strace s2  }
0x95: {  	s2 =	sld [smem:$0x3FFD];
	_ =	sdelay $0x3  }
0x96: {  	_ =	strace s2  }
0x97: {  	_ =	strace $0x8FFFFFFF  }
0x98: {  	s18 =	sld [smem:$0x3FDB];
	_ =	sdelay $0x1  }
0x99: {  	s19 =	simm.s32 $_scs_section_size  }
0x9a: {  	s4 =	simm.s32 $_size__tile_overlayer_lowered;
	s5 =	simm.s32 $_tile_overlayer_lowered  }
0x9b: {  	s22 =	simm.s32 $0x1BFF;
	s21 =	sshll.u32 s5, $0x1;
	s2 =	sadd.s32 s19, s18  }
0x9c: {  	s6 =	simm.s32 $0x0;
	s20 =	sshll.u32 s4, $0x1;
	s4 =	sadd.s32 s21, s2  }
0x9d: {  	[timem:s6], [sflag:s22] =	dma.local [hbm:s4], s20  }
0x9e: {  	_ =	swait.ge [sflag:s22], s20  }
0x9f: {  	s3 =	ssub.s32 $0x0, s20;
	[sflag:s22] =	ssyncset.done $0x0  }
0xa0: {  	[sflag:s22] =	ssyncadd.s32 s3;
	_ =	sdelay $0x1  }
0xa1: {  	s23 =	simm.s32 $0x1B8B  }
0xa2: {  	_ =	swait.ge [sflag:s23], $0x1  }
0xa3: {  	[sflag:s23] =	ssyncset.done $0x0  }
0xa4: {  	s25 =	simm.s32 $0x1B8E;
	s24 =	sld [smem:$0x3FFE];
	[sflag:s23] =	ssyncadd.s32 $0xFFFFFFFF  }
0xa5: {  	s26 =	simm.s32 $execute0_lowered;
	[smem:$0x3FD2] =	sst s25  }
0xa6: {  	s4 =	sshll.u32 s26, $0x1;
	_ =	strace $0x80000046;
	[dreg:$0x1] =	wrdreg $0xFFFFFFFF  }
0xa7: {  	s28 =	simm.s32 $_size_execute0_lowered;
	s2 =	sadd.s32 s2, s4;
	[dreg:$0x0] =	wrdreg $0x0  }
0xa8: {  	s4 =	sshll.u32 s28, $0x1;
	[dreg:$0x2] =	wrdreg s2  }
0xa9: {  	[dreg:$0x3] =	wrdreg s4  }
0xaa: {  	[dreg:$0x4] =	wrdreg $0xC0  }
0xab: {  	_ =	task [dreg:s6], $0x5FFFF  }
0xac: {  	[dreg:$0x1] =	wrdreg $0xFFFFFFFF  }
0xad: {  	[dreg:$0x0] =	wrdreg $0x60  }
0xae: {  	[dreg:$0x2] =	wrdreg s24  }
0xaf: {  	[dreg:$0x3] =	wrdreg $0x9  }
0xb0: {  	_ =	task.clear_ibuf [dreg:s6], $0x4FFFF;
	_ =	strace $0x90000046  }
0xb1: {  	s29 =	simm.s32 $0x9;
	_ =	strace $0x80000048  }
0xb2: {  	_ =	swait.ge [sflag:s29], $0x1  }
0xb3: {  	[sflag:s29] =	ssyncadd.s32 $0xFFFFFFFF  }
0xb4: {  	_ =	strace $0x90000048  }
0xb5: {  	_ =	sfence  }
0xb6: {  	s30 =	sld [smem:$0x0];
	_ =	sdelay $0x2  }
0xb7: {  	s31 =	sshll.u32 s1, $0xD;
	s1 =	sshrl.u32 s1, $0x2  }
0xb8: {  	s3 =	sand.u32 $0x4000, s31;
	s1 =	sadd.s32 s1, s30  }
0xb9: {  	s0 =	sor.u32 s3, s0;
	s1 =	sshll.u32 s1, $0x11  }
0xba: {  	s0 =	sor.u32 s1, s0  }
0xbb: {  	s0 =	sadd.s32 $0x8F2B, s0  }
0xbc: {  	[sflag:s0] =	ssyncadd.remote.s32 $0x1  }
0xbd: {  	_ =	sfence.sel $0xFFFF  }
0xbe: {  	[dreg:$0x0] =	wrdreg $0xFFFFFFFF;
	(pc) =	sbr.abs _section_cstart, $3  }
0xbf: {  	[dreg:$0x1] =	wrdreg $0xFFFFFFFF  }
0xc0: {  	_ =	task.clear_ibuf [dreg:s6], $0x2FFFF;
	_ =	strace $0x9FFFFFFF  }
0xc1: {  	(tm) =	ssettm $0x7FFFFFFF  }
tec
execute0_lowered:
.L_overlay_start_1:
0x0: {  	(tag) =	ssettag $0x1  }
0x1: {  	s0 =	rddreg [dreg:$0x0];
	s2 =	simm.s32 $0x0;
	s1 =	srdreg.scid  }
0x2: {  	s5 =	stileid.u32;
	s23 =	simm.s32 $0x2;
	s24 =	simm.s32 $0xC380  }
0x3: {  	s25 =	simm.s32 $0x1;
	s26 =	simm.s32 $0xCB80;
	s28 =	simm.s32 $0xD380  }
0x4: {  	[smem:$0x7FF] =	sst s2;
	s1 =	sand.u32 $0x1, s1;
	s3 =	sshll.u32 s5, $0x1  }
0x5: {  	s5 =	sshrl.u32 s5, $0x2;
	_ =	strace $0x80000047;
	s3 =	sor.u32 s1, s3  }
0x6: {  	s6 =	sshll.u32 s5, $0x11;
	s5 =	sshll.u32 s5, $0xA;
	s1 =	ssub.s32 $0x2, s1  }
0x7: {  	s4 =	sshll.u32 s3, $0xC;
	s3 =	sshll.u32 s3, $0x7;
	s31 =	sshrl.u32 s1, $0x1  }
0x8: {  	s19 =	sadd.s32 s4, s0;
	s30 =	sand.u32 $0x380, s3;
	s3 =	sadd.s32 $0x22400, s0  }
0x9: {  	s1 =	ssub.s32 s1, s31;
	s6 =	sor.u32 s6, s30;
	s4 =	sor.u32 s5, s30  }
0xa: {  	s5 =	sadd.s32 $0x2500, s19;
	s7 =	sadd.s32 $0x2700, s19;
	s8 =	sadd.s32 $0x2800, s19  }
0xb: {  	s9 =	sadd.s32 $0x2900, s19;
	s10 =	sadd.s32 $0x2A00, s19;
	s11 =	sadd.s32 $0x2B00, s19  }
0xc: {  	s12 =	sadd.s32 $0x2C00, s19;
	s13 =	sadd.s32 $0x2D00, s19;
	s14 =	sadd.s32 $0x2E00, s19  }
0xd: {  	s15 =	sadd.s32 $0x2F00, s19;
	s16 =	sadd.s32 $0x3000, s19;
	s17 =	sadd.s32 $0x3100, s19  }
0xe: {  	s18 =	sadd.s32 $0x3200, s19;
	s6 =	sshrl.u32 s6, $0x3;
	s4 =	sshrl.u32 s4, $0x3  }
0xf: {  	s22 =	smax.u32 s1, $0x1;
	s21 =	sadd.s32 s6, s0;
	s0 =	sadd.s32 s4, s0  }
0x10: {  	s4 =	sadd.s32 $0x2400, s19;
	s6 =	sadd.s32 $0x2600, s19;
	s19 =	sadd.s32 $0x3300, s19  }
0x11: {  	v0 =	vimm.s32 $0x0;
	s20 =	sadd.s32 $0x33E00, s0;
	s21 =	sadd.s32 $0x23E00, s21;
	s0 =	simm.s32 $0x0  }
.LBB2_1:
0x12: {  	[tilespmem:s2], [sflag:$0x2] =	stream.linear.gather [hbm4b:s3+s2], $0xC380, $0x38;
	[tilespmem:$0x11400] =	vst v63  }
0x13: {  	_ =	swait.ge [sflag:s23], $0xC380  }
0x14: {  	[sflag:s23] =	ssyncset.done $0x0  }
0x15: {  	[sflag:s23] =	ssyncadd.s32 $0xFFFF3C80  }
0x16: {  	[tilespmem:s24], [sflag:$0x1] =	stream.linear.gather [hbm4b:s4+s2], $0x800, $0x38;
	[tilespmem:$0x11400] =	vst v63  }
0x17: {  	_ =	swait.ge [sflag:s25], $0x800  }
0x18: {  	s1 =	sand.u32 $0x70, s2;
	s29 =	sand.u32 $0x700, s2;
	[sflag:s25] =	ssyncset.done $0x0  }
0x19: {  	s1 =	sor.u32 s1, s29;
	[sflag:s25] =	ssyncadd.s32 $0xFFFFF800  }
0x1a: {  	[tilespmem:s26], [sflag:$0x1] =	stream.linear.gather [hbm4b:s5+s2], $0x800, $0x38;
	[tilespmem:$0x11400] =	vst v63  }
0x1b: {  	v1 =	vld [tilespmem:s1+$0xC400];
	_ =	sdelay $0x7  }
0x1c: {  	v2 =	vld.idx.msk [tilespmem:v1+s2+$0x0], $0xffff;
	_ =	sdelay $0x4  }
0x1d: {  	vm0 =	vgt.s32 v2, $0xFFFFFFFF  }
0x1e: {  	v1 =	vsel vm0, $0x1, v0  }
0x1f: {  	(xrf0) =	vadd.scan.msk.s32 $0xffff, v1;
	_ =	sdelay $0x2  }
0x20: {  	v3 =	vld [tilespmem:s1+$0xC380];
	_ =	sdelay $0x2  }
0x21: {  	v4, _, _ =	vpop (xrf0)  }
0x22: {  	v4 =	vadd.s32 v4, v0  }
0x23: {  	v5 =	vshll.u32 v3, $0xA;
	vm1 =	vgt.s32 v2, $0x0;
	v3 =	vadd.s32 $0xFFFFFFFF, v4  }
0x24: {  	v2 =	vnsel vm1, $0x0, v2;
	v1 =	vmpcnt.ones.xlane vm0;
	_ =	sdelay $0x1  }
0x25: {  	s29 =	simm.s32 $0x10;
	s1 =	simm.s32 $0x20;
	v1 =	vadd.s32 v0, v1  }
0x26: {  	s30 =	sand.u32 $0x70, s29;
	s29 =	simm.s32 $0x20;
	s31 =	sand.u32 $0x700, s1;
	v4 =	vadd.s32 v5, v2;
	v2 =	vmov v1  }
.LBB2_2:
0x27: {  	p0 =	sne.s32 s29, $0x3F0;
	s30 =	sor.u32 s30, s31;
	[tilespmem:v3+s28+$0x0] =	vst.idx.msk vm0, v4  }
0x28: {  	v3 =	vld [tilespmem:s30+$0xC400];
	_ =	sdelay $0x7  }
0x29: {  	v4 =	vld.idx.msk [tilespmem:v3+s2+$0x0], $0xffff;
	_ =	sdelay $0x5  }
0x2a: {  	vm0 =	vgt.s32 v4, $0xFFFFFFFF  }
0x2b: {  	v3 =	vsel vm0, $0x1, v0;
	v5 =	vmpcnt.ones.xlane vm0  }
0x2c: {  	(xrf0) =	vadd.scan.msk.s32 $0xffff, v3  }
0x2d: {  	v1 =	vadd.s32 v1, v5;
	_ =	sdelay $0x4  }
0x2e: {  	v5 =	vld [tilespmem:s30+$0xC380];
	v3, _, _ =	vpop (xrf0)  }
0x2f: {  	v3 =	vadd.s32 v3, v2;
	v2 =	vmov v1  }
.Ltmp0:
0x30: {  	v3 =	vadd.s32 $0xFFFFFFFF, v3;
	(pc) =	sbr.rel @p0 .LBB2_2-.Ltmp0, $4  }
0x31: {  	_ = 	snop  }
0x32: {  	vm1 =	vgt.s32 v4, $0x0  }
0x33: {  	s1 =	sadd.s32 $0x20, s1;
	v4 =	vnsel vm1, $0x0, v4;
	v5 =	vshll.u32 v5, $0xA  }
0x34: {  	s31 =	sand.u32 $0x700, s1;
	s30 =	sand.u32 $0x70, s29;
	s29 =	sadd.s32 $0x10, s29;
	v4 =	vadd.s32 v5, v4  }
0x35: {  	_ =	sdelay $0x4  }
0x36: {  	s1 =	sor.u32 s30, s31;
	[tilespmem:v3+s28+$0x0] =	vst.idx.msk vm0, v4  }
0x37: {  	v3 =	vld [tilespmem:s1+$0xC400];
	_ =	sdelay $0x7  }
0x38: {  	v3 =	vld.idx.msk [tilespmem:v3+s2+$0x0], $0xffff;
	_ =	sdelay $0x4  }
0x39: {  	vm1 =	vgt.s32 v3, $0xFFFFFFFF  }
0x3a: {  	v4 =	vsel vm1, $0x1, v0  }
0x3b: {  	(xrf0) =	vadd.scan.msk.s32 $0xffff, v4;
	_ =	sdelay $0x5  }
0x3c: {  	v4 =	vld [tilespmem:s1+$0xC380];
	v5, _, _ =	vpop (xrf0)  }
0x3d: {  	v2 =	vadd.s32 v5, v2  }
0x3e: {  	v2 =	vadd.s32 $0xFFFFFFFF, v2;
	_ =	sdelay $0x1  }
0x3f: {  	vm0 =	vgt.s32 v3, $0x0  }
0x40: {  	v3 =	vnsel vm0, $0x0, v3;
	v4 =	vshll.u32 v4, $0xA  }
0x41: {  	v3 =	vadd.s32 v4, v3  }
0x42: {  	[tilespmem:v2+s28+$0x0] =	vst.idx.msk vm1, v3  }
0x43: {  	_ =	swait.ge [sflag:s25], $0x800  }
0x44: {  	[sflag:s25] =	ssyncset.done $0x0  }
0x45: {  	s1 =	simm.s32 $0x0;
	[sflag:s25] =	ssyncadd.s32 $0xFFFFF800  }
0x46: {  	[tilespmem:s24], [sflag:$0x1] =	stream.linear.gather [hbm4b:s6+s1], $0x800, $0x38;
	[tilespmem:$0x11400] =	vst v63  }
0x47: {  	s29 =	sand.u32 $0x70, s1;
	s1 =	sand.u32 $0x700, s1  }
0x48: {  	s1 =	sor.u32 s29, s1  }
0x49: {  	v2 =	vld [tilespmem:s1+$0xCC00];
	_ =	sdelay $0x7  }
0x4a: {  	v2 =	vld.idx.msk [tilespmem:v2+s2+$0x0], $0xffff;
	_ =	sdelay $0x4  }
0x4b: {  	vm0 =	vgt.s32 v2, $0xFFFFFFFF  }
0x4c: {  	v3 =	vsel vm0, $0x1, v0  }
0x4d: {  	(xrf0) =	vadd.scan.msk.s32 $0xffff, v3;
	_ =	sdelay $0x1  }
0x4e: {  	v5 =	vmpcnt.ones.xlane vm0  }
0x4f: {  	v4 =	vmpcnt.ones.xlane vm1;
	v3 =	vld [tilespmem:s1+$0xCB80];
	_ =	sdelay $0x1  }
0x50: {  	v4 =	vadd.s32 v1, v4  }
0x51: {  	v1 =	vadd.s32 v4, v5;
	v5, _, _ =	vpop (xrf0)  }
0x52: {  	v4 =	vadd.s32 v5, v4  }
0x53: {  	vm1 =	vgt.s32 v2, $0x0;
	v5 =	vshll.u32 v3, $0xA;
	v3 =	vadd.s32 $0xFFFFFFFF, v4  }
0x54: {  	v2 =	vnsel vm1, $0x0, v2;
	_ =	sdelay $0x1  }
0x55: {  	s29 =	simm.s32 $0x10;
	s1 =	simm.s32 $0x20  }
0x56: {  	s30 =	sand.u32 $0x70, s29;
	s29 =	simm.s32 $0x20;
	s31 =	sand.u32 $0x700, s1;
	v4 =	vadd.s32 v5, v2;
	v2 =	vmov v1  }
.LBB2_4:
0x57: {  	p0 =	sne.s32 s29, $0x3F0;
	s30 =	sor.u32 s30, s31;
	[tilespmem:v3+s28+$0x0] =	vst.idx.msk vm0, v4  }
0x58: {  	v3 =	vld [tilespmem:s30+$0xCC00];
	_ =	sdelay $0x7  }
0x59: {  	v4 =	vld.idx.msk [tilespmem:v3+s2+$0x0], $0xffff;
	_ =	sdelay $0x5  }
0x5a: {  	vm0 =	vgt.s32 v4, $0xFFFFFFFF  }
0x5b: {  	v3 =	vsel vm0, $0x1, v0;
	v5 =	vmpcnt.ones.xlane vm0  }
0x5c: {  	(xrf0) =	vadd.scan.msk.s32 $0xffff, v3  }
0x5d: {  	v1 =	vadd.s32 v1, v5;
	_ =	sdelay $0x4  }
0x5e: {  	v5 =	vld [tilespmem:s30+$0xCB80];
	v3, _, _ =	vpop (xrf0)  }
0x5f: {  	v3 =	vadd.s32 v3, v2;
	v2 =	vmov v1  }
.Ltmp1:
0x60: {  	v3 =	vadd.s32 $0xFFFFFFFF, v3;
	(pc) =	sbr.rel @p0 .LBB2_4-.Ltmp1, $4  }
0x61: {  	_ = 	snop  }
0x62: {  	vm1 =	vgt.s32 v4, $0x0  }
0x63: {  	s1 =	sadd.s32 $0x20, s1;
	v4 =	vnsel vm1, $0x0, v4;
	v5 =	vshll.u32 v5, $0xA  }
0x64: {  	s31 =	sand.u32 $0x700, s1;
	s30 =	sand.u32 $0x70, s29;
	s29 =	sadd.s32 $0x10, s29;
	v4 =	vadd.s32 v5, v4  }
0x65: {  	_ =	sdelay $0x4  }
0x66: {  	s1 =	sor.u32 s30, s31;
	[tilespmem:v3+s28+$0x0] =	vst.idx.msk vm0, v4  }
0x67: {  	v3 =	vld [tilespmem:s1+$0xCC00];
	_ =	sdelay $0x7  }
0x68: {  	v3 =	vld.idx.msk [tilespmem:v3+s2+$0x0], $0xffff;
	_ =	sdelay $0x4  }
0x69: {  	vm1 =	vgt.s32 v3, $0xFFFFFFFF  }
0x6a: {  	v4 =	vsel vm1, $0x1, v0  }
0x6b: {  	(xrf0) =	vadd.scan.msk.s32 $0xffff, v4;
	_ =	sdelay $0x5  }
0x6c: {  	v4 =	vld [tilespmem:s1+$0xCB80];
	v5, _, _ =	vpop (xrf0)  }
0x6d: {  	v2 =	vadd.s32 v5, v2  }
0x6e: {  	v2 =	vadd.s32 $0xFFFFFFFF, v2;
	_ =	sdelay $0x1  }
0x6f: {  	vm0 =	vgt.s32 v3, $0x0  }
0x70: {  	v3 =	vnsel vm0, $0x0, v3;
	v4 =	vshll.u32 v4, $0xA  }
0x71: {  	v3 =	vadd.s32 v4, v3  }
0x72: {  	[tilespmem:v2+s28+$0x0] =	vst.idx.msk vm1, v3  }
0x73: {  	_ =	swait.ge [sflag:s25], $0x800  }
0x74: {  	[sflag:s25] =	ssyncset.done $0x0  }
0x75: {  	s1 =	simm.s32 $0x0;
	[sflag:s25] =	ssyncadd.s32 $0xFFFFF800  }
0x76: {  	[tilespmem:s26], [sflag:$0x1] =	stream.linear.gather [hbm4b:s7+s1], $0x800, $0x38;
	[tilespmem:$0x11400] =	vst v63  }
0x77: {  	s29 =	sand.u32 $0x70, s1;
	s1 =	sand.u32 $0x700, s1  }
0x78: {  	s1 =	sor.u32 s29, s1  }
0x79: {  	v2 =	vld [tilespmem:s1+$0xC400];
	_ =	sdelay $0x7  }
0x7a: {  	v2 =	vld.idx.msk [tilespmem:v2+s2+$0x0], $0xffff;
	_ =	sdelay $0x4  }
0x7b: {  	vm0 =	vgt.s32 v2, $0xFFFFFFFF  }
0x7c: {  	v3 =	vsel vm0, $0x1, v0  }
0x7d: {  	(xrf0) =	vadd.scan.msk.s32 $0xffff, v3;
	_ =	sdelay $0x1  }
0x7e: {  	v5 =	vmpcnt.ones.xlane vm0  }
0x7f: {  	v4 =	vmpcnt.ones.xlane vm1;
	v3 =	vld [tilespmem:s1+$0xC380];
	_ =	sdelay $0x1  }
0x80: {  	v4 =	vadd.s32 v1, v4  }
0x81: {  	v1 =	vadd.s32 v4, v5;
	v5, _, _ =	vpop (xrf0)  }
0x82: {  	v4 =	vadd.s32 v5, v4  }
0x83: {  	vm1 =	vgt.s32 v2, $0x0;
	v5 =	vshll.u32 v3, $0xA;
	v3 =	vadd.s32 $0xFFFFFFFF, v4  }
0x84: {  	v2 =	vnsel vm1, $0x0, v2;
	_ =	sdelay $0x1  }
0x85: {  	s29 =	simm.s32 $0x10;
	s1 =	simm.s32 $0x20  }
0x86: {  	s30 =	sand.u32 $0x70, s29;
	s29 =	simm.s32 $0x20;
	s31 =	sand.u32 $0x700, s1;
	v4 =	vadd.s32 v5, v2;
	v2 =	vmov v1  }
.LBB2_6:
0x87: {  	p0 =	sne.s32 s29, $0x3F0;
	s30 =	sor.u32 s30, s31;
	[tilespmem:v3+s28+$0x0] =	vst.idx.msk vm0, v4  }
0x88: {  	v3 =	vld [tilespmem:s30+$0xC400];
	_ =	sdelay $0x7  }
0x89: {  	v4 =	vld.idx.msk [tilespmem:v3+s2+$0x0], $0xffff;
	_ =	sdelay $0x5  }
0x8a: {  	vm0 =	vgt.s32 v4, $0xFFFFFFFF  }
0x8b: {  	v3 =	vsel vm0, $0x1, v0;
	v5 =	vmpcnt.ones.xlane vm0  }
0x8c: {  	(xrf0) =	vadd.scan.msk.s32 $0xffff, v3  }
0x8d: {  	v1 =	vadd.s32 v1, v5;
	_ =	sdelay $0x4  }
0x8e: {  	v5 =	vld [tilespmem:s30+$0xC380];
	v3, _, _ =	vpop (xrf0)  }
0x8f: {  	v3 =	vadd.s32 v3, v2;
	v2 =	vmov v1  }
.Ltmp2:
0x90: {  	v3 =	vadd.s32 $0xFFFFFFFF, v3;
	(pc) =	sbr.rel @p0 .LBB2_6-.Ltmp2, $4  }
0x91: {  	_ = 	snop  }
0x92: {  	vm1 =	vgt.s32 v4, $0x0  }
0x93: {  	s1 =	sadd.s32 $0x20, s1;
	v4 =	vnsel vm1, $0x0, v4;
	v5 =	vshll.u32 v5, $0xA  }
0x94: {  	s31 =	sand.u32 $0x700, s1;
	s30 =	sand.u32 $0x70, s29;
	s29 =	sadd.s32 $0x10, s29;
	v4 =	vadd.s32 v5, v4  }
0x95: {  	_ =	sdelay $0x4  }
0x96: {  	s1 =	sor.u32 s30, s31;
	[tilespmem:v3+s28+$0x0] =	vst.idx.msk vm0, v4  }
0x97: {  	v3 =	vld [tilespmem:s1+$0xC400];
	_ =	sdelay $0x7  }
0x98: {  	v3 =	vld.idx.msk [tilespmem:v3+s2+$0x0], $0xffff;
	_ =	sdelay $0x4  }
0x99: {  	vm1 =	vgt.s32 v3, $0xFFFFFFFF  }
0x9a: {  	v4 =	vsel vm1, $0x1, v0  }
0x9b: {  	(xrf0) =	vadd.scan.msk.s32 $0xffff, v4;
	_ =	sdelay $0x5  }
0x9c: {  	v4 =	vld [tilespmem:s1+$0xC380];
	v5, _, _ =	vpop (xrf0)  }
0x9d: {  	v2 =	vadd.s32 v5, v2  }
0x9e: {  	v2 =	vadd.s32 $0xFFFFFFFF, v2;
	_ =	sdelay $0x1  }
0x9f: {  	vm0 =	vgt.s32 v3, $0x0  }
0xa0: {  	v3 =	vnsel vm0, $0x0, v3;
	v4 =	vshll.u32 v4, $0xA  }
0xa1: {  	v3 =	vadd.s32 v4, v3  }
0xa2: {  	[tilespmem:v2+s28+$0x0] =	vst.idx.msk vm1, v3  }
0xa3: {  	_ =	swait.ge [sflag:s25], $0x800  }
0xa4: {  	[sflag:s25] =	ssyncset.done $0x0  }
0xa5: {  	s1 =	simm.s32 $0x0;
	[sflag:s25] =	ssyncadd.s32 $0xFFFFF800  }
0xa6: {  	[tilespmem:s24], [sflag:$0x1] =	stream.linear.gather [hbm4b:s8+s1], $0x800, $0x38;
	[tilespmem:$0x11400] =	vst v63  }
0xa7: {  	s29 =	sand.u32 $0x70, s1;
	s1 =	sand.u32 $0x700, s1  }
0xa8: {  	s1 =	sor.u32 s29, s1  }
0xa9: {  	v2 =	vld [tilespmem:s1+$0xCC00];
	_ =	sdelay $0x7  }
0xaa: {  	v2 =	vld.idx.msk [tilespmem:v2+s2+$0x0], $0xffff;
	_ =	sdelay $0x4  }
0xab: {  	vm0 =	vgt.s32 v2, $0xFFFFFFFF  }
0xac: {  	v3 =	vsel vm0, $0x1, v0  }
0xad: {  	(xrf0) =	vadd.scan.msk.s32 $0xffff, v3;
	_ =	sdelay $0x1  }
0xae: {  	v5 =	vmpcnt.ones.xlane vm0  }
0xaf: {  	v4 =	vmpcnt.ones.xlane vm1;
	v3 =	vld [tilespmem:s1+$0xCB80];
	_ =	sdelay $0x1  }
0xb0: {  	v4 =	vadd.s32 v1, v4  }
0xb1: {  	v1 =	vadd.s32 v4, v5;
	v5, _, _ =	vpop (xrf0)  }
0xb2: {  	v4 =	vadd.s32 v5, v4  }
0xb3: {  	vm1 =	vgt.s32 v2, $0x0;
	v5 =	vshll.u32 v3, $0xA;
	v3 =	vadd.s32 $0xFFFFFFFF, v4  }
0xb4: {  	v2 =	vnsel vm1, $0x0, v2;
	_ =	sdelay $0x1  }
0xb5: {  	s29 =	simm.s32 $0x10;
	s1 =	simm.s32 $0x20  }
0xb6: {  	s30 =	sand.u32 $0x70, s29;
	s29 =	simm.s32 $0x20;
	s31 =	sand.u32 $0x700, s1;
	v4 =	vadd.s32 v5, v2;
	v2 =	vmov v1  }
.LBB2_8:
0xb7: {  	p0 =	sne.s32 s29, $0x3F0;
	s30 =	sor.u32 s30, s31;
	[tilespmem:v3+s28+$0x0] =	vst.idx.msk vm0, v4  }
0xb8: {  	v3 =	vld [tilespmem:s30+$0xCC00];
	_ =	sdelay $0x7  }
0xb9: {  	v4 =	vld.idx.msk [tilespmem:v3+s2+$0x0], $0xffff;
	_ =	sdelay $0x5  }
0xba: {  	vm0 =	vgt.s32 v4, $0xFFFFFFFF  }
0xbb: {  	v3 =	vsel vm0, $0x1, v0;
	v5 =	vmpcnt.ones.xlane vm0  }
0xbc: {  	(xrf0) =	vadd.scan.msk.s32 $0xffff, v3  }
0xbd: {  	v1 =	vadd.s32 v1, v5;
	_ =	sdelay $0x4  }
0xbe: {  	v5 =	vld [tilespmem:s30+$0xCB80];
	v3, _, _ =	vpop (xrf0)  }
0xbf: {  	v3 =	vadd.s32 v3, v2;
	v2 =	vmov v1  }
.Ltmp3:
0xc0: {  	v3 =	vadd.s32 $0xFFFFFFFF, v3;
	(pc) =	sbr.rel @p0 .LBB2_8-.Ltmp3, $4  }
0xc1: {  	_ = 	snop  }
0xc2: {  	vm1 =	vgt.s32 v4, $0x0  }
0xc3: {  	s1 =	sadd.s32 $0x20, s1;
	v4 =	vnsel vm1, $0x0, v4;
	v5 =	vshll.u32 v5, $0xA  }
0xc4: {  	s31 =	sand.u32 $0x700, s1;
	s30 =	sand.u32 $0x70, s29;
	s29 =	sadd.s32 $0x10, s29;
	v4 =	vadd.s32 v5, v4  }
0xc5: {  	_ =	sdelay $0x4  }
0xc6: {  	s1 =	sor.u32 s30, s31;
	[tilespmem:v3+s28+$0x0] =	vst.idx.msk vm0, v4  }
0xc7: {  	v3 =	vld [tilespmem:s1+$0xCC00];
	_ =	sdelay $0x7  }
0xc8: {  	v3 =	vld.idx.msk [tilespmem:v3+s2+$0x0], $0xffff;
	_ =	sdelay $0x4  }
0xc9: {  	vm1 =	vgt.s32 v3, $0xFFFFFFFF  }
0xca: {  	v4 =	vsel vm1, $0x1, v0  }
0xcb: {  	(xrf0) =	vadd.scan.msk.s32 $0xffff, v4;
	_ =	sdelay $0x5  }
0xcc: {  	v4 =	vld [tilespmem:s1+$0xCB80];
	v5, _, _ =	vpop (xrf0)  }
0xcd: {  	v2 =	vadd.s32 v5, v2  }
0xce: {  	v2 =	vadd.s32 $0xFFFFFFFF, v2;
	_ =	sdelay $0x1  }
0xcf: {  	vm0 =	vgt.s32 v3, $0x0  }
0xd0: {  	v3 =	vnsel vm0, $0x0, v3;
	v4 =	vshll.u32 v4, $0xA  }
0xd1: {  	v3 =	vadd.s32 v4, v3  }
0xd2: {  	[tilespmem:v2+s28+$0x0] =	vst.idx.msk vm1, v3  }
0xd3: {  	_ =	swait.ge [sflag:s25], $0x800  }
0xd4: {  	[sflag:s25] =	ssyncset.done $0x0  }
0xd5: {  	s1 =	simm.s32 $0x0;
	[sflag:s25] =	ssyncadd.s32 $0xFFFFF800  }
0xd6: {  	[tilespmem:s26], [sflag:$0x1] =	stream.linear.gather [hbm4b:s9+s1], $0x800, $0x38;
	[tilespmem:$0x11400] =	vst v63  }
0xd7: {  	s29 =	sand.u32 $0x70, s1;
	s1 =	sand.u32 $0x700, s1  }
0xd8: {  	s1 =	sor.u32 s29, s1  }
0xd9: {  	v2 =	vld [tilespmem:s1+$0xC400];
	_ =	sdelay $0x7  }
0xda: {  	v2 =	vld.idx.msk [tilespmem:v2+s2+$0x0], $0xffff;
	_ =	sdelay $0x4  }
0xdb: {  	vm0 =	vgt.s32 v2, $0xFFFFFFFF  }
0xdc: {  	v3 =	vsel vm0, $0x1, v0  }
0xdd: {  	(xrf0) =	vadd.scan.msk.s32 $0xffff, v3;
	_ =	sdelay $0x1  }
0xde: {  	v5 =	vmpcnt.ones.xlane vm0  }
0xdf: {  	v4 =	vmpcnt.ones.xlane vm1;
	v3 =	vld [tilespmem:s1+$0xC380];
	_ =	sdelay $0x1  }
0xe0: {  	v4 =	vadd.s32 v1, v4  }
0xe1: {  	v1 =	vadd.s32 v4, v5;
	v5, _, _ =	vpop (xrf0)  }
0xe2: {  	v4 =	vadd.s32 v5, v4  }
0xe3: {  	vm1 =	vgt.s32 v2, $0x0;
	v5 =	vshll.u32 v3, $0xA;
	v3 =	vadd.s32 $0xFFFFFFFF, v4  }
0xe4: {  	v2 =	vnsel vm1, $0x0, v2;
	_ =	sdelay $0x1  }
0xe5: {  	s29 =	simm.s32 $0x10;
	s1 =	simm.s32 $0x20  }
0xe6: {  	s30 =	sand.u32 $0x70, s29;
	s29 =	simm.s32 $0x20;
	s31 =	sand.u32 $0x700, s1;
	v4 =	vadd.s32 v5, v2;
	v2 =	vmov v1  }
.LBB2_10:
0xe7: {  	p0 =	sne.s32 s29, $0x3F0;
	s30 =	sor.u32 s30, s31;
	[tilespmem:v3+s28+$0x0] =	vst.idx.msk vm0, v4  }
0xe8: {  	v3 =	vld [tilespmem:s30+$0xC400];
	_ =	sdelay $0x7  }
0xe9: {  	v4 =	vld.idx.msk [tilespmem:v3+s2+$0x0], $0xffff;
	_ =	sdelay $0x5  }
0xea: {  	vm0 =	vgt.s32 v4, $0xFFFFFFFF  }
0xeb: {  	v3 =	vsel vm0, $0x1, v0;
	v5 =	vmpcnt.ones.xlane vm0  }
0xec: {  	(xrf0) =	vadd.scan.msk.s32 $0xffff, v3  }
0xed: {  	v1 =	vadd.s32 v1, v5;
	_ =	sdelay $0x4  }
0xee: {  	v5 =	vld [tilespmem:s30+$0xC380];
	v3, _, _ =	vpop (xrf0)  }
0xef: {  	v3 =	vadd.s32 v3, v2;
	v2 =	vmov v1  }
.Ltmp4:
0xf0: {  	v3 =	vadd.s32 $0xFFFFFFFF, v3;
	(pc) =	sbr.rel @p0 .LBB2_10-.Ltmp4, $4  }
0xf1: {  	_ = 	snop  }
0xf2: {  	vm1 =	vgt.s32 v4, $0x0  }
0xf3: {  	s1 =	sadd.s32 $0x20, s1;
	v4 =	vnsel vm1, $0x0, v4;
	v5 =	vshll.u32 v5, $0xA  }
0xf4: {  	s31 =	sand.u32 $0x700, s1;
	s30 =	sand.u32 $0x70, s29;
	s29 =	sadd.s32 $0x10, s29;
	v4 =	vadd.s32 v5, v4  }
0xf5: {  	_ =	sdelay $0x4  }
0xf6: {  	s1 =	sor.u32 s30, s31;
	[tilespmem:v3+s28+$0x0] =	vst.idx.msk vm0, v4  }
0xf7: {  	v3 =	vld [tilespmem:s1+$0xC400];
	_ =	sdelay $0x7  }
0xf8: {  	v3 =	vld.idx.msk [tilespmem:v3+s2+$0x0], $0xffff;
	_ =	sdelay $0x4  }
0xf9: {  	vm1 =	vgt.s32 v3, $0xFFFFFFFF  }
0xfa: {  	v4 =	vsel vm1, $0x1, v0  }
0xfb: {  	(xrf0) =	vadd.scan.msk.s32 $0xffff, v4;
	_ =	sdelay $0x5  }
0xfc: {  	v4 =	vld [tilespmem:s1+$0xC380];
	v5, _, _ =	vpop (xrf0)  }
0xfd: {  	v2 =	vadd.s32 v5, v2  }
0xfe: {  	v2 =	vadd.s32 $0xFFFFFFFF, v2;
	_ =	sdelay $0x1  }
0xff: {  	vm0 =	vgt.s32 v3, $0x0  }
0x100: {  	v3 =	vnsel vm0, $0x0, v3;
	v4 =	vshll.u32 v4, $0xA  }
0x101: {  	v3 =	vadd.s32 v4, v3  }
0x102: {  	[tilespmem:v2+s28+$0x0] =	vst.idx.msk vm1, v3  }
0x103: {  	_ =	swait.ge [sflag:s25], $0x800  }
0x104: {  	[sflag:s25] =	ssyncset.done $0x0  }
0x105: {  	s1 =	simm.s32 $0x0;
	[sflag:s25] =	ssyncadd.s32 $0xFFFFF800  }
0x106: {  	[tilespmem:s24], [sflag:$0x1] =	stream.linear.gather [hbm4b:s10+s1], $0x800, $0x38;
	[tilespmem:$0x11400] =	vst v63  }
0x107: {  	s29 =	sand.u32 $0x70, s1;
	s1 =	sand.u32 $0x700, s1  }
0x108: {  	s1 =	sor.u32 s29, s1  }
0x109: {  	v2 =	vld [tilespmem:s1+$0xCC00];
	_ =	sdelay $0x7  }
0x10a: {  	v2 =	vld.idx.msk [tilespmem:v2+s2+$0x0], $0xffff;
	_ =	sdelay $0x4  }
0x10b: {  	vm0 =	vgt.s32 v2, $0xFFFFFFFF  }
0x10c: {  	v3 =	vsel vm0, $0x1, v0  }
0x10d: {  	(xrf0) =	vadd.scan.msk.s32 $0xffff, v3;
	_ =	sdelay $0x1  }
0x10e: {  	v5 =	vmpcnt.ones.xlane vm0  }
0x10f: {  	v4 =	vmpcnt.ones.xlane vm1;
	v3 =	vld [tilespmem:s1+$0xCB80];
	_ =	sdelay $0x1  }
0x110: {  	v4 =	vadd.s32 v1, v4  }
0x111: {  	v1 =	vadd.s32 v4, v5;
	v5, _, _ =	vpop (xrf0)  }
0x112: {  	v4 =	vadd.s32 v5, v4  }
0x113: {  	vm1 =	vgt.s32 v2, $0x0;
	v5 =	vshll.u32 v3, $0xA;
	v3 =	vadd.s32 $0xFFFFFFFF, v4  }
0x114: {  	v2 =	vnsel vm1, $0x0, v2;
	_ =	sdelay $0x1  }
0x115: {  	s29 =	simm.s32 $0x10;
	s1 =	simm.s32 $0x20  }
0x116: {  	s30 =	sand.u32 $0x70, s29;
	s29 =	simm.s32 $0x20;
	s31 =	sand.u32 $0x700, s1;
	v4 =	vadd.s32 v5, v2;
	v2 =	vmov v1  }
.LBB2_12:
0x117: {  	p0 =	sne.s32 s29, $0x3F0;
	s30 =	sor.u32 s30, s31;
	[tilespmem:v3+s28+$0x0] =	vst.idx.msk vm0, v4  }
0x118: {  	v3 =	vld [tilespmem:s30+$0xCC00];
	_ =	sdelay $0x7  }
0x119: {  	v4 =	vld.idx.msk [tilespmem:v3+s2+$0x0], $0xffff;
	_ =	sdelay $0x5  }
0x11a: {  	vm0 =	vgt.s32 v4, $0xFFFFFFFF  }
0x11b: {  	v3 =	vsel vm0, $0x1, v0;
	v5 =	vmpcnt.ones.xlane vm0  }
0x11c: {  	(xrf0) =	vadd.scan.msk.s32 $0xffff, v3  }
0x11d: {  	v1 =	vadd.s32 v1, v5;
	_ =	sdelay $0x4  }
0x11e: {  	v5 =	vld [tilespmem:s30+$0xCB80];
	v3, _, _ =	vpop (xrf0)  }
0x11f: {  	v3 =	vadd.s32 v3, v2;
	v2 =	vmov v1  }
.Ltmp5:
0x120: {  	v3 =	vadd.s32 $0xFFFFFFFF, v3;
	(pc) =	sbr.rel @p0 .LBB2_12-.Ltmp5, $4  }
0x121: {  	_ = 	snop  }
0x122: {  	vm1 =	vgt.s32 v4, $0x0  }
0x123: {  	s1 =	sadd.s32 $0x20, s1;
	v4 =	vnsel vm1, $0x0, v4;
	v5 =	vshll.u32 v5, $0xA  }
0x124: {  	s31 =	sand.u32 $0x700, s1;
	s30 =	sand.u32 $0x70, s29;
	s29 =	sadd.s32 $0x10, s29;
	v4 =	vadd.s32 v5, v4  }
0x125: {  	_ =	sdelay $0x4  }
0x126: {  	s1 =	sor.u32 s30, s31;
	[tilespmem:v3+s28+$0x0] =	vst.idx.msk vm0, v4  }
0x127: {  	v3 =	vld [tilespmem:s1+$0xCC00];
	_ =	sdelay $0x7  }
0x128: {  	v3 =	vld.idx.msk [tilespmem:v3+s2+$0x0], $0xffff;
	_ =	sdelay $0x4  }
0x129: {  	vm1 =	vgt.s32 v3, $0xFFFFFFFF  }
0x12a: {  	v4 =	vsel vm1, $0x1, v0  }
0x12b: {  	(xrf0) =	vadd.scan.msk.s32 $0xffff, v4;
	_ =	sdelay $0x5  }
0x12c: {  	v4 =	vld [tilespmem:s1+$0xCB80];
	v5, _, _ =	vpop (xrf0)  }
0x12d: {  	v2 =	vadd.s32 v5, v2  }
0x12e: {  	v2 =	vadd.s32 $0xFFFFFFFF, v2;
	_ =	sdelay $0x1  }
0x12f: {  	vm0 =	vgt.s32 v3, $0x0  }
0x130: {  	v3 =	vnsel vm0, $0x0, v3;
	v4 =	vshll.u32 v4, $0xA  }
0x131: {  	v3 =	vadd.s32 v4, v3  }
0x132: {  	[tilespmem:v2+s28+$0x0] =	vst.idx.msk vm1, v3  }
0x133: {  	_ =	swait.ge [sflag:s25], $0x800  }
0x134: {  	[sflag:s25] =	ssyncset.done $0x0  }
0x135: {  	s1 =	simm.s32 $0x0;
	[sflag:s25] =	ssyncadd.s32 $0xFFFFF800  }
0x136: {  	[tilespmem:s26], [sflag:$0x1] =	stream.linear.gather [hbm4b:s11+s1], $0x800, $0x38;
	[tilespmem:$0x11400] =	vst v63  }
0x137: {  	s29 =	sand.u32 $0x70, s1;
	s1 =	sand.u32 $0x700, s1  }
0x138: {  	s1 =	sor.u32 s29, s1  }
0x139: {  	v2 =	vld [tilespmem:s1+$0xC400];
	_ =	sdelay $0x7  }
0x13a: {  	v2 =	vld.idx.msk [tilespmem:v2+s2+$0x0], $0xffff;
	_ =	sdelay $0x4  }
0x13b: {  	vm0 =	vgt.s32 v2, $0xFFFFFFFF  }
0x13c: {  	v3 =	vsel vm0, $0x1, v0  }
0x13d: {  	(xrf0) =	vadd.scan.msk.s32 $0xffff, v3;
	_ =	sdelay $0x1  }
0x13e: {  	v5 =	vmpcnt.ones.xlane vm0  }
0x13f: {  	v4 =	vmpcnt.ones.xlane vm1;
	v3 =	vld [tilespmem:s1+$0xC380];
	_ =	sdelay $0x1  }
0x140: {  	v4 =	vadd.s32 v1, v4  }
0x141: {  	v1 =	vadd.s32 v4, v5;
	v5, _, _ =	vpop (xrf0)  }
0x142: {  	v4 =	vadd.s32 v5, v4  }
0x143: {  	vm1 =	vgt.s32 v2, $0x0;
	v5 =	vshll.u32 v3, $0xA;
	v3 =	vadd.s32 $0xFFFFFFFF, v4  }
0x144: {  	v2 =	vnsel vm1, $0x0, v2;
	_ =	sdelay $0x1  }
0x145: {  	s29 =	simm.s32 $0x10;
	s1 =	simm.s32 $0x20  }
0x146: {  	s30 =	sand.u32 $0x70, s29;
	s29 =	simm.s32 $0x20;
	s31 =	sand.u32 $0x700, s1;
	v4 =	vadd.s32 v5, v2;
	v2 =	vmov v1  }
.LBB2_14:
0x147: {  	p0 =	sne.s32 s29, $0x3F0;
	s30 =	sor.u32 s30, s31;
	[tilespmem:v3+s28+$0x0] =	vst.idx.msk vm0, v4  }
0x148: {  	v3 =	vld [tilespmem:s30+$0xC400];
	_ =	sdelay $0x7  }
0x149: {  	v4 =	vld.idx.msk [tilespmem:v3+s2+$0x0], $0xffff;
	_ =	sdelay $0x5  }
0x14a: {  	vm0 =	vgt.s32 v4, $0xFFFFFFFF  }
0x14b: {  	v3 =	vsel vm0, $0x1, v0;
	v5 =	vmpcnt.ones.xlane vm0  }
0x14c: {  	(xrf0) =	vadd.scan.msk.s32 $0xffff, v3  }
0x14d: {  	v1 =	vadd.s32 v1, v5;
	_ =	sdelay $0x4  }
0x14e: {  	v5 =	vld [tilespmem:s30+$0xC380];
	v3, _, _ =	vpop (xrf0)  }
0x14f: {  	v3 =	vadd.s32 v3, v2;
	v2 =	vmov v1  }
.Ltmp6:
0x150: {  	v3 =	vadd.s32 $0xFFFFFFFF, v3;
	(pc) =	sbr.rel @p0 .LBB2_14-.Ltmp6, $4  }
0x151: {  	_ = 	snop  }
0x152: {  	vm1 =	vgt.s32 v4, $0x0  }
0x153: {  	s1 =	sadd.s32 $0x20, s1;
	v4 =	vnsel vm1, $0x0, v4;
	v5 =	vshll.u32 v5, $0xA  }
0x154: {  	s31 =	sand.u32 $0x700, s1;
	s30 =	sand.u32 $0x70, s29;
	s29 =	sadd.s32 $0x10, s29;
	v4 =	vadd.s32 v5, v4  }
0x155: {  	_ =	sdelay $0x4  }
0x156: {  	s1 =	sor.u32 s30, s31;
	[tilespmem:v3+s28+$0x0] =	vst.idx.msk vm0, v4  }
0x157: {  	v3 =	vld [tilespmem:s1+$0xC400];
	_ =	sdelay $0x7  }
0x158: {  	v3 =	vld.idx.msk [tilespmem:v3+s2+$0x0], $0xffff;
	_ =	sdelay $0x4  }
0x159: {  	vm1 =	vgt.s32 v3, $0xFFFFFFFF  }
0x15a: {  	v4 =	vsel vm1, $0x1, v0  }
0x15b: {  	(xrf0) =	vadd.scan.msk.s32 $0xffff, v4;
	_ =	sdelay $0x5  }
0x15c: {  	v4 =	vld [tilespmem:s1+$0xC380];
	v5, _, _ =	vpop (xrf0)  }
0x15d: {  	v2 =	vadd.s32 v5, v2  }
0x15e: {  	v2 =	vadd.s32 $0xFFFFFFFF, v2;
	_ =	sdelay $0x1  }
0x15f: {  	vm0 =	vgt.s32 v3, $0x0  }
0x160: {  	v3 =	vnsel vm0, $0x0, v3;
	v4 =	vshll.u32 v4, $0xA  }
0x161: {  	v3 =	vadd.s32 v4, v3  }
0x162: {  	[tilespmem:v2+s28+$0x0] =	vst.idx.msk vm1, v3  }
0x163: {  	_ =	swait.ge [sflag:s25], $0x800  }
0x164: {  	[sflag:s25] =	ssyncset.done $0x0  }
0x165: {  	s1 =	simm.s32 $0x0;
	[sflag:s25] =	ssyncadd.s32 $0xFFFFF800  }
0x166: {  	[tilespmem:s24], [sflag:$0x1] =	stream.linear.gather [hbm4b:s12+s1], $0x800, $0x38;
	[tilespmem:$0x11400] =	vst v63  }
0x167: {  	s29 =	sand.u32 $0x70, s1;
	s1 =	sand.u32 $0x700, s1  }
0x168: {  	s1 =	sor.u32 s29, s1  }
0x169: {  	v2 =	vld [tilespmem:s1+$0xCC00];
	_ =	sdelay $0x7  }
0x16a: {  	v2 =	vld.idx.msk [tilespmem:v2+s2+$0x0], $0xffff;
	_ =	sdelay $0x4  }
0x16b: {  	vm0 =	vgt.s32 v2, $0xFFFFFFFF  }
0x16c: {  	v3 =	vsel vm0, $0x1, v0  }
0x16d: {  	(xrf0) =	vadd.scan.msk.s32 $0xffff, v3;
	_ =	sdelay $0x1  }
0x16e: {  	v5 =	vmpcnt.ones.xlane vm0  }
0x16f: {  	v4 =	vmpcnt.ones.xlane vm1;
	v3 =	vld [tilespmem:s1+$0xCB80];
	_ =	sdelay $0x1  }
0x170: {  	v4 =	vadd.s32 v1, v4  }
0x171: {  	v1 =	vadd.s32 v4, v5;
	v5, _, _ =	vpop (xrf0)  }
0x172: {  	v4 =	vadd.s32 v5, v4  }
0x173: {  	vm1 =	vgt.s32 v2, $0x0;
	v5 =	vshll.u32 v3, $0xA;
	v3 =	vadd.s32 $0xFFFFFFFF, v4  }
0x174: {  	v2 =	vnsel vm1, $0x0, v2;
	_ =	sdelay $0x1  }
0x175: {  	s29 =	simm.s32 $0x10;
	s1 =	simm.s32 $0x20  }
0x176: {  	s30 =	sand.u32 $0x70, s29;
	s29 =	simm.s32 $0x20;
	s31 =	sand.u32 $0x700, s1;
	v4 =	vadd.s32 v5, v2;
	v2 =	vmov v1  }
.LBB2_16:
0x177: {  	p0 =	sne.s32 s29, $0x3F0;
	s30 =	sor.u32 s30, s31;
	[tilespmem:v3+s28+$0x0] =	vst.idx.msk vm0, v4  }
0x178: {  	v3 =	vld [tilespmem:s30+$0xCC00];
	_ =	sdelay $0x7  }
0x179: {  	v4 =	vld.idx.msk [tilespmem:v3+s2+$0x0], $0xffff;
	_ =	sdelay $0x5  }
0x17a: {  	vm0 =	vgt.s32 v4, $0xFFFFFFFF  }
0x17b: {  	v3 =	vsel vm0, $0x1, v0;
	v5 =	vmpcnt.ones.xlane vm0  }
0x17c: {  	(xrf0) =	vadd.scan.msk.s32 $0xffff, v3  }
0x17d: {  	v1 =	vadd.s32 v1, v5;
	_ =	sdelay $0x4  }
0x17e: {  	v5 =	vld [tilespmem:s30+$0xCB80];
	v3, _, _ =	vpop (xrf0)  }
0x17f: {  	v3 =	vadd.s32 v3, v2;
	v2 =	vmov v1  }
.Ltmp7:
0x180: {  	v3 =	vadd.s32 $0xFFFFFFFF, v3;
	(pc) =	sbr.rel @p0 .LBB2_16-.Ltmp7, $4  }
0x181: {  	_ = 	snop  }
0x182: {  	vm1 =	vgt.s32 v4, $0x0  }
0x183: {  	s1 =	sadd.s32 $0x20, s1;
	v4 =	vnsel vm1, $0x0, v4;
	v5 =	vshll.u32 v5, $0xA  }
0x184: {  	s31 =	sand.u32 $0x700, s1;
	s30 =	sand.u32 $0x70, s29;
	s29 =	sadd.s32 $0x10, s29;
	v4 =	vadd.s32 v5, v4  }
0x185: {  	_ =	sdelay $0x4  }
0x186: {  	s1 =	sor.u32 s30, s31;
	[tilespmem:v3+s28+$0x0] =	vst.idx.msk vm0, v4  }
0x187: {  	v3 =	vld [tilespmem:s1+$0xCC00];
	_ =	sdelay $0x7  }
0x188: {  	v3 =	vld.idx.msk [tilespmem:v3+s2+$0x0], $0xffff;
	_ =	sdelay $0x4  }
0x189: {  	vm1 =	vgt.s32 v3, $0xFFFFFFFF  }
0x18a: {  	v4 =	vsel vm1, $0x1, v0  }
0x18b: {  	(xrf0) =	vadd.scan.msk.s32 $0xffff, v4;
	_ =	sdelay $0x5  }
0x18c: {  	v4 =	vld [tilespmem:s1+$0xCB80];
	v5, _, _ =	vpop (xrf0)  }
0x18d: {  	v2 =	vadd.s32 v5, v2  }
0x18e: {  	v2 =	vadd.s32 $0xFFFFFFFF, v2;
	_ =	sdelay $0x1  }
0x18f: {  	vm0 =	vgt.s32 v3, $0x0  }
0x190: {  	v3 =	vnsel vm0, $0x0, v3;
	v4 =	vshll.u32 v4, $0xA  }
0x191: {  	v3 =	vadd.s32 v4, v3  }
0x192: {  	[tilespmem:v2+s28+$0x0] =	vst.idx.msk vm1, v3  }
0x193: {  	_ =	swait.ge [sflag:s25], $0x800  }
0x194: {  	[sflag:s25] =	ssyncset.done $0x0  }
0x195: {  	s1 =	simm.s32 $0x0;
	[sflag:s25] =	ssyncadd.s32 $0xFFFFF800  }
0x196: {  	[tilespmem:s26], [sflag:$0x1] =	stream.linear.gather [hbm4b:s13+s1], $0x800, $0x38;
	[tilespmem:$0x11400] =	vst v63  }
0x197: {  	s29 =	sand.u32 $0x70, s1;
	s1 =	sand.u32 $0x700, s1  }
0x198: {  	s1 =	sor.u32 s29, s1  }
0x199: {  	v2 =	vld [tilespmem:s1+$0xC400];
	_ =	sdelay $0x7  }
0x19a: {  	v2 =	vld.idx.msk [tilespmem:v2+s2+$0x0], $0xffff;
	_ =	sdelay $0x4  }
0x19b: {  	vm0 =	vgt.s32 v2, $0xFFFFFFFF  }
0x19c: {  	v3 =	vsel vm0, $0x1, v0  }
0x19d: {  	(xrf0) =	vadd.scan.msk.s32 $0xffff, v3;
	_ =	sdelay $0x1  }
0x19e: {  	v5 =	vmpcnt.ones.xlane vm0  }
0x19f: {  	v4 =	vmpcnt.ones.xlane vm1;
	v3 =	vld [tilespmem:s1+$0xC380];
	_ =	sdelay $0x1  }
0x1a0: {  	v4 =	vadd.s32 v1, v4  }
0x1a1: {  	v1 =	vadd.s32 v4, v5;
	v5, _, _ =	vpop (xrf0)  }
0x1a2: {  	v4 =	vadd.s32 v5, v4  }
0x1a3: {  	vm1 =	vgt.s32 v2, $0x0;
	v5 =	vshll.u32 v3, $0xA;
	v3 =	vadd.s32 $0xFFFFFFFF, v4  }
0x1a4: {  	v2 =	vnsel vm1, $0x0, v2;
	_ =	sdelay $0x1  }
0x1a5: {  	s29 =	simm.s32 $0x10;
	s1 =	simm.s32 $0x20  }
0x1a6: {  	s30 =	sand.u32 $0x70, s29;
	s29 =	simm.s32 $0x20;
	s31 =	sand.u32 $0x700, s1;
	v4 =	vadd.s32 v5, v2;
	v2 =	vmov v1  }
.LBB2_18:
0x1a7: {  	p0 =	sne.s32 s29, $0x3F0;
	s30 =	sor.u32 s30, s31;
	[tilespmem:v3+s28+$0x0] =	vst.idx.msk vm0, v4  }
0x1a8: {  	v3 =	vld [tilespmem:s30+$0xC400];
	_ =	sdelay $0x7  }
0x1a9: {  	v4 =	vld.idx.msk [tilespmem:v3+s2+$0x0], $0xffff;
	_ =	sdelay $0x5  }
0x1aa: {  	vm0 =	vgt.s32 v4, $0xFFFFFFFF  }
0x1ab: {  	v3 =	vsel vm0, $0x1, v0;
	v5 =	vmpcnt.ones.xlane vm0  }
0x1ac: {  	(xrf0) =	vadd.scan.msk.s32 $0xffff, v3  }
0x1ad: {  	v1 =	vadd.s32 v1, v5;
	_ =	sdelay $0x4  }
0x1ae: {  	v5 =	vld [tilespmem:s30+$0xC380];
	v3, _, _ =	vpop (xrf0)  }
0x1af: {  	v3 =	vadd.s32 v3, v2;
	v2 =	vmov v1  }
.Ltmp8:
0x1b0: {  	v3 =	vadd.s32 $0xFFFFFFFF, v3;
	(pc) =	sbr.rel @p0 .LBB2_18-.Ltmp8, $4  }
0x1b1: {  	_ = 	snop  }
0x1b2: {  	vm1 =	vgt.s32 v4, $0x0  }
0x1b3: {  	s1 =	sadd.s32 $0x20, s1;
	v4 =	vnsel vm1, $0x0, v4;
	v5 =	vshll.u32 v5, $0xA  }
0x1b4: {  	s31 =	sand.u32 $0x700, s1;
	s30 =	sand.u32 $0x70, s29;
	s29 =	sadd.s32 $0x10, s29;
	v4 =	vadd.s32 v5, v4  }
0x1b5: {  	_ =	sdelay $0x4  }
0x1b6: {  	s1 =	sor.u32 s30, s31;
	[tilespmem:v3+s28+$0x0] =	vst.idx.msk vm0, v4  }
0x1b7: {  	v3 =	vld [tilespmem:s1+$0xC400];
	_ =	sdelay $0x7  }
0x1b8: {  	v3 =	vld.idx.msk [tilespmem:v3+s2+$0x0], $0xffff;
	_ =	sdelay $0x4  }
0x1b9: {  	vm1 =	vgt.s32 v3, $0xFFFFFFFF  }
0x1ba: {  	v4 =	vsel vm1, $0x1, v0  }
0x1bb: {  	(xrf0) =	vadd.scan.msk.s32 $0xffff, v4;
	_ =	sdelay $0x5  }
0x1bc: {  	v4 =	vld [tilespmem:s1+$0xC380];
	v5, _, _ =	vpop (xrf0)  }
0x1bd: {  	v2 =	vadd.s32 v5, v2  }
0x1be: {  	v2 =	vadd.s32 $0xFFFFFFFF, v2;
	_ =	sdelay $0x1  }
0x1bf: {  	vm0 =	vgt.s32 v3, $0x0  }
0x1c0: {  	v3 =	vnsel vm0, $0x0, v3;
	v4 =	vshll.u32 v4, $0xA  }
0x1c1: {  	v3 =	vadd.s32 v4, v3  }
0x1c2: {  	[tilespmem:v2+s28+$0x0] =	vst.idx.msk vm1, v3  }
0x1c3: {  	_ =	swait.ge [sflag:s25], $0x800  }
0x1c4: {  	[sflag:s25] =	ssyncset.done $0x0  }
0x1c5: {  	s1 =	simm.s32 $0x0;
	[sflag:s25] =	ssyncadd.s32 $0xFFFFF800  }
0x1c6: {  	[tilespmem:s24], [sflag:$0x1] =	stream.linear.gather [hbm4b:s14+s1], $0x800, $0x38;
	[tilespmem:$0x11400] =	vst v63  }
0x1c7: {  	s29 =	sand.u32 $0x70, s1;
	s1 =	sand.u32 $0x700, s1  }
0x1c8: {  	s1 =	sor.u32 s29, s1  }
0x1c9: {  	v2 =	vld [tilespmem:s1+$0xCC00];
	_ =	sdelay $0x7  }
0x1ca: {  	v2 =	vld.idx.msk [tilespmem:v2+s2+$0x0], $0xffff;
	_ =	sdelay $0x4  }
0x1cb: {  	vm0 =	vgt.s32 v2, $0xFFFFFFFF  }
0x1cc: {  	v3 =	vsel vm0, $0x1, v0  }
0x1cd: {  	(xrf0) =	vadd.scan.msk.s32 $0xffff, v3;
	_ =	sdelay $0x1  }
0x1ce: {  	v5 =	vmpcnt.ones.xlane vm0  }
0x1cf: {  	v4 =	vmpcnt.ones.xlane vm1;
	v3 =	vld [tilespmem:s1+$0xCB80];
	_ =	sdelay $0x1  }
0x1d0: {  	v4 =	vadd.s32 v1, v4  }
0x1d1: {  	v1 =	vadd.s32 v4, v5;
	v5, _, _ =	vpop (xrf0)  }
0x1d2: {  	v4 =	vadd.s32 v5, v4  }
0x1d3: {  	vm1 =	vgt.s32 v2, $0x0;
	v5 =	vshll.u32 v3, $0xA;
	v3 =	vadd.s32 $0xFFFFFFFF, v4  }
0x1d4: {  	v2 =	vnsel vm1, $0x0, v2;
	_ =	sdelay $0x1  }
0x1d5: {  	s29 =	simm.s32 $0x10;
	s1 =	simm.s32 $0x20  }
0x1d6: {  	s30 =	sand.u32 $0x70, s29;
	s29 =	simm.s32 $0x20;
	s31 =	sand.u32 $0x700, s1;
	v4 =	vadd.s32 v5, v2;
	v2 =	vmov v1  }
.LBB2_20:
0x1d7: {  	p0 =	sne.s32 s29, $0x3F0;
	s30 =	sor.u32 s30, s31;
	[tilespmem:v3+s28+$0x0] =	vst.idx.msk vm0, v4  }
0x1d8: {  	v3 =	vld [tilespmem:s30+$0xCC00];
	_ =	sdelay $0x7  }
0x1d9: {  	v4 =	vld.idx.msk [tilespmem:v3+s2+$0x0], $0xffff;
	_ =	sdelay $0x5  }
0x1da: {  	vm0 =	vgt.s32 v4, $0xFFFFFFFF  }
0x1db: {  	v3 =	vsel vm0, $0x1, v0;
	v5 =	vmpcnt.ones.xlane vm0  }
0x1dc: {  	(xrf0) =	vadd.scan.msk.s32 $0xffff, v3  }
0x1dd: {  	v1 =	vadd.s32 v1, v5;
	_ =	sdelay $0x4  }
0x1de: {  	v5 =	vld [tilespmem:s30+$0xCB80];
	v3, _, _ =	vpop (xrf0)  }
0x1df: {  	v3 =	vadd.s32 v3, v2;
	v2 =	vmov v1  }
.Ltmp9:
0x1e0: {  	v3 =	vadd.s32 $0xFFFFFFFF, v3;
	(pc) =	sbr.rel @p0 .LBB2_20-.Ltmp9, $4  }
0x1e1: {  	_ = 	snop  }
0x1e2: {  	vm1 =	vgt.s32 v4, $0x0  }
0x1e3: {  	s1 =	sadd.s32 $0x20, s1;
	v4 =	vnsel vm1, $0x0, v4;
	v5 =	vshll.u32 v5, $0xA  }
0x1e4: {  	s31 =	sand.u32 $0x700, s1;
	s30 =	sand.u32 $0x70, s29;
	s29 =	sadd.s32 $0x10, s29;
	v4 =	vadd.s32 v5, v4  }
0x1e5: {  	_ =	sdelay $0x4  }
0x1e6: {  	s1 =	sor.u32 s30, s31;
	[tilespmem:v3+s28+$0x0] =	vst.idx.msk vm0, v4  }
0x1e7: {  	v3 =	vld [tilespmem:s1+$0xCC00];
	_ =	sdelay $0x7  }
0x1e8: {  	v3 =	vld.idx.msk [tilespmem:v3+s2+$0x0], $0xffff;
	_ =	sdelay $0x4  }
0x1e9: {  	vm1 =	vgt.s32 v3, $0xFFFFFFFF  }
0x1ea: {  	v4 =	vsel vm1, $0x1, v0  }
0x1eb: {  	(xrf0) =	vadd.scan.msk.s32 $0xffff, v4;
	_ =	sdelay $0x5  }
0x1ec: {  	v4 =	vld [tilespmem:s1+$0xCB80];
	v5, _, _ =	vpop (xrf0)  }
0x1ed: {  	v2 =	vadd.s32 v5, v2  }
0x1ee: {  	v2 =	vadd.s32 $0xFFFFFFFF, v2;
	_ =	sdelay $0x1  }
0x1ef: {  	vm0 =	vgt.s32 v3, $0x0  }
0x1f0: {  	v3 =	vnsel vm0, $0x0, v3;
	v4 =	vshll.u32 v4, $0xA  }
0x1f1: {  	v3 =	vadd.s32 v4, v3  }
0x1f2: {  	[tilespmem:v2+s28+$0x0] =	vst.idx.msk vm1, v3  }
0x1f3: {  	_ =	swait.ge [sflag:s25], $0x800  }
0x1f4: {  	[sflag:s25] =	ssyncset.done $0x0  }
0x1f5: {  	s1 =	simm.s32 $0x0;
	[sflag:s25] =	ssyncadd.s32 $0xFFFFF800  }
0x1f6: {  	[tilespmem:s26], [sflag:$0x1] =	stream.linear.gather [hbm4b:s15+s1], $0x800, $0x38;
	[tilespmem:$0x11400] =	vst v63  }
0x1f7: {  	s29 =	sand.u32 $0x70, s1;
	s1 =	sand.u32 $0x700, s1  }
0x1f8: {  	s1 =	sor.u32 s29, s1  }
0x1f9: {  	v2 =	vld [tilespmem:s1+$0xC400];
	_ =	sdelay $0x7  }
0x1fa: {  	v2 =	vld.idx.msk [tilespmem:v2+s2+$0x0], $0xffff;
	_ =	sdelay $0x4  }
0x1fb: {  	vm0 =	vgt.s32 v2, $0xFFFFFFFF  }
0x1fc: {  	v3 =	vsel vm0, $0x1, v0  }
0x1fd: {  	(xrf0) =	vadd.scan.msk.s32 $0xffff, v3;
	_ =	sdelay $0x1  }
0x1fe: {  	v5 =	vmpcnt.ones.xlane vm0  }
0x1ff: {  	v4 =	vmpcnt.ones.xlane vm1;
	v3 =	vld [tilespmem:s1+$0xC380];
	_ =	sdelay $0x1  }
0x200: {  	v4 =	vadd.s32 v1, v4  }
0x201: {  	v1 =	vadd.s32 v4, v5;
	v5, _, _ =	vpop (xrf0)  }
0x202: {  	v4 =	vadd.s32 v5, v4  }
0x203: {  	vm1 =	vgt.s32 v2, $0x0;
	v5 =	vshll.u32 v3, $0xA;
	v3 =	vadd.s32 $0xFFFFFFFF, v4  }
0x204: {  	v2 =	vnsel vm1, $0x0, v2;
	_ =	sdelay $0x1  }
0x205: {  	s29 =	simm.s32 $0x10;
	s1 =	simm.s32 $0x20  }
0x206: {  	s30 =	sand.u32 $0x70, s29;
	s29 =	simm.s32 $0x20;
	s31 =	sand.u32 $0x700, s1;
	v4 =	vadd.s32 v5, v2;
	v2 =	vmov v1  }
.LBB2_22:
0x207: {  	p0 =	sne.s32 s29, $0x3F0;
	s30 =	sor.u32 s30, s31;
	[tilespmem:v3+s28+$0x0] =	vst.idx.msk vm0, v4  }
0x208: {  	v3 =	vld [tilespmem:s30+$0xC400];
	_ =	sdelay $0x7  }
0x209: {  	v4 =	vld.idx.msk [tilespmem:v3+s2+$0x0], $0xffff;
	_ =	sdelay $0x5  }
0x20a: {  	vm0 =	vgt.s32 v4, $0xFFFFFFFF  }
0x20b: {  	v3 =	vsel vm0, $0x1, v0;
	v5 =	vmpcnt.ones.xlane vm0  }
0x20c: {  	(xrf0) =	vadd.scan.msk.s32 $0xffff, v3  }
0x20d: {  	v1 =	vadd.s32 v1, v5;
	_ =	sdelay $0x4  }
0x20e: {  	v5 =	vld [tilespmem:s30+$0xC380];
	v3, _, _ =	vpop (xrf0)  }
0x20f: {  	v3 =	vadd.s32 v3, v2;
	v2 =	vmov v1  }
.Ltmp10:
0x210: {  	v3 =	vadd.s32 $0xFFFFFFFF, v3;
	(pc) =	sbr.rel @p0 .LBB2_22-.Ltmp10, $4  }
0x211: {  	_ = 	snop  }
0x212: {  	vm1 =	vgt.s32 v4, $0x0  }
0x213: {  	s1 =	sadd.s32 $0x20, s1;
	v4 =	vnsel vm1, $0x0, v4;
	v5 =	vshll.u32 v5, $0xA  }
0x214: {  	s31 =	sand.u32 $0x700, s1;
	s30 =	sand.u32 $0x70, s29;
	s29 =	sadd.s32 $0x10, s29;
	v4 =	vadd.s32 v5, v4  }
0x215: {  	_ =	sdelay $0x4  }
0x216: {  	s1 =	sor.u32 s30, s31;
	[tilespmem:v3+s28+$0x0] =	vst.idx.msk vm0, v4  }
0x217: {  	v3 =	vld [tilespmem:s1+$0xC400];
	_ =	sdelay $0x7  }
0x218: {  	v3 =	vld.idx.msk [tilespmem:v3+s2+$0x0], $0xffff;
	_ =	sdelay $0x4  }
0x219: {  	vm1 =	vgt.s32 v3, $0xFFFFFFFF  }
0x21a: {  	v4 =	vsel vm1, $0x1, v0  }
0x21b: {  	(xrf0) =	vadd.scan.msk.s32 $0xffff, v4;
	_ =	sdelay $0x5  }
0x21c: {  	v4 =	vld [tilespmem:s1+$0xC380];
	v5, _, _ =	vpop (xrf0)  }
0x21d: {  	v2 =	vadd.s32 v5, v2  }
0x21e: {  	v2 =	vadd.s32 $0xFFFFFFFF, v2;
	_ =	sdelay $0x1  }
0x21f: {  	vm0 =	vgt.s32 v3, $0x0  }
0x220: {  	v3 =	vnsel vm0, $0x0, v3;
	v4 =	vshll.u32 v4, $0xA  }
0x221: {  	v3 =	vadd.s32 v4, v3  }
0x222: {  	[tilespmem:v2+s28+$0x0] =	vst.idx.msk vm1, v3  }
0x223: {  	_ =	swait.ge [sflag:s25], $0x800  }
0x224: {  	[sflag:s25] =	ssyncset.done $0x0  }
0x225: {  	s1 =	simm.s32 $0x0;
	[sflag:s25] =	ssyncadd.s32 $0xFFFFF800  }
0x226: {  	[tilespmem:s24], [sflag:$0x1] =	stream.linear.gather [hbm4b:s16+s1], $0x800, $0x38;
	[tilespmem:$0x11400] =	vst v63  }
0x227: {  	s29 =	sand.u32 $0x70, s1;
	s1 =	sand.u32 $0x700, s1  }
0x228: {  	s1 =	sor.u32 s29, s1  }
0x229: {  	v2 =	vld [tilespmem:s1+$0xCC00];
	_ =	sdelay $0x7  }
0x22a: {  	v2 =	vld.idx.msk [tilespmem:v2+s2+$0x0], $0xffff;
	_ =	sdelay $0x4  }
0x22b: {  	vm0 =	vgt.s32 v2, $0xFFFFFFFF  }
0x22c: {  	v3 =	vsel vm0, $0x1, v0  }
0x22d: {  	(xrf0) =	vadd.scan.msk.s32 $0xffff, v3;
	_ =	sdelay $0x1  }
0x22e: {  	v5 =	vmpcnt.ones.xlane vm0  }
0x22f: {  	v4 =	vmpcnt.ones.xlane vm1;
	v3 =	vld [tilespmem:s1+$0xCB80];
	_ =	sdelay $0x1  }
0x230: {  	v4 =	vadd.s32 v1, v4  }
0x231: {  	v1 =	vadd.s32 v4, v5;
	v5, _, _ =	vpop (xrf0)  }
0x232: {  	v4 =	vadd.s32 v5, v4  }
0x233: {  	vm1 =	vgt.s32 v2, $0x0;
	v5 =	vshll.u32 v3, $0xA;
	v3 =	vadd.s32 $0xFFFFFFFF, v4  }
0x234: {  	v2 =	vnsel vm1, $0x0, v2;
	_ =	sdelay $0x1  }
0x235: {  	s29 =	simm.s32 $0x10;
	s1 =	simm.s32 $0x20  }
0x236: {  	s30 =	sand.u32 $0x70, s29;
	s29 =	simm.s32 $0x20;
	s31 =	sand.u32 $0x700, s1;
	v4 =	vadd.s32 v5, v2;
	v2 =	vmov v1  }
.LBB2_24:
0x237: {  	p0 =	sne.s32 s29, $0x3F0;
	s30 =	sor.u32 s30, s31;
	[tilespmem:v3+s28+$0x0] =	vst.idx.msk vm0, v4  }
0x238: {  	v3 =	vld [tilespmem:s30+$0xCC00];
	_ =	sdelay $0x7  }
0x239: {  	v4 =	vld.idx.msk [tilespmem:v3+s2+$0x0], $0xffff;
	_ =	sdelay $0x5  }
0x23a: {  	vm0 =	vgt.s32 v4, $0xFFFFFFFF  }
0x23b: {  	v3 =	vsel vm0, $0x1, v0;
	v5 =	vmpcnt.ones.xlane vm0  }
0x23c: {  	(xrf0) =	vadd.scan.msk.s32 $0xffff, v3  }
0x23d: {  	v1 =	vadd.s32 v1, v5;
	_ =	sdelay $0x4  }
0x23e: {  	v5 =	vld [tilespmem:s30+$0xCB80];
	v3, _, _ =	vpop (xrf0)  }
0x23f: {  	v3 =	vadd.s32 v3, v2;
	v2 =	vmov v1  }
.Ltmp11:
0x240: {  	v3 =	vadd.s32 $0xFFFFFFFF, v3;
	(pc) =	sbr.rel @p0 .LBB2_24-.Ltmp11, $4  }
0x241: {  	_ = 	snop  }
0x242: {  	vm1 =	vgt.s32 v4, $0x0  }
0x243: {  	s1 =	sadd.s32 $0x20, s1;
	v4 =	vnsel vm1, $0x0, v4;
	v5 =	vshll.u32 v5, $0xA  }
0x244: {  	s31 =	sand.u32 $0x700, s1;
	s30 =	sand.u32 $0x70, s29;
	s29 =	sadd.s32 $0x10, s29;
	v4 =	vadd.s32 v5, v4  }
0x245: {  	_ =	sdelay $0x4  }
0x246: {  	s1 =	sor.u32 s30, s31;
	[tilespmem:v3+s28+$0x0] =	vst.idx.msk vm0, v4  }
0x247: {  	v3 =	vld [tilespmem:s1+$0xCC00];
	_ =	sdelay $0x7  }
0x248: {  	v3 =	vld.idx.msk [tilespmem:v3+s2+$0x0], $0xffff;
	_ =	sdelay $0x4  }
0x249: {  	vm1 =	vgt.s32 v3, $0xFFFFFFFF  }
0x24a: {  	v4 =	vsel vm1, $0x1, v0  }
0x24b: {  	(xrf0) =	vadd.scan.msk.s32 $0xffff, v4;
	_ =	sdelay $0x5  }
0x24c: {  	v4 =	vld [tilespmem:s1+$0xCB80];
	v5, _, _ =	vpop (xrf0)  }
0x24d: {  	v2 =	vadd.s32 v5, v2  }
0x24e: {  	v2 =	vadd.s32 $0xFFFFFFFF, v2;
	_ =	sdelay $0x1  }
0x24f: {  	vm0 =	vgt.s32 v3, $0x0  }
0x250: {  	v3 =	vnsel vm0, $0x0, v3;
	v4 =	vshll.u32 v4, $0xA  }
0x251: {  	v3 =	vadd.s32 v4, v3  }
0x252: {  	[tilespmem:v2+s28+$0x0] =	vst.idx.msk vm1, v3  }
0x253: {  	_ =	swait.ge [sflag:s25], $0x800  }
0x254: {  	[sflag:s25] =	ssyncset.done $0x0  }
0x255: {  	s1 =	simm.s32 $0x0;
	[sflag:s25] =	ssyncadd.s32 $0xFFFFF800  }
0x256: {  	[tilespmem:s26], [sflag:$0x1] =	stream.linear.gather [hbm4b:s17+s1], $0x800, $0x38;
	[tilespmem:$0x11400] =	vst v63  }
0x257: {  	s29 =	sand.u32 $0x70, s1;
	s1 =	sand.u32 $0x700, s1  }
0x258: {  	s1 =	sor.u32 s29, s1  }
0x259: {  	v2 =	vld [tilespmem:s1+$0xC400];
	_ =	sdelay $0x7  }
0x25a: {  	v2 =	vld.idx.msk [tilespmem:v2+s2+$0x0], $0xffff;
	_ =	sdelay $0x4  }
0x25b: {  	vm0 =	vgt.s32 v2, $0xFFFFFFFF  }
0x25c: {  	v3 =	vsel vm0, $0x1, v0  }
0x25d: {  	(xrf0) =	vadd.scan.msk.s32 $0xffff, v3;
	_ =	sdelay $0x1  }
0x25e: {  	v5 =	vmpcnt.ones.xlane vm0  }
0x25f: {  	v4 =	vmpcnt.ones.xlane vm1;
	v3 =	vld [tilespmem:s1+$0xC380];
	_ =	sdelay $0x1  }
0x260: {  	v4 =	vadd.s32 v1, v4  }
0x261: {  	v1 =	vadd.s32 v4, v5;
	v5, _, _ =	vpop (xrf0)  }
0x262: {  	v4 =	vadd.s32 v5, v4  }
0x263: {  	vm1 =	vgt.s32 v2, $0x0;
	v5 =	vshll.u32 v3, $0xA;
	v3 =	vadd.s32 $0xFFFFFFFF, v4  }
0x264: {  	v2 =	vnsel vm1, $0x0, v2;
	_ =	sdelay $0x1  }
0x265: {  	s29 =	simm.s32 $0x10;
	s1 =	simm.s32 $0x20  }
0x266: {  	s30 =	sand.u32 $0x70, s29;
	s29 =	simm.s32 $0x20;
	s31 =	sand.u32 $0x700, s1;
	v4 =	vadd.s32 v5, v2;
	v2 =	vmov v1  }
.LBB2_26:
0x267: {  	p0 =	sne.s32 s29, $0x3F0;
	s30 =	sor.u32 s30, s31;
	[tilespmem:v3+s28+$0x0] =	vst.idx.msk vm0, v4  }
0x268: {  	v3 =	vld [tilespmem:s30+$0xC400];
	_ =	sdelay $0x7  }
0x269: {  	v4 =	vld.idx.msk [tilespmem:v3+s2+$0x0], $0xffff;
	_ =	sdelay $0x5  }
0x26a: {  	vm0 =	vgt.s32 v4, $0xFFFFFFFF  }
0x26b: {  	v3 =	vsel vm0, $0x1, v0;
	v5 =	vmpcnt.ones.xlane vm0  }
0x26c: {  	(xrf0) =	vadd.scan.msk.s32 $0xffff, v3  }
0x26d: {  	v1 =	vadd.s32 v1, v5;
	_ =	sdelay $0x4  }
0x26e: {  	v5 =	vld [tilespmem:s30+$0xC380];
	v3, _, _ =	vpop (xrf0)  }
0x26f: {  	v3 =	vadd.s32 v3, v2;
	v2 =	vmov v1  }
.Ltmp12:
0x270: {  	v3 =	vadd.s32 $0xFFFFFFFF, v3;
	(pc) =	sbr.rel @p0 .LBB2_26-.Ltmp12, $4  }
0x271: {  	_ = 	snop  }
0x272: {  	vm1 =	vgt.s32 v4, $0x0  }
0x273: {  	s1 =	sadd.s32 $0x20, s1;
	v4 =	vnsel vm1, $0x0, v4;
	v5 =	vshll.u32 v5, $0xA  }
0x274: {  	s31 =	sand.u32 $0x700, s1;
	s30 =	sand.u32 $0x70, s29;
	s29 =	sadd.s32 $0x10, s29;
	v4 =	vadd.s32 v5, v4  }
0x275: {  	_ =	sdelay $0x4  }
0x276: {  	s1 =	sor.u32 s30, s31;
	[tilespmem:v3+s28+$0x0] =	vst.idx.msk vm0, v4  }
0x277: {  	v3 =	vld [tilespmem:s1+$0xC400];
	_ =	sdelay $0x7  }
0x278: {  	v3 =	vld.idx.msk [tilespmem:v3+s2+$0x0], $0xffff;
	_ =	sdelay $0x4  }
0x279: {  	vm1 =	vgt.s32 v3, $0xFFFFFFFF  }
0x27a: {  	v4 =	vsel vm1, $0x1, v0  }
0x27b: {  	(xrf0) =	vadd.scan.msk.s32 $0xffff, v4;
	_ =	sdelay $0x5  }
0x27c: {  	v4 =	vld [tilespmem:s1+$0xC380];
	v5, _, _ =	vpop (xrf0)  }
0x27d: {  	v2 =	vadd.s32 v5, v2  }
0x27e: {  	v2 =	vadd.s32 $0xFFFFFFFF, v2;
	_ =	sdelay $0x1  }
0x27f: {  	vm0 =	vgt.s32 v3, $0x0  }
0x280: {  	v3 =	vnsel vm0, $0x0, v3;
	v4 =	vshll.u32 v4, $0xA  }
0x281: {  	v3 =	vadd.s32 v4, v3  }
0x282: {  	[tilespmem:v2+s28+$0x0] =	vst.idx.msk vm1, v3  }
0x283: {  	_ =	swait.ge [sflag:s25], $0x800  }
0x284: {  	[sflag:s25] =	ssyncset.done $0x0  }
0x285: {  	s1 =	simm.s32 $0x0;
	[sflag:s25] =	ssyncadd.s32 $0xFFFFF800  }
0x286: {  	[tilespmem:s24], [sflag:$0x1] =	stream.linear.gather [hbm4b:s18+s1], $0x800, $0x38;
	[tilespmem:$0x11400] =	vst v63  }
0x287: {  	s29 =	sand.u32 $0x70, s1;
	s1 =	sand.u32 $0x700, s1  }
0x288: {  	s1 =	sor.u32 s29, s1  }
0x289: {  	v2 =	vld [tilespmem:s1+$0xCC00];
	_ =	sdelay $0x7  }
0x28a: {  	v2 =	vld.idx.msk [tilespmem:v2+s2+$0x0], $0xffff;
	_ =	sdelay $0x4  }
0x28b: {  	vm0 =	vgt.s32 v2, $0xFFFFFFFF  }
0x28c: {  	v3 =	vsel vm0, $0x1, v0  }
0x28d: {  	(xrf0) =	vadd.scan.msk.s32 $0xffff, v3;
	_ =	sdelay $0x1  }
0x28e: {  	v5 =	vmpcnt.ones.xlane vm0  }
0x28f: {  	v4 =	vmpcnt.ones.xlane vm1;
	v3 =	vld [tilespmem:s1+$0xCB80];
	_ =	sdelay $0x1  }
0x290: {  	v4 =	vadd.s32 v1, v4  }
0x291: {  	v1 =	vadd.s32 v4, v5;
	v5, _, _ =	vpop (xrf0)  }
0x292: {  	v4 =	vadd.s32 v5, v4  }
0x293: {  	vm1 =	vgt.s32 v2, $0x0;
	v5 =	vshll.u32 v3, $0xA;
	v3 =	vadd.s32 $0xFFFFFFFF, v4  }
0x294: {  	v2 =	vnsel vm1, $0x0, v2;
	_ =	sdelay $0x1  }
0x295: {  	s29 =	simm.s32 $0x10;
	s1 =	simm.s32 $0x20  }
0x296: {  	s30 =	sand.u32 $0x70, s29;
	s29 =	simm.s32 $0x20;
	s31 =	sand.u32 $0x700, s1;
	v4 =	vadd.s32 v5, v2;
	v2 =	vmov v1  }
.LBB2_28:
0x297: {  	p0 =	sne.s32 s29, $0x3F0;
	s30 =	sor.u32 s30, s31;
	[tilespmem:v3+s28+$0x0] =	vst.idx.msk vm0, v4  }
0x298: {  	v3 =	vld [tilespmem:s30+$0xCC00];
	_ =	sdelay $0x7  }
0x299: {  	v4 =	vld.idx.msk [tilespmem:v3+s2+$0x0], $0xffff;
	_ =	sdelay $0x5  }
0x29a: {  	vm0 =	vgt.s32 v4, $0xFFFFFFFF  }
0x29b: {  	v3 =	vsel vm0, $0x1, v0;
	v5 =	vmpcnt.ones.xlane vm0  }
0x29c: {  	(xrf0) =	vadd.scan.msk.s32 $0xffff, v3  }
0x29d: {  	v1 =	vadd.s32 v1, v5;
	_ =	sdelay $0x4  }
0x29e: {  	v5 =	vld [tilespmem:s30+$0xCB80];
	v3, _, _ =	vpop (xrf0)  }
0x29f: {  	v3 =	vadd.s32 v3, v2;
	v2 =	vmov v1  }
.Ltmp13:
0x2a0: {  	v3 =	vadd.s32 $0xFFFFFFFF, v3;
	(pc) =	sbr.rel @p0 .LBB2_28-.Ltmp13, $4  }
0x2a1: {  	_ = 	snop  }
0x2a2: {  	vm1 =	vgt.s32 v4, $0x0  }
0x2a3: {  	s1 =	sadd.s32 $0x20, s1;
	v4 =	vnsel vm1, $0x0, v4;
	v5 =	vshll.u32 v5, $0xA  }
0x2a4: {  	s31 =	sand.u32 $0x700, s1;
	s30 =	sand.u32 $0x70, s29;
	s29 =	sadd.s32 $0x10, s29;
	v4 =	vadd.s32 v5, v4  }
0x2a5: {  	_ =	sdelay $0x4  }
0x2a6: {  	s1 =	sor.u32 s30, s31;
	[tilespmem:v3+s28+$0x0] =	vst.idx.msk vm0, v4  }
0x2a7: {  	v3 =	vld [tilespmem:s1+$0xCC00];
	_ =	sdelay $0x7  }
0x2a8: {  	v3 =	vld.idx.msk [tilespmem:v3+s2+$0x0], $0xffff;
	_ =	sdelay $0x4  }
0x2a9: {  	vm1 =	vgt.s32 v3, $0xFFFFFFFF  }
0x2aa: {  	v4 =	vsel vm1, $0x1, v0  }
0x2ab: {  	(xrf0) =	vadd.scan.msk.s32 $0xffff, v4;
	_ =	sdelay $0x5  }
0x2ac: {  	v4 =	vld [tilespmem:s1+$0xCB80];
	v5, _, _ =	vpop (xrf0)  }
0x2ad: {  	v2 =	vadd.s32 v5, v2  }
0x2ae: {  	v2 =	vadd.s32 $0xFFFFFFFF, v2;
	_ =	sdelay $0x1  }
0x2af: {  	vm0 =	vgt.s32 v3, $0x0  }
0x2b0: {  	v3 =	vnsel vm0, $0x0, v3;
	v4 =	vshll.u32 v4, $0xA  }
0x2b1: {  	v3 =	vadd.s32 v4, v3  }
0x2b2: {  	[tilespmem:v2+s28+$0x0] =	vst.idx.msk vm1, v3  }
0x2b3: {  	_ =	swait.ge [sflag:s25], $0x800  }
0x2b4: {  	[sflag:s25] =	ssyncset.done $0x0  }
0x2b5: {  	s1 =	simm.s32 $0x0;
	[sflag:s25] =	ssyncadd.s32 $0xFFFFF800  }
0x2b6: {  	[tilespmem:s26], [sflag:$0x1] =	stream.linear.gather [hbm4b:s19+s1], $0x800, $0x38;
	[tilespmem:$0x11400] =	vst v63  }
0x2b7: {  	s29 =	sand.u32 $0x70, s1;
	s1 =	sand.u32 $0x700, s1  }
0x2b8: {  	s1 =	sor.u32 s29, s1  }
0x2b9: {  	v2 =	vld [tilespmem:s1+$0xC400];
	_ =	sdelay $0x7  }
0x2ba: {  	v2 =	vld.idx.msk [tilespmem:v2+s2+$0x0], $0xffff;
	_ =	sdelay $0x4  }
0x2bb: {  	vm0 =	vgt.s32 v2, $0xFFFFFFFF  }
0x2bc: {  	v3 =	vsel vm0, $0x1, v0  }
0x2bd: {  	(xrf0) =	vadd.scan.msk.s32 $0xffff, v3;
	_ =	sdelay $0x1  }
0x2be: {  	v5 =	vmpcnt.ones.xlane vm0  }
0x2bf: {  	v4 =	vmpcnt.ones.xlane vm1;
	v3 =	vld [tilespmem:s1+$0xC380];
	_ =	sdelay $0x1  }
0x2c0: {  	v4 =	vadd.s32 v1, v4  }
0x2c1: {  	v1 =	vadd.s32 v4, v5;
	v5, _, _ =	vpop (xrf0)  }
0x2c2: {  	v4 =	vadd.s32 v5, v4  }
0x2c3: {  	vm1 =	vgt.s32 v2, $0x0;
	v5 =	vshll.u32 v3, $0xA;
	v3 =	vadd.s32 $0xFFFFFFFF, v4  }
0x2c4: {  	v2 =	vnsel vm1, $0x0, v2;
	_ =	sdelay $0x1  }
0x2c5: {  	s29 =	simm.s32 $0x10;
	s1 =	simm.s32 $0x20  }
0x2c6: {  	s30 =	sand.u32 $0x70, s29;
	s29 =	simm.s32 $0x20;
	s31 =	sand.u32 $0x700, s1;
	v4 =	vadd.s32 v5, v2;
	v2 =	vmov v1  }
.LBB2_30:
0x2c7: {  	p0 =	sne.s32 s29, $0x3F0;
	s30 =	sor.u32 s30, s31;
	[tilespmem:v3+s28+$0x0] =	vst.idx.msk vm0, v4  }
0x2c8: {  	v3 =	vld [tilespmem:s30+$0xC400];
	_ =	sdelay $0x7  }
0x2c9: {  	v4 =	vld.idx.msk [tilespmem:v3+s2+$0x0], $0xffff;
	_ =	sdelay $0x5  }
0x2ca: {  	vm0 =	vgt.s32 v4, $0xFFFFFFFF  }
0x2cb: {  	v3 =	vsel vm0, $0x1, v0;
	v5 =	vmpcnt.ones.xlane vm0  }
0x2cc: {  	(xrf0) =	vadd.scan.msk.s32 $0xffff, v3  }
0x2cd: {  	v1 =	vadd.s32 v1, v5;
	_ =	sdelay $0x4  }
0x2ce: {  	v5 =	vld [tilespmem:s30+$0xC380];
	v3, _, _ =	vpop (xrf0)  }
0x2cf: {  	v3 =	vadd.s32 v3, v2;
	v2 =	vmov v1  }
.Ltmp14:
0x2d0: {  	v3 =	vadd.s32 $0xFFFFFFFF, v3;
	(pc) =	sbr.rel @p0 .LBB2_30-.Ltmp14, $4  }
0x2d1: {  	_ = 	snop  }
0x2d2: {  	vm1 =	vgt.s32 v4, $0x0  }
0x2d3: {  	s1 =	sadd.s32 $0x20, s1;
	v4 =	vnsel vm1, $0x0, v4;
	v5 =	vshll.u32 v5, $0xA  }
0x2d4: {  	s31 =	sand.u32 $0x700, s1;
	s30 =	sand.u32 $0x70, s29;
	s29 =	sadd.s32 $0x10, s29;
	v4 =	vadd.s32 v5, v4  }
0x2d5: {  	_ =	sdelay $0x4  }
0x2d6: {  	s1 =	sor.u32 s30, s31;
	[tilespmem:v3+s28+$0x0] =	vst.idx.msk vm0, v4  }
0x2d7: {  	v3 =	vld [tilespmem:s1+$0xC400];
	_ =	sdelay $0x7  }
0x2d8: {  	v3 =	vld.idx.msk [tilespmem:v3+s2+$0x0], $0xffff;
	_ =	sdelay $0x4  }
0x2d9: {  	vm1 =	vgt.s32 v3, $0xFFFFFFFF  }
0x2da: {  	v4 =	vsel vm1, $0x1, v0  }
0x2db: {  	(xrf0) =	vadd.scan.msk.s32 $0xffff, v4;
	_ =	sdelay $0x5  }
0x2dc: {  	v4 =	vld [tilespmem:s1+$0xC380];
	v5, _, _ =	vpop (xrf0)  }
0x2dd: {  	v2 =	vadd.s32 v5, v2  }
0x2de: {  	v2 =	vadd.s32 $0xFFFFFFFF, v2;
	_ =	sdelay $0x1  }
0x2df: {  	vm0 =	vgt.s32 v3, $0x0  }
0x2e0: {  	v3 =	vnsel vm0, $0x0, v3;
	v4 =	vshll.u32 v4, $0xA  }
0x2e1: {  	v3 =	vadd.s32 v4, v3  }
0x2e2: {  	[tilespmem:v2+s28+$0x0] =	vst.idx.msk vm1, v3  }
0x2e3: {  	s1 =	simm.s32 $0x0;
	_ =	swait.ge [sflag:s25], $0x800  }
0x2e4: {  	s29 =	sand.u32 $0x70, s1;
	s1 =	sand.u32 $0x700, s1;
	[sflag:s25] =	ssyncset.done $0x0  }
0x2e5: {  	s1 =	sor.u32 s29, s1;
	[sflag:s25] =	ssyncadd.s32 $0xFFFFF800  }
0x2e6: {  	v2 =	vld [tilespmem:s1+$0xCC00];
	_ =	sdelay $0x7  }
0x2e7: {  	v2 =	vld.idx.msk [tilespmem:v2+s2+$0x0], $0xffff;
	_ =	sdelay $0x4  }
0x2e8: {  	vm0 =	vgt.s32 v2, $0xFFFFFFFF  }
0x2e9: {  	v3 =	vsel vm0, $0x1, v0  }
0x2ea: {  	(xrf0) =	vadd.scan.msk.s32 $0xffff, v3;
	_ =	sdelay $0x1  }
0x2eb: {  	v5 =	vmpcnt.ones.xlane vm0  }
0x2ec: {  	v4 =	vmpcnt.ones.xlane vm1;
	v3 =	vld [tilespmem:s1+$0xCB80];
	_ =	sdelay $0x1  }
0x2ed: {  	v4 =	vadd.s32 v1, v4  }
0x2ee: {  	v1 =	vadd.s32 v4, v5;
	v5, _, _ =	vpop (xrf0)  }
0x2ef: {  	v4 =	vadd.s32 v5, v4  }
0x2f0: {  	vm1 =	vgt.s32 v2, $0x0;
	v5 =	vshll.u32 v3, $0xA;
	v3 =	vadd.s32 $0xFFFFFFFF, v4  }
0x2f1: {  	v2 =	vnsel vm1, $0x0, v2;
	_ =	sdelay $0x1  }
0x2f2: {  	s29 =	simm.s32 $0x10;
	s1 =	simm.s32 $0x20  }
0x2f3: {  	s30 =	sand.u32 $0x70, s29;
	s29 =	simm.s32 $0x20;
	s31 =	sand.u32 $0x700, s1;
	v4 =	vadd.s32 v5, v2;
	v2 =	vmov v1  }
.LBB2_32:
0x2f4: {  	p0 =	sne.s32 s29, $0x3F0;
	s30 =	sor.u32 s30, s31;
	[tilespmem:v3+s28+$0x0] =	vst.idx.msk vm0, v4  }
0x2f5: {  	v3 =	vld [tilespmem:s30+$0xCC00];
	_ =	sdelay $0x7  }
0x2f6: {  	v4 =	vld.idx.msk [tilespmem:v3+s2+$0x0], $0xffff;
	_ =	sdelay $0x5  }
0x2f7: {  	vm0 =	vgt.s32 v4, $0xFFFFFFFF  }
0x2f8: {  	v3 =	vsel vm0, $0x1, v0;
	v5 =	vmpcnt.ones.xlane vm0  }
0x2f9: {  	(xrf0) =	vadd.scan.msk.s32 $0xffff, v3  }
0x2fa: {  	v1 =	vadd.s32 v1, v5;
	_ =	sdelay $0x4  }
0x2fb: {  	v5 =	vld [tilespmem:s30+$0xCB80];
	v3, _, _ =	vpop (xrf0)  }
0x2fc: {  	v3 =	vadd.s32 v3, v2;
	v2 =	vmov v1  }
.Ltmp15:
0x2fd: {  	v3 =	vadd.s32 $0xFFFFFFFF, v3;
	(pc) =	sbr.rel @p0 .LBB2_32-.Ltmp15, $4  }
0x2fe: {  	_ = 	snop  }
0x2ff: {  	vm1 =	vgt.s32 v4, $0x0  }
0x300: {  	s1 =	sadd.s32 $0x20, s1;
	v4 =	vnsel vm1, $0x0, v4;
	v5 =	vshll.u32 v5, $0xA  }
0x301: {  	s31 =	sand.u32 $0x700, s1;
	s30 =	sand.u32 $0x70, s29;
	s29 =	sadd.s32 $0x10, s29;
	v4 =	vadd.s32 v5, v4  }
0x302: {  	_ =	sdelay $0x4  }
0x303: {  	s1 =	sor.u32 s30, s31;
	[tilespmem:v3+s28+$0x0] =	vst.idx.msk vm0, v4  }
0x304: {  	v3 =	vld [tilespmem:s1+$0xCC00];
	_ =	sdelay $0x7  }
0x305: {  	v3 =	vld.idx.msk [tilespmem:v3+s2+$0x0], $0xffff;
	_ =	sdelay $0x4  }
0x306: {  	vm15 =	vgt.s32 v3, $0xFFFFFFFF  }
0x307: {  	v61 =	vsel vm15, $0x1, v0  }
0x308: {  	(xrf0) =	vadd.scan.msk.s32 $0xffff, v61;
	_ =	sdelay $0x5  }
0x309: {  	v62 =	vld [tilespmem:s1+$0xCB80];
	v5, _, _ =	vpop (xrf0)  }
0x30a: {  	v2 =	vadd.s32 v5, v2  }
0x30b: {  	v2 =	vadd.s32 $0xFFFFFFFF, v2;
	_ =	sdelay $0x1  }
0x30c: {  	vm1 =	vgt.s32 v3, $0x0  }
0x30d: {  	v4 =	vshll.u32 v62, $0xA;
	v3 =	vnsel vm1, $0x0, v3;
	v63 =	vmpcnt.ones.xlane vm15  }
0x30e: {  	v3 =	vadd.s32 v4, v3  }
0x30f: {  	v1 =	vadd.s32 v1, v63;
	[tilespmem:v2+s28+$0x0] =	vst.idx.msk vm15, v3  }
0x310: {  	s30 =	simm.s32 $0x11380;
	[tilespmem:$0x11380] =	vst v1  }
0x311: {  	[hbm4b:s20+s2] =	stream.linear.scatter [tilespmem:s30], [sflag:$0x2], $0x80, $0x38;
	[tilespmem:$0x11400] =	vst v63  }
0x312: {  	s0 =	sadd.s32 $0x1, s0;
	_ =	swait.ge [sflag:s23], $0x80  }
0x313: {  	s31 =	simm.s32 $0x80;
	p0 =	sne.s32 s0, s22;
	[sflag:s23] =	ssyncset.done $0x0  }
.Ltmp16:
0x314: {  	s29 =	simm.s32 $0x400;
	[sflag:s23] =	ssyncadd.s32 $0xFFFFFF80;
	(pc) =	sbr.rel @p0 .LBB2_1-.Ltmp16, $4  }
0x315: {  	[hbm4b:s21+s31] =	stream.strided.scatter [tilespmem:s28], [sflag:$0x2], $0x4000, s29, s31, $0x38;
	[tilespmem:$0x11400] =	vst v63  }
0x316: {  	_ =	swait.ge [sflag:s23], $0x4000  }
0x317: {  	[sflag:s23] =	ssyncset.done $0x0  }
0x318: {  	[sflag:s23] =	ssyncadd.s32 $0xFFFFC000  }
0x319: {  	_ =	sfence.sel $0x180000  }
0x31a: {  	[bflag:$0x0] =	sbarrier.arrive $0xFFFF  }
0x31b: {  	_ =	strace $0x90000047  }
0x31c: {  	s0 =	stileid.u32;
	[bflag:$0x2] =	sbarrier.arrive $0xFFFF  }
0x31d: {  	p0 =	sne.s32 s0, $0x0;
	s0 =	rddreg [dreg:$0x1]  }
0x31e: {  	s0 =	sadd.s32 @!p0 $0x100000, s0  }
0x31f: {  	[sflag:s0] =	ssyncadd.tile.s32 @!p0 $0x1;
	_ =	shalt  }
.Lfunc_end2:
_tile_overlayer_lowered:
.L_overlay_start_2:
0x320: {  	(tag) =	ssettag $0x2  }
0x321: {  	s0 =	rddreg [dreg:$0x0];
	s2 =	stileid.u32  }
0x322: {  	s1 =	rddreg [dreg:$0x1];
	p0 =	sne.s32 s2, $0x0  }
0x323: {  	s3 =	rddreg [dreg:$0x2];
	[bflag:$0x3] =	sbarrier.arrive $0xFFFF;
	s2 =	simm.s32 @!p0 $0x1C02  }
0x324: {  	[timem:s3], [sflag:s2] =	dma.local @!p0 [hbm:s0], s1  }
0x325: {  	s0 =	simm.s32 @!p0 $0x2  }
0x326: {  	_ =	swait.ge @!p0 [sflag:s0], s1  }
0x327: {  	s1 =	ssub.s32 @!p0 $0x0, s1;
	[sflag:s0] =	ssyncset.done @!p0 $0x0  }
0x328: {  	[sflag:s0] =	ssyncadd.s32 @!p0 s1  }
0x329: {  	[bflag:$0x3] =	sbarrier.arrive $0xFFFF  }
0x32a: {  	_ =	shalt  }

// kernel: kernel.9.cloned.1.call-start
scs
__scs_entry_jumppad:
0x0: {  	(pc) =	sbr.rel $0x88, $3  }
0x1: {  	(tag) =	ssettag $0x0;
	lr =	simm.s32 $0x1  }
0x2: {  	[smem:$0x3F95] =	sst lr;
	_ =	strace $0xD0000000  }
0x3: {  	_ = 	snop  }
0x4: {  	_ = 	snop  }
0x5: {  	_ = 	snop  }
0x6: {  	_ = 	snop  }
0x7: {  	_ = 	snop  }
__scs_overlays_trampoline_lowered:
0x8: {  	[smem:$0x3FA4] =	sst s0  }
0x9: {  	[smem:$0x3FA5] =	sst s1  }
0xa: {  	[smem:$0x3FA6] =	sst s2  }
0xb: {  	[smem:$0x3FA7] =	sst s3  }
0xc: {  	[smem:$0x3FA8] =	sst s4  }
0xd: {  	[smem:$0x3FA9] =	sst s5  }
0xe: {  	[smem:$0x3FAA] =	sst s6  }
0xf: {  	[smem:$0x3FAB] =	sst s7  }
0x10: {  	[smem:$0x3FAC] =	sst s8  }
0x11: {  	[smem:$0x3FAD] =	sst s9;
	s0 =	simm.s32 @!p0 $0x0  }
0x12: {  	s1 =	sld [smem:$0x3F93];
	s0 =	simm.s32 @p0 $0x1  }
0x13: {  	[smem:$0x3FAE] =	sst s0;
	s0 =	simm.s32 @!p1 $0x0  }
0x14: {  	s2 =	sld [smem:$0x3F92];
	s0 =	simm.s32 @p1 $0x1  }
0x15: {  	[smem:$0x3FAF] =	sst s0;
	s0 =	simm.s32 @!p2 $0x0  }
0x16: {  	s3 =	sld [smem:$0x3FDB];
	s0 =	simm.s32 @p2 $0x1  }
0x17: {  	s4 =	simm.s32 $0x1BF5;
	[smem:$0x3FB1] =	sst s0  }
0x18: {  	s0 =	sld [smem:$0x3F94];
	_ =	swait.ge [sflag:s4], $0x0  }
0x19: {  	s7 =	sld [smem:$0x3F95]  }
0x1a: {  	s8 =	sadd.s32 $0xFFFFE003, lr  }
0x1b: {  	s9 =	sadd.s32 $0xFFFFFEF7, lr;
	s5 =	simm.s32 $0xFFFFFFFF;
	p2 =	slt.u32 s8, $0xFFFFF086  }
0x1c: {  	p1 =	slt.u32 s9, $0xF7A;
	s5 =	simm.s32 @!p2 $0x0  }
0x1d: {  	s5 =	simm.s32 @p1 $0x1;
	p0 =	seq.s32 s7, s2  }
0x1e: {  	s7 =	smul.u32 @!p0 $0xF7A, s2;
	p2 =	seq.s32 @!p0 s5, $0x0  }
0x1f: {  	s9 =	smul.u32 $0xF7A, s1;
	s8 =	simm.s32 @!p0 $0x1BF5;
	p2 =	por !p2, p0  }
0x20: {  	[sflag:s8] =	ssyncset.s32 @!p0 $0xFFFFF086;
	s6 =	sadd.s32 @!p0 s3, s7;
	s7 =	simm.s32 @!p0 $0x108  }
0x21: {  	s3 =	sadd.s32 s3, s9;
	s6 =	sadd.s32 @!p0 $0x88, s6;
	s7 =	simm.s32 @p2 $0x1082  }
0x22: {  	[simem:s7], [sflag:s8] =	dma.local @!p0 [hbm:s6], $0xF7A  }
0x23: {  	s9 =	sor.u32 $0xD0000000, s2;
	s6 =	simm.s32 $0x108;
	_ =	swait.ge @!p0 [sflag:s8], $0x0  }
0x24: {  	s3 =	sadd.s32 $0x88, s3;
	s6 =	simm.s32 @!p1 $0x1082;
	[sflag:s4] =	ssyncset.s32 $0xFFFFF086  }
0x25: {  	[simem:s6], [sflag:s4] =	dma.local [hbm:s3], $0xF7A  }
0x26: {  	[smem:$0x3F95] =	sst s1;
	(tag) =	ssettag s2;
	_ =	strace s9  }
0x27: {  	s1 =	sld [smem:$0x3FA5]  }
0x28: {  	s2 =	sld [smem:$0x3FA6]  }
0x29: {  	s4 =	sld [smem:$0x3FA8]  }
0x2a: {  	p0 =	seq.s32 s5, $0x0;
	s5 =	sld [smem:$0x3FA9]  }
0x2b: {  	s6 =	sld [smem:$0x3FAA]  }
0x2c: {  	s7 =	sld [smem:$0x3FAB]  }
0x2d: {  	s3 =	simm.s32 $0x108;
	s8 =	sld [smem:$0x3FAC]  }
0x2e: {  	s3 =	simm.s32 @!p0 $0x1082;
	s9 =	sld [smem:$0x3FAD]  }
0x2f: {  	lr =	sadd.s32 s0, s3;
	s0 =	sld [smem:$0x3FA4]  }
0x30: {  	s3 =	sld [smem:$0x3FA7]  }
0x31: {  	[smem:$0x3FB0] =	sst s10  }
0x32: {  	s10 =	sld [smem:$0x3FAE];
	_ =	sdelay $0x3  }
0x33: {  	p0 =	seq.s32 s10, $0x1;
	s10 =	sld [smem:$0x3FB0];
	_ =	sdelay $0x3  }
0x34: {  	[smem:$0x3FB0] =	sst s10  }
0x35: {  	s10 =	sld [smem:$0x3FAF];
	_ =	sdelay $0x3  }
0x36: {  	p1 =	seq.s32 s10, $0x1;
	s10 =	sld [smem:$0x3FB0];
	_ =	sdelay $0x3  }
0x37: {  	[smem:$0x3FB0] =	sst s10  }
0x38: {  	s10 =	sld [smem:$0x3FB1]  }
0x39: {  	_ = 	snop;
	(pc) =	sbr.ind lr, $3  }
0x3a: {  	_ = 	snop  }
0x3b: {  	_ = 	snop  }
0x3c: {  	p2 =	seq.s32 s10, $0x1;
	s10 =	sld [smem:$0x3FB0]  }
0x3d: {  	_ =	shalt  }
0x3e: {  	_ =	shalt  }
0x3f: {  	_ =	shalt  }
0x40: {  	_ =	shalt  }
0x41: {  	_ =	shalt  }
0x42: {  	_ =	shalt  }
0x43: {  	_ =	shalt  }
0x44: {  	_ =	shalt  }
0x45: {  	_ =	shalt  }
0x46: {  	_ =	shalt  }
0x47: {  	_ =	shalt  }
0x48: {  	_ =	shalt  }
0x49: {  	_ =	shalt  }
0x4a: {  	_ =	shalt  }
0x4b: {  	_ =	shalt  }
0x4c: {  	_ =	shalt  }
0x4d: {  	_ =	shalt  }
0x4e: {  	_ =	shalt  }
0x4f: {  	_ =	shalt  }
0x50: {  	_ =	shalt  }
0x51: {  	_ =	shalt  }
0x52: {  	_ =	shalt  }
0x53: {  	_ =	shalt  }
0x54: {  	_ =	shalt  }
0x55: {  	_ =	shalt  }
0x56: {  	_ =	shalt  }
0x57: {  	_ =	shalt  }
0x58: {  	_ =	shalt  }
0x59: {  	_ =	shalt  }
0x5a: {  	_ =	shalt  }
0x5b: {  	_ =	shalt  }
0x5c: {  	_ =	shalt  }
0x5d: {  	_ =	shalt  }
0x5e: {  	_ =	shalt  }
0x5f: {  	_ =	shalt  }
0x60: {  	_ =	shalt  }
0x61: {  	_ =	shalt  }
0x62: {  	_ =	shalt  }
0x63: {  	_ =	shalt  }
0x64: {  	_ =	shalt  }
0x65: {  	_ =	shalt  }
0x66: {  	_ =	shalt  }
0x67: {  	_ =	shalt  }
0x68: {  	_ =	shalt  }
0x69: {  	_ =	shalt  }
0x6a: {  	_ =	shalt  }
0x6b: {  	_ =	shalt  }
0x6c: {  	_ =	shalt  }
0x6d: {  	_ =	shalt  }
0x6e: {  	_ =	shalt  }
0x6f: {  	_ =	shalt  }
0x70: {  	_ =	shalt  }
0x71: {  	_ =	shalt  }
0x72: {  	_ =	shalt  }
0x73: {  	_ =	shalt  }
0x74: {  	_ =	shalt  }
0x75: {  	_ =	shalt  }
0x76: {  	_ =	shalt  }
0x77: {  	_ =	shalt  }
0x78: {  	_ =	shalt  }
0x79: {  	_ =	shalt  }
0x7a: {  	_ =	shalt  }
0x7b: {  	_ =	shalt  }
0x7c: {  	_ =	shalt  }
0x7d: {  	_ =	shalt  }
0x7e: {  	_ =	shalt  }
0x7f: {  	_ =	shalt  }
0x80: {  	_ =	shalt  }
0x81: {  	_ =	shalt  }
0x82: {  	_ =	shalt  }
0x83: {  	_ =	shalt  }
0x84: {  	_ =	shalt  }
0x85: {  	_ =	shalt  }
0x86: {  	_ =	shalt  }
0x87: {  	_ =	shalt  }
.Lfunc_end0:
.L_simem_size_0:
called_computation.1_lowered:
.L_overlay_start_0:
0x88: {  	s2 =	sld [smem:$0x3FD9]  }
0x89: {  	s3 =	sld [smem:$0x3FFE];
	_ =	sdelay $0x1  }
0x8a: {  	s1 =	srdreg.scid  }
0x8b: {  	s0 =	sand.u32 $0x1, s1  }
0x8c: {  	s17 =	sshll.u32 s0, $0xA;
	s2 =	sadd.s32 s3, s2  }
0x8d: {  	s2 =	sadd.s32 s2, s17  }
0x8e: {  	[smem:$0x3FBC] =	sst s2  }
0x8f: {  	_ = 	snop  }
0x90: {  	s2 =	sld [smem:$0x3FD0];
	(tm) =	ssettm $0x1  }
0x91: {  	s18 =	sld [smem:$0x3FFB];
	_ =	sdelay $0x3  }
0x92: {  	_ =	strace s18  }
0x93: {  	s3 =	sld [smem:$0x3FFC];
	_ =	sdelay $0x3  }
0x94: {  	_ =	strace s3  }
0x95: {  	s3 =	sld [smem:$0x3FFD];
	_ =	sdelay $0x3  }
0x96: {  	_ =	strace s3  }
0x97: {  	_ =	strace $0x8FFFFFFF  }
0x98: {  	s19 =	sld [smem:$0x3FDB];
	_ =	sdelay $0x1  }
0x99: {  	s4 =	simm.s32 $_scs_section_size  }
0x9a: {  	s5 =	simm.s32 $_size__tile_overlayer_lowered;
	s6 =	simm.s32 $_tile_overlayer_lowered  }
0x9b: {  	s22 =	simm.s32 $0x1BFF;
	s21 =	sshll.u32 s6, $0x1;
	s3 =	sadd.s32 s4, s19  }
0x9c: {  	s7 =	simm.s32 $0x0;
	s20 =	sshll.u32 s5, $0x1;
	s5 =	sadd.s32 s21, s3  }
0x9d: {  	[timem:s7], [sflag:s22] =	dma.local [hbm:s5], s20  }
0x9e: {  	_ =	swait.ge [sflag:s22], s20  }
0x9f: {  	s4 =	ssub.s32 $0x0, s20;
	[sflag:s22] =	ssyncset.done $0x0  }
0xa0: {  	[sflag:s22] =	ssyncadd.s32 s4;
	_ =	sdelay $0x1  }
0xa1: {  	s23 =	simm.s32 $0x1B8B  }
0xa2: {  	_ =	swait.ge [sflag:s23], $0x1  }
0xa3: {  	[sflag:s23] =	ssyncset.done $0x0  }
0xa4: {  	s25 =	simm.s32 $0x1B8E;
	s24 =	sld [smem:$0x3FFE];
	[sflag:s23] =	ssyncadd.s32 $0xFFFFFFFF  }
0xa5: {  	s26 =	simm.s32 $execute0_lowered;
	[smem:$0x3FD2] =	sst s25  }
0xa6: {  	s5 =	sshll.u32 s26, $0x1;
	_ =	strace $0x80000049;
	[dreg:$0x1] =	wrdreg $0xFFFFFFFF  }
0xa7: {  	s28 =	simm.s32 $_size_execute0_lowered;
	s3 =	sadd.s32 s3, s5;
	[dreg:$0x0] =	wrdreg $0x0  }
0xa8: {  	s5 =	sshll.u32 s28, $0x1;
	[dreg:$0x2] =	wrdreg s3  }
0xa9: {  	[dreg:$0x3] =	wrdreg s5  }
0xaa: {  	[dreg:$0x4] =	wrdreg $0xC0  }
0xab: {  	_ =	task [dreg:s7], $0x5FFFF  }
0xac: {  	[dreg:$0x1] =	wrdreg $0xFFFFFFFF  }
0xad: {  	[dreg:$0x0] =	wrdreg $0x60  }
0xae: {  	[dreg:$0x2] =	wrdreg s24  }
0xaf: {  	[dreg:$0x3] =	wrdreg s2  }
0xb0: {  	[dreg:$0x4] =	wrdreg $0x51800  }
0xb1: {  	[dreg:$0x5] =	wrdreg $0x9  }
0xb2: {  	_ =	task.clear_ibuf [dreg:s7], $0x6FFFF;
	_ =	strace $0x90000049  }
0xb3: {  	s29 =	simm.s32 $0x9;
	_ =	strace $0x8000004B  }
0xb4: {  	_ =	swait.ge [sflag:s29], $0x1  }
0xb5: {  	[sflag:s29] =	ssyncadd.s32 $0xFFFFFFFF  }
0xb6: {  	_ =	strace $0x9000004B  }
0xb7: {  	_ =	sfence  }
0xb8: {  	s30 =	sld [smem:$0x0];
	_ =	sdelay $0x2  }
0xb9: {  	s31 =	sshll.u32 s1, $0xD;
	s1 =	sshrl.u32 s1, $0x2  }
0xba: {  	s3 =	sand.u32 $0x4000, s31;
	s1 =	sadd.s32 s1, s30  }
0xbb: {  	s0 =	sor.u32 s3, s0;
	s1 =	sshll.u32 s1, $0x11  }
0xbc: {  	s0 =	sor.u32 s1, s0  }
0xbd: {  	s0 =	sadd.s32 $0x8F2B, s0  }
0xbe: {  	[sflag:s0] =	ssyncadd.remote.s32 $0x1  }
0xbf: {  	_ =	sfence.sel $0xFFFF  }
0xc0: {  	[dreg:$0x0] =	wrdreg $0xFFFFFFFF;
	(pc) =	sbr.abs _section_cstart, $3  }
0xc1: {  	[dreg:$0x1] =	wrdreg $0xFFFFFFFF  }
0xc2: {  	_ =	task.clear_ibuf [dreg:s7], $0x2FFFF;
	_ =	strace $0x9FFFFFFF  }
0xc3: {  	(tm) =	ssettm $0x7FFFFFFF  }
tec
execute0_lowered:
.L_overlay_start_1:
0x0: {  	(tag) =	ssettag $0x1  }
0x1: {  	s0 =	rddreg [dreg:$0x0]  }
0x2: {  	s12 =	rddreg [dreg:$0x1]  }
0x3: {  	s2 =	rddreg [dreg:$0x2]  }
0x4: {  	s3 =	srdreg.scid;
	s1 =	stileid.u32  }
0x5: {  	s20 =	simm.s32 $0x800;
	s21 =	simm.s32 $0x4800;
	s22 =	simm.s32 $0x2  }
0x6: {  	s23 =	simm.s32 $0x4880;
	s24 =	simm.s32 $0x1;
	s25 =	simm.s32 $0x10  }
0x7: {  	s28 =	simm.s32 $0x5100;
	s29 =	simm.s32 $0x0;
	s10 =	sand.u32 $0x1, s3  }
0x8: {  	s26 =	sshll.u32 s1, $0x8;
	s11 =	sshrl.u32 s1, $0x2;
	s14 =	sshll.u32 s1, $0xD  }
0x9: {  	s4 =	sshll.u32 s10, $0x7;
	s3 =	sand.u32 $0x300, s26;
	s30 =	sshll.u32 s11, $0x11  }
0xa: {  	s5 =	sshll.u32 s11, $0xA;
	s8 =	ssub.s32 $0x2, s10;
	s15 =	sor.u32 $0x800, s14  }
0xb: {  	s16 =	sor.u32 $0x1000, s14;
	s11 =	sshll.u32 s11, $0xD;
	s18 =	sshll.u32 s10, $0x11  }
0xc: {  	s26 =	simm.s32 $0x5080;
	s13 =	sor.u32 s4, s3;
	s3 =	simm.s32 $0x0  }
0xd: {  	s9 =	sshrl.u32 s8, $0x1;
	s10 =	sadd.s32 s16, s2;
	s31 =	sor.u32 s14, s18  }
0xe: {  	s16 =	sor.u32 s18, s16;
	s4 =	sor.u32 s30, s13;
	s5 =	sor.u32 s5, s13  }
0xf: {  	[smem:$0x7FF] =	sst s3;
	s17 =	ssub.s32 s8, s9;
	s8 =	sadd.s32 s14, s2  }
0x10: {  	s9 =	sadd.s32 s15, s2;
	s11 =	sor.u32 s11, s13;
	s14 =	sor.u32 $0x1800, s14  }
0x11: {  	s13 =	sshrl.u32 s31, $0x3;
	s15 =	sor.u32 s18, s15;
	s16 =	sshrl.u32 s16, $0x3  }
0x12: {  	s4 =	sshrl.u32 s4, $0x3;
	s5 =	sshrl.u32 s5, $0x3;
	_ =	strace $0x8000004A  }
0x13: {  	s19 =	sshrl.u32 s11, $0x3;
	s11 =	sadd.s32 s14, s2;
	s14 =	sor.u32 s18, s14  }
0x14: {  	s15 =	sshrl.u32 s15, $0x3;
	s17 =	smax.u32 s17, $0x1;
	s6 =	sadd.s32 s4, s0  }
.Ltmp0:
0x15: {  	s7 =	sadd.s32 s5, s0;
	s4 =	sadd.s32 $0xF7600, s0;
	(pc) =	sbr.rel .LBB2_1-.Ltmp0, $4  }
0x16: {  	v0 =	vlaneseq.u32;
	s5 =	sadd.s32 $0x34000, s0;
	s0 =	sadd.s32 $0x2400, s0;
	s12 =	sadd.s32 s12, s19  }
0x17: {  	v3 =	vmul.u32 $0x80, v0;
	s18 =	sshrl.u32 s14, $0x3;
	s19 =	simm.s32 $0x400;
	s6 =	sadd.s32 $0x23E00, s6  }
0x18: {  	s7 =	sadd.s32 $0x33E00, s7;
	s13 =	sadd.s32 s0, s13;
	s14 =	sadd.s32 s0, s15  }
0x19: {  	v1 =	vimm.f32 $0.0e+00;
	v2 =	vimm.s32 $0x0;
	v3 =	vor.u32 $0x40, v3;
	s15 =	sadd.s32 s0, s16;
	s16 =	sadd.s32 s0, s18;
	s18 =	simm.s32 $0x80  }
.LBB2_6:
0x1a: {  	[hbm4b:s12+s18] =	stream.strided.scatter [tilespmem:s19], [sflag:$0x2], $0x400, s19, s18, $0x38;
	[tilespmem:$0x7180] =	vst v63  }
0x1b: {  	_ =	swait.ge [sflag:s22], $0x400  }
0x1c: {  	[sflag:s22] =	ssyncset.done $0x0  }
0x1d: {  	[sflag:s22] =	ssyncadd.s32 $0xFFFFFC00  }
0x1e: {  	[bflag:$0x0] =	sbarrier.arrive $0xFFFF  }
0x1f: {  	[tilespmem:s23], [sflag:$0x2] =	stream.linear.gather [spmem:s8], $0x800, $0x38;
	[tilespmem:$0x7180] =	vst v63  }
0x20: {  	_ =	swait.ge [sflag:s22], $0x800  }
0x21: {  	[sflag:s22] =	ssyncset.done $0x0  }
0x22: {  	[sflag:s22] =	ssyncadd.s32 $0xFFFFF800  }
0x23: {  	[hbm4b:s13+s3] =	stream.linear.scatter [tilespmem:s23], [sflag:$0x2], $0x800, $0x38;
	[tilespmem:$0x7180] =	vst v63  }
0x24: {  	_ =	swait.ge [sflag:s22], $0x800  }
0x25: {  	[sflag:s22] =	ssyncset.done $0x0  }
0x26: {  	[sflag:s22] =	ssyncadd.s32 $0xFFFFF800  }
0x27: {  	[tilespmem:s23], [sflag:$0x2] =	stream.linear.gather [spmem:s9], $0x800, $0x38;
	[tilespmem:$0x7180] =	vst v63  }
0x28: {  	_ =	swait.ge [sflag:s22], $0x800  }
0x29: {  	[sflag:s22] =	ssyncset.done $0x0  }
0x2a: {  	[sflag:s22] =	ssyncadd.s32 $0xFFFFF800  }
0x2b: {  	[hbm4b:s14+s3] =	stream.linear.scatter [tilespmem:s23], [sflag:$0x2], $0x800, $0x38;
	[tilespmem:$0x7180] =	vst v63  }
0x2c: {  	_ =	swait.ge [sflag:s22], $0x800  }
0x2d: {  	[sflag:s22] =	ssyncset.done $0x0  }
0x2e: {  	[sflag:s22] =	ssyncadd.s32 $0xFFFFF800  }
0x2f: {  	[tilespmem:s23], [sflag:$0x2] =	stream.linear.gather [spmem:s10], $0x800, $0x38;
	[tilespmem:$0x7180] =	vst v63  }
0x30: {  	_ =	swait.ge [sflag:s22], $0x800  }
0x31: {  	[sflag:s22] =	ssyncset.done $0x0  }
0x32: {  	[sflag:s22] =	ssyncadd.s32 $0xFFFFF800  }
0x33: {  	[hbm4b:s15+s3] =	stream.linear.scatter [tilespmem:s23], [sflag:$0x2], $0x800, $0x38;
	[tilespmem:$0x7180] =	vst v63  }
0x34: {  	_ =	swait.ge [sflag:s22], $0x800  }
0x35: {  	[sflag:s22] =	ssyncset.done $0x0  }
0x36: {  	[sflag:s22] =	ssyncadd.s32 $0xFFFFF800  }
0x37: {  	[tilespmem:s23], [sflag:$0x2] =	stream.linear.gather [spmem:s11], $0x800, $0x38;
	[tilespmem:$0x7180] =	vst v63  }
0x38: {  	s29 =	sadd.s32 $0x1, s29;
	_ =	swait.ge [sflag:s22], $0x800  }
0x39: {  	p0 =	sne.s32 s29, s17;
	[sflag:s22] =	ssyncset.done $0x0  }
.Ltmp1:
0x3a: {  	[sflag:s22] =	ssyncadd.s32 $0xFFFFF800;
	(pc) =	sbr.rel @!p0 .LBB2_7-.Ltmp1, $4  }
0x3b: {  	[hbm4b:s16+s3] =	stream.linear.scatter [tilespmem:s23], [sflag:$0x2], $0x800, $0x38;
	[tilespmem:$0x7180] =	vst v63  }
0x3c: {  	_ =	swait.ge [sflag:s22], $0x800  }
0x3d: {  	[sflag:s22] =	ssyncset.done $0x0  }
0x3e: {  	[sflag:s22] =	ssyncadd.s32 $0xFFFFF800  }
.LBB2_1:
0x3f: {  	[tilespmem:s20], [sflag:$0x1] =	stream.strided.gather [hbm4b:s6+s18], $0x4000, s19, s18, $0x38;
	[tilespmem:$0x7180] =	vst v63  }
0x40: {  	_ = 	snop  }
0x41: {  	[tilespmem:s21], [sflag:$0x2] =	stream.linear.gather [hbm4b:s7+s3], $0x80, $0x38;
	[tilespmem:$0x7180] =	vst v63  }
0x42: {  	_ =	swait.ge [sflag:s22], $0x80  }
0x43: {  	[sflag:s22] =	ssyncset.done $0x0  }
0x44: {  	[sflag:s22] =	ssyncadd.s32 $0xFFFFFF80  }
0x45: {  	[tilespmem:s3], [sflag:$0x2] =	stream.linear.gather [hbm4b:s4+s3], $0x400, $0x38;
	[tilespmem:$0x7180] =	vst v63  }
0x46: {  	_ =	swait.ge [sflag:s22], $0x400  }
0x47: {  	[sflag:s22] =	ssyncset.done $0x0  }
0x48: {  	s0 =	simm.s32 $0x40;
	s30 =	simm.s32 $0x0;
	[sflag:s22] =	ssyncadd.s32 $0xFFFFFC00  }
.LBB2_2:
0x49: {  	p0 =	sne.s32 s0, $0xFC0;
	[tilespmem:s30+$0x400] =	vst v1;
	s30 =	smov.u32 s0;
	s0 =	sadd.s32 $0x40, s0  }
.Ltmp2:
0x4a: {  	(pc) =	sbr.rel @p0 .LBB2_2-.Ltmp2, $2  }
0x4b: {  	_ =	sdelay $0x2  }
0x4c: {  	s30 =	sshra.s32 s30, $0x2  }
0x4d: {  	[tilespmem:s30+$0x400] =	vst v1  }
0x4e: {  	[tilespmem:$0x4880] =	vst v1  }
0x4f: {  	[tilespmem:$0x4890] =	vst v1  }
0x50: {  	[tilespmem:$0x48A0] =	vst v1  }
0x51: {  	[tilespmem:$0x48B0] =	vst v1  }
0x52: {  	[tilespmem:$0x48C0] =	vst v1  }
0x53: {  	[tilespmem:$0x48D0] =	vst v1  }
0x54: {  	[tilespmem:$0x48E0] =	vst v1  }
0x55: {  	[tilespmem:$0x48F0] =	vst v1  }
0x56: {  	[tilespmem:$0x4900] =	vst v1  }
0x57: {  	[tilespmem:$0x4910] =	vst v1  }
0x58: {  	[tilespmem:$0x4920] =	vst v1  }
0x59: {  	[tilespmem:$0x4930] =	vst v1  }
0x5a: {  	[tilespmem:$0x4940] =	vst v1  }
0x5b: {  	[tilespmem:$0x4950] =	vst v1  }
0x5c: {  	[tilespmem:$0x4960] =	vst v1  }
0x5d: {  	[tilespmem:$0x4970] =	vst v1  }
0x5e: {  	[tilespmem:$0x4980] =	vst v1  }
0x5f: {  	[tilespmem:$0x4990] =	vst v1  }
0x60: {  	[tilespmem:$0x49A0] =	vst v1  }
0x61: {  	[tilespmem:$0x49B0] =	vst v1  }
0x62: {  	[tilespmem:$0x49C0] =	vst v1  }
0x63: {  	[tilespmem:$0x49D0] =	vst v1  }
0x64: {  	[tilespmem:$0x49E0] =	vst v1  }
0x65: {  	[tilespmem:$0x49F0] =	vst v1  }
0x66: {  	[tilespmem:$0x4A00] =	vst v1  }
0x67: {  	[tilespmem:$0x4A10] =	vst v1  }
0x68: {  	[tilespmem:$0x4A20] =	vst v1  }
0x69: {  	[tilespmem:$0x4A30] =	vst v1  }
0x6a: {  	[tilespmem:$0x4A40] =	vst v1  }
0x6b: {  	[tilespmem:$0x4A50] =	vst v1  }
0x6c: {  	[tilespmem:$0x4A60] =	vst v1  }
0x6d: {  	[tilespmem:$0x4A70] =	vst v1  }
0x6e: {  	[tilespmem:$0x4A80] =	vst v1  }
0x6f: {  	[tilespmem:$0x4A90] =	vst v1  }
0x70: {  	[tilespmem:$0x4AA0] =	vst v1  }
0x71: {  	[tilespmem:$0x4AB0] =	vst v1  }
0x72: {  	[tilespmem:$0x4AC0] =	vst v1  }
0x73: {  	[tilespmem:$0x4AD0] =	vst v1  }
0x74: {  	[tilespmem:$0x4AE0] =	vst v1  }
0x75: {  	[tilespmem:$0x4AF0] =	vst v1  }
0x76: {  	[tilespmem:$0x4B00] =	vst v1  }
0x77: {  	[tilespmem:$0x4B10] =	vst v1  }
0x78: {  	[tilespmem:$0x4B20] =	vst v1  }
0x79: {  	[tilespmem:$0x4B30] =	vst v1  }
0x7a: {  	[tilespmem:$0x4B40] =	vst v1  }
0x7b: {  	[tilespmem:$0x4B50] =	vst v1  }
0x7c: {  	[tilespmem:$0x4B60] =	vst v1  }
0x7d: {  	[tilespmem:$0x4B70] =	vst v1  }
0x7e: {  	[tilespmem:$0x4B80] =	vst v1  }
0x7f: {  	[tilespmem:$0x4B90] =	vst v1  }
0x80: {  	[tilespmem:$0x4BA0] =	vst v1  }
0x81: {  	[tilespmem:$0x4BB0] =	vst v1  }
0x82: {  	[tilespmem:$0x4BC0] =	vst v1  }
0x83: {  	[tilespmem:$0x4BD0] =	vst v1  }
0x84: {  	[tilespmem:$0x4BE0] =	vst v1  }
0x85: {  	[tilespmem:$0x4BF0] =	vst v1  }
0x86: {  	[tilespmem:$0x4C00] =	vst v1  }
0x87: {  	[tilespmem:$0x4C10] =	vst v1  }
0x88: {  	[tilespmem:$0x4C20] =	vst v1  }
0x89: {  	[tilespmem:$0x4C30] =	vst v1  }
0x8a: {  	[tilespmem:$0x4C40] =	vst v1  }
0x8b: {  	[tilespmem:$0x4C50] =	vst v1  }
0x8c: {  	[tilespmem:$0x4C60] =	vst v1  }
0x8d: {  	[tilespmem:$0x4C70] =	vst v1  }
0x8e: {  	[tilespmem:$0x4C80] =	vst v1  }
0x8f: {  	[tilespmem:$0x4C90] =	vst v1  }
0x90: {  	[tilespmem:$0x4CA0] =	vst v1  }
0x91: {  	[tilespmem:$0x4CB0] =	vst v1  }
0x92: {  	[tilespmem:$0x4CC0] =	vst v1  }
0x93: {  	[tilespmem:$0x4CD0] =	vst v1  }
0x94: {  	[tilespmem:$0x4CE0] =	vst v1  }
0x95: {  	[tilespmem:$0x4CF0] =	vst v1  }
0x96: {  	[tilespmem:$0x4D00] =	vst v1  }
0x97: {  	[tilespmem:$0x4D10] =	vst v1  }
0x98: {  	[tilespmem:$0x4D20] =	vst v1  }
0x99: {  	[tilespmem:$0x4D30] =	vst v1  }
0x9a: {  	[tilespmem:$0x4D40] =	vst v1  }
0x9b: {  	[tilespmem:$0x4D50] =	vst v1  }
0x9c: {  	[tilespmem:$0x4D60] =	vst v1  }
0x9d: {  	[tilespmem:$0x4D70] =	vst v1  }
0x9e: {  	[tilespmem:$0x4D80] =	vst v1  }
0x9f: {  	[tilespmem:$0x4D90] =	vst v1  }
0xa0: {  	[tilespmem:$0x4DA0] =	vst v1  }
0xa1: {  	[tilespmem:$0x4DB0] =	vst v1  }
0xa2: {  	[tilespmem:$0x4DC0] =	vst v1  }
0xa3: {  	[tilespmem:$0x4DD0] =	vst v1  }
0xa4: {  	[tilespmem:$0x4DE0] =	vst v1  }
0xa5: {  	[tilespmem:$0x4DF0] =	vst v1  }
0xa6: {  	[tilespmem:$0x4E00] =	vst v1  }
0xa7: {  	[tilespmem:$0x4E10] =	vst v1  }
0xa8: {  	[tilespmem:$0x4E20] =	vst v1  }
0xa9: {  	[tilespmem:$0x4E30] =	vst v1  }
0xaa: {  	[tilespmem:$0x4E40] =	vst v1  }
0xab: {  	[tilespmem:$0x4E50] =	vst v1  }
0xac: {  	[tilespmem:$0x4E60] =	vst v1  }
0xad: {  	[tilespmem:$0x4E70] =	vst v1  }
0xae: {  	[tilespmem:$0x4E80] =	vst v1  }
0xaf: {  	[tilespmem:$0x4E90] =	vst v1  }
0xb0: {  	[tilespmem:$0x4EA0] =	vst v1  }
0xb1: {  	[tilespmem:$0x4EB0] =	vst v1  }
0xb2: {  	[tilespmem:$0x4EC0] =	vst v1  }
0xb3: {  	[tilespmem:$0x4ED0] =	vst v1  }
0xb4: {  	[tilespmem:$0x4EE0] =	vst v1  }
0xb5: {  	[tilespmem:$0x4EF0] =	vst v1  }
0xb6: {  	[tilespmem:$0x4F00] =	vst v1  }
0xb7: {  	[tilespmem:$0x4F10] =	vst v1  }
0xb8: {  	[tilespmem:$0x4F20] =	vst v1  }
0xb9: {  	[tilespmem:$0x4F30] =	vst v1  }
0xba: {  	[tilespmem:$0x4F40] =	vst v1  }
0xbb: {  	[tilespmem:$0x4F50] =	vst v1  }
0xbc: {  	[tilespmem:$0x4F60] =	vst v1  }
0xbd: {  	[tilespmem:$0x4F70] =	vst v1  }
0xbe: {  	[tilespmem:$0x4F80] =	vst v1  }
0xbf: {  	[tilespmem:$0x4F90] =	vst v1  }
0xc0: {  	[tilespmem:$0x4FA0] =	vst v1  }
0xc1: {  	[tilespmem:$0x4FB0] =	vst v1  }
0xc2: {  	[tilespmem:$0x4FC0] =	vst v1  }
0xc3: {  	[tilespmem:$0x4FD0] =	vst v1  }
0xc4: {  	[tilespmem:$0x4FE0] =	vst v1  }
0xc5: {  	[tilespmem:$0x4FF0] =	vst v1  }
0xc6: {  	[tilespmem:$0x5000] =	vst v1  }
0xc7: {  	[tilespmem:$0x5010] =	vst v1  }
0xc8: {  	[tilespmem:$0x5020] =	vst v1  }
0xc9: {  	[tilespmem:$0x5030] =	vst v1  }
0xca: {  	[tilespmem:$0x5040] =	vst v1  }
0xcb: {  	[tilespmem:$0x5050] =	vst v1  }
0xcc: {  	[tilespmem:$0x5060] =	vst v1  }
0xcd: {  	[tilespmem:$0x5070] =	vst v1  }
0xce: {  	[spmem:s8] =	stream.linear.scatter [tilespmem:s23], [sflag:$0x2], $0x800, $0x38;
	[tilespmem:$0x7180] =	vst v63  }
0xcf: {  	_ =	swait.ge [sflag:s22], $0x800  }
0xd0: {  	[sflag:s22] =	ssyncset.done $0x0  }
0xd1: {  	[sflag:s22] =	ssyncadd.s32 $0xFFFFF800  }
0xd2: {  	[spmem:s9] =	stream.linear.scatter [tilespmem:s23], [sflag:$0x2], $0x800, $0x38;
	[tilespmem:$0x7180] =	vst v63  }
0xd3: {  	_ =	swait.ge [sflag:s22], $0x800  }
0xd4: {  	[sflag:s22] =	ssyncset.done $0x0  }
0xd5: {  	[sflag:s22] =	ssyncadd.s32 $0xFFFFF800  }
0xd6: {  	[spmem:s10] =	stream.linear.scatter [tilespmem:s23], [sflag:$0x2], $0x800, $0x38;
	[tilespmem:$0x7180] =	vst v63  }
0xd7: {  	_ =	swait.ge [sflag:s22], $0x800  }
0xd8: {  	[sflag:s22] =	ssyncset.done $0x0  }
0xd9: {  	[sflag:s22] =	ssyncadd.s32 $0xFFFFF800  }
0xda: {  	[spmem:s11] =	stream.linear.scatter [tilespmem:s23], [sflag:$0x2], $0x800, $0x38;
	[tilespmem:$0x7180] =	vst v63  }
0xdb: {  	_ =	swait.ge [sflag:s22], $0x800  }
0xdc: {  	[sflag:s22] =	ssyncset.done $0x0  }
0xdd: {  	[sflag:s22] =	ssyncadd.s32 $0xFFFFF800  }
0xde: {  	[bflag:$0x0] =	sbarrier.arrive $0xFFFF  }
0xdf: {  	v4 =	vld [tilespmem:$0x4800];
	_ =	sdelay $0x4  }
0xe0: {  	v4 =	vxor.u32 $0x80000000, v4  }
0xe1: {  	(xrf0) =	vmax.scan.msk.u32 $0xffff, v4;
	_ =	sdelay $0x5  }
0xe2: {  	v4, _, _ =	vpop (xrf0)  }
0xe3: {  	(v2sf) =	vpush v4, $0xF;
	_ =	sdelay $0xe  }
0xe4: {  	s0 =	spop (v2sf)  }
0xe5: {  	s30 =	sadd.s32 $0x8000000F, s0  }
0xe6: {  	s31 =	sand.u32 $0xF, s30  }
0xe7: {  	p1 =	slt.s32 s30, $0x1;
	p0 =	sne.s32 s31, $0x0;
	s31 =	sshra.s32 s30, $0x1F  }
0xe8: {  	s31 =	sshrl.u32 s31, $0x1C;
	p0 =	por !p1, !p0  }
0xe9: {  	s30 =	sadd.s32 s31, s30;
	p0 =	por !p0, !p0;
	s31 =	simm.s32 $0x1  }
0xea: {  	s30 =	sshra.s32 s30, $0x4;
	s31 =	simm.s32 @!p0 $0x0  }
0xeb: {  	s30 =	ssub.s32 s30, s31  }
0xec: {  	p0 =	slt.s32 s30, $0x1  }
.Ltmp3:
0xed: {  	_ = 	snop;
	(pc) =	sbr.rel @p0 .LBB2_6-.Ltmp3, $4  }
0xee: {  	_ = 	snop  }
0xef: {  	_ =	swait.ge [sflag:s24], $0x4000  }
0xf0: {  	[sflag:s24] =	ssyncset.done $0x0  }
0xf1: {  	[sflag:s24] =	ssyncadd.s32 $0xFFFFC000  }
0xf2: {  	s0 =	sxor.u32 $0x80000000, s0  }
0xf3: {  	s31 =	simm.s32 $0x800;
	v4 =	vmov s0;
	s0 =	simm.s32 $0x0  }
.LBB2_5:
0xf4: {  	v5 =	vld [tilespmem:s31+$0x0];
	_ =	sdelay $0x2  }
0xf5: {  	v6 =	vor.u32 s0, v0  }
0xf6: {  	vm0 =	vlt.s32 v6, v4  }
0xf7: {  	v5 =	vnsel vm0, $0x0, v5  }
0xf8: {  	v6 =	vshra.s32 v5, $0x1F;
	v7 =	vand.u32 $0x3FF, v5  }
0xf9: {  	vm1 =	vlt.s32 v5, $0x1;
	v6 =	vshrl.u32 v6, $0x16;
	vm2 =	vne.s32 v7, $0x0  }
0xfa: {  	v6 =	vadd.s32 v6, v5;
	vm1 =	vmand vm1, vm2  }
0xfb: {  	v6 =	vshra.s32 v6, $0xA;
	v7 =	vsel vm1, $0xFFFFFFFF, v2  }
0xfc: {  	v6 =	vadd.s32 v7, v6  }
0xfd: {  	v7 =	vshll.u32 v6, $0xA  }
0xfe: {  	[tilespmem:$0x5080] =	vst v6;
	v7 =	vsub.s32 v5, v7  }
0xff: {  	v5 =	vand.u32 $0x7F, v5;
	[tilespmem:$0x5100] =	vst v7;
	v6 =	vand.u32 $0xFFFFFF80, v7  }
0x100: {  	[tilespmem:s23], [sflag:$0x1] =	stream.indirect.gather [hbm4b:s5+s25], $0x80, s26, s25, $0xb8;
	v6 =	vor.u32 v5, v6;
	[tilespmem:$0x7180] =	vst v63  }
0x101: {  	_ =	swait.ge [sflag:s24], $0x800  }
0x102: {  	[sflag:s24] =	ssyncset.done $0x0  }
0x103: {  	[sflag:s24] =	ssyncadd.s32 $0xFFFFF800  }
0x104: {  	v5 =	vld.idx.msk [tilespmem:v3+s23+$0x0], $0xffff  }
0x105: {  	v7 =	vld.idx.msk [tilespmem:v6+s3+$0x0], $0xffff;
	_ =	sdelay $0x4  }
0x106: {  	v5 =	vadd.f32 v7, v5;
	_ =	sdelay $0x1  }
0x107: {  	v7 =	vmul.f32 $2.000000030e-01, v5  }
0x108: {  	vm15 =	vgt.f32 v5, $0.0e+00  }
0x109: {  	v5 =	vsel vm15, v5, v7  }
0x10a: {  	v5 =	vmul.f32 $1.442695020e+00, v5;
	_ =	sdelay $0x1  }
0x10b: {  	(erf) = vpow2.f32 v5;
	_ =	sdelay $0x8  }
0x10c: {  	v5 =	vpop (erf)  }
0x10d: {  	v5 =	vnsel vm0, $0x0, v5  }
0x10e: {  	[tilespmem:v6+s19+$0x0] =	vst.idx.add.f32.msk vm0, v5  }
0x10f: {  	v6 =	vld [tilespmem:$0x4880]  }
0x110: {  	v7 =	vld [tilespmem:$0x4890]  }
0x111: {  	v8 =	vld [tilespmem:$0x48A0]  }
0x112: {  	v9 =	vbroadcast v5, $0x0;
	v10 =	vld [tilespmem:$0x48B0]  }
0x113: {  	v11 =	vld [tilespmem:$0x4900]  }
0x114: {  	v12 =	vld [tilespmem:$0x4910];
	v6 =	vmul.f32 v9, v6  }
0x115: {  	v13 =	vld [tilespmem:$0x4920];
	v7 =	vmul.f32 v9, v7  }
0x116: {  	v42 =	vbroadcast v5, $0x1;
	v14 =	vld [tilespmem:$0x4930];
	[tilespmem:$0x4880] =	vst v6;
	v6 =	vmul.f32 v9, v8  }
0x117: {  	v43 =	vld [tilespmem:$0x4980];
	[tilespmem:$0x4890] =	vst v7;
	v7 =	vmul.f32 v10, v9  }
0x118: {  	v44 =	vld [tilespmem:$0x4990];
	[tilespmem:$0x48A0] =	vst v6;
	v6 =	vmul.f32 v11, v42  }
0x119: {  	v45 =	vld [tilespmem:$0x49A0];
	[tilespmem:$0x48B0] =	vst v7;
	v7 =	vmul.f32 v12, v42  }
0x11a: {  	v46 =	vbroadcast v5, $0x2;
	v47 =	vld [tilespmem:$0x49B0];
	[tilespmem:$0x4900] =	vst v6;
	v6 =	vmul.f32 v13, v42  }
0x11b: {  	v48 =	vld [tilespmem:$0x4A00];
	[tilespmem:$0x4910] =	vst v7;
	v7 =	vmul.f32 v14, v42  }
0x11c: {  	v49 =	vld [tilespmem:$0x4A10];
	[tilespmem:$0x4920] =	vst v6;
	v6 =	vmul.f32 v43, v46  }
0x11d: {  	v50 =	vld [tilespmem:$0x4A20];
	[tilespmem:$0x4930] =	vst v7;
	v7 =	vmul.f32 v44, v46  }
0x11e: {  	v51 =	vbroadcast v5, $0x3;
	v52 =	vld [tilespmem:$0x4A30];
	[tilespmem:$0x4980] =	vst v6;
	v6 =	vmul.f32 v45, v46  }
0x11f: {  	v53 =	vld [tilespmem:$0x4A80];
	[tilespmem:$0x4990] =	vst v7;
	v7 =	vmul.f32 v47, v46  }
0x120: {  	v54 =	vld [tilespmem:$0x4A90];
	[tilespmem:$0x49A0] =	vst v6;
	v6 =	vmul.f32 v48, v51  }
0x121: {  	v55 =	vld [tilespmem:$0x4AA0];
	[tilespmem:$0x49B0] =	vst v7;
	v7 =	vmul.f32 v49, v51  }
0x122: {  	v56 =	vbroadcast v5, $0x4;
	v57 =	vld [tilespmem:$0x4AB0];
	[tilespmem:$0x4A00] =	vst v6;
	v6 =	vmul.f32 v50, v51  }
0x123: {  	v58 =	vld [tilespmem:$0x4B00];
	[tilespmem:$0x4A10] =	vst v7;
	v7 =	vmul.f32 v52, v51  }
0x124: {  	v59 =	vld [tilespmem:$0x4B10];
	[tilespmem:$0x4A20] =	vst v6;
	v6 =	vmul.f32 v53, v56  }
0x125: {  	v60 =	vld [tilespmem:$0x4B20];
	[tilespmem:$0x4A30] =	vst v7;
	v7 =	vmul.f32 v54, v56  }
0x126: {  	v61 =	vbroadcast v5, $0x5;
	v62 =	vld [tilespmem:$0x4B30];
	[tilespmem:$0x4A80] =	vst v6;
	v6 =	vmul.f32 v55, v56  }
0x127: {  	v63 =	vld [tilespmem:$0x4B80];
	[tilespmem:$0x4A90] =	vst v7;
	v7 =	vmul.f32 v57, v56  }
0x128: {  	v16 =	vld [tilespmem:$0x4B90];
	[tilespmem:$0x4AA0] =	vst v6;
	v6 =	vmul.f32 v58, v61  }
0x129: {  	v17 =	vld [tilespmem:$0x4BA0];
	[tilespmem:$0x4AB0] =	vst v7;
	v7 =	vmul.f32 v59, v61  }
0x12a: {  	v18 =	vbroadcast v5, $0x6;
	v19 =	vld [tilespmem:$0x4BB0];
	[tilespmem:$0x4B00] =	vst v6;
	v6 =	vmul.f32 v60, v61  }
0x12b: {  	v20 =	vld [tilespmem:$0x4C00];
	[tilespmem:$0x4B10] =	vst v7;
	v7 =	vmul.f32 v62, v61  }
0x12c: {  	v21 =	vld [tilespmem:$0x4C10];
	[tilespmem:$0x4B20] =	vst v6;
	v6 =	vmul.f32 v63, v18  }
0x12d: {  	v22 =	vld [tilespmem:$0x4C20];
	[tilespmem:$0x4B30] =	vst v7;
	v7 =	vmul.f32 v16, v18  }
0x12e: {  	v23 =	vbroadcast v5, $0x7;
	v24 =	vld [tilespmem:$0x4C30];
	[tilespmem:$0x4B80] =	vst v6;
	v6 =	vmul.f32 v17, v18  }
0x12f: {  	v25 =	vld [tilespmem:$0x4C80];
	[tilespmem:$0x4B90] =	vst v7;
	v7 =	vmul.f32 v19, v18  }
0x130: {  	v26 =	vld [tilespmem:$0x4C90];
	[tilespmem:$0x4BA0] =	vst v6;
	v6 =	vmul.f32 v20, v23  }
0x131: {  	v27 =	vld [tilespmem:$0x4CA0];
	[tilespmem:$0x4BB0] =	vst v7;
	v7 =	vmul.f32 v21, v23  }
0x132: {  	v28 =	vbroadcast v5, $0x8;
	v29 =	vld [tilespmem:$0x4CB0];
	[tilespmem:$0x4C00] =	vst v6;
	v6 =	vmul.f32 v22, v23  }
0x133: {  	v30 =	vld [tilespmem:$0x4D00];
	[tilespmem:$0x4C10] =	vst v7;
	v7 =	vmul.f32 v24, v23  }
0x134: {  	v31 =	vld [tilespmem:$0x4D10];
	[tilespmem:$0x4C20] =	vst v6;
	v6 =	vmul.f32 v25, v28  }
0x135: {  	v32 =	vld [tilespmem:$0x4D20];
	[tilespmem:$0x4C30] =	vst v7;
	v7 =	vmul.f32 v26, v28  }
0x136: {  	v33 =	vbroadcast v5, $0x9;
	v34 =	vld [tilespmem:$0x4D30];
	[tilespmem:$0x4C80] =	vst v6;
	v6 =	vmul.f32 v27, v28  }
0x137: {  	v35 =	vld [tilespmem:$0x4D80];
	[tilespmem:$0x4C90] =	vst v7;
	v7 =	vmul.f32 v29, v28  }
0x138: {  	v36 =	vld [tilespmem:$0x4D90];
	[tilespmem:$0x4CA0] =	vst v6;
	v6 =	vmul.f32 v30, v33  }
0x139: {  	v37 =	vld [tilespmem:$0x4DA0];
	[tilespmem:$0x4CB0] =	vst v7;
	v7 =	vmul.f32 v31, v33  }
0x13a: {  	v38 =	vbroadcast v5, $0xA;
	v39 =	vld [tilespmem:$0x4DB0];
	[tilespmem:$0x4D00] =	vst v6;
	v6 =	vmul.f32 v32, v33  }
0x13b: {  	v40 =	vld [tilespmem:$0x4E00];
	[tilespmem:$0x4D10] =	vst v7;
	v7 =	vmul.f32 v34, v33  }
0x13c: {  	v41 =	vld [tilespmem:$0x4E10];
	[tilespmem:$0x4D20] =	vst v6;
	v6 =	vmul.f32 v35, v38  }
0x13d: {  	v42 =	vld [tilespmem:$0x4E20];
	[tilespmem:$0x4D30] =	vst v7;
	v7 =	vmul.f32 v36, v38  }
0x13e: {  	v43 =	vbroadcast v5, $0xB;
	v44 =	vld [tilespmem:$0x4E30];
	[tilespmem:$0x4D80] =	vst v6;
	v6 =	vmul.f32 v37, v38  }
0x13f: {  	v45 =	vld [tilespmem:$0x4E80];
	[tilespmem:$0x4D90] =	vst v7;
	v7 =	vmul.f32 v39, v38  }
0x140: {  	v46 =	vld [tilespmem:$0x4E90];
	[tilespmem:$0x4DA0] =	vst v6;
	v6 =	vmul.f32 v40, v43  }
0x141: {  	v47 =	vld [tilespmem:$0x4EA0];
	[tilespmem:$0x4DB0] =	vst v7;
	v7 =	vmul.f32 v41, v43  }
0x142: {  	v48 =	vbroadcast v5, $0xC;
	v49 =	vld [tilespmem:$0x4EB0];
	[tilespmem:$0x4E00] =	vst v6;
	v6 =	vmul.f32 v42, v43  }
0x143: {  	v50 =	vld [tilespmem:$0x4F00];
	[tilespmem:$0x4E10] =	vst v7;
	v7 =	vmul.f32 v44, v43  }
0x144: {  	v51 =	vld [tilespmem:$0x4F10];
	[tilespmem:$0x4E20] =	vst v6;
	v6 =	vmul.f32 v45, v48  }
0x145: {  	v52 =	vld [tilespmem:$0x4F20];
	[tilespmem:$0x4E30] =	vst v7;
	v7 =	vmul.f32 v46, v48  }
0x146: {  	v53 =	vbroadcast v5, $0xD;
	v54 =	vld [tilespmem:$0x4F30];
	[tilespmem:$0x4E80] =	vst v6;
	v6 =	vmul.f32 v47, v48  }
0x147: {  	v55 =	vld [tilespmem:$0x4F80];
	[tilespmem:$0x4E90] =	vst v7;
	v7 =	vmul.f32 v49, v48  }
0x148: {  	v56 =	vld [tilespmem:$0x4F90];
	[tilespmem:$0x4EA0] =	vst v6;
	v6 =	vmul.f32 v50, v53  }
0x149: {  	v57 =	vld [tilespmem:$0x4FA0];
	[tilespmem:$0x4EB0] =	vst v7;
	v7 =	vmul.f32 v51, v53  }
0x14a: {  	v58 =	vbroadcast v5, $0xE;
	v59 =	vld [tilespmem:$0x4FB0];
	[tilespmem:$0x4F00] =	vst v6;
	v6 =	vmul.f32 v52, v53  }
0x14b: {  	v60 =	vld [tilespmem:$0x5000];
	[tilespmem:$0x4F10] =	vst v7;
	v7 =	vmul.f32 v54, v53  }
0x14c: {  	v61 =	vld [tilespmem:$0x5010];
	[tilespmem:$0x4F20] =	vst v6;
	v6 =	vmul.f32 v55, v58  }
0x14d: {  	v62 =	vld [tilespmem:$0x5020];
	[tilespmem:$0x4F30] =	vst v7;
	v7 =	vmul.f32 v56, v58  }
0x14e: {  	v5 =	vbroadcast v5, $0xF;
	v63 =	vld [tilespmem:$0x5030];
	[tilespmem:$0x4F80] =	vst v6;
	v6 =	vmul.f32 v57, v58  }
0x14f: {  	[tilespmem:$0x4F90] =	vst v7;
	v7 =	vmul.f32 v59, v58  }
0x150: {  	[tilespmem:$0x4FA0] =	vst v6;
	v6 =	vmul.f32 v60, v5  }
0x151: {  	[tilespmem:$0x4FB0] =	vst v7;
	v7 =	vmul.f32 v61, v5  }
0x152: {  	[tilespmem:$0x5000] =	vst v6;
	v6 =	vmul.f32 v62, v5  }
0x153: {  	[tilespmem:$0x5010] =	vst v7;
	v5 =	vmul.f32 v63, v5  }
0x154: {  	p0 =	sne.s32 s30, $0x1;
	[tilespmem:$0x5020] =	vst v6  }
.Ltmp4:
0x155: {  	[tilespmem:$0x5030] =	vst v5;
	(pc) =	sbr.rel @p0 .LBB2_5-.Ltmp4, $4  }
0x156: {  	[spmem:s2] =	stream.indirect.scatter.add.f32 [tilespmem:s23], [sflag:$0x2], $0x80, s28, s25, $0xb8;
	[tilespmem:$0x7180] =	vst v63  }
0x157: {  	_ =	swait.ge [sflag:s22], $0x800  }
0x158: {  	s31 =	sadd.s32 $0x10, s31;
	[sflag:s22] =	ssyncset.done $0x0  }
0x159: {  	s0 =	sadd.s32 $0x10, s0;
	s30 =	sadd.s32 $0xFFFFFFFF, s30;
	[sflag:s22] =	ssyncadd.s32 $0xFFFFF800  }
.Ltmp5:
0x15a: {  	_ = 	snop;
	(pc) =	sbr.rel .LBB2_6-.Ltmp5, $1  }
0x15b: {  	_ =	sdelay $0x3  }
.LBB2_7:
0x15c: {  	_ =	sfence.sel $0x180000  }
0x15d: {  	[bflag:$0x0] =	sbarrier.arrive $0xFFFF  }
0x15e: {  	_ =	strace $0x9000004A  }
0x15f: {  	[bflag:$0x2] =	sbarrier.arrive $0xFFFF  }
0x160: {  	p0 =	sne.s32 s1, $0x0;
	s0 =	rddreg [dreg:$0x3]  }
0x161: {  	s0 =	sadd.s32 @!p0 $0x100000, s0  }
0x162: {  	[sflag:s0] =	ssyncadd.tile.s32 @!p0 $0x1;
	_ =	shalt  }
.Lfunc_end2:
_tile_overlayer_lowered:
.L_overlay_start_2:
0x163: {  	(tag) =	ssettag $0x2  }
0x164: {  	s0 =	rddreg [dreg:$0x0];
	s2 =	stileid.u32  }
0x165: {  	s1 =	rddreg [dreg:$0x1];
	p0 =	sne.s32 s2, $0x0  }
0x166: {  	s3 =	rddreg [dreg:$0x2];
	[bflag:$0x3] =	sbarrier.arrive $0xFFFF;
	s2 =	simm.s32 @!p0 $0x1C02  }
0x167: {  	[timem:s3], [sflag:s2] =	dma.local @!p0 [hbm:s0], s1  }
0x168: {  	s0 =	simm.s32 @!p0 $0x2  }
0x169: {  	_ =	swait.ge @!p0 [sflag:s0], s1  }
0x16a: {  	s1 =	ssub.s32 @!p0 $0x0, s1;
	[sflag:s0] =	ssyncset.done @!p0 $0x0  }
0x16b: {  	[sflag:s0] =	ssyncadd.s32 @!p0 s1  }
0x16c: {  	[bflag:$0x3] =	sbarrier.arrive $0xFFFF  }
0x16d: {  	_ =	shalt  }

</sc_bundles>
